<compile_context>
chip_gen: v7x
topology: tpu7x:2x2x1
jax: 0.10.2.dev20260603
libtpu: 0.0.44.dev20260713+nightly
codegen_flags: <defaults>
</compile_context>

<pallas_src>
import functools

import jax
import jax.numpy as jnp
from jax import lax
from jax.experimental import pallas as pl
from jax.experimental.pallas import tpu as pltpu
from jax.experimental.pallas import tpu_sc as plsc

N = 10000
E = 320000
D = 128
P = 8192
D2 = D // 2

NC = 2
NS = 16
NW = NC * NS

NP = 10240
RPT = NP // NS
HR = NP // 16
RPT16 = HR // NS
IDC = HR // 128

EPW = E // NW
K = 80
NCH = EPW // K

PPW = 4 * P // NW
PK = 128
PCH = PPW // PK

_mesh = plsc.VectorSubcoreMesh(core_axis_name="c", subcore_axis_name="s")


def _wid():
    return lax.axis_index("s") * NC + lax.axis_index("c")


HB = NP // 128
HBT = 8


@functools.partial(
    pl.kernel,
    out_type=jax.ShapeDtypeStruct((NC, 2, HB, 128), jnp.float32),
    mesh=_mesh,
    compiler_params=pltpu.CompilerParams(needs_layout_passes=False,
                                         use_tc_tiling_on_sc=False),
    scratch_types=[
        pltpu.VMEM((EPW,), jnp.int32),
        pltpu.VMEM((EPW,), jnp.int32),
        pltpu.VMEM((NP,), jnp.float32),
        pltpu.VMEM((NP,), jnp.float32),
        pltpu.VMEM((HB, 128), jnp.float32),
        pltpu.VMEM((HB, 128), jnp.float32),
        pltpu.VMEM((HB,), jnp.int32),
        pltpu.VMEM((HBT, 128), jnp.float32),
        pltpu.VMEM_SHARED((HB, 128), jnp.float32),
        pltpu.VMEM_SHARED((HB, 128), jnp.float32),
    ],
)
def _sc_degrees(s_hbm, r_hbm, out_hbm, sidx_v, ridx_v, hist_s1, hist_r1,
                hist_s, hist_r, idv, zb, cnt_s_sh, cnt_r_sh):
    cid = lax.axis_index("c")
    sid = lax.axis_index("s")
    base = _wid() * EPW
    pltpu.sync_copy(s_hbm.at[pl.ds(base, EPW)], sidx_v)
    pltpu.sync_copy(r_hbm.at[pl.ds(base, EPW)], ridx_v)

    zeros16 = jnp.zeros((16,), jnp.float32)
    ones16 = jnp.ones((16,), jnp.float32)
    iota16 = lax.iota(jnp.int32, 16)

    def _zero_hist(i, _):
        hist_s1[pl.ds(i * 16, 16)] = zeros16
        hist_r1[pl.ds(i * 16, 16)] = zeros16
        return 0

    lax.fori_loop(0, NP // 16, _zero_hist, 0)
    for i in range(HBT):
        for j in range(8):
            zb[i, pl.ds(j * 16, 16)] = zeros16
    for g in range(HB // 16):
        idv[pl.ds(g * 16, 16)] = g * 16 + iota16

    @pl.when(sid < HB // HBT)
    def _zero_counts():
        pltpu.sync_copy(zb, cnt_s_sh.at[pl.ds(sid * HBT, HBT)])
        pltpu.sync_copy(zb, cnt_r_sh.at[pl.ds(sid * HBT, HBT)])
    plsc.subcore_barrier()

    def _hist(i, _):
        sv = sidx_v[pl.ds(i * 16, 16)]
        plsc.addupdate_scatter(hist_s1, [sv], ones16)
        rv = ridx_v[pl.ds(i * 16, 16)]
        plsc.addupdate_scatter(hist_r1, [rv], ones16)
        return 0

    lax.fori_loop(0, EPW // 16, _hist, 0)

    def _pack(i, _):
        for j in range(8):
            hist_s[i, pl.ds(j * 16, 16)] = hist_s1[pl.ds(i * 128 + j * 16, 16)]
            hist_r[i, pl.ds(j * 16, 16)] = hist_r1[pl.ds(i * 128 + j * 16, 16)]
        return 0

    lax.fori_loop(0, HB, _pack, 0)

    pltpu.sync_copy(hist_s, cnt_s_sh.at[idv], add=True)
    pltpu.sync_copy(hist_r, cnt_r_sh.at[idv], add=True)
    plsc.subcore_barrier()

    @pl.when(sid < HB // HBT)
    def _write_counts():
        pltpu.sync_copy(cnt_s_sh.at[pl.ds(sid * HBT, HBT)],
                        out_hbm.at[cid, 0, pl.ds(sid * HBT, HBT)])
        pltpu.sync_copy(cnt_r_sh.at[pl.ds(sid * HBT, HBT)],
                        out_hbm.at[cid, 1, pl.ds(sid * HBT, HBT)])


@functools.partial(
    pl.kernel,
    out_type=jax.ShapeDtypeStruct((NC, NP, D), jnp.float32),
    mesh=_mesh,
    compiler_params=pltpu.CompilerParams(needs_layout_passes=False,
                                         use_tc_tiling_on_sc=True),
    scratch_types=[
        pltpu.VMEM((K,), jnp.int32), pltpu.VMEM((K,), jnp.int32),
        pltpu.VMEM((K,), jnp.int32), pltpu.VMEM((K,), jnp.int32),
        pltpu.VMEM((2, K, D), jnp.float32),
        pltpu.VMEM_SHARED((NP, D), jnp.float32),
        pltpu.SemaphoreType.DMA, pltpu.SemaphoreType.DMA,
        pltpu.SemaphoreType.DMA, pltpu.SemaphoreType.DMA,
    ],
)
def _sc_segsum(xs_hbm, sidx_hbm, ridx_hbm, out_hbm,
               sc0, sc1, rc0, rc1, rows_v, acc_sh, si0, si1, sg0, sg1):
    cid = lax.axis_index("c")
    sid = lax.axis_index("s")
    base = _wid() * EPW

    scurs = (sc0, sc1)
    rcurs = (rc0, rc1)
    sems_i = (si0, si1)
    sems_g = (sg0, sg1)

    zeros16 = jnp.zeros((16,), jnp.float32)

    def _zero_row(i, _):
        for j in range(D // 16):
            rows_v[0, i, pl.ds(j * 16, 16)] = zeros16
        return 0

    lax.fori_loop(0, K, _zero_row, 0)
    for r in range(RPT // K):
        pltpu.async_copy(rows_v.at[0],
                         acc_sh.at[pl.ds(sid * RPT + r * K, K)], si0)
    for r in range(RPT // K):
        pltpu.make_async_copy(rows_v.at[0],
                              acc_sh.at[pl.ds(sid * RPT + r * K, K)],
                              si0).wait()
    plsc.subcore_barrier()

    def _fire_idx(cc, j):
        pltpu.async_copy(sidx_hbm.at[pl.ds(base + cc * K, K)], scurs[j],
                         sems_i[j])
        pltpu.async_copy(ridx_hbm.at[pl.ds(base + cc * K, K)], rcurs[j],
                         sems_i[j])

    def _wait_idx(cc, j):
        pltpu.make_async_copy(sidx_hbm.at[pl.ds(base + cc * K, K)], scurs[j],
                              sems_i[j]).wait()
        pltpu.make_async_copy(ridx_hbm.at[pl.ds(base + cc * K, K)], rcurs[j],
                              sems_i[j]).wait()

    def _fire_g(j, b):
        pltpu.async_copy(xs_hbm.at[scurs[j]], rows_v.at[b], sems_g[b])

    def _drain_scatter(j, b):
        pltpu.make_async_copy(xs_hbm.at[scurs[j]], rows_v.at[b],
                              sems_g[b]).wait()
        pltpu.sync_copy(rows_v.at[b], acc_sh.at[rcurs[j]], add=True)

    _fire_idx(0, 0)
    _fire_idx(1, 1)
    _wait_idx(0, 0)
    _fire_g(0, 0)

    def _body(hc, _):
        c0 = hc * 2
        _wait_idx(c0 + 1, 1)
        _fire_g(1, 1)
        _drain_scatter(0, 0)
        _fire_idx(c0 + 2, 0)
        _drain_scatter(1, 1)

        @pl.when(c0 + 3 < NCH)
        def _():
            _fire_idx(c0 + 3, 1)
        _wait_idx(c0 + 2, 0)
        _fire_g(0, 0)
        return 0

    lax.fori_loop(0, (NCH - 1) // 2, _body, 0)
    _drain_scatter(0, 0)

    plsc.subcore_barrier()
    semo = (si0, si1)
    for r in range(RPT // K):
        b = r % 2
        if r >= 2:
            pltpu.make_async_copy(
                rows_v.at[b],
                out_hbm.at[cid].at[pl.ds(sid * RPT + (r - 2) * K, K)],
                semo[b]).wait()
        pltpu.sync_copy(acc_sh.at[pl.ds(sid * RPT + r * K, K)], rows_v.at[b])
        pltpu.async_copy(rows_v.at[b],
                         out_hbm.at[cid].at[pl.ds(sid * RPT + r * K, K)],
                         semo[b])
    for r in range(RPT // K - 2, RPT // K):
        b = r % 2
        pltpu.make_async_copy(
            rows_v.at[b],
            out_hbm.at[cid].at[pl.ds(sid * RPT + r * K, K)], semo[b]).wait()


@functools.partial(
    pl.kernel,
    out_type=jax.ShapeDtypeStruct((4 * P, D), jnp.float32),
    mesh=_mesh,
    compiler_params=pltpu.CompilerParams(needs_layout_passes=False,
                                         use_tc_tiling_on_sc=True),
    scratch_types=[
        pltpu.VMEM((PPW,), jnp.int32),
        pltpu.VMEM((2, PK, D), jnp.float32),
        pltpu.SemaphoreType.DMA,
        pltpu.SemaphoreType.DMA,
    ],
)
def _sc_pair_gather(h_hbm, idx_hbm, out_hbm, idx_v, rows_v, sem0, sem1):
    wid = _wid()
    pltpu.sync_copy(idx_hbm.at[wid], idx_v)
    sems = (sem0, sem1)

    def _fire(c, b):
        pltpu.async_copy(h_hbm.at[idx_v.at[pl.ds(c * PK, PK)]], rows_v.at[b],
                         sems[b])

    def _drain_write(c, b):
        pltpu.make_async_copy(h_hbm.at[idx_v.at[pl.ds(c * PK, PK)]],
                              rows_v.at[b], sems[b]).wait()
        pltpu.sync_copy(rows_v.at[b],
                        out_hbm.at[pl.ds(wid * PPW + c * PK, PK)])

    _fire(0, 0)
    for c in range(PCH):
        if c + 1 < PCH:
            _fire(c + 1, (c + 1) % 2)
        _drain_write(c, c % 2)


_BN = 2560


def _tc_scales(cnt, embed_p):
    def body(cnt_ref, emb_ref, ss_ref, rs_ref, xs_ref):
        cs = cnt_ref[0, 0] + cnt_ref[1, 0] + 1.0
        cr = cnt_ref[0, 1] + cnt_ref[1, 1] + 1.0
        ss = lax.rsqrt(cs)
        ss_ref[...] = ss
        rs_ref[...] = lax.rsqrt(cr) / cr
        xs_ref[...] = emb_ref[...] * ss

    return pl.pallas_call(
        body,
        grid=(NP // _BN,),
        in_specs=[
            pl.BlockSpec((NC, 2, _BN, 1), lambda i: (0, 0, i, 0)),
            pl.BlockSpec((_BN, D), lambda i: (i, 0)),
        ],
        out_specs=[
            pl.BlockSpec((_BN, 1), lambda i: (i, 0)),
            pl.BlockSpec((_BN, 1), lambda i: (i, 0)),
            pl.BlockSpec((_BN, D), lambda i: (i, 0)),
        ],
        out_shape=[
            jax.ShapeDtypeStruct((NP, 1), jnp.float32),
            jax.ShapeDtypeStruct((NP, 1), jnp.float32),
            jax.ShapeDtypeStruct((NP, D), jnp.float32),
        ],
    )(cnt, embed_p)


def _tc_layer(x, acc, xs, rs, ss, wt, wb, b, *, relu_and_next):
    def body(*refs):
        if relu_and_next:
            (x_ref, acc_ref, xs_ref, rs_ref, ss_ref, wt_ref, wb_ref, b_ref,
             h_ref, xs2_ref) = refs
        else:
            (x_ref, acc_ref, xs_ref, rs_ref, wt_ref, wb_ref, b_ref,
             h_ref) = refs
        m = (acc_ref[0] + acc_ref[1] + xs_ref[...]) * rs_ref[...]
        h = (jnp.dot(x_ref[...], wt_ref[...],
                     preferred_element_type=jnp.float32)
             + jnp.dot(m, wb_ref[...], preferred_element_type=jnp.float32)
             + b_ref[...])
        if relu_and_next:
            h = jnp.maximum(h, 0.0)
            h_ref[...] = h
            xs2_ref[...] = h * ss_ref[...]
        else:
            h_ref[...] = h

    in_specs = [
        pl.BlockSpec((_BN, D), lambda i: (i, 0)),
        pl.BlockSpec((NC, _BN, D), lambda i: (0, i, 0)),
        pl.BlockSpec((_BN, D), lambda i: (i, 0)),
        pl.BlockSpec((_BN, 1), lambda i: (i, 0)),
    ]
    args = [x, acc, xs, rs]
    if relu_and_next:
        in_specs.append(pl.BlockSpec((_BN, 1), lambda i: (i, 0)))
        args.append(ss)
    in_specs += [
        pl.BlockSpec((D, D), lambda i: (0, 0)),
        pl.BlockSpec((D, D), lambda i: (0, 0)),
        pl.BlockSpec((1, D), lambda i: (0, 0)),
    ]
    args += [wt, wb, b]
    out_specs = [pl.BlockSpec((_BN, D), lambda i: (i, 0))]
    out_shape = [jax.ShapeDtypeStruct((NP, D), jnp.float32)]
    if relu_and_next:
        out_specs.append(pl.BlockSpec((_BN, D), lambda i: (i, 0)))
        out_shape.append(jax.ShapeDtypeStruct((NP, D), jnp.float32))

    return pl.pallas_call(
        body,
        grid=(NP // _BN,),
        in_specs=in_specs,
        out_specs=out_specs if relu_and_next else out_specs[0],
        out_shape=out_shape if relu_and_next else out_shape[0],
    )(*args)


def _tc_link(g, w1, b1, w2, b2):
    def body(hs_ref, hr_ref, w1_ref, b1_ref, w2_ref, b2_ref, o_ref):
        x = hs_ref[...] * hr_ref[...]
        y = jnp.maximum(
            jnp.dot(x, w1_ref[...], preferred_element_type=jnp.float32)
            + b1_ref[...], 0.0)
        o_ref[...] = (jnp.dot(y, w2_ref[...],
                              preferred_element_type=jnp.float32)
                      + b2_ref[...])

    bl = 2048
    nblk = 2 * P // bl
    return pl.pallas_call(
        body,
        grid=(nblk,),
        in_specs=[
            pl.BlockSpec((bl, D), lambda i: (i, 0)),
            pl.BlockSpec((bl, D), lambda i, n=nblk: (i + n, 0)),
            pl.BlockSpec((D, D), lambda i: (0, 0)),
            pl.BlockSpec((1, D), lambda i: (0, 0)),
            pl.BlockSpec((D, 1), lambda i: (0, 0)),
            pl.BlockSpec((1, 1), lambda i: (0, 0)),
        ],
        out_specs=pl.BlockSpec((bl, 1), lambda i: (i, 0)),
        out_shape=jax.ShapeDtypeStruct((2 * P, 1), jnp.float32),
    )(g, g, w1, b1, w2, b2)


def kernel(gid, senders, receivers, pos_pairs, neg_pairs, embed,
           W1, b1, W2, b2, lW1, lb1, lW2, lb2):
    del gid
    cnt = _sc_degrees(senders, receivers).reshape(NC, 2, NP, 1)
    ss, rs, xs1 = _tc_scales(cnt, embed)

    acc1 = _sc_segsum(xs1, senders, receivers)
    h1, xs2 = _tc_layer(embed, acc1, xs1, rs, ss, W1[:D], W1[D:],
                        b1.reshape(1, D), relu_and_next=True)
    acc2 = _sc_segsum(xs2, senders, receivers)
    h = _tc_layer(h1, acc2, xs2, rs, None, W2[:D], W2[D:],
                  b2.reshape(1, D), relu_and_next=False)

    idx_all = jnp.concatenate([pos_pairs[:, 0], neg_pairs[:, 0],
                               pos_pairs[:, 1], neg_pairs[:, 1]])
    g = _sc_pair_gather(h, idx_all.reshape(NW, PPW))
    z = _tc_link(g, lW1, lb1.reshape(1, D),
                 lW2, lb2.reshape(1, 1))[:, 0]
    return z[:P], z[P:2 * P]

# --- scband reference (transcript-rebuilt; emitter-appended) ---
"""Pipeline reference for scband-ddi-model-71622874628184 (READ-ONLY COPY).

The authoritative reference and input builder live on the scoring server;
editing this copy changes nothing except your own understanding.
"""

import jax, jax.numpy as jnp
import numpy as np

N = 10000
E = 320000
D = 128
P = 8192


def setup_inputs(seed: int = 0) -> dict:
    key = jax.random.key(seed)
    ks = jax.random.split(key, 12)
    gid = jnp.arange(N, dtype=jnp.int32)
    senders = jax.random.randint(ks[0], (E,), 0, N, dtype=jnp.int32)
    receivers = jax.random.randint(ks[1], (E,), 0, N, dtype=jnp.int32)
    pos_pairs = jax.random.randint(ks[2], (P, 2), 0, N, dtype=jnp.int32)
    neg_pairs = jax.random.randint(ks[3], (P, 2), 0, N, dtype=jnp.int32)
    embed = jax.random.normal(ks[4], (N, D), dtype=jnp.float32) * (1.0 / np.sqrt(D))
    W1 = jax.random.normal(ks[5], (2 * D, D), dtype=jnp.float32) * (1.0 / np.sqrt(2 * D))
    b1 = jnp.zeros((D,), dtype=jnp.float32)
    W2 = jax.random.normal(ks[6], (2 * D, D), dtype=jnp.float32) * (1.0 / np.sqrt(2 * D))
    b2 = jnp.zeros((D,), dtype=jnp.float32)
    lW1 = jax.random.normal(ks[7], (D, D), dtype=jnp.float32) * (1.0 / np.sqrt(D))
    lb1 = jnp.zeros((D,), dtype=jnp.float32)
    lW2 = jax.random.normal(ks[8], (D, 1), dtype=jnp.float32) * (1.0 / np.sqrt(D))
    lb2 = jnp.zeros((1,), dtype=jnp.float32)
    return dict(gid=gid, senders=senders, receivers=receivers,
                pos_pairs=pos_pairs, neg_pairs=neg_pairs,
                embed=embed, W1=W1, b1=b1, W2=W2, b2=b2,
                lW1=lW1, lb1=lb1, lW2=lW2, lb2=lb2)


def _segment_mean(data, seg, n):
    s = jax.ops.segment_sum(data, seg, num_segments=n)
    c = jax.ops.segment_sum(jnp.ones((data.shape[0],), dtype=data.dtype), seg, num_segments=n)
    return s / jnp.maximum(c, 1.0)[:, None]


def _sage_conv(x, senders, receivers, n, W, b, with_self):
    if with_self:
        all_nodes = jnp.arange(n, dtype=senders.dtype)
        s = jnp.concatenate([senders, all_nodes])
        r = jnp.concatenate([receivers, all_nodes])
    else:
        s, r = senders, receivers
    # degree_norm=True path
    deg_s = jax.ops.segment_sum(jnp.ones_like(s), s, num_segments=n).astype(x.dtype)
    deg_r = jax.ops.segment_sum(jnp.ones_like(r), r, num_segments=n).astype(x.dtype)
    xu = x * jax.lax.rsqrt(jnp.maximum(deg_s, 1.0))[:, None]
    xu = _segment_mean(xu[s], r, n)
    xu = xu * jax.lax.rsqrt(jnp.maximum(deg_r, 1.0))[:, None]
    combined = jnp.concatenate([x, xu], axis=-1)
    return combined @ W + b


def _link_predictor(hs, hr, lW1, lb1, lW2, lb2):
    # n_mlp_layers=2: one hidden Dense+relu (dropout deterministic), then Dense(1)
    x = hs * hr
    x = jax.nn.relu(x @ lW1 + lb1)
    x = x @ lW2 + lb2
    return jnp.squeeze(x, axis=-1)


def reference(gid, senders, receivers, pos_pairs, neg_pairs,
              embed, W1, b1, W2, b2, lW1, lb1, lW2, lb2):
    n = gid.shape[0]
    # NodeEncoder
    x = jnp.take(embed, gid, axis=0)
    x = _sage_conv(x, senders, receivers, n, W1, b1, with_self=True)
    x = jax.nn.relu(x)
    # dropout deterministic (is_training=False) -> identity
    h = _sage_conv(x, senders, receivers, n, W2, b2, with_self=True)  # last_layer_self=True
    # LinkPredictor on pos / neg pairs
    pos = _link_predictor(h[pos_pairs[:, 0]], h[pos_pairs[:, 1]], lW1, lb1, lW2, lb2)
    neg = _link_predictor(h[neg_pairs[:, 0]], h[neg_pairs[:, 1]], lW1, lb1, lW2, lb2)
    return (pos, neg)

if __name__ == "__main__":
    import jax
    _d = setup_inputs()
    print(jax.jit(kernel)(*tuple(_d.values())))

</pallas_src>

<mosaic_0001>
#map = affine_map<(d0, d1) -> (0, 0)>
#map1 = affine_map<(d0, d1) -> (0)>
#map2 = affine_map<(d0, d1) -> (0, 0, 0)>
module attributes {stable_mosaic.version = 14 : i64} {
  func.func @_sc_segsum(%arg0: i32, %arg1: i32, %arg2: memref<10240x128xf32, #tpu.memory_space<hbm>>, %arg3: memref<320000xi32, #tpu.memory_space<hbm>>, %arg4: memref<320000xi32, #tpu.memory_space<hbm>>, %arg5: memref<2x10240x128xf32, #tpu.memory_space<hbm>>, %arg6: memref<80xi32, #tpu.memory_space<vmem>>, %arg7: memref<80xi32, #tpu.memory_space<vmem>>, %arg8: memref<80xi32, #tpu.memory_space<vmem>>, %arg9: memref<80xi32, #tpu.memory_space<vmem>>, %arg10: memref<2x80x128xf32, #tpu.memory_space<vmem>>, %arg11: memref<10240x128xf32, #tpu.memory_space<vmem_shared>>, %arg12: memref<!tpu.dma_semaphore, #tpu.memory_space<semaphore_mem>>, %arg13: memref<!tpu.dma_semaphore, #tpu.memory_space<semaphore_mem>>, %arg14: memref<!tpu.dma_semaphore, #tpu.memory_space<semaphore_mem>>, %arg15: memref<!tpu.dma_semaphore, #tpu.memory_space<semaphore_mem>>) attributes {dimension_semantics = [#tpu.dimension_semantics<core_parallel>, #tpu.dimension_semantics<subcore_parallel>], iteration_bounds = array<i64: 2, 16>, scalar_prefetch = 0 : i64, scratch_operands = 10 : i64, tpu.core_type = #tpu.core_type<sc_vector_subcore>, window_params = [{transform_indices = #map}, {transform_indices = #map1}, {transform_indices = #map1}, {transform_indices = #map2}]} {
    %mul3A = arith.constant 2 : i32
    %mul3A_0 = arith.muli %arg1, %mul3A : i32
    %add3A = arith.addi %mul3A_0, %arg0 : i32
    %mul3A_1 = arith.constant 10000 : i32
    %mul3A_2 = arith.muli %add3A, %mul3A_1 : i32
    %broadcast_in_dim3A = arith.constant 0.000000e+00 : f32
    %broadcast_in_dim3A_3 = vector.broadcast %broadcast_in_dim3A : f32 to vector<16xf32>
    %scan3A = arith.constant 0 : i32
    %scan3A_4 = arith.constant 0 : i32
    %scan3A_5 = arith.constant 80 : i32
    %scan3A_6 = arith.addi %scan3A_4, %scan3A_5 : i32
    %scan3A_7 = arith.constant 1 : i32
    %scan3A_8 = scf.for %scan3A_768 = %scan3A_4 to %scan3A_6 step %scan3A_7 iter_args(%scan3A_769 = %scan3A) -> (i32)  : i32 {
      %swap3A = arith.constant 0 : i32
      %swap3A_770 = arith.index_cast %swap3A : i32 to index
      %swap3A_771 = arith.index_cast %scan3A_768 : i32 to index
      %swap3A_772 = arith.constant 0 : index
      %swap3A_773 = tpu.vector_load %arg10[%swap3A_770, %swap3A_771, %swap3A_772] {strides = array<i32>} : memref<2x80x128xf32, #tpu.memory_space<vmem>>, vector<16xf32>,
      tpu.vector_store %arg10[%swap3A_770, %swap3A_771, %swap3A_772], %broadcast_in_dim3A_3 {strides = array<i32>} : memref<2x80x128xf32, #tpu.memory_space<vmem>>, vector<16xf32>,
      %swap3A_774 = arith.constant 0 : i32
      %swap3A_775 = arith.index_cast %swap3A_774 : i32 to index
      %swap3A_776 = arith.index_cast %scan3A_768 : i32 to index
      %swap3A_777 = arith.constant 16 : index
      %swap3A_778 = tpu.vector_load %arg10[%swap3A_775, %swap3A_776, %swap3A_777] {strides = array<i32>} : memref<2x80x128xf32, #tpu.memory_space<vmem>>, vector<16xf32>,
      tpu.vector_store %arg10[%swap3A_775, %swap3A_776, %swap3A_777], %broadcast_in_dim3A_3 {strides = array<i32>} : memref<2x80x128xf32, #tpu.memory_space<vmem>>, vector<16xf32>,
      %swap3A_779 = arith.constant 0 : i32
      %swap3A_780 = arith.index_cast %swap3A_779 : i32 to index
      %swap3A_781 = arith.index_cast %scan3A_768 : i32 to index
      %swap3A_782 = arith.constant 32 : index
      %swap3A_783 = tpu.vector_load %arg10[%swap3A_780, %swap3A_781, %swap3A_782] {strides = array<i32>} : memref<2x80x128xf32, #tpu.memory_space<vmem>>, vector<16xf32>,
      tpu.vector_store %arg10[%swap3A_780, %swap3A_781, %swap3A_782], %broadcast_in_dim3A_3 {strides = array<i32>} : memref<2x80x128xf32, #tpu.memory_space<vmem>>, vector<16xf32>,
      %swap3A_784 = arith.constant 0 : i32
      %swap3A_785 = arith.index_cast %swap3A_784 : i32 to index
      %swap3A_786 = arith.index_cast %scan3A_768 : i32 to index
      %swap3A_787 = arith.constant 48 : index
      %swap3A_788 = tpu.vector_load %arg10[%swap3A_785, %swap3A_786, %swap3A_787] {strides = array<i32>} : memref<2x80x128xf32, #tpu.memory_space<vmem>>, vector<16xf32>,
      tpu.vector_store %arg10[%swap3A_785, %swap3A_786, %swap3A_787], %broadcast_in_dim3A_3 {strides = array<i32>} : memref<2x80x128xf32, #tpu.memory_space<vmem>>, vector<16xf32>,
      %swap3A_789 = arith.constant 0 : i32
      %swap3A_790 = arith.index_cast %swap3A_789 : i32 to index
      %swap3A_791 = arith.index_cast %scan3A_768 : i32 to index
      %swap3A_792 = arith.constant 64 : index
      %swap3A_793 = tpu.vector_load %arg10[%swap3A_790, %swap3A_791, %swap3A_792] {strides = array<i32>} : memref<2x80x128xf32, #tpu.memory_space<vmem>>, vector<16xf32>,
      tpu.vector_store %arg10[%swap3A_790, %swap3A_791, %swap3A_792], %broadcast_in_dim3A_3 {strides = array<i32>} : memref<2x80x128xf32, #tpu.memory_space<vmem>>, vector<16xf32>,
      %swap3A_794 = arith.constant 0 : i32
      %swap3A_795 = arith.index_cast %swap3A_794 : i32 to index
      %swap3A_796 = arith.index_cast %scan3A_768 : i32 to index
      %swap3A_797 = arith.constant 80 : index
      %swap3A_798 = tpu.vector_load %arg10[%swap3A_795, %swap3A_796, %swap3A_797] {strides = array<i32>} : memref<2x80x128xf32, #tpu.memory_space<vmem>>, vector<16xf32>,
      tpu.vector_store %arg10[%swap3A_795, %swap3A_796, %swap3A_797], %broadcast_in_dim3A_3 {strides = array<i32>} : memref<2x80x128xf32, #tpu.memory_space<vmem>>, vector<16xf32>,
      %swap3A_799 = arith.constant 0 : i32
      %swap3A_800 = arith.index_cast %swap3A_799 : i32 to index
      %swap3A_801 = arith.index_cast %scan3A_768 : i32 to index
      %swap3A_802 = arith.constant 96 : index
      %swap3A_803 = tpu.vector_load %arg10[%swap3A_800, %swap3A_801, %swap3A_802] {strides = array<i32>} : memref<2x80x128xf32, #tpu.memory_space<vmem>>, vector<16xf32>,
      tpu.vector_store %arg10[%swap3A_800, %swap3A_801, %swap3A_802], %broadcast_in_dim3A_3 {strides = array<i32>} : memref<2x80x128xf32, #tpu.memory_space<vmem>>, vector<16xf32>,
      %swap3A_804 = arith.constant 0 : i32
      %swap3A_805 = arith.index_cast %swap3A_804 : i32 to index
      %swap3A_806 = arith.index_cast %scan3A_768 : i32 to index
      %swap3A_807 = arith.constant 112 : index
      %swap3A_808 = tpu.vector_load %arg10[%swap3A_805, %swap3A_806, %swap3A_807] {strides = array<i32>} : memref<2x80x128xf32, #tpu.memory_space<vmem>>, vector<16xf32>,
      tpu.vector_store %arg10[%swap3A_805, %swap3A_806, %swap3A_807], %broadcast_in_dim3A_3 {strides = array<i32>} : memref<2x80x128xf32, #tpu.memory_space<vmem>>, vector<16xf32>,
      %scan3A_809 = arith.constant 0 : i32
      scf.yield %scan3A_809 : i32
    }
    %scan3A_9 = arith.constant 80 : i32
    %mul3A_10 = arith.constant 640 : i32
    %mul3A_11 = arith.muli %arg1, %mul3A_10 : i32
    %add3A_12 = arith.constant 0 : i32
    %add3A_13 = arith.addi %mul3A_11, %add3A_12 : i32
    %dma_start3A = arith.constant 0 : i32
    %dma_start3A_14 = arith.constant 0 : i32
    %dma_start3A_15 = arith.constant 0 : i32
    %dma_start3A_16 = tpu.memref_slice %arg10[%dma_start3A, %dma_start3A_14, %dma_start3A_15] : memref<2x80x128xf32, #tpu.memory_space<vmem>> -> memref<1x80x128xf32, #tpu.memory_space<vmem>>
    %dma_start3A_17 = tpu.memref_squeeze %dma_start3A_16 : memref<1x80x128xf32, #tpu.memory_space<vmem>> -> memref<80x128xf32, #tpu.memory_space<vmem>>
    %dma_start3A_18 = arith.constant 0 : i32
    %dma_start3A_19 = tpu.memref_slice %arg11[%add3A_13, %dma_start3A_18] : memref<10240x128xf32, #tpu.memory_space<vmem_shared>> -> memref<80x128xf32, #tpu.memory_space<vmem_shared>>
    %dma_start3A_20 = arith.constant 0 : i32
    %dma_start3A_21 = tpu.memref_slice %arg11[%add3A_13, %dma_start3A_20] : memref<10240x128xf32, #tpu.memory_space<vmem_shared>> -> memref<80x128xf32, #tpu.memory_space<vmem_shared>>
    %dma_start3A_22 = arith.constant 0 : i32
    %dma_start3A_23 = arith.constant 0 : i32
    %dma_start3A_24 = tpu.memref_slice %arg10[%dma_start3A, %dma_start3A_22, %dma_start3A_23] : memref<2x80x128xf32, #tpu.memory_space<vmem>> -> memref<1x80x128xf32, #tpu.memory_space<vmem>>
    %dma_start3A_25 = tpu.memref_squeeze %dma_start3A_24 : memref<1x80x128xf32, #tpu.memory_space<vmem>> -> memref<80x128xf32, #tpu.memory_space<vmem>>
    tpu.enqueue_dma source(%dma_start3A_25 : memref<80x128xf32, #tpu.memory_space<vmem>>) target(%dma_start3A_21 : memref<80x128xf32, #tpu.memory_space<vmem_shared>>) target_semaphore(%arg12 : memref<!tpu.dma_semaphore, #tpu.memory_space<semaphore_mem>>)
    %mul3A_26 = arith.constant 640 : i32
    %mul3A_27 = arith.muli %arg1, %mul3A_26 : i32
    %add3A_28 = arith.constant 80 : i32
    %add3A_29 = arith.addi %mul3A_27, %add3A_28 : i32
    %dma_start3A_30 = arith.constant 0 : i32
    %dma_start3A_31 = arith.constant 0 : i32
    %dma_start3A_32 = arith.constant 0 : i32
    %dma_start3A_33 = tpu.memref_slice %arg10[%dma_start3A_30, %dma_start3A_31, %dma_start3A_32] : memref<2x80x128xf32, #tpu.memory_space<vmem>> -> memref<1x80x128xf32, #tpu.memory_space<vmem>>
    %dma_start3A_34 = tpu.memref_squeeze %dma_start3A_33 : memref<1x80x128xf32, #tpu.memory_space<vmem>> -> memref<80x128xf32, #tpu.memory_space<vmem>>
    %dma_start3A_35 = arith.constant 0 : i32
    %dma_start3A_36 = tpu.memref_slice %arg11[%add3A_29, %dma_start3A_35] : memref<10240x128xf32, #tpu.memory_space<vmem_shared>> -> memref<80x128xf32, #tpu.memory_space<vmem_shared>>
    %dma_start3A_37 = arith.constant 0 : i32
    %dma_start3A_38 = tpu.memref_slice %arg11[%add3A_29, %dma_start3A_37] : memref<10240x128xf32, #tpu.memory_space<vmem_shared>> -> memref<80x128xf32, #tpu.memory_space<vmem_shared>>
    %dma_start3A_39 = arith.constant 0 : i32
    %dma_start3A_40 = arith.constant 0 : i32
    %dma_start3A_41 = tpu.memref_slice %arg10[%dma_start3A_30, %dma_start3A_39, %dma_start3A_40] : memref<2x80x128xf32, #tpu.memory_space<vmem>> -> memref<1x80x128xf32, #tpu.memory_space<vmem>>
    %dma_start3A_42 = tpu.memref_squeeze %dma_start3A_41 : memref<1x80x128xf32, #tpu.memory_space<vmem>> -> memref<80x128xf32, #tpu.memory_space<vmem>>
    tpu.enqueue_dma source(%dma_start3A_42 : memref<80x128xf32, #tpu.memory_space<vmem>>) target(%dma_start3A_38 : memref<80x128xf32, #tpu.memory_space<vmem_shared>>) target_semaphore(%arg12 : memref<!tpu.dma_semaphore, #tpu.memory_space<semaphore_mem>>)
    %mul3A_43 = arith.constant 640 : i32
    %mul3A_44 = arith.muli %arg1, %mul3A_43 : i32
    %add3A_45 = arith.constant 160 : i32
    %add3A_46 = arith.addi %mul3A_44, %add3A_45 : i32
    %dma_start3A_47 = arith.constant 0 : i32
    %dma_start3A_48 = arith.constant 0 : i32
    %dma_start3A_49 = arith.constant 0 : i32
    %dma_start3A_50 = tpu.memref_slice %arg10[%dma_start3A_47, %dma_start3A_48, %dma_start3A_49] : memref<2x80x128xf32, #tpu.memory_space<vmem>> -> memref<1x80x128xf32, #tpu.memory_space<vmem>>
    %dma_start3A_51 = tpu.memref_squeeze %dma_start3A_50 : memref<1x80x128xf32, #tpu.memory_space<vmem>> -> memref<80x128xf32, #tpu.memory_space<vmem>>
    %dma_start3A_52 = arith.constant 0 : i32
    %dma_start3A_53 = tpu.memref_slice %arg11[%add3A_46, %dma_start3A_52] : memref<10240x128xf32, #tpu.memory_space<vmem_shared>> -> memref<80x128xf32, #tpu.memory_space<vmem_shared>>
    %dma_start3A_54 = arith.constant 0 : i32
    %dma_start3A_55 = tpu.memref_slice %arg11[%add3A_46, %dma_start3A_54] : memref<10240x128xf32, #tpu.memory_space<vmem_shared>> -> memref<80x128xf32, #tpu.memory_space<vmem_shared>>
    %dma_start3A_56 = arith.constant 0 : i32
    %dma_start3A_57 = arith.constant 0 : i32
    %dma_start3A_58 = tpu.memref_slice %arg10[%dma_start3A_47, %dma_start3A_56, %dma_start3A_57] : memref<2x80x128xf32, #tpu.memory_space<vmem>> -> memref<1x80x128xf32, #tpu.memory_space<vmem>>
    %dma_start3A_59 = tpu.memref_squeeze %dma_start3A_58 : memref<1x80x128xf32, #tpu.memory_space<vmem>> -> memref<80x128xf32, #tpu.memory_space<vmem>>
    tpu.enqueue_dma source(%dma_start3A_59 : memref<80x128xf32, #tpu.memory_space<vmem>>) target(%dma_start3A_55 : memref<80x128xf32, #tpu.memory_space<vmem_shared>>) target_semaphore(%arg12 : memref<!tpu.dma_semaphore, #tpu.memory_space<semaphore_mem>>)
    %mul3A_60 = arith.constant 640 : i32
    %mul3A_61 = arith.muli %arg1, %mul3A_60 : i32
    %add3A_62 = arith.constant 240 : i32
    %add3A_63 = arith.addi %mul3A_61, %add3A_62 : i32
    %dma_start3A_64 = arith.constant 0 : i32
    %dma_start3A_65 = arith.constant 0 : i32
    %dma_start3A_66 = arith.constant 0 : i32
    %dma_start3A_67 = tpu.memref_slice %arg10[%dma_start3A_64, %dma_start3A_65, %dma_start3A_66] : memref<2x80x128xf32, #tpu.memory_space<vmem>> -> memref<1x80x128xf32, #tpu.memory_space<vmem>>
    %dma_start3A_68 = tpu.memref_squeeze %dma_start3A_67 : memref<1x80x128xf32, #tpu.memory_space<vmem>> -> memref<80x128xf32, #tpu.memory_space<vmem>>
    %dma_start3A_69 = arith.constant 0 : i32
    %dma_start3A_70 = tpu.memref_slice %arg11[%add3A_63, %dma_start3A_69] : memref<10240x128xf32, #tpu.memory_space<vmem_shared>> -> memref<80x128xf32, #tpu.memory_space<vmem_shared>>
    %dma_start3A_71 = arith.constant 0 : i32
    %dma_start3A_72 = tpu.memref_slice %arg11[%add3A_63, %dma_start3A_71] : memref<10240x128xf32, #tpu.memory_space<vmem_shared>> -> memref<80x128xf32, #tpu.memory_space<vmem_shared>>
    %dma_start3A_73 = arith.constant 0 : i32
    %dma_start3A_74 = arith.constant 0 : i32
    %dma_start3A_75 = tpu.memref_slice %arg10[%dma_start3A_64, %dma_start3A_73, %dma_start3A_74] : memref<2x80x128xf32, #tpu.memory_space<vmem>> -> memref<1x80x128xf32, #tpu.memory_space<vmem>>
    %dma_start3A_76 = tpu.memref_squeeze %dma_start3A_75 : memref<1x80x128xf32, #tpu.memory_space<vmem>> -> memref<80x128xf32, #tpu.memory_space<vmem>>
    tpu.enqueue_dma source(%dma_start3A_76 : memref<80x128xf32, #tpu.memory_space<vmem>>) target(%dma_start3A_72 : memref<80x128xf32, #tpu.memory_space<vmem_shared>>) target_semaphore(%arg12 : memref<!tpu.dma_semaphore, #tpu.memory_space<semaphore_mem>>)
    %mul3A_77 = arith.constant 640 : i32
    %mul3A_78 = arith.muli %arg1, %mul3A_77 : i32
    %add3A_79 = arith.constant 320 : i32
    %add3A_80 = arith.addi %mul3A_78, %add3A_79 : i32
    %dma_start3A_81 = arith.constant 0 : i32
    %dma_start3A_82 = arith.constant 0 : i32
    %dma_start3A_83 = arith.constant 0 : i32
    %dma_start3A_84 = tpu.memref_slice %arg10[%dma_start3A_81, %dma_start3A_82, %dma_start3A_83] : memref<2x80x128xf32, #tpu.memory_space<vmem>> -> memref<1x80x128xf32, #tpu.memory_space<vmem>>
    %dma_start3A_85 = tpu.memref_squeeze %dma_start3A_84 : memref<1x80x128xf32, #tpu.memory_space<vmem>> -> memref<80x128xf32, #tpu.memory_space<vmem>>
    %dma_start3A_86 = arith.constant 0 : i32
    %dma_start3A_87 = tpu.memref_slice %arg11[%add3A_80, %dma_start3A_86] : memref<10240x128xf32, #tpu.memory_space<vmem_shared>> -> memref<80x128xf32, #tpu.memory_space<vmem_shared>>
    %dma_start3A_88 = arith.constant 0 : i32
    %dma_start3A_89 = tpu.memref_slice %arg11[%add3A_80, %dma_start3A_88] : memref<10240x128xf32, #tpu.memory_space<vmem_shared>> -> memref<80x128xf32, #tpu.memory_space<vmem_shared>>
    %dma_start3A_90 = arith.constant 0 : i32
    %dma_start3A_91 = arith.constant 0 : i32
    %dma_start3A_92 = tpu.memref_slice %arg10[%dma_start3A_81, %dma_start3A_90, %dma_start3A_91] : memref<2x80x128xf32, #tpu.memory_space<vmem>> -> memref<1x80x128xf32, #tpu.memory_space<vmem>>
    %dma_start3A_93 = tpu.memref_squeeze %dma_start3A_92 : memref<1x80x128xf32, #tpu.memory_space<vmem>> -> memref<80x128xf32, #tpu.memory_space<vmem>>
    tpu.enqueue_dma source(%dma_start3A_93 : memref<80x128xf32, #tpu.memory_space<vmem>>) target(%dma_start3A_89 : memref<80x128xf32, #tpu.memory_space<vmem_shared>>) target_semaphore(%arg12 : memref<!tpu.dma_semaphore, #tpu.memory_space<semaphore_mem>>)
    %mul3A_94 = arith.constant 640 : i32
    %mul3A_95 = arith.muli %arg1, %mul3A_94 : i32
    %add3A_96 = arith.constant 400 : i32
    %add3A_97 = arith.addi %mul3A_95, %add3A_96 : i32
    %dma_start3A_98 = arith.constant 0 : i32
    %dma_start3A_99 = arith.constant 0 : i32
    %dma_start3A_100 = arith.constant 0 : i32
    %dma_start3A_101 = tpu.memref_slice %arg10[%dma_start3A_98, %dma_start3A_99, %dma_start3A_100] : memref<2x80x128xf32, #tpu.memory_space<vmem>> -> memref<1x80x128xf32, #tpu.memory_space<vmem>>
    %dma_start3A_102 = tpu.memref_squeeze %dma_start3A_101 : memref<1x80x128xf32, #tpu.memory_space<vmem>> -> memref<80x128xf32, #tpu.memory_space<vmem>>
    %dma_start3A_103 = arith.constant 0 : i32
    %dma_start3A_104 = tpu.memref_slice %arg11[%add3A_97, %dma_start3A_103] : memref<10240x128xf32, #tpu.memory_space<vmem_shared>> -> memref<80x128xf32, #tpu.memory_space<vmem_shared>>
    %dma_start3A_105 = arith.constant 0 : i32
    %dma_start3A_106 = tpu.memref_slice %arg11[%add3A_97, %dma_start3A_105] : memref<10240x128xf32, #tpu.memory_space<vmem_shared>> -> memref<80x128xf32, #tpu.memory_space<vmem_shared>>
    %dma_start3A_107 = arith.constant 0 : i32
    %dma_start3A_108 = arith.constant 0 : i32
    %dma_start3A_109 = tpu.memref_slice %arg10[%dma_start3A_98, %dma_start3A_107, %dma_start3A_108] : memref<2x80x128xf32, #tpu.memory_space<vmem>> -> memref<1x80x128xf32, #tpu.memory_space<vmem>>
    %dma_start3A_110 = tpu.memref_squeeze %dma_start3A_109 : memref<1x80x128xf32, #tpu.memory_space<vmem>> -> memref<80x128xf32, #tpu.memory_space<vmem>>
    tpu.enqueue_dma source(%dma_start3A_110 : memref<80x128xf32, #tpu.memory_space<vmem>>) target(%dma_start3A_106 : memref<80x128xf32, #tpu.memory_space<vmem_shared>>) target_semaphore(%arg12 : memref<!tpu.dma_semaphore, #tpu.memory_space<semaphore_mem>>)
    %mul3A_111 = arith.constant 640 : i32
    %mul3A_112 = arith.muli %arg1, %mul3A_111 : i32
    %add3A_113 = arith.constant 480 : i32
    %add3A_114 = arith.addi %mul3A_112, %add3A_113 : i32
    %dma_start3A_115 = arith.constant 0 : i32
    %dma_start3A_116 = arith.constant 0 : i32
    %dma_start3A_117 = arith.constant 0 : i32
    %dma_start3A_118 = tpu.memref_slice %arg10[%dma_start3A_115, %dma_start3A_116, %dma_start3A_117] : memref<2x80x128xf32, #tpu.memory_space<vmem>> -> memref<1x80x128xf32, #tpu.memory_space<vmem>>
    %dma_start3A_119 = tpu.memref_squeeze %dma_start3A_118 : memref<1x80x128xf32, #tpu.memory_space<vmem>> -> memref<80x128xf32, #tpu.memory_space<vmem>>
    %dma_start3A_120 = arith.constant 0 : i32
    %dma_start3A_121 = tpu.memref_slice %arg11[%add3A_114, %dma_start3A_120] : memref<10240x128xf32, #tpu.memory_space<vmem_shared>> -> memref<80x128xf32, #tpu.memory_space<vmem_shared>>
    %dma_start3A_122 = arith.constant 0 : i32
    %dma_start3A_123 = tpu.memref_slice %arg11[%add3A_114, %dma_start3A_122] : memref<10240x128xf32, #tpu.memory_space<vmem_shared>> -> memref<80x128xf32, #tpu.memory_space<vmem_shared>>
    %dma_start3A_124 = arith.constant 0 : i32
    %dma_start3A_125 = arith.constant 0 : i32
    %dma_start3A_126 = tpu.memref_slice %arg10[%dma_start3A_115, %dma_start3A_124, %dma_start3A_125] : memref<2x80x128xf32, #tpu.memory_space<vmem>> -> memref<1x80x128xf32, #tpu.memory_space<vmem>>
    %dma_start3A_127 = tpu.memref_squeeze %dma_start3A_126 : memref<1x80x128xf32, #tpu.memory_space<vmem>> -> memref<80x128xf32, #tpu.memory_space<vmem>>
    tpu.enqueue_dma source(%dma_start3A_127 : memref<80x128xf32, #tpu.memory_space<vmem>>) target(%dma_start3A_123 : memref<80x128xf32, #tpu.memory_space<vmem_shared>>) target_semaphore(%arg12 : memref<!tpu.dma_semaphore, #tpu.memory_space<semaphore_mem>>)
    %mul3A_128 = arith.constant 640 : i32
    %mul3A_129 = arith.muli %arg1, %mul3A_128 : i32
    %add3A_130 = arith.constant 560 : i32
    %add3A_131 = arith.addi %mul3A_129, %add3A_130 : i32
    %dma_start3A_132 = arith.constant 0 : i32
    %dma_start3A_133 = arith.constant 0 : i32
    %dma_start3A_134 = arith.constant 0 : i32
    %dma_start3A_135 = tpu.memref_slice %arg10[%dma_start3A_132, %dma_start3A_133, %dma_start3A_134] : memref<2x80x128xf32, #tpu.memory_space<vmem>> -> memref<1x80x128xf32, #tpu.memory_space<vmem>>
    %dma_start3A_136 = tpu.memref_squeeze %dma_start3A_135 : memref<1x80x128xf32, #tpu.memory_space<vmem>> -> memref<80x128xf32, #tpu.memory_space<vmem>>
    %dma_start3A_137 = arith.constant 0 : i32
    %dma_start3A_138 = tpu.memref_slice %arg11[%add3A_131, %dma_start3A_137] : memref<10240x128xf32, #tpu.memory_space<vmem_shared>> -> memref<80x128xf32, #tpu.memory_space<vmem_shared>>
    %dma_start3A_139 = arith.constant 0 : i32
    %dma_start3A_140 = tpu.memref_slice %arg11[%add3A_131, %dma_start3A_139] : memref<10240x128xf32, #tpu.memory_space<vmem_shared>> -> memref<80x128xf32, #tpu.memory_space<vmem_shared>>
    %dma_start3A_141 = arith.constant 0 : i32
    %dma_start3A_142 = arith.constant 0 : i32
    %dma_start3A_143 = tpu.memref_slice %arg10[%dma_start3A_132, %dma_start3A_141, %dma_start3A_142] : memref<2x80x128xf32, #tpu.memory_space<vmem>> -> memref<1x80x128xf32, #tpu.memory_space<vmem>>
    %dma_start3A_144 = tpu.memref_squeeze %dma_start3A_143 : memref<1x80x128xf32, #tpu.memory_space<vmem>> -> memref<80x128xf32, #tpu.memory_space<vmem>>
    tpu.enqueue_dma source(%dma_start3A_144 : memref<80x128xf32, #tpu.memory_space<vmem>>) target(%dma_start3A_140 : memref<80x128xf32, #tpu.memory_space<vmem_shared>>) target_semaphore(%arg12 : memref<!tpu.dma_semaphore, #tpu.memory_space<semaphore_mem>>)
    %mul3A_145 = arith.constant 640 : i32
    %mul3A_146 = arith.muli %arg1, %mul3A_145 : i32
    %add3A_147 = arith.constant 0 : i32
    %add3A_148 = arith.addi %mul3A_146, %add3A_147 : i32
    %dma_wait3A = arith.constant 0 : i32
    %dma_wait3A_149 = arith.constant 0 : i32
    %dma_wait3A_150 = arith.constant 0 : i32
    %dma_wait3A_151 = tpu.memref_slice %arg10[%dma_wait3A, %dma_wait3A_149, %dma_wait3A_150] : memref<2x80x128xf32, #tpu.memory_space<vmem>> -> memref<1x80x128xf32, #tpu.memory_space<vmem>>
    %dma_wait3A_152 = tpu.memref_squeeze %dma_wait3A_151 : memref<1x80x128xf32, #tpu.memory_space<vmem>> -> memref<80x128xf32, #tpu.memory_space<vmem>>
    %dma_wait3A_153 = arith.constant 0 : i32
    %dma_wait3A_154 = tpu.memref_slice %arg11[%add3A_148, %dma_wait3A_153] : memref<10240x128xf32, #tpu.memory_space<vmem_shared>> -> memref<80x128xf32, #tpu.memory_space<vmem_shared>>
    %dma_wait3A_155 = arith.constant 0 : i32
    %dma_wait3A_156 = tpu.memref_slice %arg11[%add3A_148, %dma_wait3A_155] : memref<10240x128xf32, #tpu.memory_space<vmem_shared>> -> memref<80x128xf32, #tpu.memory_space<vmem_shared>>
    %dma_wait3A_157 = arith.constant 0 : i32
    %dma_wait3A_158 = arith.constant 0 : i32
    %dma_wait3A_159 = tpu.memref_slice %arg10[%dma_wait3A, %dma_wait3A_157, %dma_wait3A_158] : memref<2x80x128xf32, #tpu.memory_space<vmem>> -> memref<1x80x128xf32, #tpu.memory_space<vmem>>
    %dma_wait3A_160 = tpu.memref_squeeze %dma_wait3A_159 : memref<1x80x128xf32, #tpu.memory_space<vmem>> -> memref<80x128xf32, #tpu.memory_space<vmem>>
    tpu.wait_dma2 semaphore(%arg12 : memref<!tpu.dma_semaphore, #tpu.memory_space<semaphore_mem>>) src(%dma_wait3A_160 : memref<80x128xf32, #tpu.memory_space<vmem>>) dst(%dma_wait3A_156 : memref<80x128xf32, #tpu.memory_space<vmem_shared>>)
    %mul3A_161 = arith.constant 640 : i32
    %mul3A_162 = arith.muli %arg1, %mul3A_161 : i32
    %add3A_163 = arith.constant 80 : i32
    %add3A_164 = arith.addi %mul3A_162, %add3A_163 : i32
    %dma_wait3A_165 = arith.constant 0 : i32
    %dma_wait3A_166 = arith.constant 0 : i32
    %dma_wait3A_167 = arith.constant 0 : i32
    %dma_wait3A_168 = tpu.memref_slice %arg10[%dma_wait3A_165, %dma_wait3A_166, %dma_wait3A_167] : memref<2x80x128xf32, #tpu.memory_space<vmem>> -> memref<1x80x128xf32, #tpu.memory_space<vmem>>
    %dma_wait3A_169 = tpu.memref_squeeze %dma_wait3A_168 : memref<1x80x128xf32, #tpu.memory_space<vmem>> -> memref<80x128xf32, #tpu.memory_space<vmem>>
    %dma_wait3A_170 = arith.constant 0 : i32
    %dma_wait3A_171 = tpu.memref_slice %arg11[%add3A_164, %dma_wait3A_170] : memref<10240x128xf32, #tpu.memory_space<vmem_shared>> -> memref<80x128xf32, #tpu.memory_space<vmem_shared>>
    %dma_wait3A_172 = arith.constant 0 : i32
    %dma_wait3A_173 = tpu.memref_slice %arg11[%add3A_164, %dma_wait3A_172] : memref<10240x128xf32, #tpu.memory_space<vmem_shared>> -> memref<80x128xf32, #tpu.memory_space<vmem_shared>>
    %dma_wait3A_174 = arith.constant 0 : i32
    %dma_wait3A_175 = arith.constant 0 : i32
    %dma_wait3A_176 = tpu.memref_slice %arg10[%dma_wait3A_165, %dma_wait3A_174, %dma_wait3A_175] : memref<2x80x128xf32, #tpu.memory_space<vmem>> -> memref<1x80x128xf32, #tpu.memory_space<vmem>>
    %dma_wait3A_177 = tpu.memref_squeeze %dma_wait3A_176 : memref<1x80x128xf32, #tpu.memory_space<vmem>> -> memref<80x128xf32, #tpu.memory_space<vmem>>
    tpu.wait_dma2 semaphore(%arg12 : memref<!tpu.dma_semaphore, #tpu.memory_space<semaphore_mem>>) src(%dma_wait3A_177 : memref<80x128xf32, #tpu.memory_space<vmem>>) dst(%dma_wait3A_173 : memref<80x128xf32, #tpu.memory_space<vmem_shared>>)
    %mul3A_178 = arith.constant 640 : i32
    %mul3A_179 = arith.muli %arg1, %mul3A_178 : i32
    %add3A_180 = arith.constant 160 : i32
    %add3A_181 = arith.addi %mul3A_179, %add3A_180 : i32
    %dma_wait3A_182 = arith.constant 0 : i32
    %dma_wait3A_183 = arith.constant 0 : i32
    %dma_wait3A_184 = arith.constant 0 : i32
    %dma_wait3A_185 = tpu.memref_slice %arg10[%dma_wait3A_182, %dma_wait3A_183, %dma_wait3A_184] : memref<2x80x128xf32, #tpu.memory_space<vmem>> -> memref<1x80x128xf32, #tpu.memory_space<vmem>>
    %dma_wait3A_186 = tpu.memref_squeeze %dma_wait3A_185 : memref<1x80x128xf32, #tpu.memory_space<vmem>> -> memref<80x128xf32, #tpu.memory_space<vmem>>
    %dma_wait3A_187 = arith.constant 0 : i32
    %dma_wait3A_188 = tpu.memref_slice %arg11[%add3A_181, %dma_wait3A_187] : memref<10240x128xf32, #tpu.memory_space<vmem_shared>> -> memref<80x128xf32, #tpu.memory_space<vmem_shared>>
    %dma_wait3A_189 = arith.constant 0 : i32
    %dma_wait3A_190 = tpu.memref_slice %arg11[%add3A_181, %dma_wait3A_189] : memref<10240x128xf32, #tpu.memory_space<vmem_shared>> -> memref<80x128xf32, #tpu.memory_space<vmem_shared>>
    %dma_wait3A_191 = arith.constant 0 : i32
    %dma_wait3A_192 = arith.constant 0 : i32
    %dma_wait3A_193 = tpu.memref_slice %arg10[%dma_wait3A_182, %dma_wait3A_191, %dma_wait3A_192] : memref<2x80x128xf32, #tpu.memory_space<vmem>> -> memref<1x80x128xf32, #tpu.memory_space<vmem>>
    %dma_wait3A_194 = tpu.memref_squeeze %dma_wait3A_193 : memref<1x80x128xf32, #tpu.memory_space<vmem>> -> memref<80x128xf32, #tpu.memory_space<vmem>>
    tpu.wait_dma2 semaphore(%arg12 : memref<!tpu.dma_semaphore, #tpu.memory_space<semaphore_mem>>) src(%dma_wait3A_194 : memref<80x128xf32, #tpu.memory_space<vmem>>) dst(%dma_wait3A_190 : memref<80x128xf32, #tpu.memory_space<vmem_shared>>)
    %mul3A_195 = arith.constant 640 : i32
    %mul3A_196 = arith.muli %arg1, %mul3A_195 : i32
    %add3A_197 = arith.constant 240 : i32
    %add3A_198 = arith.addi %mul3A_196, %add3A_197 : i32
    %dma_wait3A_199 = arith.constant 0 : i32
    %dma_wait3A_200 = arith.constant 0 : i32
    %dma_wait3A_201 = arith.constant 0 : i32
    %dma_wait3A_202 = tpu.memref_slice %arg10[%dma_wait3A_199, %dma_wait3A_200, %dma_wait3A_201] : memref<2x80x128xf32, #tpu.memory_space<vmem>> -> memref<1x80x128xf32, #tpu.memory_space<vmem>>
    %dma_wait3A_203 = tpu.memref_squeeze %dma_wait3A_202 : memref<1x80x128xf32, #tpu.memory_space<vmem>> -> memref<80x128xf32, #tpu.memory_space<vmem>>
    %dma_wait3A_204 = arith.constant 0 : i32
    %dma_wait3A_205 = tpu.memref_slice %arg11[%add3A_198, %dma_wait3A_204] : memref<10240x128xf32, #tpu.memory_space<vmem_shared>> -> memref<80x128xf32, #tpu.memory_space<vmem_shared>>
    %dma_wait3A_206 = arith.constant 0 : i32
    %dma_wait3A_207 = tpu.memref_slice %arg11[%add3A_198, %dma_wait3A_206] : memref<10240x128xf32, #tpu.memory_space<vmem_shared>> -> memref<80x128xf32, #tpu.memory_space<vmem_shared>>
    %dma_wait3A_208 = arith.constant 0 : i32
    %dma_wait3A_209 = arith.constant 0 : i32
    %dma_wait3A_210 = tpu.memref_slice %arg10[%dma_wait3A_199, %dma_wait3A_208, %dma_wait3A_209] : memref<2x80x128xf32, #tpu.memory_space<vmem>> -> memref<1x80x128xf32, #tpu.memory_space<vmem>>
    %dma_wait3A_211 = tpu.memref_squeeze %dma_wait3A_210 : memref<1x80x128xf32, #tpu.memory_space<vmem>> -> memref<80x128xf32, #tpu.memory_space<vmem>>
    tpu.wait_dma2 semaphore(%arg12 : memref<!tpu.dma_semaphore, #tpu.memory_space<semaphore_mem>>) src(%dma_wait3A_211 : memref<80x128xf32, #tpu.memory_space<vmem>>) dst(%dma_wait3A_207 : memref<80x128xf32, #tpu.memory_space<vmem_shared>>)
    %mul3A_212 = arith.constant 640 : i32
    %mul3A_213 = arith.muli %arg1, %mul3A_212 : i32
    %add3A_214 = arith.constant 320 : i32
    %add3A_215 = arith.addi %mul3A_213, %add3A_214 : i32
    %dma_wait3A_216 = arith.constant 0 : i32
    %dma_wait3A_217 = arith.constant 0 : i32
    %dma_wait3A_218 = arith.constant 0 : i32
    %dma_wait3A_219 = tpu.memref_slice %arg10[%dma_wait3A_216, %dma_wait3A_217, %dma_wait3A_218] : memref<2x80x128xf32, #tpu.memory_space<vmem>> -> memref<1x80x128xf32, #tpu.memory_space<vmem>>
    %dma_wait3A_220 = tpu.memref_squeeze %dma_wait3A_219 : memref<1x80x128xf32, #tpu.memory_space<vmem>> -> memref<80x128xf32, #tpu.memory_space<vmem>>
    %dma_wait3A_221 = arith.constant 0 : i32
    %dma_wait3A_222 = tpu.memref_slice %arg11[%add3A_215, %dma_wait3A_221] : memref<10240x128xf32, #tpu.memory_space<vmem_shared>> -> memref<80x128xf32, #tpu.memory_space<vmem_shared>>
    %dma_wait3A_223 = arith.constant 0 : i32
    %dma_wait3A_224 = tpu.memref_slice %arg11[%add3A_215, %dma_wait3A_223] : memref<10240x128xf32, #tpu.memory_space<vmem_shared>> -> memref<80x128xf32, #tpu.memory_space<vmem_shared>>
    %dma_wait3A_225 = arith.constant 0 : i32
    %dma_wait3A_226 = arith.constant 0 : i32
    %dma_wait3A_227 = tpu.memref_slice %arg10[%dma_wait3A_216, %dma_wait3A_225, %dma_wait3A_226] : memref<2x80x128xf32, #tpu.memory_space<vmem>> -> memref<1x80x128xf32, #tpu.memory_space<vmem>>
    %dma_wait3A_228 = tpu.memref_squeeze %dma_wait3A_227 : memref<1x80x128xf32, #tpu.memory_space<vmem>> -> memref<80x128xf32, #tpu.memory_space<vmem>>
    tpu.wait_dma2 semaphore(%arg12 : memref<!tpu.dma_semaphore, #tpu.memory_space<semaphore_mem>>) src(%dma_wait3A_228 : memref<80x128xf32, #tpu.memory_space<vmem>>) dst(%dma_wait3A_224 : memref<80x128xf32, #tpu.memory_space<vmem_shared>>)
    %mul3A_229 = arith.constant 640 : i32
    %mul3A_230 = arith.muli %arg1, %mul3A_229 : i32
    %add3A_231 = arith.constant 400 : i32
    %add3A_232 = arith.addi %mul3A_230, %add3A_231 : i32
    %dma_wait3A_233 = arith.constant 0 : i32
    %dma_wait3A_234 = arith.constant 0 : i32
    %dma_wait3A_235 = arith.constant 0 : i32
    %dma_wait3A_236 = tpu.memref_slice %arg10[%dma_wait3A_233, %dma_wait3A_234, %dma_wait3A_235] : memref<2x80x128xf32, #tpu.memory_space<vmem>> -> memref<1x80x128xf32, #tpu.memory_space<vmem>>
    %dma_wait3A_237 = tpu.memref_squeeze %dma_wait3A_236 : memref<1x80x128xf32, #tpu.memory_space<vmem>> -> memref<80x128xf32, #tpu.memory_space<vmem>>
    %dma_wait3A_238 = arith.constant 0 : i32
    %dma_wait3A_239 = tpu.memref_slice %arg11[%add3A_232, %dma_wait3A_238] : memref<10240x128xf32, #tpu.memory_space<vmem_shared>> -> memref<80x128xf32, #tpu.memory_space<vmem_shared>>
    %dma_wait3A_240 = arith.constant 0 : i32
    %dma_wait3A_241 = tpu.memref_slice %arg11[%add3A_232, %dma_wait3A_240] : memref<10240x128xf32, #tpu.memory_space<vmem_shared>> -> memref<80x128xf32, #tpu.memory_space<vmem_shared>>
    %dma_wait3A_242 = arith.constant 0 : i32
    %dma_wait3A_243 = arith.constant 0 : i32
    %dma_wait3A_244 = tpu.memref_slice %arg10[%dma_wait3A_233, %dma_wait3A_242, %dma_wait3A_243] : memref<2x80x128xf32, #tpu.memory_space<vmem>> -> memref<1x80x128xf32, #tpu.memory_space<vmem>>
    %dma_wait3A_245 = tpu.memref_squeeze %dma_wait3A_244 : memref<1x80x128xf32, #tpu.memory_space<vmem>> -> memref<80x128xf32, #tpu.memory_space<vmem>>
    tpu.wait_dma2 semaphore(%arg12 : memref<!tpu.dma_semaphore, #tpu.memory_space<semaphore_mem>>) src(%dma_wait3A_245 : memref<80x128xf32, #tpu.memory_space<vmem>>) dst(%dma_wait3A_241 : memref<80x128xf32, #tpu.memory_space<vmem_shared>>)
    %mul3A_246 = arith.constant 640 : i32
    %mul3A_247 = arith.muli %arg1, %mul3A_246 : i32
    %add3A_248 = arith.constant 480 : i32
    %add3A_249 = arith.addi %mul3A_247, %add3A_248 : i32
    %dma_wait3A_250 = arith.constant 0 : i32
    %dma_wait3A_251 = arith.constant 0 : i32
    %dma_wait3A_252 = arith.constant 0 : i32
    %dma_wait3A_253 = tpu.memref_slice %arg10[%dma_wait3A_250, %dma_wait3A_251, %dma_wait3A_252] : memref<2x80x128xf32, #tpu.memory_space<vmem>> -> memref<1x80x128xf32, #tpu.memory_space<vmem>>
    %dma_wait3A_254 = tpu.memref_squeeze %dma_wait3A_253 : memref<1x80x128xf32, #tpu.memory_space<vmem>> -> memref<80x128xf32, #tpu.memory_space<vmem>>
    %dma_wait3A_255 = arith.constant 0 : i32
    %dma_wait3A_256 = tpu.memref_slice %arg11[%add3A_249, %dma_wait3A_255] : memref<10240x128xf32, #tpu.memory_space<vmem_shared>> -> memref<80x128xf32, #tpu.memory_space<vmem_shared>>
    %dma_wait3A_257 = arith.constant 0 : i32
    %dma_wait3A_258 = tpu.memref_slice %arg11[%add3A_249, %dma_wait3A_257] : memref<10240x128xf32, #tpu.memory_space<vmem_shared>> -> memref<80x128xf32, #tpu.memory_space<vmem_shared>>
    %dma_wait3A_259 = arith.constant 0 : i32
    %dma_wait3A_260 = arith.constant 0 : i32
    %dma_wait3A_261 = tpu.memref_slice %arg10[%dma_wait3A_250, %dma_wait3A_259, %dma_wait3A_260] : memref<2x80x128xf32, #tpu.memory_space<vmem>> -> memref<1x80x128xf32, #tpu.memory_space<vmem>>
    %dma_wait3A_262 = tpu.memref_squeeze %dma_wait3A_261 : memref<1x80x128xf32, #tpu.memory_space<vmem>> -> memref<80x128xf32, #tpu.memory_space<vmem>>
    tpu.wait_dma2 semaphore(%arg12 : memref<!tpu.dma_semaphore, #tpu.memory_space<semaphore_mem>>) src(%dma_wait3A_262 : memref<80x128xf32, #tpu.memory_space<vmem>>) dst(%dma_wait3A_258 : memref<80x128xf32, #tpu.memory_space<vmem_shared>>)
    %mul3A_263 = arith.constant 640 : i32
    %mul3A_264 = arith.muli %arg1, %mul3A_263 : i32
    %add3A_265 = arith.constant 560 : i32
    %add3A_266 = arith.addi %mul3A_264, %add3A_265 : i32
    %dma_wait3A_267 = arith.constant 0 : i32
    %dma_wait3A_268 = arith.constant 0 : i32
    %dma_wait3A_269 = arith.constant 0 : i32
    %dma_wait3A_270 = tpu.memref_slice %arg10[%dma_wait3A_267, %dma_wait3A_268, %dma_wait3A_269] : memref<2x80x128xf32, #tpu.memory_space<vmem>> -> memref<1x80x128xf32, #tpu.memory_space<vmem>>
    %dma_wait3A_271 = tpu.memref_squeeze %dma_wait3A_270 : memref<1x80x128xf32, #tpu.memory_space<vmem>> -> memref<80x128xf32, #tpu.memory_space<vmem>>
    %dma_wait3A_272 = arith.constant 0 : i32
    %dma_wait3A_273 = tpu.memref_slice %arg11[%add3A_266, %dma_wait3A_272] : memref<10240x128xf32, #tpu.memory_space<vmem_shared>> -> memref<80x128xf32, #tpu.memory_space<vmem_shared>>
    %dma_wait3A_274 = arith.constant 0 : i32
    %dma_wait3A_275 = tpu.memref_slice %arg11[%add3A_266, %dma_wait3A_274] : memref<10240x128xf32, #tpu.memory_space<vmem_shared>> -> memref<80x128xf32, #tpu.memory_space<vmem_shared>>
    %dma_wait3A_276 = arith.constant 0 : i32
    %dma_wait3A_277 = arith.constant 0 : i32
    %dma_wait3A_278 = tpu.memref_slice %arg10[%dma_wait3A_267, %dma_wait3A_276, %dma_wait3A_277] : memref<2x80x128xf32, #tpu.memory_space<vmem>> -> memref<1x80x128xf32, #tpu.memory_space<vmem>>
    %dma_wait3A_279 = tpu.memref_squeeze %dma_wait3A_278 : memref<1x80x128xf32, #tpu.memory_space<vmem>> -> memref<80x128xf32, #tpu.memory_space<vmem>>
    tpu.wait_dma2 semaphore(%arg12 : memref<!tpu.dma_semaphore, #tpu.memory_space<semaphore_mem>>) src(%dma_wait3A_279 : memref<80x128xf32, #tpu.memory_space<vmem>>) dst(%dma_wait3A_275 : memref<80x128xf32, #tpu.memory_space<vmem_shared>>)
    %barrier3A = arith.constant 0 : index
    tpu.barrier barrier_id(%barrier3A)
    %add3A_280 = arith.constant 0 : i32
    %add3A_281 = arith.addi %mul3A_2, %add3A_280 : i32
    %dma_start3A_282 = tpu.memref_slice %arg3[%add3A_281] : memref<320000xi32, #tpu.memory_space<hbm>> -> memref<80xi32, #tpu.memory_space<hbm>>
    %dma_start3A_283 = tpu.memref_slice %arg3[%add3A_281] : memref<320000xi32, #tpu.memory_space<hbm>> -> memref<80xi32, #tpu.memory_space<hbm>>
    tpu.enqueue_dma source(%dma_start3A_283 : memref<80xi32, #tpu.memory_space<hbm>>) target(%arg6 : memref<80xi32, #tpu.memory_space<vmem>>) target_semaphore(%arg12 : memref<!tpu.dma_semaphore, #tpu.memory_space<semaphore_mem>>)
    %add3A_284 = arith.constant 0 : i32
    %add3A_285 = arith.addi %mul3A_2, %add3A_284 : i32
    %dma_start3A_286 = tpu.memref_slice %arg4[%add3A_285] : memref<320000xi32, #tpu.memory_space<hbm>> -> memref<80xi32, #tpu.memory_space<hbm>>
    %dma_start3A_287 = tpu.memref_slice %arg4[%add3A_285] : memref<320000xi32, #tpu.memory_space<hbm>> -> memref<80xi32, #tpu.memory_space<hbm>>
    tpu.enqueue_dma source(%dma_start3A_287 : memref<80xi32, #tpu.memory_space<hbm>>) target(%arg8 : memref<80xi32, #tpu.memory_space<vmem>>) target_semaphore(%arg12 : memref<!tpu.dma_semaphore, #tpu.memory_space<semaphore_mem>>)
    %add3A_288 = arith.constant 80 : i32
    %add3A_289 = arith.addi %mul3A_2, %add3A_288 : i32
    %dma_start3A_290 = tpu.memref_slice %arg3[%add3A_289] : memref<320000xi32, #tpu.memory_space<hbm>> -> memref<80xi32, #tpu.memory_space<hbm>>
    %dma_start3A_291 = tpu.memref_slice %arg3[%add3A_289] : memref<320000xi32, #tpu.memory_space<hbm>> -> memref<80xi32, #tpu.memory_space<hbm>>
    tpu.enqueue_dma source(%dma_start3A_291 : memref<80xi32, #tpu.memory_space<hbm>>) target(%arg7 : memref<80xi32, #tpu.memory_space<vmem>>) target_semaphore(%arg13 : memref<!tpu.dma_semaphore, #tpu.memory_space<semaphore_mem>>)
    %add3A_292 = arith.constant 80 : i32
    %add3A_293 = arith.addi %mul3A_2, %add3A_292 : i32
    %dma_start3A_294 = tpu.memref_slice %arg4[%add3A_293] : memref<320000xi32, #tpu.memory_space<hbm>> -> memref<80xi32, #tpu.memory_space<hbm>>
    %dma_start3A_295 = tpu.memref_slice %arg4[%add3A_293] : memref<320000xi32, #tpu.memory_space<hbm>> -> memref<80xi32, #tpu.memory_space<hbm>>
    tpu.enqueue_dma source(%dma_start3A_295 : memref<80xi32, #tpu.memory_space<hbm>>) target(%arg9 : memref<80xi32, #tpu.memory_space<vmem>>) target_semaphore(%arg13 : memref<!tpu.dma_semaphore, #tpu.memory_space<semaphore_mem>>)
    %add3A_296 = arith.constant 0 : i32
    %add3A_297 = arith.addi %mul3A_2, %add3A_296 : i32
    %dma_wait3A_298 = tpu.memref_slice %arg3[%add3A_297] : memref<320000xi32, #tpu.memory_space<hbm>> -> memref<80xi32, #tpu.memory_space<hbm>>
    %dma_wait3A_299 = tpu.memref_slice %arg3[%add3A_297] : memref<320000xi32, #tpu.memory_space<hbm>> -> memref<80xi32, #tpu.memory_space<hbm>>
    tpu.wait_dma2 semaphore(%arg12 : memref<!tpu.dma_semaphore, #tpu.memory_space<semaphore_mem>>) src(%dma_wait3A_299 : memref<80xi32, #tpu.memory_space<hbm>>) dst(%arg6 : memref<80xi32, #tpu.memory_space<vmem>>)
    %add3A_300 = arith.constant 0 : i32
    %add3A_301 = arith.addi %mul3A_2, %add3A_300 : i32
    %dma_wait3A_302 = tpu.memref_slice %arg4[%add3A_301] : memref<320000xi32, #tpu.memory_space<hbm>> -> memref<80xi32, #tpu.memory_space<hbm>>
    %dma_wait3A_303 = tpu.memref_slice %arg4[%add3A_301] : memref<320000xi32, #tpu.memory_space<hbm>> -> memref<80xi32, #tpu.memory_space<hbm>>
    tpu.wait_dma2 semaphore(%arg12 : memref<!tpu.dma_semaphore, #tpu.memory_space<semaphore_mem>>) src(%dma_wait3A_303 : memref<80xi32, #tpu.memory_space<hbm>>) dst(%arg8 : memref<80xi32, #tpu.memory_space<vmem>>)
    %dma_start3A_304 = arith.constant 0 : i32
    %dma_start3A_305 = arith.constant 0 : i32
    %dma_start3A_306 = arith.constant 0 : i32
    %dma_start3A_307 = tpu.memref_slice %arg10[%dma_start3A_304, %dma_start3A_305, %dma_start3A_306] : memref<2x80x128xf32, #tpu.memory_space<vmem>> -> memref<1x80x128xf32, #tpu.memory_space<vmem>>
    %dma_start3A_308 = tpu.memref_squeeze %dma_start3A_307 : memref<1x80x128xf32, #tpu.memory_space<vmem>> -> memref<80x128xf32, #tpu.memory_space<vmem>>
    %dma_start3A_309 = arith.constant 0 : i32
    %dma_start3A_310 = arith.constant 0 : i32
    %dma_start3A_311 = tpu.memref_slice %arg2[%dma_start3A_309, %dma_start3A_310] : memref<10240x128xf32, #tpu.memory_space<hbm>> -> memref<10240x128xf32, #tpu.memory_space<hbm>>
    tpu.enqueue_indirect_dma source(%dma_start3A_311 : memref<10240x128xf32, #tpu.memory_space<hbm>>) target(%dma_start3A_308 : memref<80x128xf32, #tpu.memory_space<vmem>>) offsets(%arg6 : memref<80xi32, #tpu.memory_space<vmem>>) semaphore(%arg14 : memref<!tpu.dma_semaphore, #tpu.memory_space<semaphore_mem>>)
    %scan3A_312 = arith.constant 0 : i32
    %scan3A_313 = arith.constant 0 : i32
    %scan3A_314 = arith.constant 62 : i32
    %scan3A_315 = arith.addi %scan3A_313, %scan3A_314 : i32
    %scan3A_316 = arith.constant 1 : i32
    %scan3A_317 = scf.for %scan3A_768 = %scan3A_313 to %scan3A_315 step %scan3A_316 iter_args(%scan3A_769 = %scan3A_312) -> (i32)  : i32 {
      %mul3A_770 = arith.constant 2 : i32
      %mul3A_771 = arith.muli %scan3A_768, %mul3A_770 : i32
      %add3A_772 = arith.constant 1 : i32
      %add3A_773 = arith.addi %mul3A_771, %add3A_772 : i32
      %mul3A_774 = arith.constant 80 : i32
      %mul3A_775 = arith.muli %add3A_773, %mul3A_774 : i32
      %add3A_776 = arith.addi %mul3A_2, %mul3A_775 : i32
      %dma_wait3A_777 = tpu.memref_slice %arg3[%add3A_776] : memref<320000xi32, #tpu.memory_space<hbm>> -> memref<80xi32, #tpu.memory_space<hbm>>
      %dma_wait3A_778 = tpu.memref_slice %arg3[%add3A_776] : memref<320000xi32, #tpu.memory_space<hbm>> -> memref<80xi32, #tpu.memory_space<hbm>>
      tpu.wait_dma2 semaphore(%arg13 : memref<!tpu.dma_semaphore, #tpu.memory_space<semaphore_mem>>) src(%dma_wait3A_778 : memref<80xi32, #tpu.memory_space<hbm>>) dst(%arg7 : memref<80xi32, #tpu.memory_space<vmem>>)
      %mul3A_779 = arith.constant 80 : i32
      %mul3A_780 = arith.muli %add3A_773, %mul3A_779 : i32
      %add3A_781 = arith.addi %mul3A_2, %mul3A_780 : i32
      %dma_wait3A_782 = tpu.memref_slice %arg4[%add3A_781] : memref<320000xi32, #tpu.memory_space<hbm>> -> memref<80xi32, #tpu.memory_space<hbm>>
      %dma_wait3A_783 = tpu.memref_slice %arg4[%add3A_781] : memref<320000xi32, #tpu.memory_space<hbm>> -> memref<80xi32, #tpu.memory_space<hbm>>
      tpu.wait_dma2 semaphore(%arg13 : memref<!tpu.dma_semaphore, #tpu.memory_space<semaphore_mem>>) src(%dma_wait3A_783 : memref<80xi32, #tpu.memory_space<hbm>>) dst(%arg9 : memref<80xi32, #tpu.memory_space<vmem>>)
      %dma_start3A_784 = arith.constant 1 : i32
      %dma_start3A_785 = arith.constant 0 : i32
      %dma_start3A_786 = arith.constant 0 : i32
      %dma_start3A_787 = tpu.memref_slice %arg10[%dma_start3A_784, %dma_start3A_785, %dma_start3A_786] : memref<2x80x128xf32, #tpu.memory_space<vmem>> -> memref<1x80x128xf32, #tpu.memory_space<vmem>>
      %dma_start3A_788 = tpu.memref_squeeze %dma_start3A_787 : memref<1x80x128xf32, #tpu.memory_space<vmem>> -> memref<80x128xf32, #tpu.memory_space<vmem>>
      %dma_start3A_789 = arith.constant 0 : i32
      %dma_start3A_790 = arith.constant 0 : i32
      %dma_start3A_791 = tpu.memref_slice %arg2[%dma_start3A_789, %dma_start3A_790] : memref<10240x128xf32, #tpu.memory_space<hbm>> -> memref<10240x128xf32, #tpu.memory_space<hbm>>
      tpu.enqueue_indirect_dma source(%dma_start3A_791 : memref<10240x128xf32, #tpu.memory_space<hbm>>) target(%dma_start3A_788 : memref<80x128xf32, #tpu.memory_space<vmem>>) offsets(%arg7 : memref<80xi32, #tpu.memory_space<vmem>>) semaphore(%arg15 : memref<!tpu.dma_semaphore, #tpu.memory_space<semaphore_mem>>)
      %dma_wait3A_792 = arith.constant 0 : i32
      %dma_wait3A_793 = arith.constant 0 : i32
      %dma_wait3A_794 = arith.constant 0 : i32
      %dma_wait3A_795 = tpu.memref_slice %arg10[%dma_wait3A_792, %dma_wait3A_793, %dma_wait3A_794] : memref<2x80x128xf32, #tpu.memory_space<vmem>> -> memref<1x80x128xf32, #tpu.memory_space<vmem>>
      %dma_wait3A_796 = tpu.memref_squeeze %dma_wait3A_795 : memref<1x80x128xf32, #tpu.memory_space<vmem>> -> memref<80x128xf32, #tpu.memory_space<vmem>>
      %dma_wait3A_797 = arith.constant 0 : i32
      %dma_wait3A_798 = arith.constant 0 : i32
      %dma_wait3A_799 = tpu.memref_slice %arg2[%dma_wait3A_797, %dma_wait3A_798] : memref<10240x128xf32, #tpu.memory_space<hbm>> -> memref<10240x128xf32, #tpu.memory_space<hbm>>
      tpu.wait_indirect_dma semaphore(%arg14 : memref<!tpu.dma_semaphore, #tpu.memory_space<semaphore_mem>>) src(%dma_wait3A_799 : memref<10240x128xf32, #tpu.memory_space<hbm>>) dst(%dma_wait3A_796 : memref<80x128xf32, #tpu.memory_space<vmem>>)
      %run_scoped3A_800 = arith.constant 0 : i32
      "tpu.region"() ({
        %run_scoped3A_847 = tpu.sem_alloc : memref<!tpu.dma_semaphore, #tpu.memory_space<semaphore_mem>>
        %dma_start3A_848 = arith.constant 0 : i32
        %dma_start3A_849 = arith.constant 0 : i32
        %dma_start3A_850 = tpu.memref_slice %arg10[%run_scoped3A_800, %dma_start3A_848, %dma_start3A_849] : memref<2x80x128xf32, #tpu.memory_space<vmem>> -> memref<1x80x128xf32, #tpu.memory_space<vmem>>
        %dma_start3A_851 = tpu.memref_squeeze %dma_start3A_850 : memref<1x80x128xf32, #tpu.memory_space<vmem>> -> memref<80x128xf32, #tpu.memory_space<vmem>>
        %dma_start3A_852 = arith.constant 0 : i32
        %dma_start3A_853 = arith.constant 0 : i32
        %dma_start3A_854 = tpu.memref_slice %arg11[%dma_start3A_852, %dma_start3A_853] : memref<10240x128xf32, #tpu.memory_space<vmem_shared>> -> memref<10240x128xf32, #tpu.memory_space<vmem_shared>>
        tpu.enqueue_indirect_dma source(%dma_start3A_851 : memref<80x128xf32, #tpu.memory_space<vmem>>) target(%dma_start3A_854 : memref<10240x128xf32, #tpu.memory_space<vmem_shared>>) offsets(%arg8 : memref<80xi32, #tpu.memory_space<vmem>>) semaphore(%run_scoped3A_847 : memref<!tpu.dma_semaphore, #tpu.memory_space<semaphore_mem>>) {add = true}
        %dma_wait3A_855 = arith.constant 0 : i32
        %dma_wait3A_856 = arith.constant 0 : i32
        %dma_wait3A_857 = tpu.memref_slice %arg10[%run_scoped3A_800, %dma_wait3A_855, %dma_wait3A_856] : memref<2x80x128xf32, #tpu.memory_space<vmem>> -> memref<1x80x128xf32, #tpu.memory_space<vmem>>
        %dma_wait3A_858 = tpu.memref_squeeze %dma_wait3A_857 : memref<1x80x128xf32, #tpu.memory_space<vmem>> -> memref<80x128xf32, #tpu.memory_space<vmem>>
        %dma_wait3A_859 = arith.constant 0 : i32
        %dma_wait3A_860 = arith.constant 0 : i32
        %dma_wait3A_861 = tpu.memref_slice %arg11[%dma_wait3A_859, %dma_wait3A_860] : memref<10240x128xf32, #tpu.memory_space<vmem_shared>> -> memref<10240x128xf32, #tpu.memory_space<vmem_shared>>
        tpu.wait_indirect_dma semaphore(%run_scoped3A_847 : memref<!tpu.dma_semaphore, #tpu.memory_space<semaphore_mem>>) src(%dma_wait3A_858 : memref<80x128xf32, #tpu.memory_space<vmem>>) dst(%dma_wait3A_861 : memref<10240x128xf32, #tpu.memory_space<vmem_shared>>)
        tpu.yield
      }) : () -> ()
      %add3A_801 = arith.constant 2 : i32
      %add3A_802 = arith.addi %mul3A_771, %add3A_801 : i32
      %mul3A_803 = arith.constant 80 : i32
      %mul3A_804 = arith.muli %add3A_802, %mul3A_803 : i32
      %add3A_805 = arith.addi %mul3A_2, %mul3A_804 : i32
      %dma_start3A_806 = tpu.memref_slice %arg3[%add3A_805] : memref<320000xi32, #tpu.memory_space<hbm>> -> memref<80xi32, #tpu.memory_space<hbm>>
      %dma_start3A_807 = tpu.memref_slice %arg3[%add3A_805] : memref<320000xi32, #tpu.memory_space<hbm>> -> memref<80xi32, #tpu.memory_space<hbm>>
      tpu.enqueue_dma source(%dma_start3A_807 : memref<80xi32, #tpu.memory_space<hbm>>) target(%arg6 : memref<80xi32, #tpu.memory_space<vmem>>) target_semaphore(%arg12 : memref<!tpu.dma_semaphore, #tpu.memory_space<semaphore_mem>>)
      %mul3A_808 = arith.constant 80 : i32
      %mul3A_809 = arith.muli %add3A_802, %mul3A_808 : i32
      %add3A_810 = arith.addi %mul3A_2, %mul3A_809 : i32
      %dma_start3A_811 = tpu.memref_slice %arg4[%add3A_810] : memref<320000xi32, #tpu.memory_space<hbm>> -> memref<80xi32, #tpu.memory_space<hbm>>
      %dma_start3A_812 = tpu.memref_slice %arg4[%add3A_810] : memref<320000xi32, #tpu.memory_space<hbm>> -> memref<80xi32, #tpu.memory_space<hbm>>
      tpu.enqueue_dma source(%dma_start3A_812 : memref<80xi32, #tpu.memory_space<hbm>>) target(%arg8 : memref<80xi32, #tpu.memory_space<vmem>>) target_semaphore(%arg12 : memref<!tpu.dma_semaphore, #tpu.memory_space<semaphore_mem>>)
      %dma_wait3A_813 = arith.constant 1 : i32
      %dma_wait3A_814 = arith.constant 0 : i32
      %dma_wait3A_815 = arith.constant 0 : i32
      %dma_wait3A_816 = tpu.memref_slice %arg10[%dma_wait3A_813, %dma_wait3A_814, %dma_wait3A_815] : memref<2x80x128xf32, #tpu.memory_space<vmem>> -> memref<1x80x128xf32, #tpu.memory_space<vmem>>
      %dma_wait3A_817 = tpu.memref_squeeze %dma_wait3A_816 : memref<1x80x128xf32, #tpu.memory_space<vmem>> -> memref<80x128xf32, #tpu.memory_space<vmem>>
      %dma_wait3A_818 = arith.constant 0 : i32
      %dma_wait3A_819 = arith.constant 0 : i32
      %dma_wait3A_820 = tpu.memref_slice %arg2[%dma_wait3A_818, %dma_wait3A_819] : memref<10240x128xf32, #tpu.memory_space<hbm>> -> memref<10240x128xf32, #tpu.memory_space<hbm>>
      tpu.wait_indirect_dma semaphore(%arg15 : memref<!tpu.dma_semaphore, #tpu.memory_space<semaphore_mem>>) src(%dma_wait3A_820 : memref<10240x128xf32, #tpu.memory_space<hbm>>) dst(%dma_wait3A_817 : memref<80x128xf32, #tpu.memory_space<vmem>>)
      %run_scoped3A_821 = arith.constant 1 : i32
      "tpu.region"() ({
        %run_scoped3A_847 = tpu.sem_alloc : memref<!tpu.dma_semaphore, #tpu.memory_space<semaphore_mem>>
        %dma_start3A_848 = arith.constant 0 : i32
        %dma_start3A_849 = arith.constant 0 : i32
        %dma_start3A_850 = tpu.memref_slice %arg10[%run_scoped3A_821, %dma_start3A_848, %dma_start3A_849] : memref<2x80x128xf32, #tpu.memory_space<vmem>> -> memref<1x80x128xf32, #tpu.memory_space<vmem>>
        %dma_start3A_851 = tpu.memref_squeeze %dma_start3A_850 : memref<1x80x128xf32, #tpu.memory_space<vmem>> -> memref<80x128xf32, #tpu.memory_space<vmem>>
        %dma_start3A_852 = arith.constant 0 : i32
        %dma_start3A_853 = arith.constant 0 : i32
        %dma_start3A_854 = tpu.memref_slice %arg11[%dma_start3A_852, %dma_start3A_853] : memref<10240x128xf32, #tpu.memory_space<vmem_shared>> -> memref<10240x128xf32, #tpu.memory_space<vmem_shared>>
        tpu.enqueue_indirect_dma source(%dma_start3A_851 : memref<80x128xf32, #tpu.memory_space<vmem>>) target(%dma_start3A_854 : memref<10240x128xf32, #tpu.memory_space<vmem_shared>>) offsets(%arg9 : memref<80xi32, #tpu.memory_space<vmem>>) semaphore(%run_scoped3A_847 : memref<!tpu.dma_semaphore, #tpu.memory_space<semaphore_mem>>) {add = true}
        %dma_wait3A_855 = arith.constant 0 : i32
        %dma_wait3A_856 = arith.constant 0 : i32
        %dma_wait3A_857 = tpu.memref_slice %arg10[%run_scoped3A_821, %dma_wait3A_855, %dma_wait3A_856] : memref<2x80x128xf32, #tpu.memory_space<vmem>> -> memref<1x80x128xf32, #tpu.memory_space<vmem>>
        %dma_wait3A_858 = tpu.memref_squeeze %dma_wait3A_857 : memref<1x80x128xf32, #tpu.memory_space<vmem>> -> memref<80x128xf32, #tpu.memory_space<vmem>>
        %dma_wait3A_859 = arith.constant 0 : i32
        %dma_wait3A_860 = arith.constant 0 : i32
        %dma_wait3A_861 = tpu.memref_slice %arg11[%dma_wait3A_859, %dma_wait3A_860] : memref<10240x128xf32, #tpu.memory_space<vmem_shared>> -> memref<10240x128xf32, #tpu.memory_space<vmem_shared>>
        tpu.wait_indirect_dma semaphore(%run_scoped3A_847 : memref<!tpu.dma_semaphore, #tpu.memory_space<semaphore_mem>>) src(%dma_wait3A_858 : memref<80x128xf32, #tpu.memory_space<vmem>>) dst(%dma_wait3A_861 : memref<10240x128xf32, #tpu.memory_space<vmem_shared>>)
        tpu.yield
      }) : () -> ()
      %add3A_822 = arith.constant 3 : i32
      %add3A_823 = arith.addi %mul3A_771, %add3A_822 : i32
      %lt3A = arith.constant 125 : i32
      %lt3A_824 = arith.cmpi slt, %add3A_823, %lt3A : i32
      %convert_element_type3A = arith.extui %lt3A_824 : i1 to i32
      %cond3A = arith.constant 0 : i32
      %cond3A_825 = arith.cmpi ne, %convert_element_type3A, %cond3A : i32
      scf.if %cond3A_825 {
        %add3A_847 = arith.constant 3 : i32
        %add3A_848 = arith.addi %mul3A_771, %add3A_847 : i32
        %mul3A_849 = arith.constant 80 : i32
        %mul3A_850 = arith.muli %add3A_848, %mul3A_849 : i32
        %add3A_851 = arith.addi %mul3A_2, %mul3A_850 : i32
        %dma_start3A_852 = tpu.memref_slice %arg3[%add3A_851] : memref<320000xi32, #tpu.memory_space<hbm>> -> memref<80xi32, #tpu.memory_space<hbm>>
        %dma_start3A_853 = tpu.memref_slice %arg3[%add3A_851] : memref<320000xi32, #tpu.memory_space<hbm>> -> memref<80xi32, #tpu.memory_space<hbm>>
        tpu.enqueue_dma source(%dma_start3A_853 : memref<80xi32, #tpu.memory_space<hbm>>) target(%arg7 : memref<80xi32, #tpu.memory_space<vmem>>) target_semaphore(%arg13 : memref<!tpu.dma_semaphore, #tpu.memory_space<semaphore_mem>>)
        %mul3A_854 = arith.constant 80 : i32
        %mul3A_855 = arith.muli %add3A_848, %mul3A_854 : i32
        %add3A_856 = arith.addi %mul3A_2, %mul3A_855 : i32
        %dma_start3A_857 = tpu.memref_slice %arg4[%add3A_856] : memref<320000xi32, #tpu.memory_space<hbm>> -> memref<80xi32, #tpu.memory_space<hbm>>
        %dma_start3A_858 = tpu.memref_slice %arg4[%add3A_856] : memref<320000xi32, #tpu.memory_space<hbm>> -> memref<80xi32, #tpu.memory_space<hbm>>
        tpu.enqueue_dma source(%dma_start3A_858 : memref<80xi32, #tpu.memory_space<hbm>>) target(%arg9 : memref<80xi32, #tpu.memory_space<vmem>>) target_semaphore(%arg13 : memref<!tpu.dma_semaphore, #tpu.memory_space<semaphore_mem>>)
      } else {
      }
      %add3A_826 = arith.constant 2 : i32
      %add3A_827 = arith.addi %mul3A_771, %add3A_826 : i32
      %mul3A_828 = arith.constant 80 : i32
      %mul3A_829 = arith.muli %add3A_827, %mul3A_828 : i32
      %add3A_830 = arith.addi %mul3A_2, %mul3A_829 : i32
      %dma_wait3A_831 = tpu.memref_slice %arg3[%add3A_830] : memref<320000xi32, #tpu.memory_space<hbm>> -> memref<80xi32, #tpu.memory_space<hbm>>
      %dma_wait3A_832 = tpu.memref_slice %arg3[%add3A_830] : memref<320000xi32, #tpu.memory_space<hbm>> -> memref<80xi32, #tpu.memory_space<hbm>>
      tpu.wait_dma2 semaphore(%arg12 : memref<!tpu.dma_semaphore, #tpu.memory_space<semaphore_mem>>) src(%dma_wait3A_832 : memref<80xi32, #tpu.memory_space<hbm>>) dst(%arg6 : memref<80xi32, #tpu.memory_space<vmem>>)
      %mul3A_833 = arith.constant 80 : i32
      %mul3A_834 = arith.muli %add3A_827, %mul3A_833 : i32
      %add3A_835 = arith.addi %mul3A_2, %mul3A_834 : i32
      %dma_wait3A_836 = tpu.memref_slice %arg4[%add3A_835] : memref<320000xi32, #tpu.memory_space<hbm>> -> memref<80xi32, #tpu.memory_space<hbm>>
      %dma_wait3A_837 = tpu.memref_slice %arg4[%add3A_835] : memref<320000xi32, #tpu.memory_space<hbm>> -> memref<80xi32, #tpu.memory_space<hbm>>
      tpu.wait_dma2 semaphore(%arg12 : memref<!tpu.dma_semaphore, #tpu.memory_space<semaphore_mem>>) src(%dma_wait3A_837 : memref<80xi32, #tpu.memory_space<hbm>>) dst(%arg8 : memref<80xi32, #tpu.memory_space<vmem>>)
      %dma_start3A_838 = arith.constant 0 : i32
      %dma_start3A_839 = arith.constant 0 : i32
      %dma_start3A_840 = arith.constant 0 : i32
      %dma_start3A_841 = tpu.memref_slice %arg10[%dma_start3A_838, %dma_start3A_839, %dma_start3A_840] : memref<2x80x128xf32, #tpu.memory_space<vmem>> -> memref<1x80x128xf32, #tpu.memory_space<vmem>>
      %dma_start3A_842 = tpu.memref_squeeze %dma_start3A_841 : memref<1x80x128xf32, #tpu.memory_space<vmem>> -> memref<80x128xf32, #tpu.memory_space<vmem>>
      %dma_start3A_843 = arith.constant 0 : i32
      %dma_start3A_844 = arith.constant 0 : i32
      %dma_start3A_845 = tpu.memref_slice %arg2[%dma_start3A_843, %dma_start3A_844] : memref<10240x128xf32, #tpu.memory_space<hbm>> -> memref<10240x128xf32, #tpu.memory_space<hbm>>
      tpu.enqueue_indirect_dma source(%dma_start3A_845 : memref<10240x128xf32, #tpu.memory_space<hbm>>) target(%dma_start3A_842 : memref<80x128xf32, #tpu.memory_space<vmem>>) offsets(%arg6 : memref<80xi32, #tpu.memory_space<vmem>>) semaphore(%arg14 : memref<!tpu.dma_semaphore, #tpu.memory_space<semaphore_mem>>)
      %scan3A_846 = arith.constant 0 : i32
      scf.yield %scan3A_846 : i32
    }
    %scan3A_318 = arith.constant 62 : i32
    %dma_wait3A_319 = arith.constant 0 : i32
    %dma_wait3A_320 = arith.constant 0 : i32
    %dma_wait3A_321 = arith.constant 0 : i32
    %dma_wait3A_322 = tpu.memref_slice %arg10[%dma_wait3A_319, %dma_wait3A_320, %dma_wait3A_321] : memref<2x80x128xf32, #tpu.memory_space<vmem>> -> memref<1x80x128xf32, #tpu.memory_space<vmem>>
    %dma_wait3A_323 = tpu.memref_squeeze %dma_wait3A_322 : memref<1x80x128xf32, #tpu.memory_space<vmem>> -> memref<80x128xf32, #tpu.memory_space<vmem>>
    %dma_wait3A_324 = arith.constant 0 : i32
    %dma_wait3A_325 = arith.constant 0 : i32
    %dma_wait3A_326 = tpu.memref_slice %arg2[%dma_wait3A_324, %dma_wait3A_325] : memref<10240x128xf32, #tpu.memory_space<hbm>> -> memref<10240x128xf32, #tpu.memory_space<hbm>>
    tpu.wait_indirect_dma semaphore(%arg14 : memref<!tpu.dma_semaphore, #tpu.memory_space<semaphore_mem>>) src(%dma_wait3A_326 : memref<10240x128xf32, #tpu.memory_space<hbm>>) dst(%dma_wait3A_323 : memref<80x128xf32, #tpu.memory_space<vmem>>)
    %run_scoped3A = arith.constant 0 : i32
    "tpu.region"() ({
      %run_scoped3A_768 = tpu.sem_alloc : memref<!tpu.dma_semaphore, #tpu.memory_space<semaphore_mem>>
      %dma_start3A_769 = arith.constant 0 : i32
      %dma_start3A_770 = arith.constant 0 : i32
      %dma_start3A_771 = tpu.memref_slice %arg10[%run_scoped3A, %dma_start3A_769, %dma_start3A_770] : memref<2x80x128xf32, #tpu.memory_space<vmem>> -> memref<1x80x128xf32, #tpu.memory_space<vmem>>
      %dma_start3A_772 = tpu.memref_squeeze %dma_start3A_771 : memref<1x80x128xf32, #tpu.memory_space<vmem>> -> memref<80x128xf32, #tpu.memory_space<vmem>>
      %dma_start3A_773 = arith.constant 0 : i32
      %dma_start3A_774 = arith.constant 0 : i32
      %dma_start3A_775 = tpu.memref_slice %arg11[%dma_start3A_773, %dma_start3A_774] : memref<10240x128xf32, #tpu.memory_space<vmem_shared>> -> memref<10240x128xf32, #tpu.memory_space<vmem_shared>>
      tpu.enqueue_indirect_dma source(%dma_start3A_772 : memref<80x128xf32, #tpu.memory_space<vmem>>) target(%dma_start3A_775 : memref<10240x128xf32, #tpu.memory_space<vmem_shared>>) offsets(%arg8 : memref<80xi32, #tpu.memory_space<vmem>>) semaphore(%run_scoped3A_768 : memref<!tpu.dma_semaphore, #tpu.memory_space<semaphore_mem>>) {add = true}
      %dma_wait3A_776 = arith.constant 0 : i32
      %dma_wait3A_777 = arith.constant 0 : i32
      %dma_wait3A_778 = tpu.memref_slice %arg10[%run_scoped3A, %dma_wait3A_776, %dma_wait3A_777] : memref<2x80x128xf32, #tpu.memory_space<vmem>> -> memref<1x80x128xf32, #tpu.memory_space<vmem>>
      %dma_wait3A_779 = tpu.memref_squeeze %dma_wait3A_778 : memref<1x80x128xf32, #tpu.memory_space<vmem>> -> memref<80x128xf32, #tpu.memory_space<vmem>>
      %dma_wait3A_780 = arith.constant 0 : i32
      %dma_wait3A_781 = arith.constant 0 : i32
      %dma_wait3A_782 = tpu.memref_slice %arg11[%dma_wait3A_780, %dma_wait3A_781] : memref<10240x128xf32, #tpu.memory_space<vmem_shared>> -> memref<10240x128xf32, #tpu.memory_space<vmem_shared>>
      tpu.wait_indirect_dma semaphore(%run_scoped3A_768 : memref<!tpu.dma_semaphore, #tpu.memory_space<semaphore_mem>>) src(%dma_wait3A_779 : memref<80x128xf32, #tpu.memory_space<vmem>>) dst(%dma_wait3A_782 : memref<10240x128xf32, #tpu.memory_space<vmem_shared>>)
      tpu.yield
    }) : () -> ()
    %barrier3A_327 = arith.constant 0 : index
    tpu.barrier barrier_id(%barrier3A_327)
    %mul3A_328 = arith.constant 640 : i32
    %mul3A_329 = arith.muli %arg1, %mul3A_328 : i32
    %add3A_330 = arith.constant 0 : i32
    %add3A_331 = arith.addi %mul3A_329, %add3A_330 : i32
    %run_scoped3A_332 = arith.constant 0 : i32
    "tpu.region"() ({
      %run_scoped3A_768 = tpu.sem_alloc : memref<!tpu.dma_semaphore, #tpu.memory_space<semaphore_mem>>
      %dma_start3A_769 = arith.constant 0 : i32
      %dma_start3A_770 = arith.constant 0 : i32
      %dma_start3A_771 = tpu.memref_slice %arg10[%run_scoped3A_332, %dma_start3A_769, %dma_start3A_770] : memref<2x80x128xf32, #tpu.memory_space<vmem>> -> memref<1x80x128xf32, #tpu.memory_space<vmem>>
      %dma_start3A_772 = tpu.memref_squeeze %dma_start3A_771 : memref<1x80x128xf32, #tpu.memory_space<vmem>> -> memref<80x128xf32, #tpu.memory_space<vmem>>
      %dma_start3A_773 = arith.constant 0 : i32
      %dma_start3A_774 = tpu.memref_slice %arg11[%add3A_331, %dma_start3A_773] : memref<10240x128xf32, #tpu.memory_space<vmem_shared>> -> memref<80x128xf32, #tpu.memory_space<vmem_shared>>
      %dma_start3A_775 = arith.constant 0 : i32
      %dma_start3A_776 = arith.constant 0 : i32
      %dma_start3A_777 = tpu.memref_slice %arg10[%run_scoped3A_332, %dma_start3A_775, %dma_start3A_776] : memref<2x80x128xf32, #tpu.memory_space<vmem>> -> memref<1x80x128xf32, #tpu.memory_space<vmem>>
      %dma_start3A_778 = tpu.memref_squeeze %dma_start3A_777 : memref<1x80x128xf32, #tpu.memory_space<vmem>> -> memref<80x128xf32, #tpu.memory_space<vmem>>
      %dma_start3A_779 = arith.constant 0 : i32
      %dma_start3A_780 = tpu.memref_slice %arg11[%add3A_331, %dma_start3A_779] : memref<10240x128xf32, #tpu.memory_space<vmem_shared>> -> memref<80x128xf32, #tpu.memory_space<vmem_shared>>
      tpu.enqueue_dma source(%dma_start3A_780 : memref<80x128xf32, #tpu.memory_space<vmem_shared>>) target(%dma_start3A_778 : memref<80x128xf32, #tpu.memory_space<vmem>>) target_semaphore(%run_scoped3A_768 : memref<!tpu.dma_semaphore, #tpu.memory_space<semaphore_mem>>)
      %dma_wait3A_781 = arith.constant 0 : i32
      %dma_wait3A_782 = arith.constant 0 : i32
      %dma_wait3A_783 = tpu.memref_slice %arg10[%run_scoped3A_332, %dma_wait3A_781, %dma_wait3A_782] : memref<2x80x128xf32, #tpu.memory_space<vmem>> -> memref<1x80x128xf32, #tpu.memory_space<vmem>>
      %dma_wait3A_784 = tpu.memref_squeeze %dma_wait3A_783 : memref<1x80x128xf32, #tpu.memory_space<vmem>> -> memref<80x128xf32, #tpu.memory_space<vmem>>
      %dma_wait3A_785 = arith.constant 0 : i32
      %dma_wait3A_786 = tpu.memref_slice %arg11[%add3A_331, %dma_wait3A_785] : memref<10240x128xf32, #tpu.memory_space<vmem_shared>> -> memref<80x128xf32, #tpu.memory_space<vmem_shared>>
      %dma_wait3A_787 = arith.constant 0 : i32
      %dma_wait3A_788 = arith.constant 0 : i32
      %dma_wait3A_789 = tpu.memref_slice %arg10[%run_scoped3A_332, %dma_wait3A_787, %dma_wait3A_788] : memref<2x80x128xf32, #tpu.memory_space<vmem>> -> memref<1x80x128xf32, #tpu.memory_space<vmem>>
      %dma_wait3A_790 = tpu.memref_squeeze %dma_wait3A_789 : memref<1x80x128xf32, #tpu.memory_space<vmem>> -> memref<80x128xf32, #tpu.memory_space<vmem>>
      %dma_wait3A_791 = arith.constant 0 : i32
      %dma_wait3A_792 = tpu.memref_slice %arg11[%add3A_331, %dma_wait3A_791] : memref<10240x128xf32, #tpu.memory_space<vmem_shared>> -> memref<80x128xf32, #tpu.memory_space<vmem_shared>>
      tpu.wait_dma2 semaphore(%run_scoped3A_768 : memref<!tpu.dma_semaphore, #tpu.memory_space<semaphore_mem>>) src(%dma_wait3A_792 : memref<80x128xf32, #tpu.memory_space<vmem_shared>>) dst(%dma_wait3A_790 : memref<80x128xf32, #tpu.memory_space<vmem>>)
      tpu.yield
    }) : () -> ()
    %mul3A_333 = arith.constant 640 : i32
    %mul3A_334 = arith.muli %arg1, %mul3A_333 : i32
    %add3A_335 = arith.constant 0 : i32
    %add3A_336 = arith.addi %mul3A_334, %add3A_335 : i32
    %dma_start3A_337 = arith.constant 0 : i32
    %dma_start3A_338 = arith.constant 0 : i32
    %dma_start3A_339 = arith.constant 0 : i32
    %dma_start3A_340 = tpu.memref_slice %arg10[%dma_start3A_337, %dma_start3A_338, %dma_start3A_339] : memref<2x80x128xf32, #tpu.memory_space<vmem>> -> memref<1x80x128xf32, #tpu.memory_space<vmem>>
    %dma_start3A_341 = tpu.memref_squeeze %dma_start3A_340 : memref<1x80x128xf32, #tpu.memory_space<vmem>> -> memref<80x128xf32, #tpu.memory_space<vmem>>
    %dma_start3A_342 = arith.constant 0 : i32
    %dma_start3A_343 = arith.constant 0 : i32
    %dma_start3A_344 = tpu.memref_slice %arg5[%arg0, %dma_start3A_342, %dma_start3A_343] : memref<2x10240x128xf32, #tpu.memory_space<hbm>> -> memref<1x10240x128xf32, #tpu.memory_space<hbm>>
    %dma_start3A_345 = tpu.memref_squeeze %dma_start3A_344 : memref<1x10240x128xf32, #tpu.memory_space<hbm>> -> memref<10240x128xf32, #tpu.memory_space<hbm>>
    %dma_start3A_346 = arith.constant 0 : i32
    %dma_start3A_347 = tpu.memref_slice %dma_start3A_345[%add3A_336, %dma_start3A_346] : memref<10240x128xf32, #tpu.memory_space<hbm>> -> memref<80x128xf32, #tpu.memory_space<hbm>>
    %dma_start3A_348 = arith.constant 0 : i32
    %dma_start3A_349 = arith.constant 0 : i32
    %dma_start3A_350 = tpu.memref_slice %arg5[%arg0, %dma_start3A_348, %dma_start3A_349] : memref<2x10240x128xf32, #tpu.memory_space<hbm>> -> memref<1x10240x128xf32, #tpu.memory_space<hbm>>
    %dma_start3A_351 = tpu.memref_squeeze %dma_start3A_350 : memref<1x10240x128xf32, #tpu.memory_space<hbm>> -> memref<10240x128xf32, #tpu.memory_space<hbm>>
    %dma_start3A_352 = arith.constant 0 : i32
    %dma_start3A_353 = tpu.memref_slice %dma_start3A_351[%add3A_336, %dma_start3A_352] : memref<10240x128xf32, #tpu.memory_space<hbm>> -> memref<80x128xf32, #tpu.memory_space<hbm>>
    %dma_start3A_354 = arith.constant 0 : i32
    %dma_start3A_355 = arith.constant 0 : i32
    %dma_start3A_356 = tpu.memref_slice %arg10[%dma_start3A_337, %dma_start3A_354, %dma_start3A_355] : memref<2x80x128xf32, #tpu.memory_space<vmem>> -> memref<1x80x128xf32, #tpu.memory_space<vmem>>
    %dma_start3A_357 = tpu.memref_squeeze %dma_start3A_356 : memref<1x80x128xf32, #tpu.memory_space<vmem>> -> memref<80x128xf32, #tpu.memory_space<vmem>>
    tpu.enqueue_dma source(%dma_start3A_357 : memref<80x128xf32, #tpu.memory_space<vmem>>) target(%dma_start3A_353 : memref<80x128xf32, #tpu.memory_space<hbm>>) target_semaphore(%arg12 : memref<!tpu.dma_semaphore, #tpu.memory_space<semaphore_mem>>)
    %mul3A_358 = arith.constant 640 : i32
    %mul3A_359 = arith.muli %arg1, %mul3A_358 : i32
    %add3A_360 = arith.constant 80 : i32
    %add3A_361 = arith.addi %mul3A_359, %add3A_360 : i32
    %run_scoped3A_362 = arith.constant 1 : i32
    "tpu.region"() ({
      %run_scoped3A_768 = tpu.sem_alloc : memref<!tpu.dma_semaphore, #tpu.memory_space<semaphore_mem>>
      %dma_start3A_769 = arith.constant 0 : i32
      %dma_start3A_770 = arith.constant 0 : i32
      %dma_start3A_771 = tpu.memref_slice %arg10[%run_scoped3A_362, %dma_start3A_769, %dma_start3A_770] : memref<2x80x128xf32, #tpu.memory_space<vmem>> -> memref<1x80x128xf32, #tpu.memory_space<vmem>>
      %dma_start3A_772 = tpu.memref_squeeze %dma_start3A_771 : memref<1x80x128xf32, #tpu.memory_space<vmem>> -> memref<80x128xf32, #tpu.memory_space<vmem>>
      %dma_start3A_773 = arith.constant 0 : i32
      %dma_start3A_774 = tpu.memref_slice %arg11[%add3A_361, %dma_start3A_773] : memref<10240x128xf32, #tpu.memory_space<vmem_shared>> -> memref<80x128xf32, #tpu.memory_space<vmem_shared>>
      %dma_start3A_775 = arith.constant 0 : i32
      %dma_start3A_776 = arith.constant 0 : i32
      %dma_start3A_777 = tpu.memref_slice %arg10[%run_scoped3A_362, %dma_start3A_775, %dma_start3A_776] : memref<2x80x128xf32, #tpu.memory_space<vmem>> -> memref<1x80x128xf32, #tpu.memory_space<vmem>>
      %dma_start3A_778 = tpu.memref_squeeze %dma_start3A_777 : memref<1x80x128xf32, #tpu.memory_space<vmem>> -> memref<80x128xf32, #tpu.memory_space<vmem>>
      %dma_start3A_779 = arith.constant 0 : i32
      %dma_start3A_780 = tpu.memref_slice %arg11[%add3A_361, %dma_start3A_779] : memref<10240x128xf32, #tpu.memory_space<vmem_shared>> -> memref<80x128xf32, #tpu.memory_space<vmem_shared>>
      tpu.enqueue_dma source(%dma_start3A_780 : memref<80x128xf32, #tpu.memory_space<vmem_shared>>) target(%dma_start3A_778 : memref<80x128xf32, #tpu.memory_space<vmem>>) target_semaphore(%run_scoped3A_768 : memref<!tpu.dma_semaphore, #tpu.memory_space<semaphore_mem>>)
      %dma_wait3A_781 = arith.constant 0 : i32
      %dma_wait3A_782 = arith.constant 0 : i32
      %dma_wait3A_783 = tpu.memref_slice %arg10[%run_scoped3A_362, %dma_wait3A_781, %dma_wait3A_782] : memref<2x80x128xf32, #tpu.memory_space<vmem>> -> memref<1x80x128xf32, #tpu.memory_space<vmem>>
      %dma_wait3A_784 = tpu.memref_squeeze %dma_wait3A_783 : memref<1x80x128xf32, #tpu.memory_space<vmem>> -> memref<80x128xf32, #tpu.memory_space<vmem>>
      %dma_wait3A_785 = arith.constant 0 : i32
      %dma_wait3A_786 = tpu.memref_slice %arg11[%add3A_361, %dma_wait3A_785] : memref<10240x128xf32, #tpu.memory_space<vmem_shared>> -> memref<80x128xf32, #tpu.memory_space<vmem_shared>>
      %dma_wait3A_787 = arith.constant 0 : i32
      %dma_wait3A_788 = arith.constant 0 : i32
      %dma_wait3A_789 = tpu.memref_slice %arg10[%run_scoped3A_362, %dma_wait3A_787, %dma_wait3A_788] : memref<2x80x128xf32, #tpu.memory_space<vmem>> -> memref<1x80x128xf32, #tpu.memory_space<vmem>>
      %dma_wait3A_790 = tpu.memref_squeeze %dma_wait3A_789 : memref<1x80x128xf32, #tpu.memory_space<vmem>> -> memref<80x128xf32, #tpu.memory_space<vmem>>
      %dma_wait3A_791 = arith.constant 0 : i32
      %dma_wait3A_792 = tpu.memref_slice %arg11[%add3A_361, %dma_wait3A_791] : memref<10240x128xf32, #tpu.memory_space<vmem_shared>> -> memref<80x128xf32, #tpu.memory_space<vmem_shared>>
      tpu.wait_dma2 semaphore(%run_scoped3A_768 : memref<!tpu.dma_semaphore, #tpu.memory_space<semaphore_mem>>) src(%dma_wait3A_792 : memref<80x128xf32, #tpu.memory_space<vmem_shared>>) dst(%dma_wait3A_790 : memref<80x128xf32, #tpu.memory_space<vmem>>)
      tpu.yield
    }) : () -> ()
    %mul3A_363 = arith.constant 640 : i32
    %mul3A_364 = arith.muli %arg1, %mul3A_363 : i32
    %add3A_365 = arith.constant 80 : i32
    %add3A_366 = arith.addi %mul3A_364, %add3A_365 : i32
    %dma_start3A_367 = arith.constant 1 : i32
    %dma_start3A_368 = arith.constant 0 : i32
    %dma_start3A_369 = arith.constant 0 : i32
    %dma_start3A_370 = tpu.memref_slice %arg10[%dma_start3A_367, %dma_start3A_368, %dma_start3A_369] : memref<2x80x128xf32, #tpu.memory_space<vmem>> -> memref<1x80x128xf32, #tpu.memory_space<vmem>>
    %dma_start3A_371 = tpu.memref_squeeze %dma_start3A_370 : memref<1x80x128xf32, #tpu.memory_space<vmem>> -> memref<80x128xf32, #tpu.memory_space<vmem>>
    %dma_start3A_372 = arith.constant 0 : i32
    %dma_start3A_373 = arith.constant 0 : i32
    %dma_start3A_374 = tpu.memref_slice %arg5[%arg0, %dma_start3A_372, %dma_start3A_373] : memref<2x10240x128xf32, #tpu.memory_space<hbm>> -> memref<1x10240x128xf32, #tpu.memory_space<hbm>>
    %dma_start3A_375 = tpu.memref_squeeze %dma_start3A_374 : memref<1x10240x128xf32, #tpu.memory_space<hbm>> -> memref<10240x128xf32, #tpu.memory_space<hbm>>
    %dma_start3A_376 = arith.constant 0 : i32
    %dma_start3A_377 = tpu.memref_slice %dma_start3A_375[%add3A_366, %dma_start3A_376] : memref<10240x128xf32, #tpu.memory_space<hbm>> -> memref<80x128xf32, #tpu.memory_space<hbm>>
    %dma_start3A_378 = arith.constant 0 : i32
    %dma_start3A_379 = arith.constant 0 : i32
    %dma_start3A_380 = tpu.memref_slice %arg5[%arg0, %dma_start3A_378, %dma_start3A_379] : memref<2x10240x128xf32, #tpu.memory_space<hbm>> -> memref<1x10240x128xf32, #tpu.memory_space<hbm>>
    %dma_start3A_381 = tpu.memref_squeeze %dma_start3A_380 : memref<1x10240x128xf32, #tpu.memory_space<hbm>> -> memref<10240x128xf32, #tpu.memory_space<hbm>>
    %dma_start3A_382 = arith.constant 0 : i32
    %dma_start3A_383 = tpu.memref_slice %dma_start3A_381[%add3A_366, %dma_start3A_382] : memref<10240x128xf32, #tpu.memory_space<hbm>> -> memref<80x128xf32, #tpu.memory_space<hbm>>
    %dma_start3A_384 = arith.constant 0 : i32
    %dma_start3A_385 = arith.constant 0 : i32
    %dma_start3A_386 = tpu.memref_slice %arg10[%dma_start3A_367, %dma_start3A_384, %dma_start3A_385] : memref<2x80x128xf32, #tpu.memory_space<vmem>> -> memref<1x80x128xf32, #tpu.memory_space<vmem>>
    %dma_start3A_387 = tpu.memref_squeeze %dma_start3A_386 : memref<1x80x128xf32, #tpu.memory_space<vmem>> -> memref<80x128xf32, #tpu.memory_space<vmem>>
    tpu.enqueue_dma source(%dma_start3A_387 : memref<80x128xf32, #tpu.memory_space<vmem>>) target(%dma_start3A_383 : memref<80x128xf32, #tpu.memory_space<hbm>>) target_semaphore(%arg13 : memref<!tpu.dma_semaphore, #tpu.memory_space<semaphore_mem>>)
    %mul3A_388 = arith.constant 640 : i32
    %mul3A_389 = arith.muli %arg1, %mul3A_388 : i32
    %add3A_390 = arith.constant 0 : i32
    %add3A_391 = arith.addi %mul3A_389, %add3A_390 : i32
    %dma_wait3A_392 = arith.constant 0 : i32
    %dma_wait3A_393 = arith.constant 0 : i32
    %dma_wait3A_394 = arith.constant 0 : i32
    %dma_wait3A_395 = tpu.memref_slice %arg10[%dma_wait3A_392, %dma_wait3A_393, %dma_wait3A_394] : memref<2x80x128xf32, #tpu.memory_space<vmem>> -> memref<1x80x128xf32, #tpu.memory_space<vmem>>
    %dma_wait3A_396 = tpu.memref_squeeze %dma_wait3A_395 : memref<1x80x128xf32, #tpu.memory_space<vmem>> -> memref<80x128xf32, #tpu.memory_space<vmem>>
    %dma_wait3A_397 = arith.constant 0 : i32
    %dma_wait3A_398 = arith.constant 0 : i32
    %dma_wait3A_399 = tpu.memref_slice %arg5[%arg0, %dma_wait3A_397, %dma_wait3A_398] : memref<2x10240x128xf32, #tpu.memory_space<hbm>> -> memref<1x10240x128xf32, #tpu.memory_space<hbm>>
    %dma_wait3A_400 = tpu.memref_squeeze %dma_wait3A_399 : memref<1x10240x128xf32, #tpu.memory_space<hbm>> -> memref<10240x128xf32, #tpu.memory_space<hbm>>
    %dma_wait3A_401 = arith.constant 0 : i32
    %dma_wait3A_402 = tpu.memref_slice %dma_wait3A_400[%add3A_391, %dma_wait3A_401] : memref<10240x128xf32, #tpu.memory_space<hbm>> -> memref<80x128xf32, #tpu.memory_space<hbm>>
    %dma_wait3A_403 = arith.constant 0 : i32
    %dma_wait3A_404 = arith.constant 0 : i32
    %dma_wait3A_405 = tpu.memref_slice %arg5[%arg0, %dma_wait3A_403, %dma_wait3A_404] : memref<2x10240x128xf32, #tpu.memory_space<hbm>> -> memref<1x10240x128xf32, #tpu.memory_space<hbm>>
    %dma_wait3A_406 = tpu.memref_squeeze %dma_wait3A_405 : memref<1x10240x128xf32, #tpu.memory_space<hbm>> -> memref<10240x128xf32, #tpu.memory_space<hbm>>
    %dma_wait3A_407 = arith.constant 0 : i32
    %dma_wait3A_408 = tpu.memref_slice %dma_wait3A_406[%add3A_391, %dma_wait3A_407] : memref<10240x128xf32, #tpu.memory_space<hbm>> -> memref<80x128xf32, #tpu.memory_space<hbm>>
    %dma_wait3A_409 = arith.constant 0 : i32
    %dma_wait3A_410 = arith.constant 0 : i32
    %dma_wait3A_411 = tpu.memref_slice %arg10[%dma_wait3A_392, %dma_wait3A_409, %dma_wait3A_410] : memref<2x80x128xf32, #tpu.memory_space<vmem>> -> memref<1x80x128xf32, #tpu.memory_space<vmem>>
    %dma_wait3A_412 = tpu.memref_squeeze %dma_wait3A_411 : memref<1x80x128xf32, #tpu.memory_space<vmem>> -> memref<80x128xf32, #tpu.memory_space<vmem>>
    tpu.wait_dma2 semaphore(%arg12 : memref<!tpu.dma_semaphore, #tpu.memory_space<semaphore_mem>>) src(%dma_wait3A_412 : memref<80x128xf32, #tpu.memory_space<vmem>>) dst(%dma_wait3A_408 : memref<80x128xf32, #tpu.memory_space<hbm>>)
    %mul3A_413 = arith.constant 640 : i32
    %mul3A_414 = arith.muli %arg1, %mul3A_413 : i32
    %add3A_415 = arith.constant 160 : i32
    %add3A_416 = arith.addi %mul3A_414, %add3A_415 : i32
    %run_scoped3A_417 = arith.constant 0 : i32
    "tpu.region"() ({
      %run_scoped3A_768 = tpu.sem_alloc : memref<!tpu.dma_semaphore, #tpu.memory_space<semaphore_mem>>
      %dma_start3A_769 = arith.constant 0 : i32
      %dma_start3A_770 = arith.constant 0 : i32
      %dma_start3A_771 = tpu.memref_slice %arg10[%run_scoped3A_417, %dma_start3A_769, %dma_start3A_770] : memref<2x80x128xf32, #tpu.memory_space<vmem>> -> memref<1x80x128xf32, #tpu.memory_space<vmem>>
      %dma_start3A_772 = tpu.memref_squeeze %dma_start3A_771 : memref<1x80x128xf32, #tpu.memory_space<vmem>> -> memref<80x128xf32, #tpu.memory_space<vmem>>
      %dma_start3A_773 = arith.constant 0 : i32
      %dma_start3A_774 = tpu.memref_slice %arg11[%add3A_416, %dma_start3A_773] : memref<10240x128xf32, #tpu.memory_space<vmem_shared>> -> memref<80x128xf32, #tpu.memory_space<vmem_shared>>
      %dma_start3A_775 = arith.constant 0 : i32
      %dma_start3A_776 = arith.constant 0 : i32
      %dma_start3A_777 = tpu.memref_slice %arg10[%run_scoped3A_417, %dma_start3A_775, %dma_start3A_776] : memref<2x80x128xf32, #tpu.memory_space<vmem>> -> memref<1x80x128xf32, #tpu.memory_space<vmem>>
      %dma_start3A_778 = tpu.memref_squeeze %dma_start3A_777 : memref<1x80x128xf32, #tpu.memory_space<vmem>> -> memref<80x128xf32, #tpu.memory_space<vmem>>
      %dma_start3A_779 = arith.constant 0 : i32
      %dma_start3A_780 = tpu.memref_slice %arg11[%add3A_416, %dma_start3A_779] : memref<10240x128xf32, #tpu.memory_space<vmem_shared>> -> memref<80x128xf32, #tpu.memory_space<vmem_shared>>
      tpu.enqueue_dma source(%dma_start3A_780 : memref<80x128xf32, #tpu.memory_space<vmem_shared>>) target(%dma_start3A_778 : memref<80x128xf32, #tpu.memory_space<vmem>>) target_semaphore(%run_scoped3A_768 : memref<!tpu.dma_semaphore, #tpu.memory_space<semaphore_mem>>)
      %dma_wait3A_781 = arith.constant 0 : i32
      %dma_wait3A_782 = arith.constant 0 : i32
      %dma_wait3A_783 = tpu.memref_slice %arg10[%run_scoped3A_417, %dma_wait3A_781, %dma_wait3A_782] : memref<2x80x128xf32, #tpu.memory_space<vmem>> -> memref<1x80x128xf32, #tpu.memory_space<vmem>>
      %dma_wait3A_784 = tpu.memref_squeeze %dma_wait3A_783 : memref<1x80x128xf32, #tpu.memory_space<vmem>> -> memref<80x128xf32, #tpu.memory_space<vmem>>
      %dma_wait3A_785 = arith.constant 0 : i32
      %dma_wait3A_786 = tpu.memref_slice %arg11[%add3A_416, %dma_wait3A_785] : memref<10240x128xf32, #tpu.memory_space<vmem_shared>> -> memref<80x128xf32, #tpu.memory_space<vmem_shared>>
      %dma_wait3A_787 = arith.constant 0 : i32
      %dma_wait3A_788 = arith.constant 0 : i32
      %dma_wait3A_789 = tpu.memref_slice %arg10[%run_scoped3A_417, %dma_wait3A_787, %dma_wait3A_788] : memref<2x80x128xf32, #tpu.memory_space<vmem>> -> memref<1x80x128xf32, #tpu.memory_space<vmem>>
      %dma_wait3A_790 = tpu.memref_squeeze %dma_wait3A_789 : memref<1x80x128xf32, #tpu.memory_space<vmem>> -> memref<80x128xf32, #tpu.memory_space<vmem>>
      %dma_wait3A_791 = arith.constant 0 : i32
      %dma_wait3A_792 = tpu.memref_slice %arg11[%add3A_416, %dma_wait3A_791] : memref<10240x128xf32, #tpu.memory_space<vmem_shared>> -> memref<80x128xf32, #tpu.memory_space<vmem_shared>>
      tpu.wait_dma2 semaphore(%run_scoped3A_768 : memref<!tpu.dma_semaphore, #tpu.memory_space<semaphore_mem>>) src(%dma_wait3A_792 : memref<80x128xf32, #tpu.memory_space<vmem_shared>>) dst(%dma_wait3A_790 : memref<80x128xf32, #tpu.memory_space<vmem>>)
      tpu.yield
    }) : () -> ()
    %mul3A_418 = arith.constant 640 : i32
    %mul3A_419 = arith.muli %arg1, %mul3A_418 : i32
    %add3A_420 = arith.constant 160 : i32
    %add3A_421 = arith.addi %mul3A_419, %add3A_420 : i32
    %dma_start3A_422 = arith.constant 0 : i32
    %dma_start3A_423 = arith.constant 0 : i32
    %dma_start3A_424 = arith.constant 0 : i32
    %dma_start3A_425 = tpu.memref_slice %arg10[%dma_start3A_422, %dma_start3A_423, %dma_start3A_424] : memref<2x80x128xf32, #tpu.memory_space<vmem>> -> memref<1x80x128xf32, #tpu.memory_space<vmem>>
    %dma_start3A_426 = tpu.memref_squeeze %dma_start3A_425 : memref<1x80x128xf32, #tpu.memory_space<vmem>> -> memref<80x128xf32, #tpu.memory_space<vmem>>
    %dma_start3A_427 = arith.constant 0 : i32
    %dma_start3A_428 = arith.constant 0 : i32
    %dma_start3A_429 = tpu.memref_slice %arg5[%arg0, %dma_start3A_427, %dma_start3A_428] : memref<2x10240x128xf32, #tpu.memory_space<hbm>> -> memref<1x10240x128xf32, #tpu.memory_space<hbm>>
    %dma_start3A_430 = tpu.memref_squeeze %dma_start3A_429 : memref<1x10240x128xf32, #tpu.memory_space<hbm>> -> memref<10240x128xf32, #tpu.memory_space<hbm>>
    %dma_start3A_431 = arith.constant 0 : i32
    %dma_start3A_432 = tpu.memref_slice %dma_start3A_430[%add3A_421, %dma_start3A_431] : memref<10240x128xf32, #tpu.memory_space<hbm>> -> memref<80x128xf32, #tpu.memory_space<hbm>>
    %dma_start3A_433 = arith.constant 0 : i32
    %dma_start3A_434 = arith.constant 0 : i32
    %dma_start3A_435 = tpu.memref_slice %arg5[%arg0, %dma_start3A_433, %dma_start3A_434] : memref<2x10240x128xf32, #tpu.memory_space<hbm>> -> memref<1x10240x128xf32, #tpu.memory_space<hbm>>
    %dma_start3A_436 = tpu.memref_squeeze %dma_start3A_435 : memref<1x10240x128xf32, #tpu.memory_space<hbm>> -> memref<10240x128xf32, #tpu.memory_space<hbm>>
    %dma_start3A_437 = arith.constant 0 : i32
    %dma_start3A_438 = tpu.memref_slice %dma_start3A_436[%add3A_421, %dma_start3A_437] : memref<10240x128xf32, #tpu.memory_space<hbm>> -> memref<80x128xf32, #tpu.memory_space<hbm>>
    %dma_start3A_439 = arith.constant 0 : i32
    %dma_start3A_440 = arith.constant 0 : i32
    %dma_start3A_441 = tpu.memref_slice %arg10[%dma_start3A_422, %dma_start3A_439, %dma_start3A_440] : memref<2x80x128xf32, #tpu.memory_space<vmem>> -> memref<1x80x128xf32, #tpu.memory_space<vmem>>
    %dma_start3A_442 = tpu.memref_squeeze %dma_start3A_441 : memref<1x80x128xf32, #tpu.memory_space<vmem>> -> memref<80x128xf32, #tpu.memory_space<vmem>>
    tpu.enqueue_dma source(%dma_start3A_442 : memref<80x128xf32, #tpu.memory_space<vmem>>) target(%dma_start3A_438 : memref<80x128xf32, #tpu.memory_space<hbm>>) target_semaphore(%arg12 : memref<!tpu.dma_semaphore, #tpu.memory_space<semaphore_mem>>)
    %mul3A_443 = arith.constant 640 : i32
    %mul3A_444 = arith.muli %arg1, %mul3A_443 : i32
    %add3A_445 = arith.constant 80 : i32
    %add3A_446 = arith.addi %mul3A_444, %add3A_445 : i32
    %dma_wait3A_447 = arith.constant 1 : i32
    %dma_wait3A_448 = arith.constant 0 : i32
    %dma_wait3A_449 = arith.constant 0 : i32
    %dma_wait3A_450 = tpu.memref_slice %arg10[%dma_wait3A_447, %dma_wait3A_448, %dma_wait3A_449] : memref<2x80x128xf32, #tpu.memory_space<vmem>> -> memref<1x80x128xf32, #tpu.memory_space<vmem>>
    %dma_wait3A_451 = tpu.memref_squeeze %dma_wait3A_450 : memref<1x80x128xf32, #tpu.memory_space<vmem>> -> memref<80x128xf32, #tpu.memory_space<vmem>>
    %dma_wait3A_452 = arith.constant 0 : i32
    %dma_wait3A_453 = arith.constant 0 : i32
    %dma_wait3A_454 = tpu.memref_slice %arg5[%arg0, %dma_wait3A_452, %dma_wait3A_453] : memref<2x10240x128xf32, #tpu.memory_space<hbm>> -> memref<1x10240x128xf32, #tpu.memory_space<hbm>>
    %dma_wait3A_455 = tpu.memref_squeeze %dma_wait3A_454 : memref<1x10240x128xf32, #tpu.memory_space<hbm>> -> memref<10240x128xf32, #tpu.memory_space<hbm>>
    %dma_wait3A_456 = arith.constant 0 : i32
    %dma_wait3A_457 = tpu.memref_slice %dma_wait3A_455[%add3A_446, %dma_wait3A_456] : memref<10240x128xf32, #tpu.memory_space<hbm>> -> memref<80x128xf32, #tpu.memory_space<hbm>>
    %dma_wait3A_458 = arith.constant 0 : i32
    %dma_wait3A_459 = arith.constant 0 : i32
    %dma_wait3A_460 = tpu.memref_slice %arg5[%arg0, %dma_wait3A_458, %dma_wait3A_459] : memref<2x10240x128xf32, #tpu.memory_space<hbm>> -> memref<1x10240x128xf32, #tpu.memory_space<hbm>>
    %dma_wait3A_461 = tpu.memref_squeeze %dma_wait3A_460 : memref<1x10240x128xf32, #tpu.memory_space<hbm>> -> memref<10240x128xf32, #tpu.memory_space<hbm>>
    %dma_wait3A_462 = arith.constant 0 : i32
    %dma_wait3A_463 = tpu.memref_slice %dma_wait3A_461[%add3A_446, %dma_wait3A_462] : memref<10240x128xf32, #tpu.memory_space<hbm>> -> memref<80x128xf32, #tpu.memory_space<hbm>>
    %dma_wait3A_464 = arith.constant 0 : i32
    %dma_wait3A_465 = arith.constant 0 : i32
    %dma_wait3A_466 = tpu.memref_slice %arg10[%dma_wait3A_447, %dma_wait3A_464, %dma_wait3A_465] : memref<2x80x128xf32, #tpu.memory_space<vmem>> -> memref<1x80x128xf32, #tpu.memory_space<vmem>>
    %dma_wait3A_467 = tpu.memref_squeeze %dma_wait3A_466 : memref<1x80x128xf32, #tpu.memory_space<vmem>> -> memref<80x128xf32, #tpu.memory_space<vmem>>
    tpu.wait_dma2 semaphore(%arg13 : memref<!tpu.dma_semaphore, #tpu.memory_space<semaphore_mem>>) src(%dma_wait3A_467 : memref<80x128xf32, #tpu.memory_space<vmem>>) dst(%dma_wait3A_463 : memref<80x128xf32, #tpu.memory_space<hbm>>)
    %mul3A_468 = arith.constant 640 : i32
    %mul3A_469 = arith.muli %arg1, %mul3A_468 : i32
    %add3A_470 = arith.constant 240 : i32
    %add3A_471 = arith.addi %mul3A_469, %add3A_470 : i32
    %run_scoped3A_472 = arith.constant 1 : i32
    "tpu.region"() ({
      %run_scoped3A_768 = tpu.sem_alloc : memref<!tpu.dma_semaphore, #tpu.memory_space<semaphore_mem>>
      %dma_start3A_769 = arith.constant 0 : i32
      %dma_start3A_770 = arith.constant 0 : i32
      %dma_start3A_771 = tpu.memref_slice %arg10[%run_scoped3A_472, %dma_start3A_769, %dma_start3A_770] : memref<2x80x128xf32, #tpu.memory_space<vmem>> -> memref<1x80x128xf32, #tpu.memory_space<vmem>>
      %dma_start3A_772 = tpu.memref_squeeze %dma_start3A_771 : memref<1x80x128xf32, #tpu.memory_space<vmem>> -> memref<80x128xf32, #tpu.memory_space<vmem>>
      %dma_start3A_773 = arith.constant 0 : i32
      %dma_start3A_774 = tpu.memref_slice %arg11[%add3A_471, %dma_start3A_773] : memref<10240x128xf32, #tpu.memory_space<vmem_shared>> -> memref<80x128xf32, #tpu.memory_space<vmem_shared>>
      %dma_start3A_775 = arith.constant 0 : i32
      %dma_start3A_776 = arith.constant 0 : i32
      %dma_start3A_777 = tpu.memref_slice %arg10[%run_scoped3A_472, %dma_start3A_775, %dma_start3A_776] : memref<2x80x128xf32, #tpu.memory_space<vmem>> -> memref<1x80x128xf32, #tpu.memory_space<vmem>>
      %dma_start3A_778 = tpu.memref_squeeze %dma_start3A_777 : memref<1x80x128xf32, #tpu.memory_space<vmem>> -> memref<80x128xf32, #tpu.memory_space<vmem>>
      %dma_start3A_779 = arith.constant 0 : i32
      %dma_start3A_780 = tpu.memref_slice %arg11[%add3A_471, %dma_start3A_779] : memref<10240x128xf32, #tpu.memory_space<vmem_shared>> -> memref<80x128xf32, #tpu.memory_space<vmem_shared>>
      tpu.enqueue_dma source(%dma_start3A_780 : memref<80x128xf32, #tpu.memory_space<vmem_shared>>) target(%dma_start3A_778 : memref<80x128xf32, #tpu.memory_space<vmem>>) target_semaphore(%run_scoped3A_768 : memref<!tpu.dma_semaphore, #tpu.memory_space<semaphore_mem>>)
      %dma_wait3A_781 = arith.constant 0 : i32
      %dma_wait3A_782 = arith.constant 0 : i32
      %dma_wait3A_783 = tpu.memref_slice %arg10[%run_scoped3A_472, %dma_wait3A_781, %dma_wait3A_782] : memref<2x80x128xf32, #tpu.memory_space<vmem>> -> memref<1x80x128xf32, #tpu.memory_space<vmem>>
      %dma_wait3A_784 = tpu.memref_squeeze %dma_wait3A_783 : memref<1x80x128xf32, #tpu.memory_space<vmem>> -> memref<80x128xf32, #tpu.memory_space<vmem>>
      %dma_wait3A_785 = arith.constant 0 : i32
      %dma_wait3A_786 = tpu.memref_slice %arg11[%add3A_471, %dma_wait3A_785] : memref<10240x128xf32, #tpu.memory_space<vmem_shared>> -> memref<80x128xf32, #tpu.memory_space<vmem_shared>>
      %dma_wait3A_787 = arith.constant 0 : i32
      %dma_wait3A_788 = arith.constant 0 : i32
      %dma_wait3A_789 = tpu.memref_slice %arg10[%run_scoped3A_472, %dma_wait3A_787, %dma_wait3A_788] : memref<2x80x128xf32, #tpu.memory_space<vmem>> -> memref<1x80x128xf32, #tpu.memory_space<vmem>>
      %dma_wait3A_790 = tpu.memref_squeeze %dma_wait3A_789 : memref<1x80x128xf32, #tpu.memory_space<vmem>> -> memref<80x128xf32, #tpu.memory_space<vmem>>
      %dma_wait3A_791 = arith.constant 0 : i32
      %dma_wait3A_792 = tpu.memref_slice %arg11[%add3A_471, %dma_wait3A_791] : memref<10240x128xf32, #tpu.memory_space<vmem_shared>> -> memref<80x128xf32, #tpu.memory_space<vmem_shared>>
      tpu.wait_dma2 semaphore(%run_scoped3A_768 : memref<!tpu.dma_semaphore, #tpu.memory_space<semaphore_mem>>) src(%dma_wait3A_792 : memref<80x128xf32, #tpu.memory_space<vmem_shared>>) dst(%dma_wait3A_790 : memref<80x128xf32, #tpu.memory_space<vmem>>)
      tpu.yield
    }) : () -> ()
    %mul3A_473 = arith.constant 640 : i32
    %mul3A_474 = arith.muli %arg1, %mul3A_473 : i32
    %add3A_475 = arith.constant 240 : i32
    %add3A_476 = arith.addi %mul3A_474, %add3A_475 : i32
    %dma_start3A_477 = arith.constant 1 : i32
    %dma_start3A_478 = arith.constant 0 : i32
    %dma_start3A_479 = arith.constant 0 : i32
    %dma_start3A_480 = tpu.memref_slice %arg10[%dma_start3A_477, %dma_start3A_478, %dma_start3A_479] : memref<2x80x128xf32, #tpu.memory_space<vmem>> -> memref<1x80x128xf32, #tpu.memory_space<vmem>>
    %dma_start3A_481 = tpu.memref_squeeze %dma_start3A_480 : memref<1x80x128xf32, #tpu.memory_space<vmem>> -> memref<80x128xf32, #tpu.memory_space<vmem>>
    %dma_start3A_482 = arith.constant 0 : i32
    %dma_start3A_483 = arith.constant 0 : i32
    %dma_start3A_484 = tpu.memref_slice %arg5[%arg0, %dma_start3A_482, %dma_start3A_483] : memref<2x10240x128xf32, #tpu.memory_space<hbm>> -> memref<1x10240x128xf32, #tpu.memory_space<hbm>>
    %dma_start3A_485 = tpu.memref_squeeze %dma_start3A_484 : memref<1x10240x128xf32, #tpu.memory_space<hbm>> -> memref<10240x128xf32, #tpu.memory_space<hbm>>
    %dma_start3A_486 = arith.constant 0 : i32
    %dma_start3A_487 = tpu.memref_slice %dma_start3A_485[%add3A_476, %dma_start3A_486] : memref<10240x128xf32, #tpu.memory_space<hbm>> -> memref<80x128xf32, #tpu.memory_space<hbm>>
    %dma_start3A_488 = arith.constant 0 : i32
    %dma_start3A_489 = arith.constant 0 : i32
    %dma_start3A_490 = tpu.memref_slice %arg5[%arg0, %dma_start3A_488, %dma_start3A_489] : memref<2x10240x128xf32, #tpu.memory_space<hbm>> -> memref<1x10240x128xf32, #tpu.memory_space<hbm>>
    %dma_start3A_491 = tpu.memref_squeeze %dma_start3A_490 : memref<1x10240x128xf32, #tpu.memory_space<hbm>> -> memref<10240x128xf32, #tpu.memory_space<hbm>>
    %dma_start3A_492 = arith.constant 0 : i32
    %dma_start3A_493 = tpu.memref_slice %dma_start3A_491[%add3A_476, %dma_start3A_492] : memref<10240x128xf32, #tpu.memory_space<hbm>> -> memref<80x128xf32, #tpu.memory_space<hbm>>
    %dma_start3A_494 = arith.constant 0 : i32
    %dma_start3A_495 = arith.constant 0 : i32
    %dma_start3A_496 = tpu.memref_slice %arg10[%dma_start3A_477, %dma_start3A_494, %dma_start3A_495] : memref<2x80x128xf32, #tpu.memory_space<vmem>> -> memref<1x80x128xf32, #tpu.memory_space<vmem>>
    %dma_start3A_497 = tpu.memref_squeeze %dma_start3A_496 : memref<1x80x128xf32, #tpu.memory_space<vmem>> -> memref<80x128xf32, #tpu.memory_space<vmem>>
    tpu.enqueue_dma source(%dma_start3A_497 : memref<80x128xf32, #tpu.memory_space<vmem>>) target(%dma_start3A_493 : memref<80x128xf32, #tpu.memory_space<hbm>>) target_semaphore(%arg13 : memref<!tpu.dma_semaphore, #tpu.memory_space<semaphore_mem>>)
    %mul3A_498 = arith.constant 640 : i32
    %mul3A_499 = arith.muli %arg1, %mul3A_498 : i32
    %add3A_500 = arith.constant 160 : i32
    %add3A_501 = arith.addi %mul3A_499, %add3A_500 : i32
    %dma_wait3A_502 = arith.constant 0 : i32
    %dma_wait3A_503 = arith.constant 0 : i32
    %dma_wait3A_504 = arith.constant 0 : i32
    %dma_wait3A_505 = tpu.memref_slice %arg10[%dma_wait3A_502, %dma_wait3A_503, %dma_wait3A_504] : memref<2x80x128xf32, #tpu.memory_space<vmem>> -> memref<1x80x128xf32, #tpu.memory_space<vmem>>
    %dma_wait3A_506 = tpu.memref_squeeze %dma_wait3A_505 : memref<1x80x128xf32, #tpu.memory_space<vmem>> -> memref<80x128xf32, #tpu.memory_space<vmem>>
    %dma_wait3A_507 = arith.constant 0 : i32
    %dma_wait3A_508 = arith.constant 0 : i32
    %dma_wait3A_509 = tpu.memref_slice %arg5[%arg0, %dma_wait3A_507, %dma_wait3A_508] : memref<2x10240x128xf32, #tpu.memory_space<hbm>> -> memref<1x10240x128xf32, #tpu.memory_space<hbm>>
    %dma_wait3A_510 = tpu.memref_squeeze %dma_wait3A_509 : memref<1x10240x128xf32, #tpu.memory_space<hbm>> -> memref<10240x128xf32, #tpu.memory_space<hbm>>
    %dma_wait3A_511 = arith.constant 0 : i32
    %dma_wait3A_512 = tpu.memref_slice %dma_wait3A_510[%add3A_501, %dma_wait3A_511] : memref<10240x128xf32, #tpu.memory_space<hbm>> -> memref<80x128xf32, #tpu.memory_space<hbm>>
    %dma_wait3A_513 = arith.constant 0 : i32
    %dma_wait3A_514 = arith.constant 0 : i32
    %dma_wait3A_515 = tpu.memref_slice %arg5[%arg0, %dma_wait3A_513, %dma_wait3A_514] : memref<2x10240x128xf32, #tpu.memory_space<hbm>> -> memref<1x10240x128xf32, #tpu.memory_space<hbm>>
    %dma_wait3A_516 = tpu.memref_squeeze %dma_wait3A_515 : memref<1x10240x128xf32, #tpu.memory_space<hbm>> -> memref<10240x128xf32, #tpu.memory_space<hbm>>
    %dma_wait3A_517 = arith.constant 0 : i32
    %dma_wait3A_518 = tpu.memref_slice %dma_wait3A_516[%add3A_501, %dma_wait3A_517] : memref<10240x128xf32, #tpu.memory_space<hbm>> -> memref<80x128xf32, #tpu.memory_space<hbm>>
    %dma_wait3A_519 = arith.constant 0 : i32
    %dma_wait3A_520 = arith.constant 0 : i32
    %dma_wait3A_521 = tpu.memref_slice %arg10[%dma_wait3A_502, %dma_wait3A_519, %dma_wait3A_520] : memref<2x80x128xf32, #tpu.memory_space<vmem>> -> memref<1x80x128xf32, #tpu.memory_space<vmem>>
    %dma_wait3A_522 = tpu.memref_squeeze %dma_wait3A_521 : memref<1x80x128xf32, #tpu.memory_space<vmem>> -> memref<80x128xf32, #tpu.memory_space<vmem>>
    tpu.wait_dma2 semaphore(%arg12 : memref<!tpu.dma_semaphore, #tpu.memory_space<semaphore_mem>>) src(%dma_wait3A_522 : memref<80x128xf32, #tpu.memory_space<vmem>>) dst(%dma_wait3A_518 : memref<80x128xf32, #tpu.memory_space<hbm>>)
    %mul3A_523 = arith.constant 640 : i32
    %mul3A_524 = arith.muli %arg1, %mul3A_523 : i32
    %add3A_525 = arith.constant 320 : i32
    %add3A_526 = arith.addi %mul3A_524, %add3A_525 : i32
    %run_scoped3A_527 = arith.constant 0 : i32
    "tpu.region"() ({
      %run_scoped3A_768 = tpu.sem_alloc : memref<!tpu.dma_semaphore, #tpu.memory_space<semaphore_mem>>
      %dma_start3A_769 = arith.constant 0 : i32
      %dma_start3A_770 = arith.constant 0 : i32
      %dma_start3A_771 = tpu.memref_slice %arg10[%run_scoped3A_527, %dma_start3A_769, %dma_start3A_770] : memref<2x80x128xf32, #tpu.memory_space<vmem>> -> memref<1x80x128xf32, #tpu.memory_space<vmem>>
      %dma_start3A_772 = tpu.memref_squeeze %dma_start3A_771 : memref<1x80x128xf32, #tpu.memory_space<vmem>> -> memref<80x128xf32, #tpu.memory_space<vmem>>
      %dma_start3A_773 = arith.constant 0 : i32
      %dma_start3A_774 = tpu.memref_slice %arg11[%add3A_526, %dma_start3A_773] : memref<10240x128xf32, #tpu.memory_space<vmem_shared>> -> memref<80x128xf32, #tpu.memory_space<vmem_shared>>
      %dma_start3A_775 = arith.constant 0 : i32
      %dma_start3A_776 = arith.constant 0 : i32
      %dma_start3A_777 = tpu.memref_slice %arg10[%run_scoped3A_527, %dma_start3A_775, %dma_start3A_776] : memref<2x80x128xf32, #tpu.memory_space<vmem>> -> memref<1x80x128xf32, #tpu.memory_space<vmem>>
      %dma_start3A_778 = tpu.memref_squeeze %dma_start3A_777 : memref<1x80x128xf32, #tpu.memory_space<vmem>> -> memref<80x128xf32, #tpu.memory_space<vmem>>
      %dma_start3A_779 = arith.constant 0 : i32
      %dma_start3A_780 = tpu.memref_slice %arg11[%add3A_526, %dma_start3A_779] : memref<10240x128xf32, #tpu.memory_space<vmem_shared>> -> memref<80x128xf32, #tpu.memory_space<vmem_shared>>
      tpu.enqueue_dma source(%dma_start3A_780 : memref<80x128xf32, #tpu.memory_space<vmem_shared>>) target(%dma_start3A_778 : memref<80x128xf32, #tpu.memory_space<vmem>>) target_semaphore(%run_scoped3A_768 : memref<!tpu.dma_semaphore, #tpu.memory_space<semaphore_mem>>)
      %dma_wait3A_781 = arith.constant 0 : i32
      %dma_wait3A_782 = arith.constant 0 : i32
      %dma_wait3A_783 = tpu.memref_slice %arg10[%run_scoped3A_527, %dma_wait3A_781, %dma_wait3A_782] : memref<2x80x128xf32, #tpu.memory_space<vmem>> -> memref<1x80x128xf32, #tpu.memory_space<vmem>>
      %dma_wait3A_784 = tpu.memref_squeeze %dma_wait3A_783 : memref<1x80x128xf32, #tpu.memory_space<vmem>> -> memref<80x128xf32, #tpu.memory_space<vmem>>
      %dma_wait3A_785 = arith.constant 0 : i32
      %dma_wait3A_786 = tpu.memref_slice %arg11[%add3A_526, %dma_wait3A_785] : memref<10240x128xf32, #tpu.memory_space<vmem_shared>> -> memref<80x128xf32, #tpu.memory_space<vmem_shared>>
      %dma_wait3A_787 = arith.constant 0 : i32
      %dma_wait3A_788 = arith.constant 0 : i32
      %dma_wait3A_789 = tpu.memref_slice %arg10[%run_scoped3A_527, %dma_wait3A_787, %dma_wait3A_788] : memref<2x80x128xf32, #tpu.memory_space<vmem>> -> memref<1x80x128xf32, #tpu.memory_space<vmem>>
      %dma_wait3A_790 = tpu.memref_squeeze %dma_wait3A_789 : memref<1x80x128xf32, #tpu.memory_space<vmem>> -> memref<80x128xf32, #tpu.memory_space<vmem>>
      %dma_wait3A_791 = arith.constant 0 : i32
      %dma_wait3A_792 = tpu.memref_slice %arg11[%add3A_526, %dma_wait3A_791] : memref<10240x128xf32, #tpu.memory_space<vmem_shared>> -> memref<80x128xf32, #tpu.memory_space<vmem_shared>>
      tpu.wait_dma2 semaphore(%run_scoped3A_768 : memref<!tpu.dma_semaphore, #tpu.memory_space<semaphore_mem>>) src(%dma_wait3A_792 : memref<80x128xf32, #tpu.memory_space<vmem_shared>>) dst(%dma_wait3A_790 : memref<80x128xf32, #tpu.memory_space<vmem>>)
      tpu.yield
    }) : () -> ()
    %mul3A_528 = arith.constant 640 : i32
    %mul3A_529 = arith.muli %arg1, %mul3A_528 : i32
    %add3A_530 = arith.constant 320 : i32
    %add3A_531 = arith.addi %mul3A_529, %add3A_530 : i32
    %dma_start3A_532 = arith.constant 0 : i32
    %dma_start3A_533 = arith.constant 0 : i32
    %dma_start3A_534 = arith.constant 0 : i32
    %dma_start3A_535 = tpu.memref_slice %arg10[%dma_start3A_532, %dma_start3A_533, %dma_start3A_534] : memref<2x80x128xf32, #tpu.memory_space<vmem>> -> memref<1x80x128xf32, #tpu.memory_space<vmem>>
    %dma_start3A_536 = tpu.memref_squeeze %dma_start3A_535 : memref<1x80x128xf32, #tpu.memory_space<vmem>> -> memref<80x128xf32, #tpu.memory_space<vmem>>
    %dma_start3A_537 = arith.constant 0 : i32
    %dma_start3A_538 = arith.constant 0 : i32
    %dma_start3A_539 = tpu.memref_slice %arg5[%arg0, %dma_start3A_537, %dma_start3A_538] : memref<2x10240x128xf32, #tpu.memory_space<hbm>> -> memref<1x10240x128xf32, #tpu.memory_space<hbm>>
    %dma_start3A_540 = tpu.memref_squeeze %dma_start3A_539 : memref<1x10240x128xf32, #tpu.memory_space<hbm>> -> memref<10240x128xf32, #tpu.memory_space<hbm>>
    %dma_start3A_541 = arith.constant 0 : i32
    %dma_start3A_542 = tpu.memref_slice %dma_start3A_540[%add3A_531, %dma_start3A_541] : memref<10240x128xf32, #tpu.memory_space<hbm>> -> memref<80x128xf32, #tpu.memory_space<hbm>>
    %dma_start3A_543 = arith.constant 0 : i32
    %dma_start3A_544 = arith.constant 0 : i32
    %dma_start3A_545 = tpu.memref_slice %arg5[%arg0, %dma_start3A_543, %dma_start3A_544] : memref<2x10240x128xf32, #tpu.memory_space<hbm>> -> memref<1x10240x128xf32, #tpu.memory_space<hbm>>
    %dma_start3A_546 = tpu.memref_squeeze %dma_start3A_545 : memref<1x10240x128xf32, #tpu.memory_space<hbm>> -> memref<10240x128xf32, #tpu.memory_space<hbm>>
    %dma_start3A_547 = arith.constant 0 : i32
    %dma_start3A_548 = tpu.memref_slice %dma_start3A_546[%add3A_531, %dma_start3A_547] : memref<10240x128xf32, #tpu.memory_space<hbm>> -> memref<80x128xf32, #tpu.memory_space<hbm>>
    %dma_start3A_549 = arith.constant 0 : i32
    %dma_start3A_550 = arith.constant 0 : i32
    %dma_start3A_551 = tpu.memref_slice %arg10[%dma_start3A_532, %dma_start3A_549, %dma_start3A_550] : memref<2x80x128xf32, #tpu.memory_space<vmem>> -> memref<1x80x128xf32, #tpu.memory_space<vmem>>
    %dma_start3A_552 = tpu.memref_squeeze %dma_start3A_551 : memref<1x80x128xf32, #tpu.memory_space<vmem>> -> memref<80x128xf32, #tpu.memory_space<vmem>>
    tpu.enqueue_dma source(%dma_start3A_552 : memref<80x128xf32, #tpu.memory_space<vmem>>) target(%dma_start3A_548 : memref<80x128xf32, #tpu.memory_space<hbm>>) target_semaphore(%arg12 : memref<!tpu.dma_semaphore, #tpu.memory_space<semaphore_mem>>)
    %mul3A_553 = arith.constant 640 : i32
    %mul3A_554 = arith.muli %arg1, %mul3A_553 : i32
    %add3A_555 = arith.constant 240 : i32
    %add3A_556 = arith.addi %mul3A_554, %add3A_555 : i32
    %dma_wait3A_557 = arith.constant 1 : i32
    %dma_wait3A_558 = arith.constant 0 : i32
    %dma_wait3A_559 = arith.constant 0 : i32
    %dma_wait3A_560 = tpu.memref_slice %arg10[%dma_wait3A_557, %dma_wait3A_558, %dma_wait3A_559] : memref<2x80x128xf32, #tpu.memory_space<vmem>> -> memref<1x80x128xf32, #tpu.memory_space<vmem>>
    %dma_wait3A_561 = tpu.memref_squeeze %dma_wait3A_560 : memref<1x80x128xf32, #tpu.memory_space<vmem>> -> memref<80x128xf32, #tpu.memory_space<vmem>>
    %dma_wait3A_562 = arith.constant 0 : i32
    %dma_wait3A_563 = arith.constant 0 : i32
    %dma_wait3A_564 = tpu.memref_slice %arg5[%arg0, %dma_wait3A_562, %dma_wait3A_563] : memref<2x10240x128xf32, #tpu.memory_space<hbm>> -> memref<1x10240x128xf32, #tpu.memory_space<hbm>>
    %dma_wait3A_565 = tpu.memref_squeeze %dma_wait3A_564 : memref<1x10240x128xf32, #tpu.memory_space<hbm>> -> memref<10240x128xf32, #tpu.memory_space<hbm>>
    %dma_wait3A_566 = arith.constant 0 : i32
    %dma_wait3A_567 = tpu.memref_slice %dma_wait3A_565[%add3A_556, %dma_wait3A_566] : memref<10240x128xf32, #tpu.memory_space<hbm>> -> memref<80x128xf32, #tpu.memory_space<hbm>>
    %dma_wait3A_568 = arith.constant 0 : i32
    %dma_wait3A_569 = arith.constant 0 : i32
    %dma_wait3A_570 = tpu.memref_slice %arg5[%arg0, %dma_wait3A_568, %dma_wait3A_569] : memref<2x10240x128xf32, #tpu.memory_space<hbm>> -> memref<1x10240x128xf32, #tpu.memory_space<hbm>>
    %dma_wait3A_571 = tpu.memref_squeeze %dma_wait3A_570 : memref<1x10240x128xf32, #tpu.memory_space<hbm>> -> memref<10240x128xf32, #tpu.memory_space<hbm>>
    %dma_wait3A_572 = arith.constant 0 : i32
    %dma_wait3A_573 = tpu.memref_slice %dma_wait3A_571[%add3A_556, %dma_wait3A_572] : memref<10240x128xf32, #tpu.memory_space<hbm>> -> memref<80x128xf32, #tpu.memory_space<hbm>>
    %dma_wait3A_574 = arith.constant 0 : i32
    %dma_wait3A_575 = arith.constant 0 : i32
    %dma_wait3A_576 = tpu.memref_slice %arg10[%dma_wait3A_557, %dma_wait3A_574, %dma_wait3A_575] : memref<2x80x128xf32, #tpu.memory_space<vmem>> -> memref<1x80x128xf32, #tpu.memory_space<vmem>>
    %dma_wait3A_577 = tpu.memref_squeeze %dma_wait3A_576 : memref<1x80x128xf32, #tpu.memory_space<vmem>> -> memref<80x128xf32, #tpu.memory_space<vmem>>
    tpu.wait_dma2 semaphore(%arg13 : memref<!tpu.dma_semaphore, #tpu.memory_space<semaphore_mem>>) src(%dma_wait3A_577 : memref<80x128xf32, #tpu.memory_space<vmem>>) dst(%dma_wait3A_573 : memref<80x128xf32, #tpu.memory_space<hbm>>)
    %mul3A_578 = arith.constant 640 : i32
    %mul3A_579 = arith.muli %arg1, %mul3A_578 : i32
    %add3A_580 = arith.constant 400 : i32
    %add3A_581 = arith.addi %mul3A_579, %add3A_580 : i32
    %run_scoped3A_582 = arith.constant 1 : i32
    "tpu.region"() ({
      %run_scoped3A_768 = tpu.sem_alloc : memref<!tpu.dma_semaphore, #tpu.memory_space<semaphore_mem>>
      %dma_start3A_769 = arith.constant 0 : i32
      %dma_start3A_770 = arith.constant 0 : i32
      %dma_start3A_771 = tpu.memref_slice %arg10[%run_scoped3A_582, %dma_start3A_769, %dma_start3A_770] : memref<2x80x128xf32, #tpu.memory_space<vmem>> -> memref<1x80x128xf32, #tpu.memory_space<vmem>>
      %dma_start3A_772 = tpu.memref_squeeze %dma_start3A_771 : memref<1x80x128xf32, #tpu.memory_space<vmem>> -> memref<80x128xf32, #tpu.memory_space<vmem>>
      %dma_start3A_773 = arith.constant 0 : i32
      %dma_start3A_774 = tpu.memref_slice %arg11[%add3A_581, %dma_start3A_773] : memref<10240x128xf32, #tpu.memory_space<vmem_shared>> -> memref<80x128xf32, #tpu.memory_space<vmem_shared>>
      %dma_start3A_775 = arith.constant 0 : i32
      %dma_start3A_776 = arith.constant 0 : i32
      %dma_start3A_777 = tpu.memref_slice %arg10[%run_scoped3A_582, %dma_start3A_775, %dma_start3A_776] : memref<2x80x128xf32, #tpu.memory_space<vmem>> -> memref<1x80x128xf32, #tpu.memory_space<vmem>>
      %dma_start3A_778 = tpu.memref_squeeze %dma_start3A_777 : memref<1x80x128xf32, #tpu.memory_space<vmem>> -> memref<80x128xf32, #tpu.memory_space<vmem>>
      %dma_start3A_779 = arith.constant 0 : i32
      %dma_start3A_780 = tpu.memref_slice %arg11[%add3A_581, %dma_start3A_779] : memref<10240x128xf32, #tpu.memory_space<vmem_shared>> -> memref<80x128xf32, #tpu.memory_space<vmem_shared>>
      tpu.enqueue_dma source(%dma_start3A_780 : memref<80x128xf32, #tpu.memory_space<vmem_shared>>) target(%dma_start3A_778 : memref<80x128xf32, #tpu.memory_space<vmem>>) target_semaphore(%run_scoped3A_768 : memref<!tpu.dma_semaphore, #tpu.memory_space<semaphore_mem>>)
      %dma_wait3A_781 = arith.constant 0 : i32
      %dma_wait3A_782 = arith.constant 0 : i32
      %dma_wait3A_783 = tpu.memref_slice %arg10[%run_scoped3A_582, %dma_wait3A_781, %dma_wait3A_782] : memref<2x80x128xf32, #tpu.memory_space<vmem>> -> memref<1x80x128xf32, #tpu.memory_space<vmem>>
      %dma_wait3A_784 = tpu.memref_squeeze %dma_wait3A_783 : memref<1x80x128xf32, #tpu.memory_space<vmem>> -> memref<80x128xf32, #tpu.memory_space<vmem>>
      %dma_wait3A_785 = arith.constant 0 : i32
      %dma_wait3A_786 = tpu.memref_slice %arg11[%add3A_581, %dma_wait3A_785] : memref<10240x128xf32, #tpu.memory_space<vmem_shared>> -> memref<80x128xf32, #tpu.memory_space<vmem_shared>>
      %dma_wait3A_787 = arith.constant 0 : i32
      %dma_wait3A_788 = arith.constant 0 : i32
      %dma_wait3A_789 = tpu.memref_slice %arg10[%run_scoped3A_582, %dma_wait3A_787, %dma_wait3A_788] : memref<2x80x128xf32, #tpu.memory_space<vmem>> -> memref<1x80x128xf32, #tpu.memory_space<vmem>>
      %dma_wait3A_790 = tpu.memref_squeeze %dma_wait3A_789 : memref<1x80x128xf32, #tpu.memory_space<vmem>> -> memref<80x128xf32, #tpu.memory_space<vmem>>
      %dma_wait3A_791 = arith.constant 0 : i32
      %dma_wait3A_792 = tpu.memref_slice %arg11[%add3A_581, %dma_wait3A_791] : memref<10240x128xf32, #tpu.memory_space<vmem_shared>> -> memref<80x128xf32, #tpu.memory_space<vmem_shared>>
      tpu.wait_dma2 semaphore(%run_scoped3A_768 : memref<!tpu.dma_semaphore, #tpu.memory_space<semaphore_mem>>) src(%dma_wait3A_792 : memref<80x128xf32, #tpu.memory_space<vmem_shared>>) dst(%dma_wait3A_790 : memref<80x128xf32, #tpu.memory_space<vmem>>)
      tpu.yield
    }) : () -> ()
    %mul3A_583 = arith.constant 640 : i32
    %mul3A_584 = arith.muli %arg1, %mul3A_583 : i32
    %add3A_585 = arith.constant 400 : i32
    %add3A_586 = arith.addi %mul3A_584, %add3A_585 : i32
    %dma_start3A_587 = arith.constant 1 : i32
    %dma_start3A_588 = arith.constant 0 : i32
    %dma_start3A_589 = arith.constant 0 : i32
    %dma_start3A_590 = tpu.memref_slice %arg10[%dma_start3A_587, %dma_start3A_588, %dma_start3A_589] : memref<2x80x128xf32, #tpu.memory_space<vmem>> -> memref<1x80x128xf32, #tpu.memory_space<vmem>>
    %dma_start3A_591 = tpu.memref_squeeze %dma_start3A_590 : memref<1x80x128xf32, #tpu.memory_space<vmem>> -> memref<80x128xf32, #tpu.memory_space<vmem>>
    %dma_start3A_592 = arith.constant 0 : i32
    %dma_start3A_593 = arith.constant 0 : i32
    %dma_start3A_594 = tpu.memref_slice %arg5[%arg0, %dma_start3A_592, %dma_start3A_593] : memref<2x10240x128xf32, #tpu.memory_space<hbm>> -> memref<1x10240x128xf32, #tpu.memory_space<hbm>>
    %dma_start3A_595 = tpu.memref_squeeze %dma_start3A_594 : memref<1x10240x128xf32, #tpu.memory_space<hbm>> -> memref<10240x128xf32, #tpu.memory_space<hbm>>
    %dma_start3A_596 = arith.constant 0 : i32
    %dma_start3A_597 = tpu.memref_slice %dma_start3A_595[%add3A_586, %dma_start3A_596] : memref<10240x128xf32, #tpu.memory_space<hbm>> -> memref<80x128xf32, #tpu.memory_space<hbm>>
    %dma_start3A_598 = arith.constant 0 : i32
    %dma_start3A_599 = arith.constant 0 : i32
    %dma_start3A_600 = tpu.memref_slice %arg5[%arg0, %dma_start3A_598, %dma_start3A_599] : memref<2x10240x128xf32, #tpu.memory_space<hbm>> -> memref<1x10240x128xf32, #tpu.memory_space<hbm>>
    %dma_start3A_601 = tpu.memref_squeeze %dma_start3A_600 : memref<1x10240x128xf32, #tpu.memory_space<hbm>> -> memref<10240x128xf32, #tpu.memory_space<hbm>>
    %dma_start3A_602 = arith.constant 0 : i32
    %dma_start3A_603 = tpu.memref_slice %dma_start3A_601[%add3A_586, %dma_start3A_602] : memref<10240x128xf32, #tpu.memory_space<hbm>> -> memref<80x128xf32, #tpu.memory_space<hbm>>
    %dma_start3A_604 = arith.constant 0 : i32
    %dma_start3A_605 = arith.constant 0 : i32
    %dma_start3A_606 = tpu.memref_slice %arg10[%dma_start3A_587, %dma_start3A_604, %dma_start3A_605] : memref<2x80x128xf32, #tpu.memory_space<vmem>> -> memref<1x80x128xf32, #tpu.memory_space<vmem>>
    %dma_start3A_607 = tpu.memref_squeeze %dma_start3A_606 : memref<1x80x128xf32, #tpu.memory_space<vmem>> -> memref<80x128xf32, #tpu.memory_space<vmem>>
    tpu.enqueue_dma source(%dma_start3A_607 : memref<80x128xf32, #tpu.memory_space<vmem>>) target(%dma_start3A_603 : memref<80x128xf32, #tpu.memory_space<hbm>>) target_semaphore(%arg13 : memref<!tpu.dma_semaphore, #tpu.memory_space<semaphore_mem>>)
    %mul3A_608 = arith.constant 640 : i32
    %mul3A_609 = arith.muli %arg1, %mul3A_608 : i32
    %add3A_610 = arith.constant 320 : i32
    %add3A_611 = arith.addi %mul3A_609, %add3A_610 : i32
    %dma_wait3A_612 = arith.constant 0 : i32
    %dma_wait3A_613 = arith.constant 0 : i32
    %dma_wait3A_614 = arith.constant 0 : i32
    %dma_wait3A_615 = tpu.memref_slice %arg10[%dma_wait3A_612, %dma_wait3A_613, %dma_wait3A_614] : memref<2x80x128xf32, #tpu.memory_space<vmem>> -> memref<1x80x128xf32, #tpu.memory_space<vmem>>
    %dma_wait3A_616 = tpu.memref_squeeze %dma_wait3A_615 : memref<1x80x128xf32, #tpu.memory_space<vmem>> -> memref<80x128xf32, #tpu.memory_space<vmem>>
    %dma_wait3A_617 = arith.constant 0 : i32
    %dma_wait3A_618 = arith.constant 0 : i32
    %dma_wait3A_619 = tpu.memref_slice %arg5[%arg0, %dma_wait3A_617, %dma_wait3A_618] : memref<2x10240x128xf32, #tpu.memory_space<hbm>> -> memref<1x10240x128xf32, #tpu.memory_space<hbm>>
    %dma_wait3A_620 = tpu.memref_squeeze %dma_wait3A_619 : memref<1x10240x128xf32, #tpu.memory_space<hbm>> -> memref<10240x128xf32, #tpu.memory_space<hbm>>
    %dma_wait3A_621 = arith.constant 0 : i32
    %dma_wait3A_622 = tpu.memref_slice %dma_wait3A_620[%add3A_611, %dma_wait3A_621] : memref<10240x128xf32, #tpu.memory_space<hbm>> -> memref<80x128xf32, #tpu.memory_space<hbm>>
    %dma_wait3A_623 = arith.constant 0 : i32
    %dma_wait3A_624 = arith.constant 0 : i32
    %dma_wait3A_625 = tpu.memref_slice %arg5[%arg0, %dma_wait3A_623, %dma_wait3A_624] : memref<2x10240x128xf32, #tpu.memory_space<hbm>> -> memref<1x10240x128xf32, #tpu.memory_space<hbm>>
    %dma_wait3A_626 = tpu.memref_squeeze %dma_wait3A_625 : memref<1x10240x128xf32, #tpu.memory_space<hbm>> -> memref<10240x128xf32, #tpu.memory_space<hbm>>
    %dma_wait3A_627 = arith.constant 0 : i32
    %dma_wait3A_628 = tpu.memref_slice %dma_wait3A_626[%add3A_611, %dma_wait3A_627] : memref<10240x128xf32, #tpu.memory_space<hbm>> -> memref<80x128xf32, #tpu.memory_space<hbm>>
    %dma_wait3A_629 = arith.constant 0 : i32
    %dma_wait3A_630 = arith.constant 0 : i32
    %dma_wait3A_631 = tpu.memref_slice %arg10[%dma_wait3A_612, %dma_wait3A_629, %dma_wait3A_630] : memref<2x80x128xf32, #tpu.memory_space<vmem>> -> memref<1x80x128xf32, #tpu.memory_space<vmem>>
    %dma_wait3A_632 = tpu.memref_squeeze %dma_wait3A_631 : memref<1x80x128xf32, #tpu.memory_space<vmem>> -> memref<80x128xf32, #tpu.memory_space<vmem>>
    tpu.wait_dma2 semaphore(%arg12 : memref<!tpu.dma_semaphore, #tpu.memory_space<semaphore_mem>>) src(%dma_wait3A_632 : memref<80x128xf32, #tpu.memory_space<vmem>>) dst(%dma_wait3A_628 : memref<80x128xf32, #tpu.memory_space<hbm>>)
    %mul3A_633 = arith.constant 640 : i32
    %mul3A_634 = arith.muli %arg1, %mul3A_633 : i32
    %add3A_635 = arith.constant 480 : i32
    %add3A_636 = arith.addi %mul3A_634, %add3A_635 : i32
    %run_scoped3A_637 = arith.constant 0 : i32
    "tpu.region"() ({
      %run_scoped3A_768 = tpu.sem_alloc : memref<!tpu.dma_semaphore, #tpu.memory_space<semaphore_mem>>
      %dma_start3A_769 = arith.constant 0 : i32
      %dma_start3A_770 = arith.constant 0 : i32
      %dma_start3A_771 = tpu.memref_slice %arg10[%run_scoped3A_637, %dma_start3A_769, %dma_start3A_770] : memref<2x80x128xf32, #tpu.memory_space<vmem>> -> memref<1x80x128xf32, #tpu.memory_space<vmem>>
      %dma_start3A_772 = tpu.memref_squeeze %dma_start3A_771 : memref<1x80x128xf32, #tpu.memory_space<vmem>> -> memref<80x128xf32, #tpu.memory_space<vmem>>
      %dma_start3A_773 = arith.constant 0 : i32
      %dma_start3A_774 = tpu.memref_slice %arg11[%add3A_636, %dma_start3A_773] : memref<10240x128xf32, #tpu.memory_space<vmem_shared>> -> memref<80x128xf32, #tpu.memory_space<vmem_shared>>
      %dma_start3A_775 = arith.constant 0 : i32
      %dma_start3A_776 = arith.constant 0 : i32
      %dma_start3A_777 = tpu.memref_slice %arg10[%run_scoped3A_637, %dma_start3A_775, %dma_start3A_776] : memref<2x80x128xf32, #tpu.memory_space<vmem>> -> memref<1x80x128xf32, #tpu.memory_space<vmem>>
      %dma_start3A_778 = tpu.memref_squeeze %dma_start3A_777 : memref<1x80x128xf32, #tpu.memory_space<vmem>> -> memref<80x128xf32, #tpu.memory_space<vmem>>
      %dma_start3A_779 = arith.constant 0 : i32
      %dma_start3A_780 = tpu.memref_slice %arg11[%add3A_636, %dma_start3A_779] : memref<10240x128xf32, #tpu.memory_space<vmem_shared>> -> memref<80x128xf32, #tpu.memory_space<vmem_shared>>
      tpu.enqueue_dma source(%dma_start3A_780 : memref<80x128xf32, #tpu.memory_space<vmem_shared>>) target(%dma_start3A_778 : memref<80x128xf32, #tpu.memory_space<vmem>>) target_semaphore(%run_scoped3A_768 : memref<!tpu.dma_semaphore, #tpu.memory_space<semaphore_mem>>)
      %dma_wait3A_781 = arith.constant 0 : i32
      %dma_wait3A_782 = arith.constant 0 : i32
      %dma_wait3A_783 = tpu.memref_slice %arg10[%run_scoped3A_637, %dma_wait3A_781, %dma_wait3A_782] : memref<2x80x128xf32, #tpu.memory_space<vmem>> -> memref<1x80x128xf32, #tpu.memory_space<vmem>>
      %dma_wait3A_784 = tpu.memref_squeeze %dma_wait3A_783 : memref<1x80x128xf32, #tpu.memory_space<vmem>> -> memref<80x128xf32, #tpu.memory_space<vmem>>
      %dma_wait3A_785 = arith.constant 0 : i32
      %dma_wait3A_786 = tpu.memref_slice %arg11[%add3A_636, %dma_wait3A_785] : memref<10240x128xf32, #tpu.memory_space<vmem_shared>> -> memref<80x128xf32, #tpu.memory_space<vmem_shared>>
      %dma_wait3A_787 = arith.constant 0 : i32
      %dma_wait3A_788 = arith.constant 0 : i32
      %dma_wait3A_789 = tpu.memref_slice %arg10[%run_scoped3A_637, %dma_wait3A_787, %dma_wait3A_788] : memref<2x80x128xf32, #tpu.memory_space<vmem>> -> memref<1x80x128xf32, #tpu.memory_space<vmem>>
      %dma_wait3A_790 = tpu.memref_squeeze %dma_wait3A_789 : memref<1x80x128xf32, #tpu.memory_space<vmem>> -> memref<80x128xf32, #tpu.memory_space<vmem>>
      %dma_wait3A_791 = arith.constant 0 : i32
      %dma_wait3A_792 = tpu.memref_slice %arg11[%add3A_636, %dma_wait3A_791] : memref<10240x128xf32, #tpu.memory_space<vmem_shared>> -> memref<80x128xf32, #tpu.memory_space<vmem_shared>>
      tpu.wait_dma2 semaphore(%run_scoped3A_768 : memref<!tpu.dma_semaphore, #tpu.memory_space<semaphore_mem>>) src(%dma_wait3A_792 : memref<80x128xf32, #tpu.memory_space<vmem_shared>>) dst(%dma_wait3A_790 : memref<80x128xf32, #tpu.memory_space<vmem>>)
      tpu.yield
    }) : () -> ()
    %mul3A_638 = arith.constant 640 : i32
    %mul3A_639 = arith.muli %arg1, %mul3A_638 : i32
    %add3A_640 = arith.constant 480 : i32
    %add3A_641 = arith.addi %mul3A_639, %add3A_640 : i32
    %dma_start3A_642 = arith.constant 0 : i32
    %dma_start3A_643 = arith.constant 0 : i32
    %dma_start3A_644 = arith.constant 0 : i32
    %dma_start3A_645 = tpu.memref_slice %arg10[%dma_start3A_642, %dma_start3A_643, %dma_start3A_644] : memref<2x80x128xf32, #tpu.memory_space<vmem>> -> memref<1x80x128xf32, #tpu.memory_space<vmem>>
    %dma_start3A_646 = tpu.memref_squeeze %dma_start3A_645 : memref<1x80x128xf32, #tpu.memory_space<vmem>> -> memref<80x128xf32, #tpu.memory_space<vmem>>
    %dma_start3A_647 = arith.constant 0 : i32
    %dma_start3A_648 = arith.constant 0 : i32
    %dma_start3A_649 = tpu.memref_slice %arg5[%arg0, %dma_start3A_647, %dma_start3A_648] : memref<2x10240x128xf32, #tpu.memory_space<hbm>> -> memref<1x10240x128xf32, #tpu.memory_space<hbm>>
    %dma_start3A_650 = tpu.memref_squeeze %dma_start3A_649 : memref<1x10240x128xf32, #tpu.memory_space<hbm>> -> memref<10240x128xf32, #tpu.memory_space<hbm>>
    %dma_start3A_651 = arith.constant 0 : i32
    %dma_start3A_652 = tpu.memref_slice %dma_start3A_650[%add3A_641, %dma_start3A_651] : memref<10240x128xf32, #tpu.memory_space<hbm>> -> memref<80x128xf32, #tpu.memory_space<hbm>>
    %dma_start3A_653 = arith.constant 0 : i32
    %dma_start3A_654 = arith.constant 0 : i32
    %dma_start3A_655 = tpu.memref_slice %arg5[%arg0, %dma_start3A_653, %dma_start3A_654] : memref<2x10240x128xf32, #tpu.memory_space<hbm>> -> memref<1x10240x128xf32, #tpu.memory_space<hbm>>
    %dma_start3A_656 = tpu.memref_squeeze %dma_start3A_655 : memref<1x10240x128xf32, #tpu.memory_space<hbm>> -> memref<10240x128xf32, #tpu.memory_space<hbm>>
    %dma_start3A_657 = arith.constant 0 : i32
    %dma_start3A_658 = tpu.memref_slice %dma_start3A_656[%add3A_641, %dma_start3A_657] : memref<10240x128xf32, #tpu.memory_space<hbm>> -> memref<80x128xf32, #tpu.memory_space<hbm>>
    %dma_start3A_659 = arith.constant 0 : i32
    %dma_start3A_660 = arith.constant 0 : i32
    %dma_start3A_661 = tpu.memref_slice %arg10[%dma_start3A_642, %dma_start3A_659, %dma_start3A_660] : memref<2x80x128xf32, #tpu.memory_space<vmem>> -> memref<1x80x128xf32, #tpu.memory_space<vmem>>
    %dma_start3A_662 = tpu.memref_squeeze %dma_start3A_661 : memref<1x80x128xf32, #tpu.memory_space<vmem>> -> memref<80x128xf32, #tpu.memory_space<vmem>>
    tpu.enqueue_dma source(%dma_start3A_662 : memref<80x128xf32, #tpu.memory_space<vmem>>) target(%dma_start3A_658 : memref<80x128xf32, #tpu.memory_space<hbm>>) target_semaphore(%arg12 : memref<!tpu.dma_semaphore, #tpu.memory_space<semaphore_mem>>)
    %mul3A_663 = arith.constant 640 : i32
    %mul3A_664 = arith.muli %arg1, %mul3A_663 : i32
    %add3A_665 = arith.constant 400 : i32
    %add3A_666 = arith.addi %mul3A_664, %add3A_665 : i32
    %dma_wait3A_667 = arith.constant 1 : i32
    %dma_wait3A_668 = arith.constant 0 : i32
    %dma_wait3A_669 = arith.constant 0 : i32
    %dma_wait3A_670 = tpu.memref_slice %arg10[%dma_wait3A_667, %dma_wait3A_668, %dma_wait3A_669] : memref<2x80x128xf32, #tpu.memory_space<vmem>> -> memref<1x80x128xf32, #tpu.memory_space<vmem>>
    %dma_wait3A_671 = tpu.memref_squeeze %dma_wait3A_670 : memref<1x80x128xf32, #tpu.memory_space<vmem>> -> memref<80x128xf32, #tpu.memory_space<vmem>>
    %dma_wait3A_672 = arith.constant 0 : i32
    %dma_wait3A_673 = arith.constant 0 : i32
    %dma_wait3A_674 = tpu.memref_slice %arg5[%arg0, %dma_wait3A_672, %dma_wait3A_673] : memref<2x10240x128xf32, #tpu.memory_space<hbm>> -> memref<1x10240x128xf32, #tpu.memory_space<hbm>>
    %dma_wait3A_675 = tpu.memref_squeeze %dma_wait3A_674 : memref<1x10240x128xf32, #tpu.memory_space<hbm>> -> memref<10240x128xf32, #tpu.memory_space<hbm>>
    %dma_wait3A_676 = arith.constant 0 : i32
    %dma_wait3A_677 = tpu.memref_slice %dma_wait3A_675[%add3A_666, %dma_wait3A_676] : memref<10240x128xf32, #tpu.memory_space<hbm>> -> memref<80x128xf32, #tpu.memory_space<hbm>>
    %dma_wait3A_678 = arith.constant 0 : i32
    %dma_wait3A_679 = arith.constant 0 : i32
    %dma_wait3A_680 = tpu.memref_slice %arg5[%arg0, %dma_wait3A_678, %dma_wait3A_679] : memref<2x10240x128xf32, #tpu.memory_space<hbm>> -> memref<1x10240x128xf32, #tpu.memory_space<hbm>>
    %dma_wait3A_681 = tpu.memref_squeeze %dma_wait3A_680 : memref<1x10240x128xf32, #tpu.memory_space<hbm>> -> memref<10240x128xf32, #tpu.memory_space<hbm>>
    %dma_wait3A_682 = arith.constant 0 : i32
    %dma_wait3A_683 = tpu.memref_slice %dma_wait3A_681[%add3A_666, %dma_wait3A_682] : memref<10240x128xf32, #tpu.memory_space<hbm>> -> memref<80x128xf32, #tpu.memory_space<hbm>>
    %dma_wait3A_684 = arith.constant 0 : i32
    %dma_wait3A_685 = arith.constant 0 : i32
    %dma_wait3A_686 = tpu.memref_slice %arg10[%dma_wait3A_667, %dma_wait3A_684, %dma_wait3A_685] : memref<2x80x128xf32, #tpu.memory_space<vmem>> -> memref<1x80x128xf32, #tpu.memory_space<vmem>>
    %dma_wait3A_687 = tpu.memref_squeeze %dma_wait3A_686 : memref<1x80x128xf32, #tpu.memory_space<vmem>> -> memref<80x128xf32, #tpu.memory_space<vmem>>
    tpu.wait_dma2 semaphore(%arg13 : memref<!tpu.dma_semaphore, #tpu.memory_space<semaphore_mem>>) src(%dma_wait3A_687 : memref<80x128xf32, #tpu.memory_space<vmem>>) dst(%dma_wait3A_683 : memref<80x128xf32, #tpu.memory_space<hbm>>)
    %mul3A_688 = arith.constant 640 : i32
    %mul3A_689 = arith.muli %arg1, %mul3A_688 : i32
    %add3A_690 = arith.constant 560 : i32
    %add3A_691 = arith.addi %mul3A_689, %add3A_690 : i32
    %run_scoped3A_692 = arith.constant 1 : i32
    "tpu.region"() ({
      %run_scoped3A_768 = tpu.sem_alloc : memref<!tpu.dma_semaphore, #tpu.memory_space<semaphore_mem>>
      %dma_start3A_769 = arith.constant 0 : i32
      %dma_start3A_770 = arith.constant 0 : i32
      %dma_start3A_771 = tpu.memref_slice %arg10[%run_scoped3A_692, %dma_start3A_769, %dma_start3A_770] : memref<2x80x128xf32, #tpu.memory_space<vmem>> -> memref<1x80x128xf32, #tpu.memory_space<vmem>>
      %dma_start3A_772 = tpu.memref_squeeze %dma_start3A_771 : memref<1x80x128xf32, #tpu.memory_space<vmem>> -> memref<80x128xf32, #tpu.memory_space<vmem>>
      %dma_start3A_773 = arith.constant 0 : i32
      %dma_start3A_774 = tpu.memref_slice %arg11[%add3A_691, %dma_start3A_773] : memref<10240x128xf32, #tpu.memory_space<vmem_shared>> -> memref<80x128xf32, #tpu.memory_space<vmem_shared>>
      %dma_start3A_775 = arith.constant 0 : i32
      %dma_start3A_776 = arith.constant 0 : i32
      %dma_start3A_777 = tpu.memref_slice %arg10[%run_scoped3A_692, %dma_start3A_775, %dma_start3A_776] : memref<2x80x128xf32, #tpu.memory_space<vmem>> -> memref<1x80x128xf32, #tpu.memory_space<vmem>>
      %dma_start3A_778 = tpu.memref_squeeze %dma_start3A_777 : memref<1x80x128xf32, #tpu.memory_space<vmem>> -> memref<80x128xf32, #tpu.memory_space<vmem>>
      %dma_start3A_779 = arith.constant 0 : i32
      %dma_start3A_780 = tpu.memref_slice %arg11[%add3A_691, %dma_start3A_779] : memref<10240x128xf32, #tpu.memory_space<vmem_shared>> -> memref<80x128xf32, #tpu.memory_space<vmem_shared>>
      tpu.enqueue_dma source(%dma_start3A_780 : memref<80x128xf32, #tpu.memory_space<vmem_shared>>) target(%dma_start3A_778 : memref<80x128xf32, #tpu.memory_space<vmem>>) target_semaphore(%run_scoped3A_768 : memref<!tpu.dma_semaphore, #tpu.memory_space<semaphore_mem>>)
      %dma_wait3A_781 = arith.constant 0 : i32
      %dma_wait3A_782 = arith.constant 0 : i32
      %dma_wait3A_783 = tpu.memref_slice %arg10[%run_scoped3A_692, %dma_wait3A_781, %dma_wait3A_782] : memref<2x80x128xf32, #tpu.memory_space<vmem>> -> memref<1x80x128xf32, #tpu.memory_space<vmem>>
      %dma_wait3A_784 = tpu.memref_squeeze %dma_wait3A_783 : memref<1x80x128xf32, #tpu.memory_space<vmem>> -> memref<80x128xf32, #tpu.memory_space<vmem>>
      %dma_wait3A_785 = arith.constant 0 : i32
      %dma_wait3A_786 = tpu.memref_slice %arg11[%add3A_691, %dma_wait3A_785] : memref<10240x128xf32, #tpu.memory_space<vmem_shared>> -> memref<80x128xf32, #tpu.memory_space<vmem_shared>>
      %dma_wait3A_787 = arith.constant 0 : i32
      %dma_wait3A_788 = arith.constant 0 : i32
      %dma_wait3A_789 = tpu.memref_slice %arg10[%run_scoped3A_692, %dma_wait3A_787, %dma_wait3A_788] : memref<2x80x128xf32, #tpu.memory_space<vmem>> -> memref<1x80x128xf32, #tpu.memory_space<vmem>>
      %dma_wait3A_790 = tpu.memref_squeeze %dma_wait3A_789 : memref<1x80x128xf32, #tpu.memory_space<vmem>> -> memref<80x128xf32, #tpu.memory_space<vmem>>
      %dma_wait3A_791 = arith.constant 0 : i32
      %dma_wait3A_792 = tpu.memref_slice %arg11[%add3A_691, %dma_wait3A_791] : memref<10240x128xf32, #tpu.memory_space<vmem_shared>> -> memref<80x128xf32, #tpu.memory_space<vmem_shared>>
      tpu.wait_dma2 semaphore(%run_scoped3A_768 : memref<!tpu.dma_semaphore, #tpu.memory_space<semaphore_mem>>) src(%dma_wait3A_792 : memref<80x128xf32, #tpu.memory_space<vmem_shared>>) dst(%dma_wait3A_790 : memref<80x128xf32, #tpu.memory_space<vmem>>)
      tpu.yield
    }) : () -> ()
    %mul3A_693 = arith.constant 640 : i32
    %mul3A_694 = arith.muli %arg1, %mul3A_693 : i32
    %add3A_695 = arith.constant 560 : i32
    %add3A_696 = arith.addi %mul3A_694, %add3A_695 : i32
    %dma_start3A_697 = arith.constant 1 : i32
    %dma_start3A_698 = arith.constant 0 : i32
    %dma_start3A_699 = arith.constant 0 : i32
    %dma_start3A_700 = tpu.memref_slice %arg10[%dma_start3A_697, %dma_start3A_698, %dma_start3A_699] : memref<2x80x128xf32, #tpu.memory_space<vmem>> -> memref<1x80x128xf32, #tpu.memory_space<vmem>>
    %dma_start3A_701 = tpu.memref_squeeze %dma_start3A_700 : memref<1x80x128xf32, #tpu.memory_space<vmem>> -> memref<80x128xf32, #tpu.memory_space<vmem>>
    %dma_start3A_702 = arith.constant 0 : i32
    %dma_start3A_703 = arith.constant 0 : i32
    %dma_start3A_704 = tpu.memref_slice %arg5[%arg0, %dma_start3A_702, %dma_start3A_703] : memref<2x10240x128xf32, #tpu.memory_space<hbm>> -> memref<1x10240x128xf32, #tpu.memory_space<hbm>>
    %dma_start3A_705 = tpu.memref_squeeze %dma_start3A_704 : memref<1x10240x128xf32, #tpu.memory_space<hbm>> -> memref<10240x128xf32, #tpu.memory_space<hbm>>
    %dma_start3A_706 = arith.constant 0 : i32
    %dma_start3A_707 = tpu.memref_slice %dma_start3A_705[%add3A_696, %dma_start3A_706] : memref<10240x128xf32, #tpu.memory_space<hbm>> -> memref<80x128xf32, #tpu.memory_space<hbm>>
    %dma_start3A_708 = arith.constant 0 : i32
    %dma_start3A_709 = arith.constant 0 : i32
    %dma_start3A_710 = tpu.memref_slice %arg5[%arg0, %dma_start3A_708, %dma_start3A_709] : memref<2x10240x128xf32, #tpu.memory_space<hbm>> -> memref<1x10240x128xf32, #tpu.memory_space<hbm>>
    %dma_start3A_711 = tpu.memref_squeeze %dma_start3A_710 : memref<1x10240x128xf32, #tpu.memory_space<hbm>> -> memref<10240x128xf32, #tpu.memory_space<hbm>>
    %dma_start3A_712 = arith.constant 0 : i32
    %dma_start3A_713 = tpu.memref_slice %dma_start3A_711[%add3A_696, %dma_start3A_712] : memref<10240x128xf32, #tpu.memory_space<hbm>> -> memref<80x128xf32, #tpu.memory_space<hbm>>
    %dma_start3A_714 = arith.constant 0 : i32
    %dma_start3A_715 = arith.constant 0 : i32
    %dma_start3A_716 = tpu.memref_slice %arg10[%dma_start3A_697, %dma_start3A_714, %dma_start3A_715] : memref<2x80x128xf32, #tpu.memory_space<vmem>> -> memref<1x80x128xf32, #tpu.memory_space<vmem>>
    %dma_start3A_717 = tpu.memref_squeeze %dma_start3A_716 : memref<1x80x128xf32, #tpu.memory_space<vmem>> -> memref<80x128xf32, #tpu.memory_space<vmem>>
    tpu.enqueue_dma source(%dma_start3A_717 : memref<80x128xf32, #tpu.memory_space<vmem>>) target(%dma_start3A_713 : memref<80x128xf32, #tpu.memory_space<hbm>>) target_semaphore(%arg13 : memref<!tpu.dma_semaphore, #tpu.memory_space<semaphore_mem>>)
    %mul3A_718 = arith.constant 640 : i32
    %mul3A_719 = arith.muli %arg1, %mul3A_718 : i32
    %add3A_720 = arith.constant 480 : i32
    %add3A_721 = arith.addi %mul3A_719, %add3A_720 : i32
    %dma_wait3A_722 = arith.constant 0 : i32
    %dma_wait3A_723 = arith.constant 0 : i32
    %dma_wait3A_724 = arith.constant 0 : i32
    %dma_wait3A_725 = tpu.memref_slice %arg10[%dma_wait3A_722, %dma_wait3A_723, %dma_wait3A_724] : memref<2x80x128xf32, #tpu.memory_space<vmem>> -> memref<1x80x128xf32, #tpu.memory_space<vmem>>
    %dma_wait3A_726 = tpu.memref_squeeze %dma_wait3A_725 : memref<1x80x128xf32, #tpu.memory_space<vmem>> -> memref<80x128xf32, #tpu.memory_space<vmem>>
    %dma_wait3A_727 = arith.constant 0 : i32
    %dma_wait3A_728 = arith.constant 0 : i32
    %dma_wait3A_729 = tpu.memref_slice %arg5[%arg0, %dma_wait3A_727, %dma_wait3A_728] : memref<2x10240x128xf32, #tpu.memory_space<hbm>> -> memref<1x10240x128xf32, #tpu.memory_space<hbm>>
    %dma_wait3A_730 = tpu.memref_squeeze %dma_wait3A_729 : memref<1x10240x128xf32, #tpu.memory_space<hbm>> -> memref<10240x128xf32, #tpu.memory_space<hbm>>
    %dma_wait3A_731 = arith.constant 0 : i32
    %dma_wait3A_732 = tpu.memref_slice %dma_wait3A_730[%add3A_721, %dma_wait3A_731] : memref<10240x128xf32, #tpu.memory_space<hbm>> -> memref<80x128xf32, #tpu.memory_space<hbm>>
    %dma_wait3A_733 = arith.constant 0 : i32
    %dma_wait3A_734 = arith.constant 0 : i32
    %dma_wait3A_735 = tpu.memref_slice %arg5[%arg0, %dma_wait3A_733, %dma_wait3A_734] : memref<2x10240x128xf32, #tpu.memory_space<hbm>> -> memref<1x10240x128xf32, #tpu.memory_space<hbm>>
    %dma_wait3A_736 = tpu.memref_squeeze %dma_wait3A_735 : memref<1x10240x128xf32, #tpu.memory_space<hbm>> -> memref<10240x128xf32, #tpu.memory_space<hbm>>
    %dma_wait3A_737 = arith.constant 0 : i32
    %dma_wait3A_738 = tpu.memref_slice %dma_wait3A_736[%add3A_721, %dma_wait3A_737] : memref<10240x128xf32, #tpu.memory_space<hbm>> -> memref<80x128xf32, #tpu.memory_space<hbm>>
    %dma_wait3A_739 = arith.constant 0 : i32
    %dma_wait3A_740 = arith.constant 0 : i32
    %dma_wait3A_741 = tpu.memref_slice %arg10[%dma_wait3A_722, %dma_wait3A_739, %dma_wait3A_740] : memref<2x80x128xf32, #tpu.memory_space<vmem>> -> memref<1x80x128xf32, #tpu.memory_space<vmem>>
    %dma_wait3A_742 = tpu.memref_squeeze %dma_wait3A_741 : memref<1x80x128xf32, #tpu.memory_space<vmem>> -> memref<80x128xf32, #tpu.memory_space<vmem>>
    tpu.wait_dma2 semaphore(%arg12 : memref<!tpu.dma_semaphore, #tpu.memory_space<semaphore_mem>>) src(%dma_wait3A_742 : memref<80x128xf32, #tpu.memory_space<vmem>>) dst(%dma_wait3A_738 : memref<80x128xf32, #tpu.memory_space<hbm>>)
    %mul3A_743 = arith.constant 640 : i32
    %mul3A_744 = arith.muli %arg1, %mul3A_743 : i32
    %add3A_745 = arith.constant 560 : i32
    %add3A_746 = arith.addi %mul3A_744, %add3A_745 : i32
    %dma_wait3A_747 = arith.constant 1 : i32
    %dma_wait3A_748 = arith.constant 0 : i32
    %dma_wait3A_749 = arith.constant 0 : i32
    %dma_wait3A_750 = tpu.memref_slice %arg10[%dma_wait3A_747, %dma_wait3A_748, %dma_wait3A_749] : memref<2x80x128xf32, #tpu.memory_space<vmem>> -> memref<1x80x128xf32, #tpu.memory_space<vmem>>
    %dma_wait3A_751 = tpu.memref_squeeze %dma_wait3A_750 : memref<1x80x128xf32, #tpu.memory_space<vmem>> -> memref<80x128xf32, #tpu.memory_space<vmem>>
    %dma_wait3A_752 = arith.constant 0 : i32
    %dma_wait3A_753 = arith.constant 0 : i32
    %dma_wait3A_754 = tpu.memref_slice %arg5[%arg0, %dma_wait3A_752, %dma_wait3A_753] : memref<2x10240x128xf32, #tpu.memory_space<hbm>> -> memref<1x10240x128xf32, #tpu.memory_space<hbm>>
    %dma_wait3A_755 = tpu.memref_squeeze %dma_wait3A_754 : memref<1x10240x128xf32, #tpu.memory_space<hbm>> -> memref<10240x128xf32, #tpu.memory_space<hbm>>
    %dma_wait3A_756 = arith.constant 0 : i32
    %dma_wait3A_757 = tpu.memref_slice %dma_wait3A_755[%add3A_746, %dma_wait3A_756] : memref<10240x128xf32, #tpu.memory_space<hbm>> -> memref<80x128xf32, #tpu.memory_space<hbm>>
    %dma_wait3A_758 = arith.constant 0 : i32
    %dma_wait3A_759 = arith.constant 0 : i32
    %dma_wait3A_760 = tpu.memref_slice %arg5[%arg0, %dma_wait3A_758, %dma_wait3A_759] : memref<2x10240x128xf32, #tpu.memory_space<hbm>> -> memref<1x10240x128xf32, #tpu.memory_space<hbm>>
    %dma_wait3A_761 = tpu.memref_squeeze %dma_wait3A_760 : memref<1x10240x128xf32, #tpu.memory_space<hbm>> -> memref<10240x128xf32, #tpu.memory_space<hbm>>
    %dma_wait3A_762 = arith.constant 0 : i32
    %dma_wait3A_763 = tpu.memref_slice %dma_wait3A_761[%add3A_746, %dma_wait3A_762] : memref<10240x128xf32, #tpu.memory_space<hbm>> -> memref<80x128xf32, #tpu.memory_space<hbm>>
    %dma_wait3A_764 = arith.constant 0 : i32
    %dma_wait3A_765 = arith.constant 0 : i32
    %dma_wait3A_766 = tpu.memref_slice %arg10[%dma_wait3A_747, %dma_wait3A_764, %dma_wait3A_765] : memref<2x80x128xf32, #tpu.memory_space<vmem>> -> memref<1x80x128xf32, #tpu.memory_space<vmem>>
    %dma_wait3A_767 = tpu.memref_squeeze %dma_wait3A_766 : memref<1x80x128xf32, #tpu.memory_space<vmem>> -> memref<80x128xf32, #tpu.memory_space<vmem>>
    tpu.wait_dma2 semaphore(%arg13 : memref<!tpu.dma_semaphore, #tpu.memory_space<semaphore_mem>>) src(%dma_wait3A_767 : memref<80x128xf32, #tpu.memory_space<vmem>>) dst(%dma_wait3A_763 : memref<80x128xf32, #tpu.memory_space<hbm>>)
    return
  }
}

#map = affine_map<(d0, d1) -> (0)>
#map1 = affine_map<(d0, d1) -> (0, 0, 0, 0)>
module attributes {stable_mosaic.version = 14 : i64} {
  func.func @_sc_degrees(%arg0: i32, %arg1: i32, %arg2: memref<320000xi32, #tpu.memory_space<hbm>>, %arg3: memref<320000xi32, #tpu.memory_space<hbm>>, %arg4: memref<2x2x80x128xf32, #tpu.memory_space<hbm>>, %arg5: memref<10000xi32, #tpu.memory_space<vmem>>, %arg6: memref<10000xi32, #tpu.memory_space<vmem>>, %arg7: memref<10240xf32, #tpu.memory_space<vmem>>, %arg8: memref<10240xf32, #tpu.memory_space<vmem>>, %arg9: memref<80x128xf32, #tpu.memory_space<vmem>>, %arg10: memref<80x128xf32, #tpu.memory_space<vmem>>, %arg11: memref<80xi32, #tpu.memory_space<vmem>>, %arg12: memref<8x128xf32, #tpu.memory_space<vmem>>, %arg13: memref<80x128xf32, #tpu.memory_space<vmem_shared>>, %arg14: memref<80x128xf32, #tpu.memory_space<vmem_shared>>) attributes {dimension_semantics = [#tpu.dimension_semantics<core_parallel>, #tpu.dimension_semantics<subcore_parallel>], iteration_bounds = array<i64: 2, 16>, scalar_prefetch = 0 : i64, scratch_operands = 10 : i64, tpu.core_type = #tpu.core_type<sc_vector_subcore>, window_params = [{transform_indices = #map}, {transform_indices = #map}, {transform_indices = #map1}]} {
    %mul3A = arith.constant 2 : i32
    %mul3A_0 = arith.muli %arg1, %mul3A : i32
    %add3A = arith.addi %mul3A_0, %arg0 : i32
    %mul3A_1 = arith.constant 10000 : i32
    %mul3A_2 = arith.muli %add3A, %mul3A_1 : i32
    "tpu.region"() ({
      %run_scoped3A = tpu.sem_alloc : memref<!tpu.dma_semaphore, #tpu.memory_space<semaphore_mem>>
      %dma_start3A = tpu.memref_slice %arg2[%mul3A_2] : memref<320000xi32, #tpu.memory_space<hbm>> -> memref<10000xi32, #tpu.memory_space<hbm>>
      %dma_start3A_314 = tpu.memref_slice %arg2[%mul3A_2] : memref<320000xi32, #tpu.memory_space<hbm>> -> memref<10000xi32, #tpu.memory_space<hbm>>
      tpu.enqueue_dma source(%dma_start3A_314 : memref<10000xi32, #tpu.memory_space<hbm>>) target(%arg5 : memref<10000xi32, #tpu.memory_space<vmem>>) target_semaphore(%run_scoped3A : memref<!tpu.dma_semaphore, #tpu.memory_space<semaphore_mem>>)
      %dma_wait3A = tpu.memref_slice %arg2[%mul3A_2] : memref<320000xi32, #tpu.memory_space<hbm>> -> memref<10000xi32, #tpu.memory_space<hbm>>
      %dma_wait3A_315 = tpu.memref_slice %arg2[%mul3A_2] : memref<320000xi32, #tpu.memory_space<hbm>> -> memref<10000xi32, #tpu.memory_space<hbm>>
      tpu.wait_dma2 semaphore(%run_scoped3A : memref<!tpu.dma_semaphore, #tpu.memory_space<semaphore_mem>>) src(%dma_wait3A_315 : memref<10000xi32, #tpu.memory_space<hbm>>) dst(%arg5 : memref<10000xi32, #tpu.memory_space<vmem>>)
      tpu.yield
    }) : () -> ()
    "tpu.region"() ({
      %run_scoped3A = tpu.sem_alloc : memref<!tpu.dma_semaphore, #tpu.memory_space<semaphore_mem>>
      %dma_start3A = tpu.memref_slice %arg3[%mul3A_2] : memref<320000xi32, #tpu.memory_space<hbm>> -> memref<10000xi32, #tpu.memory_space<hbm>>
      %dma_start3A_314 = tpu.memref_slice %arg3[%mul3A_2] : memref<320000xi32, #tpu.memory_space<hbm>> -> memref<10000xi32, #tpu.memory_space<hbm>>
      tpu.enqueue_dma source(%dma_start3A_314 : memref<10000xi32, #tpu.memory_space<hbm>>) target(%arg6 : memref<10000xi32, #tpu.memory_space<vmem>>) target_semaphore(%run_scoped3A : memref<!tpu.dma_semaphore, #tpu.memory_space<semaphore_mem>>)
      %dma_wait3A = tpu.memref_slice %arg3[%mul3A_2] : memref<320000xi32, #tpu.memory_space<hbm>> -> memref<10000xi32, #tpu.memory_space<hbm>>
      %dma_wait3A_315 = tpu.memref_slice %arg3[%mul3A_2] : memref<320000xi32, #tpu.memory_space<hbm>> -> memref<10000xi32, #tpu.memory_space<hbm>>
      tpu.wait_dma2 semaphore(%run_scoped3A : memref<!tpu.dma_semaphore, #tpu.memory_space<semaphore_mem>>) src(%dma_wait3A_315 : memref<10000xi32, #tpu.memory_space<hbm>>) dst(%arg6 : memref<10000xi32, #tpu.memory_space<vmem>>)
      tpu.yield
    }) : () -> ()
    %broadcast_in_dim3A = arith.constant 0.000000e+00 : f32
    %broadcast_in_dim3A_3 = vector.broadcast %broadcast_in_dim3A : f32 to vector<16xf32>
    %broadcast_in_dim3A_4 = arith.constant 1.000000e+00 : f32
    %broadcast_in_dim3A_5 = vector.broadcast %broadcast_in_dim3A_4 : f32 to vector<16xf32>
    %iota3A = tpu.iota {dimensions = array<i32: 0>} : vector<16xi32>
    %scan3A = arith.constant 0 : i32
    %scan3A_6 = arith.constant 0 : i32
    %scan3A_7 = arith.constant 640 : i32
    %scan3A_8 = arith.addi %scan3A_6, %scan3A_7 : i32
    %scan3A_9 = arith.constant 1 : i32
    %scan3A_10 = scf.for %scan3A_314 = %scan3A_6 to %scan3A_8 step %scan3A_9 iter_args(%scan3A_315 = %scan3A) -> (i32)  : i32 {
      %mul3A_316 = arith.constant 16 : i32
      %mul3A_317 = arith.muli %scan3A_314, %mul3A_316 : i32
      %swap3A_318 = arith.index_cast %mul3A_317 : i32 to index
      %swap3A_319 = tpu.vector_load %arg7[%swap3A_318] {strides = array<i32>} : memref<10240xf32, #tpu.memory_space<vmem>>, vector<16xf32>,
      tpu.vector_store %arg7[%swap3A_318], %broadcast_in_dim3A_3 {strides = array<i32>} : memref<10240xf32, #tpu.memory_space<vmem>>, vector<16xf32>,
      %mul3A_320 = arith.constant 16 : i32
      %mul3A_321 = arith.muli %scan3A_314, %mul3A_320 : i32
      %swap3A_322 = arith.index_cast %mul3A_321 : i32 to index
      %swap3A_323 = tpu.vector_load %arg8[%swap3A_322] {strides = array<i32>} : memref<10240xf32, #tpu.memory_space<vmem>>, vector<16xf32>,
      tpu.vector_store %arg8[%swap3A_322], %broadcast_in_dim3A_3 {strides = array<i32>} : memref<10240xf32, #tpu.memory_space<vmem>>, vector<16xf32>,
      %scan3A_324 = arith.constant 0 : i32
      scf.yield %scan3A_324 : i32
    }
    %scan3A_11 = arith.constant 640 : i32
    %swap3A = arith.constant 0 : i32
    %swap3A_12 = arith.index_cast %swap3A : i32 to index
    %swap3A_13 = arith.constant 0 : index
    %swap3A_14 = tpu.vector_load %arg12[%swap3A_12, %swap3A_13] {strides = array<i32>} : memref<8x128xf32, #tpu.memory_space<vmem>>, vector<16xf32>,
    tpu.vector_store %arg12[%swap3A_12, %swap3A_13], %broadcast_in_dim3A_3 {strides = array<i32>} : memref<8x128xf32, #tpu.memory_space<vmem>>, vector<16xf32>,
    %swap3A_15 = arith.constant 0 : i32
    %swap3A_16 = arith.index_cast %swap3A_15 : i32 to index
    %swap3A_17 = arith.constant 16 : index
    %swap3A_18 = tpu.vector_load %arg12[%swap3A_16, %swap3A_17] {strides = array<i32>} : memref<8x128xf32, #tpu.memory_space<vmem>>, vector<16xf32>,
    tpu.vector_store %arg12[%swap3A_16, %swap3A_17], %broadcast_in_dim3A_3 {strides = array<i32>} : memref<8x128xf32, #tpu.memory_space<vmem>>, vector<16xf32>,
    %swap3A_19 = arith.constant 0 : i32
    %swap3A_20 = arith.index_cast %swap3A_19 : i32 to index
    %swap3A_21 = arith.constant 32 : index
    %swap3A_22 = tpu.vector_load %arg12[%swap3A_20, %swap3A_21] {strides = array<i32>} : memref<8x128xf32, #tpu.memory_space<vmem>>, vector<16xf32>,
    tpu.vector_store %arg12[%swap3A_20, %swap3A_21], %broadcast_in_dim3A_3 {strides = array<i32>} : memref<8x128xf32, #tpu.memory_space<vmem>>, vector<16xf32>,
    %swap3A_23 = arith.constant 0 : i32
    %swap3A_24 = arith.index_cast %swap3A_23 : i32 to index
    %swap3A_25 = arith.constant 48 : index
    %swap3A_26 = tpu.vector_load %arg12[%swap3A_24, %swap3A_25] {strides = array<i32>} : memref<8x128xf32, #tpu.memory_space<vmem>>, vector<16xf32>,
    tpu.vector_store %arg12[%swap3A_24, %swap3A_25], %broadcast_in_dim3A_3 {strides = array<i32>} : memref<8x128xf32, #tpu.memory_space<vmem>>, vector<16xf32>,
    %swap3A_27 = arith.constant 0 : i32
    %swap3A_28 = arith.index_cast %swap3A_27 : i32 to index
    %swap3A_29 = arith.constant 64 : index
    %swap3A_30 = tpu.vector_load %arg12[%swap3A_28, %swap3A_29] {strides = array<i32>} : memref<8x128xf32, #tpu.memory_space<vmem>>, vector<16xf32>,
    tpu.vector_store %arg12[%swap3A_28, %swap3A_29], %broadcast_in_dim3A_3 {strides = array<i32>} : memref<8x128xf32, #tpu.memory_space<vmem>>, vector<16xf32>,
    %swap3A_31 = arith.constant 0 : i32
    %swap3A_32 = arith.index_cast %swap3A_31 : i32 to index
    %swap3A_33 = arith.constant 80 : index
    %swap3A_34 = tpu.vector_load %arg12[%swap3A_32, %swap3A_33] {strides = array<i32>} : memref<8x128xf32, #tpu.memory_space<vmem>>, vector<16xf32>,
    tpu.vector_store %arg12[%swap3A_32, %swap3A_33], %broadcast_in_dim3A_3 {strides = array<i32>} : memref<8x128xf32, #tpu.memory_space<vmem>>, vector<16xf32>,
    %swap3A_35 = arith.constant 0 : i32
    %swap3A_36 = arith.index_cast %swap3A_35 : i32 to index
    %swap3A_37 = arith.constant 96 : index
    %swap3A_38 = tpu.vector_load %arg12[%swap3A_36, %swap3A_37] {strides = array<i32>} : memref<8x128xf32, #tpu.memory_space<vmem>>, vector<16xf32>,
    tpu.vector_store %arg12[%swap3A_36, %swap3A_37], %broadcast_in_dim3A_3 {strides = array<i32>} : memref<8x128xf32, #tpu.memory_space<vmem>>, vector<16xf32>,
    %swap3A_39 = arith.constant 0 : i32
    %swap3A_40 = arith.index_cast %swap3A_39 : i32 to index
    %swap3A_41 = arith.constant 112 : index
    %swap3A_42 = tpu.vector_load %arg12[%swap3A_40, %swap3A_41] {strides = array<i32>} : memref<8x128xf32, #tpu.memory_space<vmem>>, vector<16xf32>,
    tpu.vector_store %arg12[%swap3A_40, %swap3A_41], %broadcast_in_dim3A_3 {strides = array<i32>} : memref<8x128xf32, #tpu.memory_space<vmem>>, vector<16xf32>,
    %swap3A_43 = arith.constant 1 : i32
    %swap3A_44 = arith.index_cast %swap3A_43 : i32 to index
    %swap3A_45 = arith.constant 0 : index
    %swap3A_46 = tpu.vector_load %arg12[%swap3A_44, %swap3A_45] {strides = array<i32>} : memref<8x128xf32, #tpu.memory_space<vmem>>, vector<16xf32>,
    tpu.vector_store %arg12[%swap3A_44, %swap3A_45], %broadcast_in_dim3A_3 {strides = array<i32>} : memref<8x128xf32, #tpu.memory_space<vmem>>, vector<16xf32>,
    %swap3A_47 = arith.constant 1 : i32
    %swap3A_48 = arith.index_cast %swap3A_47 : i32 to index
    %swap3A_49 = arith.constant 16 : index
    %swap3A_50 = tpu.vector_load %arg12[%swap3A_48, %swap3A_49] {strides = array<i32>} : memref<8x128xf32, #tpu.memory_space<vmem>>, vector<16xf32>,
    tpu.vector_store %arg12[%swap3A_48, %swap3A_49], %broadcast_in_dim3A_3 {strides = array<i32>} : memref<8x128xf32, #tpu.memory_space<vmem>>, vector<16xf32>,
    %swap3A_51 = arith.constant 1 : i32
    %swap3A_52 = arith.index_cast %swap3A_51 : i32 to index
    %swap3A_53 = arith.constant 32 : index
    %swap3A_54 = tpu.vector_load %arg12[%swap3A_52, %swap3A_53] {strides = array<i32>} : memref<8x128xf32, #tpu.memory_space<vmem>>, vector<16xf32>,
    tpu.vector_store %arg12[%swap3A_52, %swap3A_53], %broadcast_in_dim3A_3 {strides = array<i32>} : memref<8x128xf32, #tpu.memory_space<vmem>>, vector<16xf32>,
    %swap3A_55 = arith.constant 1 : i32
    %swap3A_56 = arith.index_cast %swap3A_55 : i32 to index
    %swap3A_57 = arith.constant 48 : index
    %swap3A_58 = tpu.vector_load %arg12[%swap3A_56, %swap3A_57] {strides = array<i32>} : memref<8x128xf32, #tpu.memory_space<vmem>>, vector<16xf32>,
    tpu.vector_store %arg12[%swap3A_56, %swap3A_57], %broadcast_in_dim3A_3 {strides = array<i32>} : memref<8x128xf32, #tpu.memory_space<vmem>>, vector<16xf32>,
    %swap3A_59 = arith.constant 1 : i32
    %swap3A_60 = arith.index_cast %swap3A_59 : i32 to index
    %swap3A_61 = arith.constant 64 : index
    %swap3A_62 = tpu.vector_load %arg12[%swap3A_60, %swap3A_61] {strides = array<i32>} : memref<8x128xf32, #tpu.memory_space<vmem>>, vector<16xf32>,
    tpu.vector_store %arg12[%swap3A_60, %swap3A_61], %broadcast_in_dim3A_3 {strides = array<i32>} : memref<8x128xf32, #tpu.memory_space<vmem>>, vector<16xf32>,
    %swap3A_63 = arith.constant 1 : i32
    %swap3A_64 = arith.index_cast %swap3A_63 : i32 to index
    %swap3A_65 = arith.constant 80 : index
    %swap3A_66 = tpu.vector_load %arg12[%swap3A_64, %swap3A_65] {strides = array<i32>} : memref<8x128xf32, #tpu.memory_space<vmem>>, vector<16xf32>,
    tpu.vector_store %arg12[%swap3A_64, %swap3A_65], %broadcast_in_dim3A_3 {strides = array<i32>} : memref<8x128xf32, #tpu.memory_space<vmem>>, vector<16xf32>,
    %swap3A_67 = arith.constant 1 : i32
    %swap3A_68 = arith.index_cast %swap3A_67 : i32 to index
    %swap3A_69 = arith.constant 96 : index
    %swap3A_70 = tpu.vector_load %arg12[%swap3A_68, %swap3A_69] {strides = array<i32>} : memref<8x128xf32, #tpu.memory_space<vmem>>, vector<16xf32>,
    tpu.vector_store %arg12[%swap3A_68, %swap3A_69], %broadcast_in_dim3A_3 {strides = array<i32>} : memref<8x128xf32, #tpu.memory_space<vmem>>, vector<16xf32>,
    %swap3A_71 = arith.constant 1 : i32
    %swap3A_72 = arith.index_cast %swap3A_71 : i32 to index
    %swap3A_73 = arith.constant 112 : index
    %swap3A_74 = tpu.vector_load %arg12[%swap3A_72, %swap3A_73] {strides = array<i32>} : memref<8x128xf32, #tpu.memory_space<vmem>>, vector<16xf32>,
    tpu.vector_store %arg12[%swap3A_72, %swap3A_73], %broadcast_in_dim3A_3 {strides = array<i32>} : memref<8x128xf32, #tpu.memory_space<vmem>>, vector<16xf32>,
    %swap3A_75 = arith.constant 2 : i32
    %swap3A_76 = arith.index_cast %swap3A_75 : i32 to index
    %swap3A_77 = arith.constant 0 : index
    %swap3A_78 = tpu.vector_load %arg12[%swap3A_76, %swap3A_77] {strides = array<i32>} : memref<8x128xf32, #tpu.memory_space<vmem>>, vector<16xf32>,
    tpu.vector_store %arg12[%swap3A_76, %swap3A_77], %broadcast_in_dim3A_3 {strides = array<i32>} : memref<8x128xf32, #tpu.memory_space<vmem>>, vector<16xf32>,
    %swap3A_79 = arith.constant 2 : i32
    %swap3A_80 = arith.index_cast %swap3A_79 : i32 to index
    %swap3A_81 = arith.constant 16 : index
    %swap3A_82 = tpu.vector_load %arg12[%swap3A_80, %swap3A_81] {strides = array<i32>} : memref<8x128xf32, #tpu.memory_space<vmem>>, vector<16xf32>,
    tpu.vector_store %arg12[%swap3A_80, %swap3A_81], %broadcast_in_dim3A_3 {strides = array<i32>} : memref<8x128xf32, #tpu.memory_space<vmem>>, vector<16xf32>,
    %swap3A_83 = arith.constant 2 : i32
    %swap3A_84 = arith.index_cast %swap3A_83 : i32 to index
    %swap3A_85 = arith.constant 32 : index
    %swap3A_86 = tpu.vector_load %arg12[%swap3A_84, %swap3A_85] {strides = array<i32>} : memref<8x128xf32, #tpu.memory_space<vmem>>, vector<16xf32>,
    tpu.vector_store %arg12[%swap3A_84, %swap3A_85], %broadcast_in_dim3A_3 {strides = array<i32>} : memref<8x128xf32, #tpu.memory_space<vmem>>, vector<16xf32>,
    %swap3A_87 = arith.constant 2 : i32
    %swap3A_88 = arith.index_cast %swap3A_87 : i32 to index
    %swap3A_89 = arith.constant 48 : index
    %swap3A_90 = tpu.vector_load %arg12[%swap3A_88, %swap3A_89] {strides = array<i32>} : memref<8x128xf32, #tpu.memory_space<vmem>>, vector<16xf32>,
    tpu.vector_store %arg12[%swap3A_88, %swap3A_89], %broadcast_in_dim3A_3 {strides = array<i32>} : memref<8x128xf32, #tpu.memory_space<vmem>>, vector<16xf32>,
    %swap3A_91 = arith.constant 2 : i32
    %swap3A_92 = arith.index_cast %swap3A_91 : i32 to index
    %swap3A_93 = arith.constant 64 : index
    %swap3A_94 = tpu.vector_load %arg12[%swap3A_92, %swap3A_93] {strides = array<i32>} : memref<8x128xf32, #tpu.memory_space<vmem>>, vector<16xf32>,
    tpu.vector_store %arg12[%swap3A_92, %swap3A_93], %broadcast_in_dim3A_3 {strides = array<i32>} : memref<8x128xf32, #tpu.memory_space<vmem>>, vector<16xf32>,
    %swap3A_95 = arith.constant 2 : i32
    %swap3A_96 = arith.index_cast %swap3A_95 : i32 to index
    %swap3A_97 = arith.constant 80 : index
    %swap3A_98 = tpu.vector_load %arg12[%swap3A_96, %swap3A_97] {strides = array<i32>} : memref<8x128xf32, #tpu.memory_space<vmem>>, vector<16xf32>,
    tpu.vector_store %arg12[%swap3A_96, %swap3A_97], %broadcast_in_dim3A_3 {strides = array<i32>} : memref<8x128xf32, #tpu.memory_space<vmem>>, vector<16xf32>,
    %swap3A_99 = arith.constant 2 : i32
    %swap3A_100 = arith.index_cast %swap3A_99 : i32 to index
    %swap3A_101 = arith.constant 96 : index
    %swap3A_102 = tpu.vector_load %arg12[%swap3A_100, %swap3A_101] {strides = array<i32>} : memref<8x128xf32, #tpu.memory_space<vmem>>, vector<16xf32>,
    tpu.vector_store %arg12[%swap3A_100, %swap3A_101], %broadcast_in_dim3A_3 {strides = array<i32>} : memref<8x128xf32, #tpu.memory_space<vmem>>, vector<16xf32>,
    %swap3A_103 = arith.constant 2 : i32
    %swap3A_104 = arith.index_cast %swap3A_103 : i32 to index
    %swap3A_105 = arith.constant 112 : index
    %swap3A_106 = tpu.vector_load %arg12[%swap3A_104, %swap3A_105] {strides = array<i32>} : memref<8x128xf32, #tpu.memory_space<vmem>>, vector<16xf32>,
    tpu.vector_store %arg12[%swap3A_104, %swap3A_105], %broadcast_in_dim3A_3 {strides = array<i32>} : memref<8x128xf32, #tpu.memory_space<vmem>>, vector<16xf32>,
    %swap3A_107 = arith.constant 3 : i32
    %swap3A_108 = arith.index_cast %swap3A_107 : i32 to index
    %swap3A_109 = arith.constant 0 : index
    %swap3A_110 = tpu.vector_load %arg12[%swap3A_108, %swap3A_109] {strides = array<i32>} : memref<8x128xf32, #tpu.memory_space<vmem>>, vector<16xf32>,
    tpu.vector_store %arg12[%swap3A_108, %swap3A_109], %broadcast_in_dim3A_3 {strides = array<i32>} : memref<8x128xf32, #tpu.memory_space<vmem>>, vector<16xf32>,
    %swap3A_111 = arith.constant 3 : i32
    %swap3A_112 = arith.index_cast %swap3A_111 : i32 to index
    %swap3A_113 = arith.constant 16 : index
    %swap3A_114 = tpu.vector_load %arg12[%swap3A_112, %swap3A_113] {strides = array<i32>} : memref<8x128xf32, #tpu.memory_space<vmem>>, vector<16xf32>,
    tpu.vector_store %arg12[%swap3A_112, %swap3A_113], %broadcast_in_dim3A_3 {strides = array<i32>} : memref<8x128xf32, #tpu.memory_space<vmem>>, vector<16xf32>,
    %swap3A_115 = arith.constant 3 : i32
    %swap3A_116 = arith.index_cast %swap3A_115 : i32 to index
    %swap3A_117 = arith.constant 32 : index
    %swap3A_118 = tpu.vector_load %arg12[%swap3A_116, %swap3A_117] {strides = array<i32>} : memref<8x128xf32, #tpu.memory_space<vmem>>, vector<16xf32>,
    tpu.vector_store %arg12[%swap3A_116, %swap3A_117], %broadcast_in_dim3A_3 {strides = array<i32>} : memref<8x128xf32, #tpu.memory_space<vmem>>, vector<16xf32>,
    %swap3A_119 = arith.constant 3 : i32
    %swap3A_120 = arith.index_cast %swap3A_119 : i32 to index
    %swap3A_121 = arith.constant 48 : index
    %swap3A_122 = tpu.vector_load %arg12[%swap3A_120, %swap3A_121] {strides = array<i32>} : memref<8x128xf32, #tpu.memory_space<vmem>>, vector<16xf32>,
    tpu.vector_store %arg12[%swap3A_120, %swap3A_121], %broadcast_in_dim3A_3 {strides = array<i32>} : memref<8x128xf32, #tpu.memory_space<vmem>>, vector<16xf32>,
    %swap3A_123 = arith.constant 3 : i32
    %swap3A_124 = arith.index_cast %swap3A_123 : i32 to index
    %swap3A_125 = arith.constant 64 : index
    %swap3A_126 = tpu.vector_load %arg12[%swap3A_124, %swap3A_125] {strides = array<i32>} : memref<8x128xf32, #tpu.memory_space<vmem>>, vector<16xf32>,
    tpu.vector_store %arg12[%swap3A_124, %swap3A_125], %broadcast_in_dim3A_3 {strides = array<i32>} : memref<8x128xf32, #tpu.memory_space<vmem>>, vector<16xf32>,
    %swap3A_127 = arith.constant 3 : i32
    %swap3A_128 = arith.index_cast %swap3A_127 : i32 to index
    %swap3A_129 = arith.constant 80 : index
    %swap3A_130 = tpu.vector_load %arg12[%swap3A_128, %swap3A_129] {strides = array<i32>} : memref<8x128xf32, #tpu.memory_space<vmem>>, vector<16xf32>,
    tpu.vector_store %arg12[%swap3A_128, %swap3A_129], %broadcast_in_dim3A_3 {strides = array<i32>} : memref<8x128xf32, #tpu.memory_space<vmem>>, vector<16xf32>,
    %swap3A_131 = arith.constant 3 : i32
    %swap3A_132 = arith.index_cast %swap3A_131 : i32 to index
    %swap3A_133 = arith.constant 96 : index
    %swap3A_134 = tpu.vector_load %arg12[%swap3A_132, %swap3A_133] {strides = array<i32>} : memref<8x128xf32, #tpu.memory_space<vmem>>, vector<16xf32>,
    tpu.vector_store %arg12[%swap3A_132, %swap3A_133], %broadcast_in_dim3A_3 {strides = array<i32>} : memref<8x128xf32, #tpu.memory_space<vmem>>, vector<16xf32>,
    %swap3A_135 = arith.constant 3 : i32
    %swap3A_136 = arith.index_cast %swap3A_135 : i32 to index
    %swap3A_137 = arith.constant 112 : index
    %swap3A_138 = tpu.vector_load %arg12[%swap3A_136, %swap3A_137] {strides = array<i32>} : memref<8x128xf32, #tpu.memory_space<vmem>>, vector<16xf32>,
    tpu.vector_store %arg12[%swap3A_136, %swap3A_137], %broadcast_in_dim3A_3 {strides = array<i32>} : memref<8x128xf32, #tpu.memory_space<vmem>>, vector<16xf32>,
    %swap3A_139 = arith.constant 4 : i32
    %swap3A_140 = arith.index_cast %swap3A_139 : i32 to index
    %swap3A_141 = arith.constant 0 : index
    %swap3A_142 = tpu.vector_load %arg12[%swap3A_140, %swap3A_141] {strides = array<i32>} : memref<8x128xf32, #tpu.memory_space<vmem>>, vector<16xf32>,
    tpu.vector_store %arg12[%swap3A_140, %swap3A_141], %broadcast_in_dim3A_3 {strides = array<i32>} : memref<8x128xf32, #tpu.memory_space<vmem>>, vector<16xf32>,
    %swap3A_143 = arith.constant 4 : i32
    %swap3A_144 = arith.index_cast %swap3A_143 : i32 to index
    %swap3A_145 = arith.constant 16 : index
    %swap3A_146 = tpu.vector_load %arg12[%swap3A_144, %swap3A_145] {strides = array<i32>} : memref<8x128xf32, #tpu.memory_space<vmem>>, vector<16xf32>,
    tpu.vector_store %arg12[%swap3A_144, %swap3A_145], %broadcast_in_dim3A_3 {strides = array<i32>} : memref<8x128xf32, #tpu.memory_space<vmem>>, vector<16xf32>,
    %swap3A_147 = arith.constant 4 : i32
    %swap3A_148 = arith.index_cast %swap3A_147 : i32 to index
    %swap3A_149 = arith.constant 32 : index
    %swap3A_150 = tpu.vector_load %arg12[%swap3A_148, %swap3A_149] {strides = array<i32>} : memref<8x128xf32, #tpu.memory_space<vmem>>, vector<16xf32>,
    tpu.vector_store %arg12[%swap3A_148, %swap3A_149], %broadcast_in_dim3A_3 {strides = array<i32>} : memref<8x128xf32, #tpu.memory_space<vmem>>, vector<16xf32>,
    %swap3A_151 = arith.constant 4 : i32
    %swap3A_152 = arith.index_cast %swap3A_151 : i32 to index
    %swap3A_153 = arith.constant 48 : index
    %swap3A_154 = tpu.vector_load %arg12[%swap3A_152, %swap3A_153] {strides = array<i32>} : memref<8x128xf32, #tpu.memory_space<vmem>>, vector<16xf32>,
    tpu.vector_store %arg12[%swap3A_152, %swap3A_153], %broadcast_in_dim3A_3 {strides = array<i32>} : memref<8x128xf32, #tpu.memory_space<vmem>>, vector<16xf32>,
    %swap3A_155 = arith.constant 4 : i32
    %swap3A_156 = arith.index_cast %swap3A_155 : i32 to index
    %swap3A_157 = arith.constant 64 : index
    %swap3A_158 = tpu.vector_load %arg12[%swap3A_156, %swap3A_157] {strides = array<i32>} : memref<8x128xf32, #tpu.memory_space<vmem>>, vector<16xf32>,
    tpu.vector_store %arg12[%swap3A_156, %swap3A_157], %broadcast_in_dim3A_3 {strides = array<i32>} : memref<8x128xf32, #tpu.memory_space<vmem>>, vector<16xf32>,
    %swap3A_159 = arith.constant 4 : i32
    %swap3A_160 = arith.index_cast %swap3A_159 : i32 to index
    %swap3A_161 = arith.constant 80 : index
    %swap3A_162 = tpu.vector_load %arg12[%swap3A_160, %swap3A_161] {strides = array<i32>} : memref<8x128xf32, #tpu.memory_space<vmem>>, vector<16xf32>,
    tpu.vector_store %arg12[%swap3A_160, %swap3A_161], %broadcast_in_dim3A_3 {strides = array<i32>} : memref<8x128xf32, #tpu.memory_space<vmem>>, vector<16xf32>,
    %swap3A_163 = arith.constant 4 : i32
    %swap3A_164 = arith.index_cast %swap3A_163 : i32 to index
    %swap3A_165 = arith.constant 96 : index
    %swap3A_166 = tpu.vector_load %arg12[%swap3A_164, %swap3A_165] {strides = array<i32>} : memref<8x128xf32, #tpu.memory_space<vmem>>, vector<16xf32>,
    tpu.vector_store %arg12[%swap3A_164, %swap3A_165], %broadcast_in_dim3A_3 {strides = array<i32>} : memref<8x128xf32, #tpu.memory_space<vmem>>, vector<16xf32>,
    %swap3A_167 = arith.constant 4 : i32
    %swap3A_168 = arith.index_cast %swap3A_167 : i32 to index
    %swap3A_169 = arith.constant 112 : index
    %swap3A_170 = tpu.vector_load %arg12[%swap3A_168, %swap3A_169] {strides = array<i32>} : memref<8x128xf32, #tpu.memory_space<vmem>>, vector<16xf32>,
    tpu.vector_store %arg12[%swap3A_168, %swap3A_169], %broadcast_in_dim3A_3 {strides = array<i32>} : memref<8x128xf32, #tpu.memory_space<vmem>>, vector<16xf32>,
    %swap3A_171 = arith.constant 5 : i32
    %swap3A_172 = arith.index_cast %swap3A_171 : i32 to index
    %swap3A_173 = arith.constant 0 : index
    %swap3A_174 = tpu.vector_load %arg12[%swap3A_172, %swap3A_173] {strides = array<i32>} : memref<8x128xf32, #tpu.memory_space<vmem>>, vector<16xf32>,
    tpu.vector_store %arg12[%swap3A_172, %swap3A_173], %broadcast_in_dim3A_3 {strides = array<i32>} : memref<8x128xf32, #tpu.memory_space<vmem>>, vector<16xf32>,
    %swap3A_175 = arith.constant 5 : i32
    %swap3A_176 = arith.index_cast %swap3A_175 : i32 to index
    %swap3A_177 = arith.constant 16 : index
    %swap3A_178 = tpu.vector_load %arg12[%swap3A_176, %swap3A_177] {strides = array<i32>} : memref<8x128xf32, #tpu.memory_space<vmem>>, vector<16xf32>,
    tpu.vector_store %arg12[%swap3A_176, %swap3A_177], %broadcast_in_dim3A_3 {strides = array<i32>} : memref<8x128xf32, #tpu.memory_space<vmem>>, vector<16xf32>,
    %swap3A_179 = arith.constant 5 : i32
    %swap3A_180 = arith.index_cast %swap3A_179 : i32 to index
    %swap3A_181 = arith.constant 32 : index
    %swap3A_182 = tpu.vector_load %arg12[%swap3A_180, %swap3A_181] {strides = array<i32>} : memref<8x128xf32, #tpu.memory_space<vmem>>, vector<16xf32>,
    tpu.vector_store %arg12[%swap3A_180, %swap3A_181], %broadcast_in_dim3A_3 {strides = array<i32>} : memref<8x128xf32, #tpu.memory_space<vmem>>, vector<16xf32>,
    %swap3A_183 = arith.constant 5 : i32
    %swap3A_184 = arith.index_cast %swap3A_183 : i32 to index
    %swap3A_185 = arith.constant 48 : index
    %swap3A_186 = tpu.vector_load %arg12[%swap3A_184, %swap3A_185] {strides = array<i32>} : memref<8x128xf32, #tpu.memory_space<vmem>>, vector<16xf32>,
    tpu.vector_store %arg12[%swap3A_184, %swap3A_185], %broadcast_in_dim3A_3 {strides = array<i32>} : memref<8x128xf32, #tpu.memory_space<vmem>>, vector<16xf32>,
    %swap3A_187 = arith.constant 5 : i32
    %swap3A_188 = arith.index_cast %swap3A_187 : i32 to index
    %swap3A_189 = arith.constant 64 : index
    %swap3A_190 = tpu.vector_load %arg12[%swap3A_188, %swap3A_189] {strides = array<i32>} : memref<8x128xf32, #tpu.memory_space<vmem>>, vector<16xf32>,
    tpu.vector_store %arg12[%swap3A_188, %swap3A_189], %broadcast_in_dim3A_3 {strides = array<i32>} : memref<8x128xf32, #tpu.memory_space<vmem>>, vector<16xf32>,
    %swap3A_191 = arith.constant 5 : i32
    %swap3A_192 = arith.index_cast %swap3A_191 : i32 to index
    %swap3A_193 = arith.constant 80 : index
    %swap3A_194 = tpu.vector_load %arg12[%swap3A_192, %swap3A_193] {strides = array<i32>} : memref<8x128xf32, #tpu.memory_space<vmem>>, vector<16xf32>,
    tpu.vector_store %arg12[%swap3A_192, %swap3A_193], %broadcast_in_dim3A_3 {strides = array<i32>} : memref<8x128xf32, #tpu.memory_space<vmem>>, vector<16xf32>,
    %swap3A_195 = arith.constant 5 : i32
    %swap3A_196 = arith.index_cast %swap3A_195 : i32 to index
    %swap3A_197 = arith.constant 96 : index
    %swap3A_198 = tpu.vector_load %arg12[%swap3A_196, %swap3A_197] {strides = array<i32>} : memref<8x128xf32, #tpu.memory_space<vmem>>, vector<16xf32>,
    tpu.vector_store %arg12[%swap3A_196, %swap3A_197], %broadcast_in_dim3A_3 {strides = array<i32>} : memref<8x128xf32, #tpu.memory_space<vmem>>, vector<16xf32>,
    %swap3A_199 = arith.constant 5 : i32
    %swap3A_200 = arith.index_cast %swap3A_199 : i32 to index
    %swap3A_201 = arith.constant 112 : index
    %swap3A_202 = tpu.vector_load %arg12[%swap3A_200, %swap3A_201] {strides = array<i32>} : memref<8x128xf32, #tpu.memory_space<vmem>>, vector<16xf32>,
    tpu.vector_store %arg12[%swap3A_200, %swap3A_201], %broadcast_in_dim3A_3 {strides = array<i32>} : memref<8x128xf32, #tpu.memory_space<vmem>>, vector<16xf32>,
    %swap3A_203 = arith.constant 6 : i32
    %swap3A_204 = arith.index_cast %swap3A_203 : i32 to index
    %swap3A_205 = arith.constant 0 : index
    %swap3A_206 = tpu.vector_load %arg12[%swap3A_204, %swap3A_205] {strides = array<i32>} : memref<8x128xf32, #tpu.memory_space<vmem>>, vector<16xf32>,
    tpu.vector_store %arg12[%swap3A_204, %swap3A_205], %broadcast_in_dim3A_3 {strides = array<i32>} : memref<8x128xf32, #tpu.memory_space<vmem>>, vector<16xf32>,
    %swap3A_207 = arith.constant 6 : i32
    %swap3A_208 = arith.index_cast %swap3A_207 : i32 to index
    %swap3A_209 = arith.constant 16 : index
    %swap3A_210 = tpu.vector_load %arg12[%swap3A_208, %swap3A_209] {strides = array<i32>} : memref<8x128xf32, #tpu.memory_space<vmem>>, vector<16xf32>,
    tpu.vector_store %arg12[%swap3A_208, %swap3A_209], %broadcast_in_dim3A_3 {strides = array<i32>} : memref<8x128xf32, #tpu.memory_space<vmem>>, vector<16xf32>,
    %swap3A_211 = arith.constant 6 : i32
    %swap3A_212 = arith.index_cast %swap3A_211 : i32 to index
    %swap3A_213 = arith.constant 32 : index
    %swap3A_214 = tpu.vector_load %arg12[%swap3A_212, %swap3A_213] {strides = array<i32>} : memref<8x128xf32, #tpu.memory_space<vmem>>, vector<16xf32>,
    tpu.vector_store %arg12[%swap3A_212, %swap3A_213], %broadcast_in_dim3A_3 {strides = array<i32>} : memref<8x128xf32, #tpu.memory_space<vmem>>, vector<16xf32>,
    %swap3A_215 = arith.constant 6 : i32
    %swap3A_216 = arith.index_cast %swap3A_215 : i32 to index
    %swap3A_217 = arith.constant 48 : index
    %swap3A_218 = tpu.vector_load %arg12[%swap3A_216, %swap3A_217] {strides = array<i32>} : memref<8x128xf32, #tpu.memory_space<vmem>>, vector<16xf32>,
    tpu.vector_store %arg12[%swap3A_216, %swap3A_217], %broadcast_in_dim3A_3 {strides = array<i32>} : memref<8x128xf32, #tpu.memory_space<vmem>>, vector<16xf32>,
    %swap3A_219 = arith.constant 6 : i32
    %swap3A_220 = arith.index_cast %swap3A_219 : i32 to index
    %swap3A_221 = arith.constant 64 : index
    %swap3A_222 = tpu.vector_load %arg12[%swap3A_220, %swap3A_221] {strides = array<i32>} : memref<8x128xf32, #tpu.memory_space<vmem>>, vector<16xf32>,
    tpu.vector_store %arg12[%swap3A_220, %swap3A_221], %broadcast_in_dim3A_3 {strides = array<i32>} : memref<8x128xf32, #tpu.memory_space<vmem>>, vector<16xf32>,
    %swap3A_223 = arith.constant 6 : i32
    %swap3A_224 = arith.index_cast %swap3A_223 : i32 to index
    %swap3A_225 = arith.constant 80 : index
    %swap3A_226 = tpu.vector_load %arg12[%swap3A_224, %swap3A_225] {strides = array<i32>} : memref<8x128xf32, #tpu.memory_space<vmem>>, vector<16xf32>,
    tpu.vector_store %arg12[%swap3A_224, %swap3A_225], %broadcast_in_dim3A_3 {strides = array<i32>} : memref<8x128xf32, #tpu.memory_space<vmem>>, vector<16xf32>,
    %swap3A_227 = arith.constant 6 : i32
    %swap3A_228 = arith.index_cast %swap3A_227 : i32 to index
    %swap3A_229 = arith.constant 96 : index
    %swap3A_230 = tpu.vector_load %arg12[%swap3A_228, %swap3A_229] {strides = array<i32>} : memref<8x128xf32, #tpu.memory_space<vmem>>, vector<16xf32>,
    tpu.vector_store %arg12[%swap3A_228, %swap3A_229], %broadcast_in_dim3A_3 {strides = array<i32>} : memref<8x128xf32, #tpu.memory_space<vmem>>, vector<16xf32>,
    %swap3A_231 = arith.constant 6 : i32
    %swap3A_232 = arith.index_cast %swap3A_231 : i32 to index
    %swap3A_233 = arith.constant 112 : index
    %swap3A_234 = tpu.vector_load %arg12[%swap3A_232, %swap3A_233] {strides = array<i32>} : memref<8x128xf32, #tpu.memory_space<vmem>>, vector<16xf32>,
    tpu.vector_store %arg12[%swap3A_232, %swap3A_233], %broadcast_in_dim3A_3 {strides = array<i32>} : memref<8x128xf32, #tpu.memory_space<vmem>>, vector<16xf32>,
    %swap3A_235 = arith.constant 7 : i32
    %swap3A_236 = arith.index_cast %swap3A_235 : i32 to index
    %swap3A_237 = arith.constant 0 : index
    %swap3A_238 = tpu.vector_load %arg12[%swap3A_236, %swap3A_237] {strides = array<i32>} : memref<8x128xf32, #tpu.memory_space<vmem>>, vector<16xf32>,
    tpu.vector_store %arg12[%swap3A_236, %swap3A_237], %broadcast_in_dim3A_3 {strides = array<i32>} : memref<8x128xf32, #tpu.memory_space<vmem>>, vector<16xf32>,
    %swap3A_239 = arith.constant 7 : i32
    %swap3A_240 = arith.index_cast %swap3A_239 : i32 to index
    %swap3A_241 = arith.constant 16 : index
    %swap3A_242 = tpu.vector_load %arg12[%swap3A_240, %swap3A_241] {strides = array<i32>} : memref<8x128xf32, #tpu.memory_space<vmem>>, vector<16xf32>,
    tpu.vector_store %arg12[%swap3A_240, %swap3A_241], %broadcast_in_dim3A_3 {strides = array<i32>} : memref<8x128xf32, #tpu.memory_space<vmem>>, vector<16xf32>,
    %swap3A_243 = arith.constant 7 : i32
    %swap3A_244 = arith.index_cast %swap3A_243 : i32 to index
    %swap3A_245 = arith.constant 32 : index
    %swap3A_246 = tpu.vector_load %arg12[%swap3A_244, %swap3A_245] {strides = array<i32>} : memref<8x128xf32, #tpu.memory_space<vmem>>, vector<16xf32>,
    tpu.vector_store %arg12[%swap3A_244, %swap3A_245], %broadcast_in_dim3A_3 {strides = array<i32>} : memref<8x128xf32, #tpu.memory_space<vmem>>, vector<16xf32>,
    %swap3A_247 = arith.constant 7 : i32
    %swap3A_248 = arith.index_cast %swap3A_247 : i32 to index
    %swap3A_249 = arith.constant 48 : index
    %swap3A_250 = tpu.vector_load %arg12[%swap3A_248, %swap3A_249] {strides = array<i32>} : memref<8x128xf32, #tpu.memory_space<vmem>>, vector<16xf32>,
    tpu.vector_store %arg12[%swap3A_248, %swap3A_249], %broadcast_in_dim3A_3 {strides = array<i32>} : memref<8x128xf32, #tpu.memory_space<vmem>>, vector<16xf32>,
    %swap3A_251 = arith.constant 7 : i32
    %swap3A_252 = arith.index_cast %swap3A_251 : i32 to index
    %swap3A_253 = arith.constant 64 : index
    %swap3A_254 = tpu.vector_load %arg12[%swap3A_252, %swap3A_253] {strides = array<i32>} : memref<8x128xf32, #tpu.memory_space<vmem>>, vector<16xf32>,
    tpu.vector_store %arg12[%swap3A_252, %swap3A_253], %broadcast_in_dim3A_3 {strides = array<i32>} : memref<8x128xf32, #tpu.memory_space<vmem>>, vector<16xf32>,
    %swap3A_255 = arith.constant 7 : i32
    %swap3A_256 = arith.index_cast %swap3A_255 : i32 to index
    %swap3A_257 = arith.constant 80 : index
    %swap3A_258 = tpu.vector_load %arg12[%swap3A_256, %swap3A_257] {strides = array<i32>} : memref<8x128xf32, #tpu.memory_space<vmem>>, vector<16xf32>,
    tpu.vector_store %arg12[%swap3A_256, %swap3A_257], %broadcast_in_dim3A_3 {strides = array<i32>} : memref<8x128xf32, #tpu.memory_space<vmem>>, vector<16xf32>,
    %swap3A_259 = arith.constant 7 : i32
    %swap3A_260 = arith.index_cast %swap3A_259 : i32 to index
    %swap3A_261 = arith.constant 96 : index
    %swap3A_262 = tpu.vector_load %arg12[%swap3A_260, %swap3A_261] {strides = array<i32>} : memref<8x128xf32, #tpu.memory_space<vmem>>, vector<16xf32>,
    tpu.vector_store %arg12[%swap3A_260, %swap3A_261], %broadcast_in_dim3A_3 {strides = array<i32>} : memref<8x128xf32, #tpu.memory_space<vmem>>, vector<16xf32>,
    %swap3A_263 = arith.constant 7 : i32
    %swap3A_264 = arith.index_cast %swap3A_263 : i32 to index
    %swap3A_265 = arith.constant 112 : index
    %swap3A_266 = tpu.vector_load %arg12[%swap3A_264, %swap3A_265] {strides = array<i32>} : memref<8x128xf32, #tpu.memory_space<vmem>>, vector<16xf32>,
    tpu.vector_store %arg12[%swap3A_264, %swap3A_265], %broadcast_in_dim3A_3 {strides = array<i32>} : memref<8x128xf32, #tpu.memory_space<vmem>>, vector<16xf32>,
    %add3A_267 = arith.constant 0 : i32
    %add3A_268 = vector.broadcast %add3A_267 : i32 to vector<16xi32>
    %add3A_269 = arith.addi %add3A_268, %iota3A : vector<16xi32>
    %swap3A_270 = arith.constant 0 : index
    %swap3A_271 = tpu.vector_load %arg11[%swap3A_270] {strides = array<i32>} : memref<80xi32, #tpu.memory_space<vmem>>, vector<16xi32>,
    tpu.vector_store %arg11[%swap3A_270], %add3A_269 {strides = array<i32>} : memref<80xi32, #tpu.memory_space<vmem>>, vector<16xi32>,
    %add3A_272 = arith.constant 16 : i32
    %add3A_273 = vector.broadcast %add3A_272 : i32 to vector<16xi32>
    %add3A_274 = arith.addi %add3A_273, %iota3A : vector<16xi32>
    %swap3A_275 = arith.constant 16 : index
    %swap3A_276 = tpu.vector_load %arg11[%swap3A_275] {strides = array<i32>} : memref<80xi32, #tpu.memory_space<vmem>>, vector<16xi32>,
    tpu.vector_store %arg11[%swap3A_275], %add3A_274 {strides = array<i32>} : memref<80xi32, #tpu.memory_space<vmem>>, vector<16xi32>,
    %add3A_277 = arith.constant 32 : i32
    %add3A_278 = vector.broadcast %add3A_277 : i32 to vector<16xi32>
    %add3A_279 = arith.addi %add3A_278, %iota3A : vector<16xi32>
    %swap3A_280 = arith.constant 32 : index
    %swap3A_281 = tpu.vector_load %arg11[%swap3A_280] {strides = array<i32>} : memref<80xi32, #tpu.memory_space<vmem>>, vector<16xi32>,
    tpu.vector_store %arg11[%swap3A_280], %add3A_279 {strides = array<i32>} : memref<80xi32, #tpu.memory_space<vmem>>, vector<16xi32>,
    %add3A_282 = arith.constant 48 : i32
    %add3A_283 = vector.broadcast %add3A_282 : i32 to vector<16xi32>
    %add3A_284 = arith.addi %add3A_283, %iota3A : vector<16xi32>
    %swap3A_285 = arith.constant 48 : index
    %swap3A_286 = tpu.vector_load %arg11[%swap3A_285] {strides = array<i32>} : memref<80xi32, #tpu.memory_space<vmem>>, vector<16xi32>,
    tpu.vector_store %arg11[%swap3A_285], %add3A_284 {strides = array<i32>} : memref<80xi32, #tpu.memory_space<vmem>>, vector<16xi32>,
    %add3A_287 = arith.constant 64 : i32
    %add3A_288 = vector.broadcast %add3A_287 : i32 to vector<16xi32>
    %add3A_289 = arith.addi %add3A_288, %iota3A : vector<16xi32>
    %swap3A_290 = arith.constant 64 : index
    %swap3A_291 = tpu.vector_load %arg11[%swap3A_290] {strides = array<i32>} : memref<80xi32, #tpu.memory_space<vmem>>, vector<16xi32>,
    tpu.vector_store %arg11[%swap3A_290], %add3A_289 {strides = array<i32>} : memref<80xi32, #tpu.memory_space<vmem>>, vector<16xi32>,
    %lt3A = arith.constant 10 : i32
    %lt3A_292 = arith.cmpi slt, %arg1, %lt3A : i32
    %convert_element_type3A = arith.extui %lt3A_292 : i1 to i32
    %cond3A = arith.constant 0 : i32
    %cond3A_293 = arith.cmpi ne, %convert_element_type3A, %cond3A : i32
    scf.if %cond3A_293 {
      %mul3A_314 = arith.constant 8 : i32
      %mul3A_315 = arith.muli %arg1, %mul3A_314 : i32
      "tpu.region"() ({
        %run_scoped3A = tpu.sem_alloc : memref<!tpu.dma_semaphore, #tpu.memory_space<semaphore_mem>>
        %dma_start3A = arith.constant 0 : i32
        %dma_start3A_318 = tpu.memref_slice %arg13[%mul3A_315, %dma_start3A] : memref<80x128xf32, #tpu.memory_space<vmem_shared>> -> memref<8x128xf32, #tpu.memory_space<vmem_shared>>
        %dma_start3A_319 = arith.constant 0 : i32
        %dma_start3A_320 = tpu.memref_slice %arg13[%mul3A_315, %dma_start3A_319] : memref<80x128xf32, #tpu.memory_space<vmem_shared>> -> memref<8x128xf32, #tpu.memory_space<vmem_shared>>
        tpu.enqueue_dma source(%arg12 : memref<8x128xf32, #tpu.memory_space<vmem>>) target(%dma_start3A_320 : memref<8x128xf32, #tpu.memory_space<vmem_shared>>) target_semaphore(%run_scoped3A : memref<!tpu.dma_semaphore, #tpu.memory_space<semaphore_mem>>)
        %dma_wait3A = arith.constant 0 : i32
        %dma_wait3A_321 = tpu.memref_slice %arg13[%mul3A_315, %dma_wait3A] : memref<80x128xf32, #tpu.memory_space<vmem_shared>> -> memref<8x128xf32, #tpu.memory_space<vmem_shared>>
        %dma_wait3A_322 = arith.constant 0 : i32
        %dma_wait3A_323 = tpu.memref_slice %arg13[%mul3A_315, %dma_wait3A_322] : memref<80x128xf32, #tpu.memory_space<vmem_shared>> -> memref<8x128xf32, #tpu.memory_space<vmem_shared>>
        tpu.wait_dma2 semaphore(%run_scoped3A : memref<!tpu.dma_semaphore, #tpu.memory_space<semaphore_mem>>) src(%arg12 : memref<8x128xf32, #tpu.memory_space<vmem>>) dst(%dma_wait3A_323 : memref<8x128xf32, #tpu.memory_space<vmem_shared>>)
        tpu.yield
      }) : () -> ()
      %mul3A_316 = arith.constant 8 : i32
      %mul3A_317 = arith.muli %arg1, %mul3A_316 : i32
      "tpu.region"() ({
        %run_scoped3A = tpu.sem_alloc : memref<!tpu.dma_semaphore, #tpu.memory_space<semaphore_mem>>
        %dma_start3A = arith.constant 0 : i32
        %dma_start3A_318 = tpu.memref_slice %arg14[%mul3A_317, %dma_start3A] : memref<80x128xf32, #tpu.memory_space<vmem_shared>> -> memref<8x128xf32, #tpu.memory_space<vmem_shared>>
        %dma_start3A_319 = arith.constant 0 : i32
        %dma_start3A_320 = tpu.memref_slice %arg14[%mul3A_317, %dma_start3A_319] : memref<80x128xf32, #tpu.memory_space<vmem_shared>> -> memref<8x128xf32, #tpu.memory_space<vmem_shared>>
        tpu.enqueue_dma source(%arg12 : memref<8x128xf32, #tpu.memory_space<vmem>>) target(%dma_start3A_320 : memref<8x128xf32, #tpu.memory_space<vmem_shared>>) target_semaphore(%run_scoped3A : memref<!tpu.dma_semaphore, #tpu.memory_space<semaphore_mem>>)
        %dma_wait3A = arith.constant 0 : i32
        %dma_wait3A_321 = tpu.memref_slice %arg14[%mul3A_317, %dma_wait3A] : memref<80x128xf32, #tpu.memory_space<vmem_shared>> -> memref<8x128xf32, #tpu.memory_space<vmem_shared>>
        %dma_wait3A_322 = arith.constant 0 : i32
        %dma_wait3A_323 = tpu.memref_slice %arg14[%mul3A_317, %dma_wait3A_322] : memref<80x128xf32, #tpu.memory_space<vmem_shared>> -> memref<8x128xf32, #tpu.memory_space<vmem_shared>>
        tpu.wait_dma2 semaphore(%run_scoped3A : memref<!tpu.dma_semaphore, #tpu.memory_space<semaphore_mem>>) src(%arg12 : memref<8x128xf32, #tpu.memory_space<vmem>>) dst(%dma_wait3A_323 : memref<8x128xf32, #tpu.memory_space<vmem_shared>>)
        tpu.yield
      }) : () -> ()
    } else {
    }
    %barrier3A = arith.constant 0 : index
    tpu.barrier barrier_id(%barrier3A)
    %scan3A_294 = arith.constant 0 : i32
    %scan3A_295 = arith.constant 0 : i32
    %scan3A_296 = arith.constant 625 : i32
    %scan3A_297 = arith.addi %scan3A_295, %scan3A_296 : i32
    %scan3A_298 = arith.constant 1 : i32
    %scan3A_299 = scf.for %scan3A_314 = %scan3A_295 to %scan3A_297 step %scan3A_298 iter_args(%scan3A_315 = %scan3A_294) -> (i32)  : i32 {
      %mul3A_316 = arith.constant 16 : i32
      %mul3A_317 = arith.muli %scan3A_314, %mul3A_316 : i32
      %get3A = arith.index_cast %mul3A_317 : i32 to index
      %get3A_318 = tpu.vector_load %arg5[%get3A] {strides = array<i32>} : memref<10000xi32, #tpu.memory_space<vmem>>, vector<16xi32>,
      tpu.vector_store_idx %arg7[%get3A_318], %broadcast_in_dim3A_5 {add = true} : memref<10240xf32, #tpu.memory_space<vmem>>[vector<16xi32>], vector<16xf32>,
      %mul3A_319 = arith.constant 16 : i32
      %mul3A_320 = arith.muli %scan3A_314, %mul3A_319 : i32
      %get3A_321 = arith.index_cast %mul3A_320 : i32 to index
      %get3A_322 = tpu.vector_load %arg6[%get3A_321] {strides = array<i32>} : memref<10000xi32, #tpu.memory_space<vmem>>, vector<16xi32>,
      tpu.vector_store_idx %arg8[%get3A_322], %broadcast_in_dim3A_5 {add = true} : memref<10240xf32, #tpu.memory_space<vmem>>[vector<16xi32>], vector<16xf32>,
      %scan3A_323 = arith.constant 0 : i32
      scf.yield %scan3A_323 : i32
    }
    %scan3A_300 = arith.constant 625 : i32
    %scan3A_301 = arith.constant 0 : i32
    %scan3A_302 = arith.constant 0 : i32
    %scan3A_303 = arith.constant 80 : i32
    %scan3A_304 = arith.addi %scan3A_302, %scan3A_303 : i32
    %scan3A_305 = arith.constant 1 : i32
    %scan3A_306 = scf.for %scan3A_314 = %scan3A_302 to %scan3A_304 step %scan3A_305 iter_args(%scan3A_315 = %scan3A_301) -> (i32)  : i32 {
      %mul3A_316 = arith.constant 128 : i32
      %mul3A_317 = arith.muli %scan3A_314, %mul3A_316 : i32
      %add3A_318 = arith.constant 0 : i32
      %add3A_319 = arith.addi %mul3A_317, %add3A_318 : i32
      %get3A = arith.index_cast %add3A_319 : i32 to index
      %get3A_320 = tpu.vector_load %arg7[%get3A] {strides = array<i32>} : memref<10240xf32, #tpu.memory_space<vmem>>, vector<16xf32>,
      %swap3A_321 = arith.index_cast %scan3A_314 : i32 to index
      %swap3A_322 = arith.constant 0 : index
      %swap3A_323 = tpu.vector_load %arg9[%swap3A_321, %swap3A_322] {strides = array<i32>} : memref<80x128xf32, #tpu.memory_space<vmem>>, vector<16xf32>,
      tpu.vector_store %arg9[%swap3A_321, %swap3A_322], %get3A_320 {strides = array<i32>} : memref<80x128xf32, #tpu.memory_space<vmem>>, vector<16xf32>,
      %mul3A_324 = arith.constant 128 : i32
      %mul3A_325 = arith.muli %scan3A_314, %mul3A_324 : i32
      %add3A_326 = arith.constant 0 : i32
      %add3A_327 = arith.addi %mul3A_325, %add3A_326 : i32
      %get3A_328 = arith.index_cast %add3A_327 : i32 to index
      %get3A_329 = tpu.vector_load %arg8[%get3A_328] {strides = array<i32>} : memref<10240xf32, #tpu.memory_space<vmem>>, vector<16xf32>,
      %swap3A_330 = arith.index_cast %scan3A_314 : i32 to index
      %swap3A_331 = arith.constant 0 : index
      %swap3A_332 = tpu.vector_load %arg10[%swap3A_330, %swap3A_331] {strides = array<i32>} : memref<80x128xf32, #tpu.memory_space<vmem>>, vector<16xf32>,
      tpu.vector_store %arg10[%swap3A_330, %swap3A_331], %get3A_329 {strides = array<i32>} : memref<80x128xf32, #tpu.memory_space<vmem>>, vector<16xf32>,
      %mul3A_333 = arith.constant 128 : i32
      %mul3A_334 = arith.muli %scan3A_314, %mul3A_333 : i32
      %add3A_335 = arith.constant 16 : i32
      %add3A_336 = arith.addi %mul3A_334, %add3A_335 : i32
      %get3A_337 = arith.index_cast %add3A_336 : i32 to index
      %get3A_338 = tpu.vector_load %arg7[%get3A_337] {strides = array<i32>} : memref<10240xf32, #tpu.memory_space<vmem>>, vector<16xf32>,
      %swap3A_339 = arith.index_cast %scan3A_314 : i32 to index
      %swap3A_340 = arith.constant 16 : index
      %swap3A_341 = tpu.vector_load %arg9[%swap3A_339, %swap3A_340] {strides = array<i32>} : memref<80x128xf32, #tpu.memory_space<vmem>>, vector<16xf32>,
      tpu.vector_store %arg9[%swap3A_339, %swap3A_340], %get3A_338 {strides = array<i32>} : memref<80x128xf32, #tpu.memory_space<vmem>>, vector<16xf32>,
      %mul3A_342 = arith.constant 128 : i32
      %mul3A_343 = arith.muli %scan3A_314, %mul3A_342 : i32
      %add3A_344 = arith.constant 16 : i32
      %add3A_345 = arith.addi %mul3A_343, %add3A_344 : i32
      %get3A_346 = arith.index_cast %add3A_345 : i32 to index
      %get3A_347 = tpu.vector_load %arg8[%get3A_346] {strides = array<i32>} : memref<10240xf32, #tpu.memory_space<vmem>>, vector<16xf32>,
      %swap3A_348 = arith.index_cast %scan3A_314 : i32 to index
      %swap3A_349 = arith.constant 16 : index
      %swap3A_350 = tpu.vector_load %arg10[%swap3A_348, %swap3A_349] {strides = array<i32>} : memref<80x128xf32, #tpu.memory_space<vmem>>, vector<16xf32>,
      tpu.vector_store %arg10[%swap3A_348, %swap3A_349], %get3A_347 {strides = array<i32>} : memref<80x128xf32, #tpu.memory_space<vmem>>, vector<16xf32>,
      %mul3A_351 = arith.constant 128 : i32
      %mul3A_352 = arith.muli %scan3A_314, %mul3A_351 : i32
      %add3A_353 = arith.constant 32 : i32
      %add3A_354 = arith.addi %mul3A_352, %add3A_353 : i32
      %get3A_355 = arith.index_cast %add3A_354 : i32 to index
      %get3A_356 = tpu.vector_load %arg7[%get3A_355] {strides = array<i32>} : memref<10240xf32, #tpu.memory_space<vmem>>, vector<16xf32>,
      %swap3A_357 = arith.index_cast %scan3A_314 : i32 to index
      %swap3A_358 = arith.constant 32 : index
      %swap3A_359 = tpu.vector_load %arg9[%swap3A_357, %swap3A_358] {strides = array<i32>} : memref<80x128xf32, #tpu.memory_space<vmem>>, vector<16xf32>,
      tpu.vector_store %arg9[%swap3A_357, %swap3A_358], %get3A_356 {strides = array<i32>} : memref<80x128xf32, #tpu.memory_space<vmem>>, vector<16xf32>,
      %mul3A_360 = arith.constant 128 : i32
      %mul3A_361 = arith.muli %scan3A_314, %mul3A_360 : i32
      %add3A_362 = arith.constant 32 : i32
      %add3A_363 = arith.addi %mul3A_361, %add3A_362 : i32
      %get3A_364 = arith.index_cast %add3A_363 : i32 to index
      %get3A_365 = tpu.vector_load %arg8[%get3A_364] {strides = array<i32>} : memref<10240xf32, #tpu.memory_space<vmem>>, vector<16xf32>,
      %swap3A_366 = arith.index_cast %scan3A_314 : i32 to index
      %swap3A_367 = arith.constant 32 : index
      %swap3A_368 = tpu.vector_load %arg10[%swap3A_366, %swap3A_367] {strides = array<i32>} : memref<80x128xf32, #tpu.memory_space<vmem>>, vector<16xf32>,
      tpu.vector_store %arg10[%swap3A_366, %swap3A_367], %get3A_365 {strides = array<i32>} : memref<80x128xf32, #tpu.memory_space<vmem>>, vector<16xf32>,
      %mul3A_369 = arith.constant 128 : i32
      %mul3A_370 = arith.muli %scan3A_314, %mul3A_369 : i32
      %add3A_371 = arith.constant 48 : i32
      %add3A_372 = arith.addi %mul3A_370, %add3A_371 : i32
      %get3A_373 = arith.index_cast %add3A_372 : i32 to index
      %get3A_374 = tpu.vector_load %arg7[%get3A_373] {strides = array<i32>} : memref<10240xf32, #tpu.memory_space<vmem>>, vector<16xf32>,
      %swap3A_375 = arith.index_cast %scan3A_314 : i32 to index
      %swap3A_376 = arith.constant 48 : index
      %swap3A_377 = tpu.vector_load %arg9[%swap3A_375, %swap3A_376] {strides = array<i32>} : memref<80x128xf32, #tpu.memory_space<vmem>>, vector<16xf32>,
      tpu.vector_store %arg9[%swap3A_375, %swap3A_376], %get3A_374 {strides = array<i32>} : memref<80x128xf32, #tpu.memory_space<vmem>>, vector<16xf32>,
      %mul3A_378 = arith.constant 128 : i32
      %mul3A_379 = arith.muli %scan3A_314, %mul3A_378 : i32
      %add3A_380 = arith.constant 48 : i32
      %add3A_381 = arith.addi %mul3A_379, %add3A_380 : i32
      %get3A_382 = arith.index_cast %add3A_381 : i32 to index
      %get3A_383 = tpu.vector_load %arg8[%get3A_382] {strides = array<i32>} : memref<10240xf32, #tpu.memory_space<vmem>>, vector<16xf32>,
      %swap3A_384 = arith.index_cast %scan3A_314 : i32 to index
      %swap3A_385 = arith.constant 48 : index
      %swap3A_386 = tpu.vector_load %arg10[%swap3A_384, %swap3A_385] {strides = array<i32>} : memref<80x128xf32, #tpu.memory_space<vmem>>, vector<16xf32>,
      tpu.vector_store %arg10[%swap3A_384, %swap3A_385], %get3A_383 {strides = array<i32>} : memref<80x128xf32, #tpu.memory_space<vmem>>, vector<16xf32>,
      %mul3A_387 = arith.constant 128 : i32
      %mul3A_388 = arith.muli %scan3A_314, %mul3A_387 : i32
      %add3A_389 = arith.constant 64 : i32
      %add3A_390 = arith.addi %mul3A_388, %add3A_389 : i32
      %get3A_391 = arith.index_cast %add3A_390 : i32 to index
      %get3A_392 = tpu.vector_load %arg7[%get3A_391] {strides = array<i32>} : memref<10240xf32, #tpu.memory_space<vmem>>, vector<16xf32>,
      %swap3A_393 = arith.index_cast %scan3A_314 : i32 to index
      %swap3A_394 = arith.constant 64 : index
      %swap3A_395 = tpu.vector_load %arg9[%swap3A_393, %swap3A_394] {strides = array<i32>} : memref<80x128xf32, #tpu.memory_space<vmem>>, vector<16xf32>,
      tpu.vector_store %arg9[%swap3A_393, %swap3A_394], %get3A_392 {strides = array<i32>} : memref<80x128xf32, #tpu.memory_space<vmem>>, vector<16xf32>,
      %mul3A_396 = arith.constant 128 : i32
      %mul3A_397 = arith.muli %scan3A_314, %mul3A_396 : i32
      %add3A_398 = arith.constant 64 : i32
      %add3A_399 = arith.addi %mul3A_397, %add3A_398 : i32
      %get3A_400 = arith.index_cast %add3A_399 : i32 to index
      %get3A_401 = tpu.vector_load %arg8[%get3A_400] {strides = array<i32>} : memref<10240xf32, #tpu.memory_space<vmem>>, vector<16xf32>,
      %swap3A_402 = arith.index_cast %scan3A_314 : i32 to index
      %swap3A_403 = arith.constant 64 : index
      %swap3A_404 = tpu.vector_load %arg10[%swap3A_402, %swap3A_403] {strides = array<i32>} : memref<80x128xf32, #tpu.memory_space<vmem>>, vector<16xf32>,
      tpu.vector_store %arg10[%swap3A_402, %swap3A_403], %get3A_401 {strides = array<i32>} : memref<80x128xf32, #tpu.memory_space<vmem>>, vector<16xf32>,
      %mul3A_405 = arith.constant 128 : i32
      %mul3A_406 = arith.muli %scan3A_314, %mul3A_405 : i32
      %add3A_407 = arith.constant 80 : i32
      %add3A_408 = arith.addi %mul3A_406, %add3A_407 : i32
      %get3A_409 = arith.index_cast %add3A_408 : i32 to index
      %get3A_410 = tpu.vector_load %arg7[%get3A_409] {strides = array<i32>} : memref<10240xf32, #tpu.memory_space<vmem>>, vector<16xf32>,
      %swap3A_411 = arith.index_cast %scan3A_314 : i32 to index
      %swap3A_412 = arith.constant 80 : index
      %swap3A_413 = tpu.vector_load %arg9[%swap3A_411, %swap3A_412] {strides = array<i32>} : memref<80x128xf32, #tpu.memory_space<vmem>>, vector<16xf32>,
      tpu.vector_store %arg9[%swap3A_411, %swap3A_412], %get3A_410 {strides = array<i32>} : memref<80x128xf32, #tpu.memory_space<vmem>>, vector<16xf32>,
      %mul3A_414 = arith.constant 128 : i32
      %mul3A_415 = arith.muli %scan3A_314, %mul3A_414 : i32
      %add3A_416 = arith.constant 80 : i32
      %add3A_417 = arith.addi %mul3A_415, %add3A_416 : i32
      %get3A_418 = arith.index_cast %add3A_417 : i32 to index
      %get3A_419 = tpu.vector_load %arg8[%get3A_418] {strides = array<i32>} : memref<10240xf32, #tpu.memory_space<vmem>>, vector<16xf32>,
      %swap3A_420 = arith.index_cast %scan3A_314 : i32 to index
      %swap3A_421 = arith.constant 80 : index
      %swap3A_422 = tpu.vector_load %arg10[%swap3A_420, %swap3A_421] {strides = array<i32>} : memref<80x128xf32, #tpu.memory_space<vmem>>, vector<16xf32>,
      tpu.vector_store %arg10[%swap3A_420, %swap3A_421], %get3A_419 {strides = array<i32>} : memref<80x128xf32, #tpu.memory_space<vmem>>, vector<16xf32>,
      %mul3A_423 = arith.constant 128 : i32
      %mul3A_424 = arith.muli %scan3A_314, %mul3A_423 : i32
      %add3A_425 = arith.constant 96 : i32
      %add3A_426 = arith.addi %mul3A_424, %add3A_425 : i32
      %get3A_427 = arith.index_cast %add3A_426 : i32 to index
      %get3A_428 = tpu.vector_load %arg7[%get3A_427] {strides = array<i32>} : memref<10240xf32, #tpu.memory_space<vmem>>, vector<16xf32>,
      %swap3A_429 = arith.index_cast %scan3A_314 : i32 to index
      %swap3A_430 = arith.constant 96 : index
      %swap3A_431 = tpu.vector_load %arg9[%swap3A_429, %swap3A_430] {strides = array<i32>} : memref<80x128xf32, #tpu.memory_space<vmem>>, vector<16xf32>,
      tpu.vector_store %arg9[%swap3A_429, %swap3A_430], %get3A_428 {strides = array<i32>} : memref<80x128xf32, #tpu.memory_space<vmem>>, vector<16xf32>,
      %mul3A_432 = arith.constant 128 : i32
      %mul3A_433 = arith.muli %scan3A_314, %mul3A_432 : i32
      %add3A_434 = arith.constant 96 : i32
      %add3A_435 = arith.addi %mul3A_433, %add3A_434 : i32
      %get3A_436 = arith.index_cast %add3A_435 : i32 to index
      %get3A_437 = tpu.vector_load %arg8[%get3A_436] {strides = array<i32>} : memref<10240xf32, #tpu.memory_space<vmem>>, vector<16xf32>,
      %swap3A_438 = arith.index_cast %scan3A_314 : i32 to index
      %swap3A_439 = arith.constant 96 : index
      %swap3A_440 = tpu.vector_load %arg10[%swap3A_438, %swap3A_439] {strides = array<i32>} : memref<80x128xf32, #tpu.memory_space<vmem>>, vector<16xf32>,
      tpu.vector_store %arg10[%swap3A_438, %swap3A_439], %get3A_437 {strides = array<i32>} : memref<80x128xf32, #tpu.memory_space<vmem>>, vector<16xf32>,
      %mul3A_441 = arith.constant 128 : i32
      %mul3A_442 = arith.muli %scan3A_314, %mul3A_441 : i32
      %add3A_443 = arith.constant 112 : i32
      %add3A_444 = arith.addi %mul3A_442, %add3A_443 : i32
      %get3A_445 = arith.index_cast %add3A_444 : i32 to index
      %get3A_446 = tpu.vector_load %arg7[%get3A_445] {strides = array<i32>} : memref<10240xf32, #tpu.memory_space<vmem>>, vector<16xf32>,
      %swap3A_447 = arith.index_cast %scan3A_314 : i32 to index
      %swap3A_448 = arith.constant 112 : index
      %swap3A_449 = tpu.vector_load %arg9[%swap3A_447, %swap3A_448] {strides = array<i32>} : memref<80x128xf32, #tpu.memory_space<vmem>>, vector<16xf32>,
      tpu.vector_store %arg9[%swap3A_447, %swap3A_448], %get3A_446 {strides = array<i32>} : memref<80x128xf32, #tpu.memory_space<vmem>>, vector<16xf32>,
      %mul3A_450 = arith.constant 128 : i32
      %mul3A_451 = arith.muli %scan3A_314, %mul3A_450 : i32
      %add3A_452 = arith.constant 112 : i32
      %add3A_453 = arith.addi %mul3A_451, %add3A_452 : i32
      %get3A_454 = arith.index_cast %add3A_453 : i32 to index
      %get3A_455 = tpu.vector_load %arg8[%get3A_454] {strides = array<i32>} : memref<10240xf32, #tpu.memory_space<vmem>>, vector<16xf32>,
      %swap3A_456 = arith.index_cast %scan3A_314 : i32 to index
      %swap3A_457 = arith.constant 112 : index
      %swap3A_458 = tpu.vector_load %arg10[%swap3A_456, %swap3A_457] {strides = array<i32>} : memref<80x128xf32, #tpu.memory_space<vmem>>, vector<16xf32>,
      tpu.vector_store %arg10[%swap3A_456, %swap3A_457], %get3A_455 {strides = array<i32>} : memref<80x128xf32, #tpu.memory_space<vmem>>, vector<16xf32>,
      %scan3A_459 = arith.constant 0 : i32
      scf.yield %scan3A_459 : i32
    }
    %scan3A_307 = arith.constant 80 : i32
    "tpu.region"() ({
      %run_scoped3A = tpu.sem_alloc : memref<!tpu.dma_semaphore, #tpu.memory_space<semaphore_mem>>
      %dma_start3A = arith.constant 0 : i32
      %dma_start3A_314 = arith.constant 0 : i32
      %dma_start3A_315 = tpu.memref_slice %arg13[%dma_start3A, %dma_start3A_314] : memref<80x128xf32, #tpu.memory_space<vmem_shared>> -> memref<80x128xf32, #tpu.memory_space<vmem_shared>>
      tpu.enqueue_indirect_dma source(%arg9 : memref<80x128xf32, #tpu.memory_space<vmem>>) target(%dma_start3A_315 : memref<80x128xf32, #tpu.memory_space<vmem_shared>>) offsets(%arg11 : memref<80xi32, #tpu.memory_space<vmem>>) semaphore(%run_scoped3A : memref<!tpu.dma_semaphore, #tpu.memory_space<semaphore_mem>>) {add = true}
      %dma_wait3A = arith.constant 0 : i32
      %dma_wait3A_316 = arith.constant 0 : i32
      %dma_wait3A_317 = tpu.memref_slice %arg13[%dma_wait3A, %dma_wait3A_316] : memref<80x128xf32, #tpu.memory_space<vmem_shared>> -> memref<80x128xf32, #tpu.memory_space<vmem_shared>>
      tpu.wait_indirect_dma semaphore(%run_scoped3A : memref<!tpu.dma_semaphore, #tpu.memory_space<semaphore_mem>>) src(%arg9 : memref<80x128xf32, #tpu.memory_space<vmem>>) dst(%dma_wait3A_317 : memref<80x128xf32, #tpu.memory_space<vmem_shared>>)
      tpu.yield
    }) : () -> ()
    "tpu.region"() ({
      %run_scoped3A = tpu.sem_alloc : memref<!tpu.dma_semaphore, #tpu.memory_space<semaphore_mem>>
      %dma_start3A = arith.constant 0 : i32
      %dma_start3A_314 = arith.constant 0 : i32
      %dma_start3A_315 = tpu.memref_slice %arg14[%dma_start3A, %dma_start3A_314] : memref<80x128xf32, #tpu.memory_space<vmem_shared>> -> memref<80x128xf32, #tpu.memory_space<vmem_shared>>
      tpu.enqueue_indirect_dma source(%arg10 : memref<80x128xf32, #tpu.memory_space<vmem>>) target(%dma_start3A_315 : memref<80x128xf32, #tpu.memory_space<vmem_shared>>) offsets(%arg11 : memref<80xi32, #tpu.memory_space<vmem>>) semaphore(%run_scoped3A : memref<!tpu.dma_semaphore, #tpu.memory_space<semaphore_mem>>) {add = true}
      %dma_wait3A = arith.constant 0 : i32
      %dma_wait3A_316 = arith.constant 0 : i32
      %dma_wait3A_317 = tpu.memref_slice %arg14[%dma_wait3A, %dma_wait3A_316] : memref<80x128xf32, #tpu.memory_space<vmem_shared>> -> memref<80x128xf32, #tpu.memory_space<vmem_shared>>
      tpu.wait_indirect_dma semaphore(%run_scoped3A : memref<!tpu.dma_semaphore, #tpu.memory_space<semaphore_mem>>) src(%arg10 : memref<80x128xf32, #tpu.memory_space<vmem>>) dst(%dma_wait3A_317 : memref<80x128xf32, #tpu.memory_space<vmem_shared>>)
      tpu.yield
    }) : () -> ()
    %barrier3A_308 = arith.constant 0 : index
    tpu.barrier barrier_id(%barrier3A_308)
    %lt3A_309 = arith.constant 10 : i32
    %lt3A_310 = arith.cmpi slt, %arg1, %lt3A_309 : i32
    %convert_element_type3A_311 = arith.extui %lt3A_310 : i1 to i32
    %cond3A_312 = arith.constant 0 : i32
    %cond3A_313 = arith.cmpi ne, %convert_element_type3A_311, %cond3A_312 : i32
    scf.if %cond3A_313 {
      %mul3A_314 = arith.constant 8 : i32
      %mul3A_315 = arith.muli %arg1, %mul3A_314 : i32
      %mul3A_316 = arith.constant 8 : i32
      %mul3A_317 = arith.muli %arg1, %mul3A_316 : i32
      %run_scoped3A = arith.constant 0 : i32
      "tpu.region"() ({
        %run_scoped3A_323 = tpu.sem_alloc : memref<!tpu.dma_semaphore, #tpu.memory_space<semaphore_mem>>
        %dma_start3A = arith.constant 0 : i32
        %dma_start3A_324 = tpu.memref_slice %arg4[%arg0, %run_scoped3A, %mul3A_317, %dma_start3A] : memref<2x2x80x128xf32, #tpu.memory_space<hbm>> -> memref<1x1x8x128xf32, #tpu.memory_space<hbm>>
        %dma_start3A_325 = tpu.memref_squeeze %dma_start3A_324 : memref<1x1x8x128xf32, #tpu.memory_space<hbm>> -> memref<8x128xf32, #tpu.memory_space<hbm>>
        %dma_start3A_326 = arith.constant 0 : i32
        %dma_start3A_327 = tpu.memref_slice %arg13[%mul3A_315, %dma_start3A_326] : memref<80x128xf32, #tpu.memory_space<vmem_shared>> -> memref<8x128xf32, #tpu.memory_space<vmem_shared>>
        tpu.enqueue_dma source(%dma_start3A_327 : memref<8x128xf32, #tpu.memory_space<vmem_shared>>) target(%dma_start3A_325 : memref<8x128xf32, #tpu.memory_space<hbm>>) target_semaphore(%run_scoped3A_323 : memref<!tpu.dma_semaphore, #tpu.memory_space<semaphore_mem>>)
        %dma_wait3A = arith.constant 0 : i32
        %dma_wait3A_328 = tpu.memref_slice %arg4[%arg0, %run_scoped3A, %mul3A_317, %dma_wait3A] : memref<2x2x80x128xf32, #tpu.memory_space<hbm>> -> memref<1x1x8x128xf32, #tpu.memory_space<hbm>>
        %dma_wait3A_329 = tpu.memref_squeeze %dma_wait3A_328 : memref<1x1x8x128xf32, #tpu.memory_space<hbm>> -> memref<8x128xf32, #tpu.memory_space<hbm>>
        %dma_wait3A_330 = arith.constant 0 : i32
        %dma_wait3A_331 = tpu.memref_slice %arg13[%mul3A_315, %dma_wait3A_330] : memref<80x128xf32, #tpu.memory_space<vmem_shared>> -> memref<8x128xf32, #tpu.memory_space<vmem_shared>>
        tpu.wait_dma2 semaphore(%run_scoped3A_323 : memref<!tpu.dma_semaphore, #tpu.memory_space<semaphore_mem>>) src(%dma_wait3A_331 : memref<8x128xf32, #tpu.memory_space<vmem_shared>>) dst(%dma_wait3A_329 : memref<8x128xf32, #tpu.memory_space<hbm>>)
        tpu.yield
      }) : () -> ()
      %mul3A_318 = arith.constant 8 : i32
      %mul3A_319 = arith.muli %arg1, %mul3A_318 : i32
      %mul3A_320 = arith.constant 8 : i32
      %mul3A_321 = arith.muli %arg1, %mul3A_320 : i32
      %run_scoped3A_322 = arith.constant 1 : i32
      "tpu.region"() ({
        %run_scoped3A_323 = tpu.sem_alloc : memref<!tpu.dma_semaphore, #tpu.memory_space<semaphore_mem>>
        %dma_start3A = arith.constant 0 : i32
        %dma_start3A_324 = tpu.memref_slice %arg4[%arg0, %run_scoped3A_322, %mul3A_321, %dma_start3A] : memref<2x2x80x128xf32, #tpu.memory_space<hbm>> -> memref<1x1x8x128xf32, #tpu.memory_space<hbm>>
        %dma_start3A_325 = tpu.memref_squeeze %dma_start3A_324 : memref<1x1x8x128xf32, #tpu.memory_space<hbm>> -> memref<8x128xf32, #tpu.memory_space<hbm>>
        %dma_start3A_326 = arith.constant 0 : i32
        %dma_start3A_327 = tpu.memref_slice %arg14[%mul3A_319, %dma_start3A_326] : memref<80x128xf32, #tpu.memory_space<vmem_shared>> -> memref<8x128xf32, #tpu.memory_space<vmem_shared>>
        tpu.enqueue_dma source(%dma_start3A_327 : memref<8x128xf32, #tpu.memory_space<vmem_shared>>) target(%dma_start3A_325 : memref<8x128xf32, #tpu.memory_space<hbm>>) target_semaphore(%run_scoped3A_323 : memref<!tpu.dma_semaphore, #tpu.memory_space<semaphore_mem>>)
        %dma_wait3A = arith.constant 0 : i32
        %dma_wait3A_328 = tpu.memref_slice %arg4[%arg0, %run_scoped3A_322, %mul3A_321, %dma_wait3A] : memref<2x2x80x128xf32, #tpu.memory_space<hbm>> -> memref<1x1x8x128xf32, #tpu.memory_space<hbm>>
        %dma_wait3A_329 = tpu.memref_squeeze %dma_wait3A_328 : memref<1x1x8x128xf32, #tpu.memory_space<hbm>> -> memref<8x128xf32, #tpu.memory_space<hbm>>
        %dma_wait3A_330 = arith.constant 0 : i32
        %dma_wait3A_331 = tpu.memref_slice %arg14[%mul3A_319, %dma_wait3A_330] : memref<80x128xf32, #tpu.memory_space<vmem_shared>> -> memref<8x128xf32, #tpu.memory_space<vmem_shared>>
        tpu.wait_dma2 semaphore(%run_scoped3A_323 : memref<!tpu.dma_semaphore, #tpu.memory_space<semaphore_mem>>) src(%dma_wait3A_331 : memref<8x128xf32, #tpu.memory_space<vmem_shared>>) dst(%dma_wait3A_329 : memref<8x128xf32, #tpu.memory_space<hbm>>)
        tpu.yield
      }) : () -> ()
    } else {
    }
    return
  }
}

#map = affine_map<(d0, d1) -> (0, 0)>
#map1 = affine_map<(d0, d1) -> (0)>
#map2 = affine_map<(d0, d1) -> (0, 0, 0)>
module attributes {stable_mosaic.version = 14 : i64} {
  func.func @_sc_segsum(%arg0: i32, %arg1: i32, %arg2: memref<10240x128xf32, #tpu.memory_space<hbm>>, %arg3: memref<320000xi32, #tpu.memory_space<hbm>>, %arg4: memref<320000xi32, #tpu.memory_space<hbm>>, %arg5: memref<2x10240x128xf32, #tpu.memory_space<hbm>>, %arg6: memref<80xi32, #tpu.memory_space<vmem>>, %arg7: memref<80xi32, #tpu.memory_space<vmem>>, %arg8: memref<80xi32, #tpu.memory_space<vmem>>, %arg9: memref<80xi32, #tpu.memory_space<vmem>>, %arg10: memref<2x80x128xf32, #tpu.memory_space<vmem>>, %arg11: memref<10240x128xf32, #tpu.memory_space<vmem_shared>>, %arg12: memref<!tpu.dma_semaphore, #tpu.memory_space<semaphore_mem>>, %arg13: memref<!tpu.dma_semaphore, #tpu.memory_space<semaphore_mem>>, %arg14: memref<!tpu.dma_semaphore, #tpu.memory_space<semaphore_mem>>, %arg15: memref<!tpu.dma_semaphore, #tpu.memory_space<semaphore_mem>>) attributes {dimension_semantics = [#tpu.dimension_semantics<core_parallel>, #tpu.dimension_semantics<subcore_parallel>], iteration_bounds = array<i64: 2, 16>, scalar_prefetch = 0 : i64, scratch_operands = 10 : i64, tpu.core_type = #tpu.core_type<sc_vector_subcore>, window_params = [{transform_indices = #map}, {transform_indices = #map1}, {transform_indices = #map1}, {transform_indices = #map2}]} {
    %mul3A = arith.constant 2 : i32
    %mul3A_0 = arith.muli %arg1, %mul3A : i32
    %add3A = arith.addi %mul3A_0, %arg0 : i32
    %mul3A_1 = arith.constant 10000 : i32
    %mul3A_2 = arith.muli %add3A, %mul3A_1 : i32
    %broadcast_in_dim3A = arith.constant 0.000000e+00 : f32
    %broadcast_in_dim3A_3 = vector.broadcast %broadcast_in_dim3A : f32 to vector<16xf32>
    %scan3A = arith.constant 0 : i32
    %scan3A_4 = arith.constant 0 : i32
    %scan3A_5 = arith.constant 80 : i32
    %scan3A_6 = arith.addi %scan3A_4, %scan3A_5 : i32
    %scan3A_7 = arith.constant 1 : i32
    %scan3A_8 = scf.for %scan3A_768 = %scan3A_4 to %scan3A_6 step %scan3A_7 iter_args(%scan3A_769 = %scan3A) -> (i32)  : i32 {
      %swap3A = arith.constant 0 : i32
      %swap3A_770 = arith.index_cast %swap3A : i32 to index
      %swap3A_771 = arith.index_cast %scan3A_768 : i32 to index
      %swap3A_772 = arith.constant 0 : index
      %swap3A_773 = tpu.vector_load %arg10[%swap3A_770, %swap3A_771, %swap3A_772] {strides = array<i32>} : memref<2x80x128xf32, #tpu.memory_space<vmem>>, vector<16xf32>,
      tpu.vector_store %arg10[%swap3A_770, %swap3A_771, %swap3A_772], %broadcast_in_dim3A_3 {strides = array<i32>} : memref<2x80x128xf32, #tpu.memory_space<vmem>>, vector<16xf32>,
      %swap3A_774 = arith.constant 0 : i32
      %swap3A_775 = arith.index_cast %swap3A_774 : i32 to index
      %swap3A_776 = arith.index_cast %scan3A_768 : i32 to index
      %swap3A_777 = arith.constant 16 : index
      %swap3A_778 = tpu.vector_load %arg10[%swap3A_775, %swap3A_776, %swap3A_777] {strides = array<i32>} : memref<2x80x128xf32, #tpu.memory_space<vmem>>, vector<16xf32>,
      tpu.vector_store %arg10[%swap3A_775, %swap3A_776, %swap3A_777], %broadcast_in_dim3A_3 {strides = array<i32>} : memref<2x80x128xf32, #tpu.memory_space<vmem>>, vector<16xf32>,
      %swap3A_779 = arith.constant 0 : i32
      %swap3A_780 = arith.index_cast %swap3A_779 : i32 to index
      %swap3A_781 = arith.index_cast %scan3A_768 : i32 to index
      %swap3A_782 = arith.constant 32 : index
      %swap3A_783 = tpu.vector_load %arg10[%swap3A_780, %swap3A_781, %swap3A_782] {strides = array<i32>} : memref<2x80x128xf32, #tpu.memory_space<vmem>>, vector<16xf32>,
      tpu.vector_store %arg10[%swap3A_780, %swap3A_781, %swap3A_782], %broadcast_in_dim3A_3 {strides = array<i32>} : memref<2x80x128xf32, #tpu.memory_space<vmem>>, vector<16xf32>,
      %swap3A_784 = arith.constant 0 : i32
      %swap3A_785 = arith.index_cast %swap3A_784 : i32 to index
      %swap3A_786 = arith.index_cast %scan3A_768 : i32 to index
      %swap3A_787 = arith.constant 48 : index
      %swap3A_788 = tpu.vector_load %arg10[%swap3A_785, %swap3A_786, %swap3A_787] {strides = array<i32>} : memref<2x80x128xf32, #tpu.memory_space<vmem>>, vector<16xf32>,
      tpu.vector_store %arg10[%swap3A_785, %swap3A_786, %swap3A_787], %broadcast_in_dim3A_3 {strides = array<i32>} : memref<2x80x128xf32, #tpu.memory_space<vmem>>, vector<16xf32>,
      %swap3A_789 = arith.constant 0 : i32
      %swap3A_790 = arith.index_cast %swap3A_789 : i32 to index
      %swap3A_791 = arith.index_cast %scan3A_768 : i32 to index
      %swap3A_792 = arith.constant 64 : index
      %swap3A_793 = tpu.vector_load %arg10[%swap3A_790, %swap3A_791, %swap3A_792] {strides = array<i32>} : memref<2x80x128xf32, #tpu.memory_space<vmem>>, vector<16xf32>,
      tpu.vector_store %arg10[%swap3A_790, %swap3A_791, %swap3A_792], %broadcast_in_dim3A_3 {strides = array<i32>} : memref<2x80x128xf32, #tpu.memory_space<vmem>>, vector<16xf32>,
      %swap3A_794 = arith.constant 0 : i32
      %swap3A_795 = arith.index_cast %swap3A_794 : i32 to index
      %swap3A_796 = arith.index_cast %scan3A_768 : i32 to index
      %swap3A_797 = arith.constant 80 : index
      %swap3A_798 = tpu.vector_load %arg10[%swap3A_795, %swap3A_796, %swap3A_797] {strides = array<i32>} : memref<2x80x128xf32, #tpu.memory_space<vmem>>, vector<16xf32>,
      tpu.vector_store %arg10[%swap3A_795, %swap3A_796, %swap3A_797], %broadcast_in_dim3A_3 {strides = array<i32>} : memref<2x80x128xf32, #tpu.memory_space<vmem>>, vector<16xf32>,
      %swap3A_799 = arith.constant 0 : i32
      %swap3A_800 = arith.index_cast %swap3A_799 : i32 to index
      %swap3A_801 = arith.index_cast %scan3A_768 : i32 to index
      %swap3A_802 = arith.constant 96 : index
      %swap3A_803 = tpu.vector_load %arg10[%swap3A_800, %swap3A_801, %swap3A_802] {strides = array<i32>} : memref<2x80x128xf32, #tpu.memory_space<vmem>>, vector<16xf32>,
      tpu.vector_store %arg10[%swap3A_800, %swap3A_801, %swap3A_802], %broadcast_in_dim3A_3 {strides = array<i32>} : memref<2x80x128xf32, #tpu.memory_space<vmem>>, vector<16xf32>,
      %swap3A_804 = arith.constant 0 : i32
      %swap3A_805 = arith.index_cast %swap3A_804 : i32 to index
      %swap3A_806 = arith.index_cast %scan3A_768 : i32 to index
      %swap3A_807 = arith.constant 112 : index
      %swap3A_808 = tpu.vector_load %arg10[%swap3A_805, %swap3A_806, %swap3A_807] {strides = array<i32>} : memref<2x80x128xf32, #tpu.memory_space<vmem>>, vector<16xf32>,
      tpu.vector_store %arg10[%swap3A_805, %swap3A_806, %swap3A_807], %broadcast_in_dim3A_3 {strides = array<i32>} : memref<2x80x128xf32, #tpu.memory_space<vmem>>, vector<16xf32>,
      %scan3A_809 = arith.constant 0 : i32
      scf.yield %scan3A_809 : i32
    }
    %scan3A_9 = arith.constant 80 : i32
    %mul3A_10 = arith.constant 640 : i32
    %mul3A_11 = arith.muli %arg1, %mul3A_10 : i32
    %add3A_12 = arith.constant 0 : i32
    %add3A_13 = arith.addi %mul3A_11, %add3A_12 : i32
    %dma_start3A = arith.constant 0 : i32
    %dma_start3A_14 = arith.constant 0 : i32
    %dma_start3A_15 = arith.constant 0 : i32
    %dma_start3A_16 = tpu.memref_slice %arg10[%dma_start3A, %dma_start3A_14, %dma_start3A_15] : memref<2x80x128xf32, #tpu.memory_space<vmem>> -> memref<1x80x128xf32, #tpu.memory_space<vmem>>
    %dma_start3A_17 = tpu.memref_squeeze %dma_start3A_16 : memref<1x80x128xf32, #tpu.memory_space<vmem>> -> memref<80x128xf32, #tpu.memory_space<vmem>>
    %dma_start3A_18 = arith.constant 0 : i32
    %dma_start3A_19 = tpu.memref_slice %arg11[%add3A_13, %dma_start3A_18] : memref<10240x128xf32, #tpu.memory_space<vmem_shared>> -> memref<80x128xf32, #tpu.memory_space<vmem_shared>>
    %dma_start3A_20 = arith.constant 0 : i32
    %dma_start3A_21 = tpu.memref_slice %arg11[%add3A_13, %dma_start3A_20] : memref<10240x128xf32, #tpu.memory_space<vmem_shared>> -> memref<80x128xf32, #tpu.memory_space<vmem_shared>>
    %dma_start3A_22 = arith.constant 0 : i32
    %dma_start3A_23 = arith.constant 0 : i32
    %dma_start3A_24 = tpu.memref_slice %arg10[%dma_start3A, %dma_start3A_22, %dma_start3A_23] : memref<2x80x128xf32, #tpu.memory_space<vmem>> -> memref<1x80x128xf32, #tpu.memory_space<vmem>>
    %dma_start3A_25 = tpu.memref_squeeze %dma_start3A_24 : memref<1x80x128xf32, #tpu.memory_space<vmem>> -> memref<80x128xf32, #tpu.memory_space<vmem>>
    tpu.enqueue_dma source(%dma_start3A_25 : memref<80x128xf32, #tpu.memory_space<vmem>>) target(%dma_start3A_21 : memref<80x128xf32, #tpu.memory_space<vmem_shared>>) target_semaphore(%arg12 : memref<!tpu.dma_semaphore, #tpu.memory_space<semaphore_mem>>)
    %mul3A_26 = arith.constant 640 : i32
    %mul3A_27 = arith.muli %arg1, %mul3A_26 : i32
    %add3A_28 = arith.constant 80 : i32
    %add3A_29 = arith.addi %mul3A_27, %add3A_28 : i32
    %dma_start3A_30 = arith.constant 0 : i32
    %dma_start3A_31 = arith.constant 0 : i32
    %dma_start3A_32 = arith.constant 0 : i32
    %dma_start3A_33 = tpu.memref_slice %arg10[%dma_start3A_30, %dma_start3A_31, %dma_start3A_32] : memref<2x80x128xf32, #tpu.memory_space<vmem>> -> memref<1x80x128xf32, #tpu.memory_space<vmem>>
    %dma_start3A_34 = tpu.memref_squeeze %dma_start3A_33 : memref<1x80x128xf32, #tpu.memory_space<vmem>> -> memref<80x128xf32, #tpu.memory_space<vmem>>
    %dma_start3A_35 = arith.constant 0 : i32
    %dma_start3A_36 = tpu.memref_slice %arg11[%add3A_29, %dma_start3A_35] : memref<10240x128xf32, #tpu.memory_space<vmem_shared>> -> memref<80x128xf32, #tpu.memory_space<vmem_shared>>
    %dma_start3A_37 = arith.constant 0 : i32
    %dma_start3A_38 = tpu.memref_slice %arg11[%add3A_29, %dma_start3A_37] : memref<10240x128xf32, #tpu.memory_space<vmem_shared>> -> memref<80x128xf32, #tpu.memory_space<vmem_shared>>
    %dma_start3A_39 = arith.constant 0 : i32
    %dma_start3A_40 = arith.constant 0 : i32
    %dma_start3A_41 = tpu.memref_slice %arg10[%dma_start3A_30, %dma_start3A_39, %dma_start3A_40] : memref<2x80x128xf32, #tpu.memory_space<vmem>> -> memref<1x80x128xf32, #tpu.memory_space<vmem>>
    %dma_start3A_42 = tpu.memref_squeeze %dma_start3A_41 : memref<1x80x128xf32, #tpu.memory_space<vmem>> -> memref<80x128xf32, #tpu.memory_space<vmem>>
    tpu.enqueue_dma source(%dma_start3A_42 : memref<80x128xf32, #tpu.memory_space<vmem>>) target(%dma_start3A_38 : memref<80x128xf32, #tpu.memory_space<vmem_shared>>) target_semaphore(%arg12 : memref<!tpu.dma_semaphore, #tpu.memory_space<semaphore_mem>>)
    %mul3A_43 = arith.constant 640 : i32
    %mul3A_44 = arith.muli %arg1, %mul3A_43 : i32
    %add3A_45 = arith.constant 160 : i32
    %add3A_46 = arith.addi %mul3A_44, %add3A_45 : i32
    %dma_start3A_47 = arith.constant 0 : i32
    %dma_start3A_48 = arith.constant 0 : i32
    %dma_start3A_49 = arith.constant 0 : i32
    %dma_start3A_50 = tpu.memref_slice %arg10[%dma_start3A_47, %dma_start3A_48, %dma_start3A_49] : memref<2x80x128xf32, #tpu.memory_space<vmem>> -> memref<1x80x128xf32, #tpu.memory_space<vmem>>
    %dma_start3A_51 = tpu.memref_squeeze %dma_start3A_50 : memref<1x80x128xf32, #tpu.memory_space<vmem>> -> memref<80x128xf32, #tpu.memory_space<vmem>>
    %dma_start3A_52 = arith.constant 0 : i32
    %dma_start3A_53 = tpu.memref_slice %arg11[%add3A_46, %dma_start3A_52] : memref<10240x128xf32, #tpu.memory_space<vmem_shared>> -> memref<80x128xf32, #tpu.memory_space<vmem_shared>>
    %dma_start3A_54 = arith.constant 0 : i32
    %dma_start3A_55 = tpu.memref_slice %arg11[%add3A_46, %dma_start3A_54] : memref<10240x128xf32, #tpu.memory_space<vmem_shared>> -> memref<80x128xf32, #tpu.memory_space<vmem_shared>>
    %dma_start3A_56 = arith.constant 0 : i32
    %dma_start3A_57 = arith.constant 0 : i32
    %dma_start3A_58 = tpu.memref_slice %arg10[%dma_start3A_47, %dma_start3A_56, %dma_start3A_57] : memref<2x80x128xf32, #tpu.memory_space<vmem>> -> memref<1x80x128xf32, #tpu.memory_space<vmem>>
    %dma_start3A_59 = tpu.memref_squeeze %dma_start3A_58 : memref<1x80x128xf32, #tpu.memory_space<vmem>> -> memref<80x128xf32, #tpu.memory_space<vmem>>
    tpu.enqueue_dma source(%dma_start3A_59 : memref<80x128xf32, #tpu.memory_space<vmem>>) target(%dma_start3A_55 : memref<80x128xf32, #tpu.memory_space<vmem_shared>>) target_semaphore(%arg12 : memref<!tpu.dma_semaphore, #tpu.memory_space<semaphore_mem>>)
    %mul3A_60 = arith.constant 640 : i32
    %mul3A_61 = arith.muli %arg1, %mul3A_60 : i32
    %add3A_62 = arith.constant 240 : i32
    %add3A_63 = arith.addi %mul3A_61, %add3A_62 : i32
    %dma_start3A_64 = arith.constant 0 : i32
    %dma_start3A_65 = arith.constant 0 : i32
    %dma_start3A_66 = arith.constant 0 : i32
    %dma_start3A_67 = tpu.memref_slice %arg10[%dma_start3A_64, %dma_start3A_65, %dma_start3A_66] : memref<2x80x128xf32, #tpu.memory_space<vmem>> -> memref<1x80x128xf32, #tpu.memory_space<vmem>>
    %dma_start3A_68 = tpu.memref_squeeze %dma_start3A_67 : memref<1x80x128xf32, #tpu.memory_space<vmem>> -> memref<80x128xf32, #tpu.memory_space<vmem>>
    %dma_start3A_69 = arith.constant 0 : i32
    %dma_start3A_70 = tpu.memref_slice %arg11[%add3A_63, %dma_start3A_69] : memref<10240x128xf32, #tpu.memory_space<vmem_shared>> -> memref<80x128xf32, #tpu.memory_space<vmem_shared>>
    %dma_start3A_71 = arith.constant 0 : i32
    %dma_start3A_72 = tpu.memref_slice %arg11[%add3A_63, %dma_start3A_71] : memref<10240x128xf32, #tpu.memory_space<vmem_shared>> -> memref<80x128xf32, #tpu.memory_space<vmem_shared>>
    %dma_start3A_73 = arith.constant 0 : i32
    %dma_start3A_74 = arith.constant 0 : i32
    %dma_start3A_75 = tpu.memref_slice %arg10[%dma_start3A_64, %dma_start3A_73, %dma_start3A_74] : memref<2x80x128xf32, #tpu.memory_space<vmem>> -> memref<1x80x128xf32, #tpu.memory_space<vmem>>
    %dma_start3A_76 = tpu.memref_squeeze %dma_start3A_75 : memref<1x80x128xf32, #tpu.memory_space<vmem>> -> memref<80x128xf32, #tpu.memory_space<vmem>>
    tpu.enqueue_dma source(%dma_start3A_76 : memref<80x128xf32, #tpu.memory_space<vmem>>) target(%dma_start3A_72 : memref<80x128xf32, #tpu.memory_space<vmem_shared>>) target_semaphore(%arg12 : memref<!tpu.dma_semaphore, #tpu.memory_space<semaphore_mem>>)
    %mul3A_77 = arith.constant 640 : i32
    %mul3A_78 = arith.muli %arg1, %mul3A_77 : i32
    %add3A_79 = arith.constant 320 : i32
    %add3A_80 = arith.addi %mul3A_78, %add3A_79 : i32
    %dma_start3A_81 = arith.constant 0 : i32
    %dma_start3A_82 = arith.constant 0 : i32
    %dma_start3A_83 = arith.constant 0 : i32
    %dma_start3A_84 = tpu.memref_slice %arg10[%dma_start3A_81, %dma_start3A_82, %dma_start3A_83] : memref<2x80x128xf32, #tpu.memory_space<vmem>> -> memref<1x80x128xf32, #tpu.memory_space<vmem>>
    %dma_start3A_85 = tpu.memref_squeeze %dma_start3A_84 : memref<1x80x128xf32, #tpu.memory_space<vmem>> -> memref<80x128xf32, #tpu.memory_space<vmem>>
    %dma_start3A_86 = arith.constant 0 : i32
    %dma_start3A_87 = tpu.memref_slice %arg11[%add3A_80, %dma_start3A_86] : memref<10240x128xf32, #tpu.memory_space<vmem_shared>> -> memref<80x128xf32, #tpu.memory_space<vmem_shared>>
    %dma_start3A_88 = arith.constant 0 : i32
    %dma_start3A_89 = tpu.memref_slice %arg11[%add3A_80, %dma_start3A_88] : memref<10240x128xf32, #tpu.memory_space<vmem_shared>> -> memref<80x128xf32, #tpu.memory_space<vmem_shared>>
    %dma_start3A_90 = arith.constant 0 : i32
    %dma_start3A_91 = arith.constant 0 : i32
    %dma_start3A_92 = tpu.memref_slice %arg10[%dma_start3A_81, %dma_start3A_90, %dma_start3A_91] : memref<2x80x128xf32, #tpu.memory_space<vmem>> -> memref<1x80x128xf32, #tpu.memory_space<vmem>>
    %dma_start3A_93 = tpu.memref_squeeze %dma_start3A_92 : memref<1x80x128xf32, #tpu.memory_space<vmem>> -> memref<80x128xf32, #tpu.memory_space<vmem>>
    tpu.enqueue_dma source(%dma_start3A_93 : memref<80x128xf32, #tpu.memory_space<vmem>>) target(%dma_start3A_89 : memref<80x128xf32, #tpu.memory_space<vmem_shared>>) target_semaphore(%arg12 : memref<!tpu.dma_semaphore, #tpu.memory_space<semaphore_mem>>)
    %mul3A_94 = arith.constant 640 : i32
    %mul3A_95 = arith.muli %arg1, %mul3A_94 : i32
    %add3A_96 = arith.constant 400 : i32
    %add3A_97 = arith.addi %mul3A_95, %add3A_96 : i32
    %dma_start3A_98 = arith.constant 0 : i32
    %dma_start3A_99 = arith.constant 0 : i32
    %dma_start3A_100 = arith.constant 0 : i32
    %dma_start3A_101 = tpu.memref_slice %arg10[%dma_start3A_98, %dma_start3A_99, %dma_start3A_100] : memref<2x80x128xf32, #tpu.memory_space<vmem>> -> memref<1x80x128xf32, #tpu.memory_space<vmem>>
    %dma_start3A_102 = tpu.memref_squeeze %dma_start3A_101 : memref<1x80x128xf32, #tpu.memory_space<vmem>> -> memref<80x128xf32, #tpu.memory_space<vmem>>
    %dma_start3A_103 = arith.constant 0 : i32
    %dma_start3A_104 = tpu.memref_slice %arg11[%add3A_97, %dma_start3A_103] : memref<10240x128xf32, #tpu.memory_space<vmem_shared>> -> memref<80x128xf32, #tpu.memory_space<vmem_shared>>
    %dma_start3A_105 = arith.constant 0 : i32
    %dma_start3A_106 = tpu.memref_slice %arg11[%add3A_97, %dma_start3A_105] : memref<10240x128xf32, #tpu.memory_space<vmem_shared>> -> memref<80x128xf32, #tpu.memory_space<vmem_shared>>
    %dma_start3A_107 = arith.constant 0 : i32
    %dma_start3A_108 = arith.constant 0 : i32
    %dma_start3A_109 = tpu.memref_slice %arg10[%dma_start3A_98, %dma_start3A_107, %dma_start3A_108] : memref<2x80x128xf32, #tpu.memory_space<vmem>> -> memref<1x80x128xf32, #tpu.memory_space<vmem>>
    %dma_start3A_110 = tpu.memref_squeeze %dma_start3A_109 : memref<1x80x128xf32, #tpu.memory_space<vmem>> -> memref<80x128xf32, #tpu.memory_space<vmem>>
    tpu.enqueue_dma source(%dma_start3A_110 : memref<80x128xf32, #tpu.memory_space<vmem>>) target(%dma_start3A_106 : memref<80x128xf32, #tpu.memory_space<vmem_shared>>) target_semaphore(%arg12 : memref<!tpu.dma_semaphore, #tpu.memory_space<semaphore_mem>>)
    %mul3A_111 = arith.constant 640 : i32
    %mul3A_112 = arith.muli %arg1, %mul3A_111 : i32
    %add3A_113 = arith.constant 480 : i32
    %add3A_114 = arith.addi %mul3A_112, %add3A_113 : i32
    %dma_start3A_115 = arith.constant 0 : i32
    %dma_start3A_116 = arith.constant 0 : i32
    %dma_start3A_117 = arith.constant 0 : i32
    %dma_start3A_118 = tpu.memref_slice %arg10[%dma_start3A_115, %dma_start3A_116, %dma_start3A_117] : memref<2x80x128xf32, #tpu.memory_space<vmem>> -> memref<1x80x128xf32, #tpu.memory_space<vmem>>
    %dma_start3A_119 = tpu.memref_squeeze %dma_start3A_118 : memref<1x80x128xf32, #tpu.memory_space<vmem>> -> memref<80x128xf32, #tpu.memory_space<vmem>>
    %dma_start3A_120 = arith.constant 0 : i32
    %dma_start3A_121 = tpu.memref_slice %arg11[%add3A_114, %dma_start3A_120] : memref<10240x128xf32, #tpu.memory_space<vmem_shared>> -> memref<80x128xf32, #tpu.memory_space<vmem_shared>>
    %dma_start3A_122 = arith.constant 0 : i32
    %dma_start3A_123 = tpu.memref_slice %arg11[%add3A_114, %dma_start3A_122] : memref<10240x128xf32, #tpu.memory_space<vmem_shared>> -> memref<80x128xf32, #tpu.memory_space<vmem_shared>>
    %dma_start3A_124 = arith.constant 0 : i32
    %dma_start3A_125 = arith.constant 0 : i32
    %dma_start3A_126 = tpu.memref_slice %arg10[%dma_start3A_115, %dma_start3A_124, %dma_start3A_125] : memref<2x80x128xf32, #tpu.memory_space<vmem>> -> memref<1x80x128xf32, #tpu.memory_space<vmem>>
    %dma_start3A_127 = tpu.memref_squeeze %dma_start3A_126 : memref<1x80x128xf32, #tpu.memory_space<vmem>> -> memref<80x128xf32, #tpu.memory_space<vmem>>
    tpu.enqueue_dma source(%dma_start3A_127 : memref<80x128xf32, #tpu.memory_space<vmem>>) target(%dma_start3A_123 : memref<80x128xf32, #tpu.memory_space<vmem_shared>>) target_semaphore(%arg12 : memref<!tpu.dma_semaphore, #tpu.memory_space<semaphore_mem>>)
    %mul3A_128 = arith.constant 640 : i32
    %mul3A_129 = arith.muli %arg1, %mul3A_128 : i32
    %add3A_130 = arith.constant 560 : i32
    %add3A_131 = arith.addi %mul3A_129, %add3A_130 : i32
    %dma_start3A_132 = arith.constant 0 : i32
    %dma_start3A_133 = arith.constant 0 : i32
    %dma_start3A_134 = arith.constant 0 : i32
    %dma_start3A_135 = tpu.memref_slice %arg10[%dma_start3A_132, %dma_start3A_133, %dma_start3A_134] : memref<2x80x128xf32, #tpu.memory_space<vmem>> -> memref<1x80x128xf32, #tpu.memory_space<vmem>>
    %dma_start3A_136 = tpu.memref_squeeze %dma_start3A_135 : memref<1x80x128xf32, #tpu.memory_space<vmem>> -> memref<80x128xf32, #tpu.memory_space<vmem>>
    %dma_start3A_137 = arith.constant 0 : i32
    %dma_start3A_138 = tpu.memref_slice %arg11[%add3A_131, %dma_start3A_137] : memref<10240x128xf32, #tpu.memory_space<vmem_shared>> -> memref<80x128xf32, #tpu.memory_space<vmem_shared>>
    %dma_start3A_139 = arith.constant 0 : i32
    %dma_start3A_140 = tpu.memref_slice %arg11[%add3A_131, %dma_start3A_139] : memref<10240x128xf32, #tpu.memory_space<vmem_shared>> -> memref<80x128xf32, #tpu.memory_space<vmem_shared>>
    %dma_start3A_141 = arith.constant 0 : i32
    %dma_start3A_142 = arith.constant 0 : i32
    %dma_start3A_143 = tpu.memref_slice %arg10[%dma_start3A_132, %dma_start3A_141, %dma_start3A_142] : memref<2x80x128xf32, #tpu.memory_space<vmem>> -> memref<1x80x128xf32, #tpu.memory_space<vmem>>
    %dma_start3A_144 = tpu.memref_squeeze %dma_start3A_143 : memref<1x80x128xf32, #tpu.memory_space<vmem>> -> memref<80x128xf32, #tpu.memory_space<vmem>>
    tpu.enqueue_dma source(%dma_start3A_144 : memref<80x128xf32, #tpu.memory_space<vmem>>) target(%dma_start3A_140 : memref<80x128xf32, #tpu.memory_space<vmem_shared>>) target_semaphore(%arg12 : memref<!tpu.dma_semaphore, #tpu.memory_space<semaphore_mem>>)
    %mul3A_145 = arith.constant 640 : i32
    %mul3A_146 = arith.muli %arg1, %mul3A_145 : i32
    %add3A_147 = arith.constant 0 : i32
    %add3A_148 = arith.addi %mul3A_146, %add3A_147 : i32
    %dma_wait3A = arith.constant 0 : i32
    %dma_wait3A_149 = arith.constant 0 : i32
    %dma_wait3A_150 = arith.constant 0 : i32
    %dma_wait3A_151 = tpu.memref_slice %arg10[%dma_wait3A, %dma_wait3A_149, %dma_wait3A_150] : memref<2x80x128xf32, #tpu.memory_space<vmem>> -> memref<1x80x128xf32, #tpu.memory_space<vmem>>
    %dma_wait3A_152 = tpu.memref_squeeze %dma_wait3A_151 : memref<1x80x128xf32, #tpu.memory_space<vmem>> -> memref<80x128xf32, #tpu.memory_space<vmem>>
    %dma_wait3A_153 = arith.constant 0 : i32
    %dma_wait3A_154 = tpu.memref_slice %arg11[%add3A_148, %dma_wait3A_153] : memref<10240x128xf32, #tpu.memory_space<vmem_shared>> -> memref<80x128xf32, #tpu.memory_space<vmem_shared>>
    %dma_wait3A_155 = arith.constant 0 : i32
    %dma_wait3A_156 = tpu.memref_slice %arg11[%add3A_148, %dma_wait3A_155] : memref<10240x128xf32, #tpu.memory_space<vmem_shared>> -> memref<80x128xf32, #tpu.memory_space<vmem_shared>>
    %dma_wait3A_157 = arith.constant 0 : i32
    %dma_wait3A_158 = arith.constant 0 : i32
    %dma_wait3A_159 = tpu.memref_slice %arg10[%dma_wait3A, %dma_wait3A_157, %dma_wait3A_158] : memref<2x80x128xf32, #tpu.memory_space<vmem>> -> memref<1x80x128xf32, #tpu.memory_space<vmem>>
    %dma_wait3A_160 = tpu.memref_squeeze %dma_wait3A_159 : memref<1x80x128xf32, #tpu.memory_space<vmem>> -> memref<80x128xf32, #tpu.memory_space<vmem>>
    tpu.wait_dma2 semaphore(%arg12 : memref<!tpu.dma_semaphore, #tpu.memory_space<semaphore_mem>>) src(%dma_wait3A_160 : memref<80x128xf32, #tpu.memory_space<vmem>>) dst(%dma_wait3A_156 : memref<80x128xf32, #tpu.memory_space<vmem_shared>>)
    %mul3A_161 = arith.constant 640 : i32
    %mul3A_162 = arith.muli %arg1, %mul3A_161 : i32
    %add3A_163 = arith.constant 80 : i32
    %add3A_164 = arith.addi %mul3A_162, %add3A_163 : i32
    %dma_wait3A_165 = arith.constant 0 : i32
    %dma_wait3A_166 = arith.constant 0 : i32
    %dma_wait3A_167 = arith.constant 0 : i32
    %dma_wait3A_168 = tpu.memref_slice %arg10[%dma_wait3A_165, %dma_wait3A_166, %dma_wait3A_167] : memref<2x80x128xf32, #tpu.memory_space<vmem>> -> memref<1x80x128xf32, #tpu.memory_space<vmem>>
    %dma_wait3A_169 = tpu.memref_squeeze %dma_wait3A_168 : memref<1x80x128xf32, #tpu.memory_space<vmem>> -> memref<80x128xf32, #tpu.memory_space<vmem>>
    %dma_wait3A_170 = arith.constant 0 : i32
    %dma_wait3A_171 = tpu.memref_slice %arg11[%add3A_164, %dma_wait3A_170] : memref<10240x128xf32, #tpu.memory_space<vmem_shared>> -> memref<80x128xf32, #tpu.memory_space<vmem_shared>>
    %dma_wait3A_172 = arith.constant 0 : i32
    %dma_wait3A_173 = tpu.memref_slice %arg11[%add3A_164, %dma_wait3A_172] : memref<10240x128xf32, #tpu.memory_space<vmem_shared>> -> memref<80x128xf32, #tpu.memory_space<vmem_shared>>
    %dma_wait3A_174 = arith.constant 0 : i32
    %dma_wait3A_175 = arith.constant 0 : i32
    %dma_wait3A_176 = tpu.memref_slice %arg10[%dma_wait3A_165, %dma_wait3A_174, %dma_wait3A_175] : memref<2x80x128xf32, #tpu.memory_space<vmem>> -> memref<1x80x128xf32, #tpu.memory_space<vmem>>
    %dma_wait3A_177 = tpu.memref_squeeze %dma_wait3A_176 : memref<1x80x128xf32, #tpu.memory_space<vmem>> -> memref<80x128xf32, #tpu.memory_space<vmem>>
    tpu.wait_dma2 semaphore(%arg12 : memref<!tpu.dma_semaphore, #tpu.memory_space<semaphore_mem>>) src(%dma_wait3A_177 : memref<80x128xf32, #tpu.memory_space<vmem>>) dst(%dma_wait3A_173 : memref<80x128xf32, #tpu.memory_space<vmem_shared>>)
    %mul3A_178 = arith.constant 640 : i32
    %mul3A_179 = arith.muli %arg1, %mul3A_178 : i32
    %add3A_180 = arith.constant 160 : i32
    %add3A_181 = arith.addi %mul3A_179, %add3A_180 : i32
    %dma_wait3A_182 = arith.constant 0 : i32
    %dma_wait3A_183 = arith.constant 0 : i32
    %dma_wait3A_184 = arith.constant 0 : i32
    %dma_wait3A_185 = tpu.memref_slice %arg10[%dma_wait3A_182, %dma_wait3A_183, %dma_wait3A_184] : memref<2x80x128xf32, #tpu.memory_space<vmem>> -> memref<1x80x128xf32, #tpu.memory_space<vmem>>
    %dma_wait3A_186 = tpu.memref_squeeze %dma_wait3A_185 : memref<1x80x128xf32, #tpu.memory_space<vmem>> -> memref<80x128xf32, #tpu.memory_space<vmem>>
    %dma_wait3A_187 = arith.constant 0 : i32
    %dma_wait3A_188 = tpu.memref_slice %arg11[%add3A_181, %dma_wait3A_187] : memref<10240x128xf32, #tpu.memory_space<vmem_shared>> -> memref<80x128xf32, #tpu.memory_space<vmem_shared>>
    %dma_wait3A_189 = arith.constant 0 : i32
    %dma_wait3A_190 = tpu.memref_slice %arg11[%add3A_181, %dma_wait3A_189] : memref<10240x128xf32, #tpu.memory_space<vmem_shared>> -> memref<80x128xf32, #tpu.memory_space<vmem_shared>>
    %dma_wait3A_191 = arith.constant 0 : i32
    %dma_wait3A_192 = arith.constant 0 : i32
    %dma_wait3A_193 = tpu.memref_slice %arg10[%dma_wait3A_182, %dma_wait3A_191, %dma_wait3A_192] : memref<2x80x128xf32, #tpu.memory_space<vmem>> -> memref<1x80x128xf32, #tpu.memory_space<vmem>>
    %dma_wait3A_194 = tpu.memref_squeeze %dma_wait3A_193 : memref<1x80x128xf32, #tpu.memory_space<vmem>> -> memref<80x128xf32, #tpu.memory_space<vmem>>
    tpu.wait_dma2 semaphore(%arg12 : memref<!tpu.dma_semaphore, #tpu.memory_space<semaphore_mem>>) src(%dma_wait3A_194 : memref<80x128xf32, #tpu.memory_space<vmem>>) dst(%dma_wait3A_190 : memref<80x128xf32, #tpu.memory_space<vmem_shared>>)
    %mul3A_195 = arith.constant 640 : i32
    %mul3A_196 = arith.muli %arg1, %mul3A_195 : i32
    %add3A_197 = arith.constant 240 : i32
    %add3A_198 = arith.addi %mul3A_196, %add3A_197 : i32
    %dma_wait3A_199 = arith.constant 0 : i32
    %dma_wait3A_200 = arith.constant 0 : i32
    %dma_wait3A_201 = arith.constant 0 : i32
    %dma_wait3A_202 = tpu.memref_slice %arg10[%dma_wait3A_199, %dma_wait3A_200, %dma_wait3A_201] : memref<2x80x128xf32, #tpu.memory_space<vmem>> -> memref<1x80x128xf32, #tpu.memory_space<vmem>>
    %dma_wait3A_203 = tpu.memref_squeeze %dma_wait3A_202 : memref<1x80x128xf32, #tpu.memory_space<vmem>> -> memref<80x128xf32, #tpu.memory_space<vmem>>
    %dma_wait3A_204 = arith.constant 0 : i32
    %dma_wait3A_205 = tpu.memref_slice %arg11[%add3A_198, %dma_wait3A_204] : memref<10240x128xf32, #tpu.memory_space<vmem_shared>> -> memref<80x128xf32, #tpu.memory_space<vmem_shared>>
    %dma_wait3A_206 = arith.constant 0 : i32
    %dma_wait3A_207 = tpu.memref_slice %arg11[%add3A_198, %dma_wait3A_206] : memref<10240x128xf32, #tpu.memory_space<vmem_shared>> -> memref<80x128xf32, #tpu.memory_space<vmem_shared>>
    %dma_wait3A_208 = arith.constant 0 : i32
    %dma_wait3A_209 = arith.constant 0 : i32
    %dma_wait3A_210 = tpu.memref_slice %arg10[%dma_wait3A_199, %dma_wait3A_208, %dma_wait3A_209] : memref<2x80x128xf32, #tpu.memory_space<vmem>> -> memref<1x80x128xf32, #tpu.memory_space<vmem>>
    %dma_wait3A_211 = tpu.memref_squeeze %dma_wait3A_210 : memref<1x80x128xf32, #tpu.memory_space<vmem>> -> memref<80x128xf32, #tpu.memory_space<vmem>>
    tpu.wait_dma2 semaphore(%arg12 : memref<!tpu.dma_semaphore, #tpu.memory_space<semaphore_mem>>) src(%dma_wait3A_211 : memref<80x128xf32, #tpu.memory_space<vmem>>) dst(%dma_wait3A_207 : memref<80x128xf32, #tpu.memory_space<vmem_shared>>)
    %mul3A_212 = arith.constant 640 : i32
    %mul3A_213 = arith.muli %arg1, %mul3A_212 : i32
    %add3A_214 = arith.constant 320 : i32
    %add3A_215 = arith.addi %mul3A_213, %add3A_214 : i32
    %dma_wait3A_216 = arith.constant 0 : i32
    %dma_wait3A_217 = arith.constant 0 : i32
    %dma_wait3A_218 = arith.constant 0 : i32
    %dma_wait3A_219 = tpu.memref_slice %arg10[%dma_wait3A_216, %dma_wait3A_217, %dma_wait3A_218] : memref<2x80x128xf32, #tpu.memory_space<vmem>> -> memref<1x80x128xf32, #tpu.memory_space<vmem>>
    %dma_wait3A_220 = tpu.memref_squeeze %dma_wait3A_219 : memref<1x80x128xf32, #tpu.memory_space<vmem>> -> memref<80x128xf32, #tpu.memory_space<vmem>>
    %dma_wait3A_221 = arith.constant 0 : i32
    %dma_wait3A_222 = tpu.memref_slice %arg11[%add3A_215, %dma_wait3A_221] : memref<10240x128xf32, #tpu.memory_space<vmem_shared>> -> memref<80x128xf32, #tpu.memory_space<vmem_shared>>
    %dma_wait3A_223 = arith.constant 0 : i32
    %dma_wait3A_224 = tpu.memref_slice %arg11[%add3A_215, %dma_wait3A_223] : memref<10240x128xf32, #tpu.memory_space<vmem_shared>> -> memref<80x128xf32, #tpu.memory_space<vmem_shared>>
    %dma_wait3A_225 = arith.constant 0 : i32
    %dma_wait3A_226 = arith.constant 0 : i32
    %dma_wait3A_227 = tpu.memref_slice %arg10[%dma_wait3A_216, %dma_wait3A_225, %dma_wait3A_226] : memref<2x80x128xf32, #tpu.memory_space<vmem>> -> memref<1x80x128xf32, #tpu.memory_space<vmem>>
    %dma_wait3A_228 = tpu.memref_squeeze %dma_wait3A_227 : memref<1x80x128xf32, #tpu.memory_space<vmem>> -> memref<80x128xf32, #tpu.memory_space<vmem>>
    tpu.wait_dma2 semaphore(%arg12 : memref<!tpu.dma_semaphore, #tpu.memory_space<semaphore_mem>>) src(%dma_wait3A_228 : memref<80x128xf32, #tpu.memory_space<vmem>>) dst(%dma_wait3A_224 : memref<80x128xf32, #tpu.memory_space<vmem_shared>>)
    %mul3A_229 = arith.constant 640 : i32
    %mul3A_230 = arith.muli %arg1, %mul3A_229 : i32
    %add3A_231 = arith.constant 400 : i32
    %add3A_232 = arith.addi %mul3A_230, %add3A_231 : i32
    %dma_wait3A_233 = arith.constant 0 : i32
    %dma_wait3A_234 = arith.constant 0 : i32
    %dma_wait3A_235 = arith.constant 0 : i32
    %dma_wait3A_236 = tpu.memref_slice %arg10[%dma_wait3A_233, %dma_wait3A_234, %dma_wait3A_235] : memref<2x80x128xf32, #tpu.memory_space<vmem>> -> memref<1x80x128xf32, #tpu.memory_space<vmem>>
    %dma_wait3A_237 = tpu.memref_squeeze %dma_wait3A_236 : memref<1x80x128xf32, #tpu.memory_space<vmem>> -> memref<80x128xf32, #tpu.memory_space<vmem>>
    %dma_wait3A_238 = arith.constant 0 : i32
    %dma_wait3A_239 = tpu.memref_slice %arg11[%add3A_232, %dma_wait3A_238] : memref<10240x128xf32, #tpu.memory_space<vmem_shared>> -> memref<80x128xf32, #tpu.memory_space<vmem_shared>>
    %dma_wait3A_240 = arith.constant 0 : i32
    %dma_wait3A_241 = tpu.memref_slice %arg11[%add3A_232, %dma_wait3A_240] : memref<10240x128xf32, #tpu.memory_space<vmem_shared>> -> memref<80x128xf32, #tpu.memory_space<vmem_shared>>
    %dma_wait3A_242 = arith.constant 0 : i32
    %dma_wait3A_243 = arith.constant 0 : i32
    %dma_wait3A_244 = tpu.memref_slice %arg10[%dma_wait3A_233, %dma_wait3A_242, %dma_wait3A_243] : memref<2x80x128xf32, #tpu.memory_space<vmem>> -> memref<1x80x128xf32, #tpu.memory_space<vmem>>
    %dma_wait3A_245 = tpu.memref_squeeze %dma_wait3A_244 : memref<1x80x128xf32, #tpu.memory_space<vmem>> -> memref<80x128xf32, #tpu.memory_space<vmem>>
    tpu.wait_dma2 semaphore(%arg12 : memref<!tpu.dma_semaphore, #tpu.memory_space<semaphore_mem>>) src(%dma_wait3A_245 : memref<80x128xf32, #tpu.memory_space<vmem>>) dst(%dma_wait3A_241 : memref<80x128xf32, #tpu.memory_space<vmem_shared>>)
    %mul3A_246 = arith.constant 640 : i32
    %mul3A_247 = arith.muli %arg1, %mul3A_246 : i32
    %add3A_248 = arith.constant 480 : i32
    %add3A_249 = arith.addi %mul3A_247, %add3A_248 : i32
    %dma_wait3A_250 = arith.constant 0 : i32
    %dma_wait3A_251 = arith.constant 0 : i32
    %dma_wait3A_252 = arith.constant 0 : i32
    %dma_wait3A_253 = tpu.memref_slice %arg10[%dma_wait3A_250, %dma_wait3A_251, %dma_wait3A_252] : memref<2x80x128xf32, #tpu.memory_space<vmem>> -> memref<1x80x128xf32, #tpu.memory_space<vmem>>
    %dma_wait3A_254 = tpu.memref_squeeze %dma_wait3A_253 : memref<1x80x128xf32, #tpu.memory_space<vmem>> -> memref<80x128xf32, #tpu.memory_space<vmem>>
    %dma_wait3A_255 = arith.constant 0 : i32
    %dma_wait3A_256 = tpu.memref_slice %arg11[%add3A_249, %dma_wait3A_255] : memref<10240x128xf32, #tpu.memory_space<vmem_shared>> -> memref<80x128xf32, #tpu.memory_space<vmem_shared>>
    %dma_wait3A_257 = arith.constant 0 : i32
    %dma_wait3A_258 = tpu.memref_slice %arg11[%add3A_249, %dma_wait3A_257] : memref<10240x128xf32, #tpu.memory_space<vmem_shared>> -> memref<80x128xf32, #tpu.memory_space<vmem_shared>>
    %dma_wait3A_259 = arith.constant 0 : i32
    %dma_wait3A_260 = arith.constant 0 : i32
    %dma_wait3A_261 = tpu.memref_slice %arg10[%dma_wait3A_250, %dma_wait3A_259, %dma_wait3A_260] : memref<2x80x128xf32, #tpu.memory_space<vmem>> -> memref<1x80x128xf32, #tpu.memory_space<vmem>>
    %dma_wait3A_262 = tpu.memref_squeeze %dma_wait3A_261 : memref<1x80x128xf32, #tpu.memory_space<vmem>> -> memref<80x128xf32, #tpu.memory_space<vmem>>
    tpu.wait_dma2 semaphore(%arg12 : memref<!tpu.dma_semaphore, #tpu.memory_space<semaphore_mem>>) src(%dma_wait3A_262 : memref<80x128xf32, #tpu.memory_space<vmem>>) dst(%dma_wait3A_258 : memref<80x128xf32, #tpu.memory_space<vmem_shared>>)
    %mul3A_263 = arith.constant 640 : i32
    %mul3A_264 = arith.muli %arg1, %mul3A_263 : i32
    %add3A_265 = arith.constant 560 : i32
    %add3A_266 = arith.addi %mul3A_264, %add3A_265 : i32
    %dma_wait3A_267 = arith.constant 0 : i32
    %dma_wait3A_268 = arith.constant 0 : i32
    %dma_wait3A_269 = arith.constant 0 : i32
    %dma_wait3A_270 = tpu.memref_slice %arg10[%dma_wait3A_267, %dma_wait3A_268, %dma_wait3A_269] : memref<2x80x128xf32, #tpu.memory_space<vmem>> -> memref<1x80x128xf32, #tpu.memory_space<vmem>>
    %dma_wait3A_271 = tpu.memref_squeeze %dma_wait3A_270 : memref<1x80x128xf32, #tpu.memory_space<vmem>> -> memref<80x128xf32, #tpu.memory_space<vmem>>
    %dma_wait3A_272 = arith.constant 0 : i32
    %dma_wait3A_273 = tpu.memref_slice %arg11[%add3A_266, %dma_wait3A_272] : memref<10240x128xf32, #tpu.memory_space<vmem_shared>> -> memref<80x128xf32, #tpu.memory_space<vmem_shared>>
    %dma_wait3A_274 = arith.constant 0 : i32
    %dma_wait3A_275 = tpu.memref_slice %arg11[%add3A_266, %dma_wait3A_274] : memref<10240x128xf32, #tpu.memory_space<vmem_shared>> -> memref<80x128xf32, #tpu.memory_space<vmem_shared>>
    %dma_wait3A_276 = arith.constant 0 : i32
    %dma_wait3A_277 = arith.constant 0 : i32
    %dma_wait3A_278 = tpu.memref_slice %arg10[%dma_wait3A_267, %dma_wait3A_276, %dma_wait3A_277] : memref<2x80x128xf32, #tpu.memory_space<vmem>> -> memref<1x80x128xf32, #tpu.memory_space<vmem>>
    %dma_wait3A_279 = tpu.memref_squeeze %dma_wait3A_278 : memref<1x80x128xf32, #tpu.memory_space<vmem>> -> memref<80x128xf32, #tpu.memory_space<vmem>>
    tpu.wait_dma2 semaphore(%arg12 : memref<!tpu.dma_semaphore, #tpu.memory_space<semaphore_mem>>) src(%dma_wait3A_279 : memref<80x128xf32, #tpu.memory_space<vmem>>) dst(%dma_wait3A_275 : memref<80x128xf32, #tpu.memory_space<vmem_shared>>)
    %barrier3A = arith.constant 0 : index
    tpu.barrier barrier_id(%barrier3A)
    %add3A_280 = arith.constant 0 : i32
    %add3A_281 = arith.addi %mul3A_2, %add3A_280 : i32
    %dma_start3A_282 = tpu.memref_slice %arg3[%add3A_281] : memref<320000xi32, #tpu.memory_space<hbm>> -> memref<80xi32, #tpu.memory_space<hbm>>
    %dma_start3A_283 = tpu.memref_slice %arg3[%add3A_281] : memref<320000xi32, #tpu.memory_space<hbm>> -> memref<80xi32, #tpu.memory_space<hbm>>
    tpu.enqueue_dma source(%dma_start3A_283 : memref<80xi32, #tpu.memory_space<hbm>>) target(%arg6 : memref<80xi32, #tpu.memory_space<vmem>>) target_semaphore(%arg12 : memref<!tpu.dma_semaphore, #tpu.memory_space<semaphore_mem>>)
    %add3A_284 = arith.constant 0 : i32
    %add3A_285 = arith.addi %mul3A_2, %add3A_284 : i32
    %dma_start3A_286 = tpu.memref_slice %arg4[%add3A_285] : memref<320000xi32, #tpu.memory_space<hbm>> -> memref<80xi32, #tpu.memory_space<hbm>>
    %dma_start3A_287 = tpu.memref_slice %arg4[%add3A_285] : memref<320000xi32, #tpu.memory_space<hbm>> -> memref<80xi32, #tpu.memory_space<hbm>>
    tpu.enqueue_dma source(%dma_start3A_287 : memref<80xi32, #tpu.memory_space<hbm>>) target(%arg8 : memref<80xi32, #tpu.memory_space<vmem>>) target_semaphore(%arg12 : memref<!tpu.dma_semaphore, #tpu.memory_space<semaphore_mem>>)
    %add3A_288 = arith.constant 80 : i32
    %add3A_289 = arith.addi %mul3A_2, %add3A_288 : i32
    %dma_start3A_290 = tpu.memref_slice %arg3[%add3A_289] : memref<320000xi32, #tpu.memory_space<hbm>> -> memref<80xi32, #tpu.memory_space<hbm>>
    %dma_start3A_291 = tpu.memref_slice %arg3[%add3A_289] : memref<320000xi32, #tpu.memory_space<hbm>> -> memref<80xi32, #tpu.memory_space<hbm>>
    tpu.enqueue_dma source(%dma_start3A_291 : memref<80xi32, #tpu.memory_space<hbm>>) target(%arg7 : memref<80xi32, #tpu.memory_space<vmem>>) target_semaphore(%arg13 : memref<!tpu.dma_semaphore, #tpu.memory_space<semaphore_mem>>)
    %add3A_292 = arith.constant 80 : i32
    %add3A_293 = arith.addi %mul3A_2, %add3A_292 : i32
    %dma_start3A_294 = tpu.memref_slice %arg4[%add3A_293] : memref<320000xi32, #tpu.memory_space<hbm>> -> memref<80xi32, #tpu.memory_space<hbm>>
    %dma_start3A_295 = tpu.memref_slice %arg4[%add3A_293] : memref<320000xi32, #tpu.memory_space<hbm>> -> memref<80xi32, #tpu.memory_space<hbm>>
    tpu.enqueue_dma source(%dma_start3A_295 : memref<80xi32, #tpu.memory_space<hbm>>) target(%arg9 : memref<80xi32, #tpu.memory_space<vmem>>) target_semaphore(%arg13 : memref<!tpu.dma_semaphore, #tpu.memory_space<semaphore_mem>>)
    %add3A_296 = arith.constant 0 : i32
    %add3A_297 = arith.addi %mul3A_2, %add3A_296 : i32
    %dma_wait3A_298 = tpu.memref_slice %arg3[%add3A_297] : memref<320000xi32, #tpu.memory_space<hbm>> -> memref<80xi32, #tpu.memory_space<hbm>>
    %dma_wait3A_299 = tpu.memref_slice %arg3[%add3A_297] : memref<320000xi32, #tpu.memory_space<hbm>> -> memref<80xi32, #tpu.memory_space<hbm>>
    tpu.wait_dma2 semaphore(%arg12 : memref<!tpu.dma_semaphore, #tpu.memory_space<semaphore_mem>>) src(%dma_wait3A_299 : memref<80xi32, #tpu.memory_space<hbm>>) dst(%arg6 : memref<80xi32, #tpu.memory_space<vmem>>)
    %add3A_300 = arith.constant 0 : i32
    %add3A_301 = arith.addi %mul3A_2, %add3A_300 : i32
    %dma_wait3A_302 = tpu.memref_slice %arg4[%add3A_301] : memref<320000xi32, #tpu.memory_space<hbm>> -> memref<80xi32, #tpu.memory_space<hbm>>
    %dma_wait3A_303 = tpu.memref_slice %arg4[%add3A_301] : memref<320000xi32, #tpu.memory_space<hbm>> -> memref<80xi32, #tpu.memory_space<hbm>>
    tpu.wait_dma2 semaphore(%arg12 : memref<!tpu.dma_semaphore, #tpu.memory_space<semaphore_mem>>) src(%dma_wait3A_303 : memref<80xi32, #tpu.memory_space<hbm>>) dst(%arg8 : memref<80xi32, #tpu.memory_space<vmem>>)
    %dma_start3A_304 = arith.constant 0 : i32
    %dma_start3A_305 = arith.constant 0 : i32
    %dma_start3A_306 = arith.constant 0 : i32
    %dma_start3A_307 = tpu.memref_slice %arg10[%dma_start3A_304, %dma_start3A_305, %dma_start3A_306] : memref<2x80x128xf32, #tpu.memory_space<vmem>> -> memref<1x80x128xf32, #tpu.memory_space<vmem>>
    %dma_start3A_308 = tpu.memref_squeeze %dma_start3A_307 : memref<1x80x128xf32, #tpu.memory_space<vmem>> -> memref<80x128xf32, #tpu.memory_space<vmem>>
    %dma_start3A_309 = arith.constant 0 : i32
    %dma_start3A_310 = arith.constant 0 : i32
    %dma_start3A_311 = tpu.memref_slice %arg2[%dma_start3A_309, %dma_start3A_310] : memref<10240x128xf32, #tpu.memory_space<hbm>> -> memref<10240x128xf32, #tpu.memory_space<hbm>>
    tpu.enqueue_indirect_dma source(%dma_start3A_311 : memref<10240x128xf32, #tpu.memory_space<hbm>>) target(%dma_start3A_308 : memref<80x128xf32, #tpu.memory_space<vmem>>) offsets(%arg6 : memref<80xi32, #tpu.memory_space<vmem>>) semaphore(%arg14 : memref<!tpu.dma_semaphore, #tpu.memory_space<semaphore_mem>>)
    %scan3A_312 = arith.constant 0 : i32
    %scan3A_313 = arith.constant 0 : i32
    %scan3A_314 = arith.constant 62 : i32
    %scan3A_315 = arith.addi %scan3A_313, %scan3A_314 : i32
    %scan3A_316 = arith.constant 1 : i32
    %scan3A_317 = scf.for %scan3A_768 = %scan3A_313 to %scan3A_315 step %scan3A_316 iter_args(%scan3A_769 = %scan3A_312) -> (i32)  : i32 {
      %mul3A_770 = arith.constant 2 : i32
      %mul3A_771 = arith.muli %scan3A_768, %mul3A_770 : i32
      %add3A_772 = arith.constant 1 : i32
      %add3A_773 = arith.addi %mul3A_771, %add3A_772 : i32
      %mul3A_774 = arith.constant 80 : i32
      %mul3A_775 = arith.muli %add3A_773, %mul3A_774 : i32
      %add3A_776 = arith.addi %mul3A_2, %mul3A_775 : i32
      %dma_wait3A_777 = tpu.memref_slice %arg3[%add3A_776] : memref<320000xi32, #tpu.memory_space<hbm>> -> memref<80xi32, #tpu.memory_space<hbm>>
      %dma_wait3A_778 = tpu.memref_slice %arg3[%add3A_776] : memref<320000xi32, #tpu.memory_space<hbm>> -> memref<80xi32, #tpu.memory_space<hbm>>
      tpu.wait_dma2 semaphore(%arg13 : memref<!tpu.dma_semaphore, #tpu.memory_space<semaphore_mem>>) src(%dma_wait3A_778 : memref<80xi32, #tpu.memory_space<hbm>>) dst(%arg7 : memref<80xi32, #tpu.memory_space<vmem>>)
      %mul3A_779 = arith.constant 80 : i32
      %mul3A_780 = arith.muli %add3A_773, %mul3A_779 : i32
      %add3A_781 = arith.addi %mul3A_2, %mul3A_780 : i32
      %dma_wait3A_782 = tpu.memref_slice %arg4[%add3A_781] : memref<320000xi32, #tpu.memory_space<hbm>> -> memref<80xi32, #tpu.memory_space<hbm>>
      %dma_wait3A_783 = tpu.memref_slice %arg4[%add3A_781] : memref<320000xi32, #tpu.memory_space<hbm>> -> memref<80xi32, #tpu.memory_space<hbm>>
      tpu.wait_dma2 semaphore(%arg13 : memref<!tpu.dma_semaphore, #tpu.memory_space<semaphore_mem>>) src(%dma_wait3A_783 : memref<80xi32, #tpu.memory_space<hbm>>) dst(%arg9 : memref<80xi32, #tpu.memory_space<vmem>>)
      %dma_start3A_784 = arith.constant 1 : i32
      %dma_start3A_785 = arith.constant 0 : i32
      %dma_start3A_786 = arith.constant 0 : i32
      %dma_start3A_787 = tpu.memref_slice %arg10[%dma_start3A_784, %dma_start3A_785, %dma_start3A_786] : memref<2x80x128xf32, #tpu.memory_space<vmem>> -> memref<1x80x128xf32, #tpu.memory_space<vmem>>
      %dma_start3A_788 = tpu.memref_squeeze %dma_start3A_787 : memref<1x80x128xf32, #tpu.memory_space<vmem>> -> memref<80x128xf32, #tpu.memory_space<vmem>>
      %dma_start3A_789 = arith.constant 0 : i32
      %dma_start3A_790 = arith.constant 0 : i32
      %dma_start3A_791 = tpu.memref_slice %arg2[%dma_start3A_789, %dma_start3A_790] : memref<10240x128xf32, #tpu.memory_space<hbm>> -> memref<10240x128xf32, #tpu.memory_space<hbm>>
      tpu.enqueue_indirect_dma source(%dma_start3A_791 : memref<10240x128xf32, #tpu.memory_space<hbm>>) target(%dma_start3A_788 : memref<80x128xf32, #tpu.memory_space<vmem>>) offsets(%arg7 : memref<80xi32, #tpu.memory_space<vmem>>) semaphore(%arg15 : memref<!tpu.dma_semaphore, #tpu.memory_space<semaphore_mem>>)
      %dma_wait3A_792 = arith.constant 0 : i32
      %dma_wait3A_793 = arith.constant 0 : i32
      %dma_wait3A_794 = arith.constant 0 : i32
      %dma_wait3A_795 = tpu.memref_slice %arg10[%dma_wait3A_792, %dma_wait3A_793, %dma_wait3A_794] : memref<2x80x128xf32, #tpu.memory_space<vmem>> -> memref<1x80x128xf32, #tpu.memory_space<vmem>>
      %dma_wait3A_796 = tpu.memref_squeeze %dma_wait3A_795 : memref<1x80x128xf32, #tpu.memory_space<vmem>> -> memref<80x128xf32, #tpu.memory_space<vmem>>
      %dma_wait3A_797 = arith.constant 0 : i32
      %dma_wait3A_798 = arith.constant 0 : i32
      %dma_wait3A_799 = tpu.memref_slice %arg2[%dma_wait3A_797, %dma_wait3A_798] : memref<10240x128xf32, #tpu.memory_space<hbm>> -> memref<10240x128xf32, #tpu.memory_space<hbm>>
      tpu.wait_indirect_dma semaphore(%arg14 : memref<!tpu.dma_semaphore, #tpu.memory_space<semaphore_mem>>) src(%dma_wait3A_799 : memref<10240x128xf32, #tpu.memory_space<hbm>>) dst(%dma_wait3A_796 : memref<80x128xf32, #tpu.memory_space<vmem>>)
      %run_scoped3A_800 = arith.constant 0 : i32
      "tpu.region"() ({
        %run_scoped3A_847 = tpu.sem_alloc : memref<!tpu.dma_semaphore, #tpu.memory_space<semaphore_mem>>
        %dma_start3A_848 = arith.constant 0 : i32
        %dma_start3A_849 = arith.constant 0 : i32
        %dma_start3A_850 = tpu.memref_slice %arg10[%run_scoped3A_800, %dma_start3A_848, %dma_start3A_849] : memref<2x80x128xf32, #tpu.memory_space<vmem>> -> memref<1x80x128xf32, #tpu.memory_space<vmem>>
        %dma_start3A_851 = tpu.memref_squeeze %dma_start3A_850 : memref<1x80x128xf32, #tpu.memory_space<vmem>> -> memref<80x128xf32, #tpu.memory_space<vmem>>
        %dma_start3A_852 = arith.constant 0 : i32
        %dma_start3A_853 = arith.constant 0 : i32
        %dma_start3A_854 = tpu.memref_slice %arg11[%dma_start3A_852, %dma_start3A_853] : memref<10240x128xf32, #tpu.memory_space<vmem_shared>> -> memref<10240x128xf32, #tpu.memory_space<vmem_shared>>
        tpu.enqueue_indirect_dma source(%dma_start3A_851 : memref<80x128xf32, #tpu.memory_space<vmem>>) target(%dma_start3A_854 : memref<10240x128xf32, #tpu.memory_space<vmem_shared>>) offsets(%arg8 : memref<80xi32, #tpu.memory_space<vmem>>) semaphore(%run_scoped3A_847 : memref<!tpu.dma_semaphore, #tpu.memory_space<semaphore_mem>>) {add = true}
        %dma_wait3A_855 = arith.constant 0 : i32
        %dma_wait3A_856 = arith.constant 0 : i32
        %dma_wait3A_857 = tpu.memref_slice %arg10[%run_scoped3A_800, %dma_wait3A_855, %dma_wait3A_856] : memref<2x80x128xf32, #tpu.memory_space<vmem>> -> memref<1x80x128xf32, #tpu.memory_space<vmem>>
        %dma_wait3A_858 = tpu.memref_squeeze %dma_wait3A_857 : memref<1x80x128xf32, #tpu.memory_space<vmem>> -> memref<80x128xf32, #tpu.memory_space<vmem>>
        %dma_wait3A_859 = arith.constant 0 : i32
        %dma_wait3A_860 = arith.constant 0 : i32
        %dma_wait3A_861 = tpu.memref_slice %arg11[%dma_wait3A_859, %dma_wait3A_860] : memref<10240x128xf32, #tpu.memory_space<vmem_shared>> -> memref<10240x128xf32, #tpu.memory_space<vmem_shared>>
        tpu.wait_indirect_dma semaphore(%run_scoped3A_847 : memref<!tpu.dma_semaphore, #tpu.memory_space<semaphore_mem>>) src(%dma_wait3A_858 : memref<80x128xf32, #tpu.memory_space<vmem>>) dst(%dma_wait3A_861 : memref<10240x128xf32, #tpu.memory_space<vmem_shared>>)
        tpu.yield
      }) : () -> ()
      %add3A_801 = arith.constant 2 : i32
      %add3A_802 = arith.addi %mul3A_771, %add3A_801 : i32
      %mul3A_803 = arith.constant 80 : i32
      %mul3A_804 = arith.muli %add3A_802, %mul3A_803 : i32
      %add3A_805 = arith.addi %mul3A_2, %mul3A_804 : i32
      %dma_start3A_806 = tpu.memref_slice %arg3[%add3A_805] : memref<320000xi32, #tpu.memory_space<hbm>> -> memref<80xi32, #tpu.memory_space<hbm>>
      %dma_start3A_807 = tpu.memref_slice %arg3[%add3A_805] : memref<320000xi32, #tpu.memory_space<hbm>> -> memref<80xi32, #tpu.memory_space<hbm>>
      tpu.enqueue_dma source(%dma_start3A_807 : memref<80xi32, #tpu.memory_space<hbm>>) target(%arg6 : memref<80xi32, #tpu.memory_space<vmem>>) target_semaphore(%arg12 : memref<!tpu.dma_semaphore, #tpu.memory_space<semaphore_mem>>)
      %mul3A_808 = arith.constant 80 : i32
      %mul3A_809 = arith.muli %add3A_802, %mul3A_808 : i32
      %add3A_810 = arith.addi %mul3A_2, %mul3A_809 : i32
      %dma_start3A_811 = tpu.memref_slice %arg4[%add3A_810] : memref<320000xi32, #tpu.memory_space<hbm>> -> memref<80xi32, #tpu.memory_space<hbm>>
      %dma_start3A_812 = tpu.memref_slice %arg4[%add3A_810] : memref<320000xi32, #tpu.memory_space<hbm>> -> memref<80xi32, #tpu.memory_space<hbm>>
      tpu.enqueue_dma source(%dma_start3A_812 : memref<80xi32, #tpu.memory_space<hbm>>) target(%arg8 : memref<80xi32, #tpu.memory_space<vmem>>) target_semaphore(%arg12 : memref<!tpu.dma_semaphore, #tpu.memory_space<semaphore_mem>>)
      %dma_wait3A_813 = arith.constant 1 : i32
      %dma_wait3A_814 = arith.constant 0 : i32
      %dma_wait3A_815 = arith.constant 0 : i32
      %dma_wait3A_816 = tpu.memref_slice %arg10[%dma_wait3A_813, %dma_wait3A_814, %dma_wait3A_815] : memref<2x80x128xf32, #tpu.memory_space<vmem>> -> memref<1x80x128xf32, #tpu.memory_space<vmem>>
      %dma_wait3A_817 = tpu.memref_squeeze %dma_wait3A_816 : memref<1x80x128xf32, #tpu.memory_space<vmem>> -> memref<80x128xf32, #tpu.memory_space<vmem>>
      %dma_wait3A_818 = arith.constant 0 : i32
      %dma_wait3A_819 = arith.constant 0 : i32
      %dma_wait3A_820 = tpu.memref_slice %arg2[%dma_wait3A_818, %dma_wait3A_819] : memref<10240x128xf32, #tpu.memory_space<hbm>> -> memref<10240x128xf32, #tpu.memory_space<hbm>>
      tpu.wait_indirect_dma semaphore(%arg15 : memref<!tpu.dma_semaphore, #tpu.memory_space<semaphore_mem>>) src(%dma_wait3A_820 : memref<10240x128xf32, #tpu.memory_space<hbm>>) dst(%dma_wait3A_817 : memref<80x128xf32, #tpu.memory_space<vmem>>)
      %run_scoped3A_821 = arith.constant 1 : i32
      "tpu.region"() ({
        %run_scoped3A_847 = tpu.sem_alloc : memref<!tpu.dma_semaphore, #tpu.memory_space<semaphore_mem>>
        %dma_start3A_848 = arith.constant 0 : i32
        %dma_start3A_849 = arith.constant 0 : i32
        %dma_start3A_850 = tpu.memref_slice %arg10[%run_scoped3A_821, %dma_start3A_848, %dma_start3A_849] : memref<2x80x128xf32, #tpu.memory_space<vmem>> -> memref<1x80x128xf32, #tpu.memory_space<vmem>>
        %dma_start3A_851 = tpu.memref_squeeze %dma_start3A_850 : memref<1x80x128xf32, #tpu.memory_space<vmem>> -> memref<80x128xf32, #tpu.memory_space<vmem>>
        %dma_start3A_852 = arith.constant 0 : i32
        %dma_start3A_853 = arith.constant 0 : i32
        %dma_start3A_854 = tpu.memref_slice %arg11[%dma_start3A_852, %dma_start3A_853] : memref<10240x128xf32, #tpu.memory_space<vmem_shared>> -> memref<10240x128xf32, #tpu.memory_space<vmem_shared>>
        tpu.enqueue_indirect_dma source(%dma_start3A_851 : memref<80x128xf32, #tpu.memory_space<vmem>>) target(%dma_start3A_854 : memref<10240x128xf32, #tpu.memory_space<vmem_shared>>) offsets(%arg9 : memref<80xi32, #tpu.memory_space<vmem>>) semaphore(%run_scoped3A_847 : memref<!tpu.dma_semaphore, #tpu.memory_space<semaphore_mem>>) {add = true}
        %dma_wait3A_855 = arith.constant 0 : i32
        %dma_wait3A_856 = arith.constant 0 : i32
        %dma_wait3A_857 = tpu.memref_slice %arg10[%run_scoped3A_821, %dma_wait3A_855, %dma_wait3A_856] : memref<2x80x128xf32, #tpu.memory_space<vmem>> -> memref<1x80x128xf32, #tpu.memory_space<vmem>>
        %dma_wait3A_858 = tpu.memref_squeeze %dma_wait3A_857 : memref<1x80x128xf32, #tpu.memory_space<vmem>> -> memref<80x128xf32, #tpu.memory_space<vmem>>
        %dma_wait3A_859 = arith.constant 0 : i32
        %dma_wait3A_860 = arith.constant 0 : i32
        %dma_wait3A_861 = tpu.memref_slice %arg11[%dma_wait3A_859, %dma_wait3A_860] : memref<10240x128xf32, #tpu.memory_space<vmem_shared>> -> memref<10240x128xf32, #tpu.memory_space<vmem_shared>>
        tpu.wait_indirect_dma semaphore(%run_scoped3A_847 : memref<!tpu.dma_semaphore, #tpu.memory_space<semaphore_mem>>) src(%dma_wait3A_858 : memref<80x128xf32, #tpu.memory_space<vmem>>) dst(%dma_wait3A_861 : memref<10240x128xf32, #tpu.memory_space<vmem_shared>>)
        tpu.yield
      }) : () -> ()
      %add3A_822 = arith.constant 3 : i32
      %add3A_823 = arith.addi %mul3A_771, %add3A_822 : i32
      %lt3A = arith.constant 125 : i32
      %lt3A_824 = arith.cmpi slt, %add3A_823, %lt3A : i32
      %convert_element_type3A = arith.extui %lt3A_824 : i1 to i32
      %cond3A = arith.constant 0 : i32
      %cond3A_825 = arith.cmpi ne, %convert_element_type3A, %cond3A : i32
      scf.if %cond3A_825 {
        %add3A_847 = arith.constant 3 : i32
        %add3A_848 = arith.addi %mul3A_771, %add3A_847 : i32
        %mul3A_849 = arith.constant 80 : i32
        %mul3A_850 = arith.muli %add3A_848, %mul3A_849 : i32
        %add3A_851 = arith.addi %mul3A_2, %mul3A_850 : i32
        %dma_start3A_852 = tpu.memref_slice %arg3[%add3A_851] : memref<320000xi32, #tpu.memory_space<hbm>> -> memref<80xi32, #tpu.memory_space<hbm>>
        %dma_start3A_853 = tpu.memref_slice %arg3[%add3A_851] : memref<320000xi32, #tpu.memory_space<hbm>> -> memref<80xi32, #tpu.memory_space<hbm>>
        tpu.enqueue_dma source(%dma_start3A_853 : memref<80xi32, #tpu.memory_space<hbm>>) target(%arg7 : memref<80xi32, #tpu.memory_space<vmem>>) target_semaphore(%arg13 : memref<!tpu.dma_semaphore, #tpu.memory_space<semaphore_mem>>)
        %mul3A_854 = arith.constant 80 : i32
        %mul3A_855 = arith.muli %add3A_848, %mul3A_854 : i32
        %add3A_856 = arith.addi %mul3A_2, %mul3A_855 : i32
        %dma_start3A_857 = tpu.memref_slice %arg4[%add3A_856] : memref<320000xi32, #tpu.memory_space<hbm>> -> memref<80xi32, #tpu.memory_space<hbm>>
        %dma_start3A_858 = tpu.memref_slice %arg4[%add3A_856] : memref<320000xi32, #tpu.memory_space<hbm>> -> memref<80xi32, #tpu.memory_space<hbm>>
        tpu.enqueue_dma source(%dma_start3A_858 : memref<80xi32, #tpu.memory_space<hbm>>) target(%arg9 : memref<80xi32, #tpu.memory_space<vmem>>) target_semaphore(%arg13 : memref<!tpu.dma_semaphore, #tpu.memory_space<semaphore_mem>>)
      } else {
      }
      %add3A_826 = arith.constant 2 : i32
      %add3A_827 = arith.addi %mul3A_771, %add3A_826 : i32
      %mul3A_828 = arith.constant 80 : i32
      %mul3A_829 = arith.muli %add3A_827, %mul3A_828 : i32
      %add3A_830 = arith.addi %mul3A_2, %mul3A_829 : i32
      %dma_wait3A_831 = tpu.memref_slice %arg3[%add3A_830] : memref<320000xi32, #tpu.memory_space<hbm>> -> memref<80xi32, #tpu.memory_space<hbm>>
      %dma_wait3A_832 = tpu.memref_slice %arg3[%add3A_830] : memref<320000xi32, #tpu.memory_space<hbm>> -> memref<80xi32, #tpu.memory_space<hbm>>
      tpu.wait_dma2 semaphore(%arg12 : memref<!tpu.dma_semaphore, #tpu.memory_space<semaphore_mem>>) src(%dma_wait3A_832 : memref<80xi32, #tpu.memory_space<hbm>>) dst(%arg6 : memref<80xi32, #tpu.memory_space<vmem>>)
      %mul3A_833 = arith.constant 80 : i32
      %mul3A_834 = arith.muli %add3A_827, %mul3A_833 : i32
      %add3A_835 = arith.addi %mul3A_2, %mul3A_834 : i32
      %dma_wait3A_836 = tpu.memref_slice %arg4[%add3A_835] : memref<320000xi32, #tpu.memory_space<hbm>> -> memref<80xi32, #tpu.memory_space<hbm>>
      %dma_wait3A_837 = tpu.memref_slice %arg4[%add3A_835] : memref<320000xi32, #tpu.memory_space<hbm>> -> memref<80xi32, #tpu.memory_space<hbm>>
      tpu.wait_dma2 semaphore(%arg12 : memref<!tpu.dma_semaphore, #tpu.memory_space<semaphore_mem>>) src(%dma_wait3A_837 : memref<80xi32, #tpu.memory_space<hbm>>) dst(%arg8 : memref<80xi32, #tpu.memory_space<vmem>>)
      %dma_start3A_838 = arith.constant 0 : i32
      %dma_start3A_839 = arith.constant 0 : i32
      %dma_start3A_840 = arith.constant 0 : i32
      %dma_start3A_841 = tpu.memref_slice %arg10[%dma_start3A_838, %dma_start3A_839, %dma_start3A_840] : memref<2x80x128xf32, #tpu.memory_space<vmem>> -> memref<1x80x128xf32, #tpu.memory_space<vmem>>
      %dma_start3A_842 = tpu.memref_squeeze %dma_start3A_841 : memref<1x80x128xf32, #tpu.memory_space<vmem>> -> memref<80x128xf32, #tpu.memory_space<vmem>>
      %dma_start3A_843 = arith.constant 0 : i32
      %dma_start3A_844 = arith.constant 0 : i32
      %dma_start3A_845 = tpu.memref_slice %arg2[%dma_start3A_843, %dma_start3A_844] : memref<10240x128xf32, #tpu.memory_space<hbm>> -> memref<10240x128xf32, #tpu.memory_space<hbm>>
      tpu.enqueue_indirect_dma source(%dma_start3A_845 : memref<10240x128xf32, #tpu.memory_space<hbm>>) target(%dma_start3A_842 : memref<80x128xf32, #tpu.memory_space<vmem>>) offsets(%arg6 : memref<80xi32, #tpu.memory_space<vmem>>) semaphore(%arg14 : memref<!tpu.dma_semaphore, #tpu.memory_space<semaphore_mem>>)
      %scan3A_846 = arith.constant 0 : i32
      scf.yield %scan3A_846 : i32
    }
    %scan3A_318 = arith.constant 62 : i32
    %dma_wait3A_319 = arith.constant 0 : i32
    %dma_wait3A_320 = arith.constant 0 : i32
    %dma_wait3A_321 = arith.constant 0 : i32
    %dma_wait3A_322 = tpu.memref_slice %arg10[%dma_wait3A_319, %dma_wait3A_320, %dma_wait3A_321] : memref<2x80x128xf32, #tpu.memory_space<vmem>> -> memref<1x80x128xf32, #tpu.memory_space<vmem>>
    %dma_wait3A_323 = tpu.memref_squeeze %dma_wait3A_322 : memref<1x80x128xf32, #tpu.memory_space<vmem>> -> memref<80x128xf32, #tpu.memory_space<vmem>>
    %dma_wait3A_324 = arith.constant 0 : i32
    %dma_wait3A_325 = arith.constant 0 : i32
    %dma_wait3A_326 = tpu.memref_slice %arg2[%dma_wait3A_324, %dma_wait3A_325] : memref<10240x128xf32, #tpu.memory_space<hbm>> -> memref<10240x128xf32, #tpu.memory_space<hbm>>
    tpu.wait_indirect_dma semaphore(%arg14 : memref<!tpu.dma_semaphore, #tpu.memory_space<semaphore_mem>>) src(%dma_wait3A_326 : memref<10240x128xf32, #tpu.memory_space<hbm>>) dst(%dma_wait3A_323 : memref<80x128xf32, #tpu.memory_space<vmem>>)
    %run_scoped3A = arith.constant 0 : i32
    "tpu.region"() ({
      %run_scoped3A_768 = tpu.sem_alloc : memref<!tpu.dma_semaphore, #tpu.memory_space<semaphore_mem>>
      %dma_start3A_769 = arith.constant 0 : i32
      %dma_start3A_770 = arith.constant 0 : i32
      %dma_start3A_771 = tpu.memref_slice %arg10[%run_scoped3A, %dma_start3A_769, %dma_start3A_770] : memref<2x80x128xf32, #tpu.memory_space<vmem>> -> memref<1x80x128xf32, #tpu.memory_space<vmem>>
      %dma_start3A_772 = tpu.memref_squeeze %dma_start3A_771 : memref<1x80x128xf32, #tpu.memory_space<vmem>> -> memref<80x128xf32, #tpu.memory_space<vmem>>
      %dma_start3A_773 = arith.constant 0 : i32
      %dma_start3A_774 = arith.constant 0 : i32
      %dma_start3A_775 = tpu.memref_slice %arg11[%dma_start3A_773, %dma_start3A_774] : memref<10240x128xf32, #tpu.memory_space<vmem_shared>> -> memref<10240x128xf32, #tpu.memory_space<vmem_shared>>
      tpu.enqueue_indirect_dma source(%dma_start3A_772 : memref<80x128xf32, #tpu.memory_space<vmem>>) target(%dma_start3A_775 : memref<10240x128xf32, #tpu.memory_space<vmem_shared>>) offsets(%arg8 : memref<80xi32, #tpu.memory_space<vmem>>) semaphore(%run_scoped3A_768 : memref<!tpu.dma_semaphore, #tpu.memory_space<semaphore_mem>>) {add = true}
      %dma_wait3A_776 = arith.constant 0 : i32
      %dma_wait3A_777 = arith.constant 0 : i32
      %dma_wait3A_778 = tpu.memref_slice %arg10[%run_scoped3A, %dma_wait3A_776, %dma_wait3A_777] : memref<2x80x128xf32, #tpu.memory_space<vmem>> -> memref<1x80x128xf32, #tpu.memory_space<vmem>>
      %dma_wait3A_779 = tpu.memref_squeeze %dma_wait3A_778 : memref<1x80x128xf32, #tpu.memory_space<vmem>> -> memref<80x128xf32, #tpu.memory_space<vmem>>
      %dma_wait3A_780 = arith.constant 0 : i32
      %dma_wait3A_781 = arith.constant 0 : i32
      %dma_wait3A_782 = tpu.memref_slice %arg11[%dma_wait3A_780, %dma_wait3A_781] : memref<10240x128xf32, #tpu.memory_space<vmem_shared>> -> memref<10240x128xf32, #tpu.memory_space<vmem_shared>>
      tpu.wait_indirect_dma semaphore(%run_scoped3A_768 : memref<!tpu.dma_semaphore, #tpu.memory_space<semaphore_mem>>) src(%dma_wait3A_779 : memref<80x128xf32, #tpu.memory_space<vmem>>) dst(%dma_wait3A_782 : memref<10240x128xf32, #tpu.memory_space<vmem_shared>>)
      tpu.yield
    }) : () -> ()
    %barrier3A_327 = arith.constant 0 : index
    tpu.barrier barrier_id(%barrier3A_327)
    %mul3A_328 = arith.constant 640 : i32
    %mul3A_329 = arith.muli %arg1, %mul3A_328 : i32
    %add3A_330 = arith.constant 0 : i32
    %add3A_331 = arith.addi %mul3A_329, %add3A_330 : i32
    %run_scoped3A_332 = arith.constant 0 : i32
    "tpu.region"() ({
      %run_scoped3A_768 = tpu.sem_alloc : memref<!tpu.dma_semaphore, #tpu.memory_space<semaphore_mem>>
      %dma_start3A_769 = arith.constant 0 : i32
      %dma_start3A_770 = arith.constant 0 : i32
      %dma_start3A_771 = tpu.memref_slice %arg10[%run_scoped3A_332, %dma_start3A_769, %dma_start3A_770] : memref<2x80x128xf32, #tpu.memory_space<vmem>> -> memref<1x80x128xf32, #tpu.memory_space<vmem>>
      %dma_start3A_772 = tpu.memref_squeeze %dma_start3A_771 : memref<1x80x128xf32, #tpu.memory_space<vmem>> -> memref<80x128xf32, #tpu.memory_space<vmem>>
      %dma_start3A_773 = arith.constant 0 : i32
      %dma_start3A_774 = tpu.memref_slice %arg11[%add3A_331, %dma_start3A_773] : memref<10240x128xf32, #tpu.memory_space<vmem_shared>> -> memref<80x128xf32, #tpu.memory_space<vmem_shared>>
      %dma_start3A_775 = arith.constant 0 : i32
      %dma_start3A_776 = arith.constant 0 : i32
      %dma_start3A_777 = tpu.memref_slice %arg10[%run_scoped3A_332, %dma_start3A_775, %dma_start3A_776] : memref<2x80x128xf32, #tpu.memory_space<vmem>> -> memref<1x80x128xf32, #tpu.memory_space<vmem>>
      %dma_start3A_778 = tpu.memref_squeeze %dma_start3A_777 : memref<1x80x128xf32, #tpu.memory_space<vmem>> -> memref<80x128xf32, #tpu.memory_space<vmem>>
      %dma_start3A_779 = arith.constant 0 : i32
      %dma_start3A_780 = tpu.memref_slice %arg11[%add3A_331, %dma_start3A_779] : memref<10240x128xf32, #tpu.memory_space<vmem_shared>> -> memref<80x128xf32, #tpu.memory_space<vmem_shared>>
      tpu.enqueue_dma source(%dma_start3A_780 : memref<80x128xf32, #tpu.memory_space<vmem_shared>>) target(%dma_start3A_778 : memref<80x128xf32, #tpu.memory_space<vmem>>) target_semaphore(%run_scoped3A_768 : memref<!tpu.dma_semaphore, #tpu.memory_space<semaphore_mem>>)
      %dma_wait3A_781 = arith.constant 0 : i32
      %dma_wait3A_782 = arith.constant 0 : i32
      %dma_wait3A_783 = tpu.memref_slice %arg10[%run_scoped3A_332, %dma_wait3A_781, %dma_wait3A_782] : memref<2x80x128xf32, #tpu.memory_space<vmem>> -> memref<1x80x128xf32, #tpu.memory_space<vmem>>
      %dma_wait3A_784 = tpu.memref_squeeze %dma_wait3A_783 : memref<1x80x128xf32, #tpu.memory_space<vmem>> -> memref<80x128xf32, #tpu.memory_space<vmem>>
      %dma_wait3A_785 = arith.constant 0 : i32
      %dma_wait3A_786 = tpu.memref_slice %arg11[%add3A_331, %dma_wait3A_785] : memref<10240x128xf32, #tpu.memory_space<vmem_shared>> -> memref<80x128xf32, #tpu.memory_space<vmem_shared>>
      %dma_wait3A_787 = arith.constant 0 : i32
      %dma_wait3A_788 = arith.constant 0 : i32
      %dma_wait3A_789 = tpu.memref_slice %arg10[%run_scoped3A_332, %dma_wait3A_787, %dma_wait3A_788] : memref<2x80x128xf32, #tpu.memory_space<vmem>> -> memref<1x80x128xf32, #tpu.memory_space<vmem>>
      %dma_wait3A_790 = tpu.memref_squeeze %dma_wait3A_789 : memref<1x80x128xf32, #tpu.memory_space<vmem>> -> memref<80x128xf32, #tpu.memory_space<vmem>>
      %dma_wait3A_791 = arith.constant 0 : i32
      %dma_wait3A_792 = tpu.memref_slice %arg11[%add3A_331, %dma_wait3A_791] : memref<10240x128xf32, #tpu.memory_space<vmem_shared>> -> memref<80x128xf32, #tpu.memory_space<vmem_shared>>
      tpu.wait_dma2 semaphore(%run_scoped3A_768 : memref<!tpu.dma_semaphore, #tpu.memory_space<semaphore_mem>>) src(%dma_wait3A_792 : memref<80x128xf32, #tpu.memory_space<vmem_shared>>) dst(%dma_wait3A_790 : memref<80x128xf32, #tpu.memory_space<vmem>>)
      tpu.yield
    }) : () -> ()
    %mul3A_333 = arith.constant 640 : i32
    %mul3A_334 = arith.muli %arg1, %mul3A_333 : i32
    %add3A_335 = arith.constant 0 : i32
    %add3A_336 = arith.addi %mul3A_334, %add3A_335 : i32
    %dma_start3A_337 = arith.constant 0 : i32
    %dma_start3A_338 = arith.constant 0 : i32
    %dma_start3A_339 = arith.constant 0 : i32
    %dma_start3A_340 = tpu.memref_slice %arg10[%dma_start3A_337, %dma_start3A_338, %dma_start3A_339] : memref<2x80x128xf32, #tpu.memory_space<vmem>> -> memref<1x80x128xf32, #tpu.memory_space<vmem>>
    %dma_start3A_341 = tpu.memref_squeeze %dma_start3A_340 : memref<1x80x128xf32, #tpu.memory_space<vmem>> -> memref<80x128xf32, #tpu.memory_space<vmem>>
    %dma_start3A_342 = arith.constant 0 : i32
    %dma_start3A_343 = arith.constant 0 : i32
    %dma_start3A_344 = tpu.memref_slice %arg5[%arg0, %dma_start3A_342, %dma_start3A_343] : memref<2x10240x128xf32, #tpu.memory_space<hbm>> -> memref<1x10240x128xf32, #tpu.memory_space<hbm>>
    %dma_start3A_345 = tpu.memref_squeeze %dma_start3A_344 : memref<1x10240x128xf32, #tpu.memory_space<hbm>> -> memref<10240x128xf32, #tpu.memory_space<hbm>>
    %dma_start3A_346 = arith.constant 0 : i32
    %dma_start3A_347 = tpu.memref_slice %dma_start3A_345[%add3A_336, %dma_start3A_346] : memref<10240x128xf32, #tpu.memory_space<hbm>> -> memref<80x128xf32, #tpu.memory_space<hbm>>
    %dma_start3A_348 = arith.constant 0 : i32
    %dma_start3A_349 = arith.constant 0 : i32
    %dma_start3A_350 = tpu.memref_slice %arg5[%arg0, %dma_start3A_348, %dma_start3A_349] : memref<2x10240x128xf32, #tpu.memory_space<hbm>> -> memref<1x10240x128xf32, #tpu.memory_space<hbm>>
    %dma_start3A_351 = tpu.memref_squeeze %dma_start3A_350 : memref<1x10240x128xf32, #tpu.memory_space<hbm>> -> memref<10240x128xf32, #tpu.memory_space<hbm>>
    %dma_start3A_352 = arith.constant 0 : i32
    %dma_start3A_353 = tpu.memref_slice %dma_start3A_351[%add3A_336, %dma_start3A_352] : memref<10240x128xf32, #tpu.memory_space<hbm>> -> memref<80x128xf32, #tpu.memory_space<hbm>>
    %dma_start3A_354 = arith.constant 0 : i32
    %dma_start3A_355 = arith.constant 0 : i32
    %dma_start3A_356 = tpu.memref_slice %arg10[%dma_start3A_337, %dma_start3A_354, %dma_start3A_355] : memref<2x80x128xf32, #tpu.memory_space<vmem>> -> memref<1x80x128xf32, #tpu.memory_space<vmem>>
    %dma_start3A_357 = tpu.memref_squeeze %dma_start3A_356 : memref<1x80x128xf32, #tpu.memory_space<vmem>> -> memref<80x128xf32, #tpu.memory_space<vmem>>
    tpu.enqueue_dma source(%dma_start3A_357 : memref<80x128xf32, #tpu.memory_space<vmem>>) target(%dma_start3A_353 : memref<80x128xf32, #tpu.memory_space<hbm>>) target_semaphore(%arg12 : memref<!tpu.dma_semaphore, #tpu.memory_space<semaphore_mem>>)
    %mul3A_358 = arith.constant 640 : i32
    %mul3A_359 = arith.muli %arg1, %mul3A_358 : i32
    %add3A_360 = arith.constant 80 : i32
    %add3A_361 = arith.addi %mul3A_359, %add3A_360 : i32
    %run_scoped3A_362 = arith.constant 1 : i32
    "tpu.region"() ({
      %run_scoped3A_768 = tpu.sem_alloc : memref<!tpu.dma_semaphore, #tpu.memory_space<semaphore_mem>>
      %dma_start3A_769 = arith.constant 0 : i32
      %dma_start3A_770 = arith.constant 0 : i32
      %dma_start3A_771 = tpu.memref_slice %arg10[%run_scoped3A_362, %dma_start3A_769, %dma_start3A_770] : memref<2x80x128xf32, #tpu.memory_space<vmem>> -> memref<1x80x128xf32, #tpu.memory_space<vmem>>
      %dma_start3A_772 = tpu.memref_squeeze %dma_start3A_771 : memref<1x80x128xf32, #tpu.memory_space<vmem>> -> memref<80x128xf32, #tpu.memory_space<vmem>>
      %dma_start3A_773 = arith.constant 0 : i32
      %dma_start3A_774 = tpu.memref_slice %arg11[%add3A_361, %dma_start3A_773] : memref<10240x128xf32, #tpu.memory_space<vmem_shared>> -> memref<80x128xf32, #tpu.memory_space<vmem_shared>>
      %dma_start3A_775 = arith.constant 0 : i32
      %dma_start3A_776 = arith.constant 0 : i32
      %dma_start3A_777 = tpu.memref_slice %arg10[%run_scoped3A_362, %dma_start3A_775, %dma_start3A_776] : memref<2x80x128xf32, #tpu.memory_space<vmem>> -> memref<1x80x128xf32, #tpu.memory_space<vmem>>
      %dma_start3A_778 = tpu.memref_squeeze %dma_start3A_777 : memref<1x80x128xf32, #tpu.memory_space<vmem>> -> memref<80x128xf32, #tpu.memory_space<vmem>>
      %dma_start3A_779 = arith.constant 0 : i32
      %dma_start3A_780 = tpu.memref_slice %arg11[%add3A_361, %dma_start3A_779] : memref<10240x128xf32, #tpu.memory_space<vmem_shared>> -> memref<80x128xf32, #tpu.memory_space<vmem_shared>>
      tpu.enqueue_dma source(%dma_start3A_780 : memref<80x128xf32, #tpu.memory_space<vmem_shared>>) target(%dma_start3A_778 : memref<80x128xf32, #tpu.memory_space<vmem>>) target_semaphore(%run_scoped3A_768 : memref<!tpu.dma_semaphore, #tpu.memory_space<semaphore_mem>>)
      %dma_wait3A_781 = arith.constant 0 : i32
      %dma_wait3A_782 = arith.constant 0 : i32
      %dma_wait3A_783 = tpu.memref_slice %arg10[%run_scoped3A_362, %dma_wait3A_781, %dma_wait3A_782] : memref<2x80x128xf32, #tpu.memory_space<vmem>> -> memref<1x80x128xf32, #tpu.memory_space<vmem>>
      %dma_wait3A_784 = tpu.memref_squeeze %dma_wait3A_783 : memref<1x80x128xf32, #tpu.memory_space<vmem>> -> memref<80x128xf32, #tpu.memory_space<vmem>>
      %dma_wait3A_785 = arith.constant 0 : i32
      %dma_wait3A_786 = tpu.memref_slice %arg11[%add3A_361, %dma_wait3A_785] : memref<10240x128xf32, #tpu.memory_space<vmem_shared>> -> memref<80x128xf32, #tpu.memory_space<vmem_shared>>
      %dma_wait3A_787 = arith.constant 0 : i32
      %dma_wait3A_788 = arith.constant 0 : i32
      %dma_wait3A_789 = tpu.memref_slice %arg10[%run_scoped3A_362, %dma_wait3A_787, %dma_wait3A_788] : memref<2x80x128xf32, #tpu.memory_space<vmem>> -> memref<1x80x128xf32, #tpu.memory_space<vmem>>
      %dma_wait3A_790 = tpu.memref_squeeze %dma_wait3A_789 : memref<1x80x128xf32, #tpu.memory_space<vmem>> -> memref<80x128xf32, #tpu.memory_space<vmem>>
      %dma_wait3A_791 = arith.constant 0 : i32
      %dma_wait3A_792 = tpu.memref_slice %arg11[%add3A_361, %dma_wait3A_791] : memref<10240x128xf32, #tpu.memory_space<vmem_shared>> -> memref<80x128xf32, #tpu.memory_space<vmem_shared>>
      tpu.wait_dma2 semaphore(%run_scoped3A_768 : memref<!tpu.dma_semaphore, #tpu.memory_space<semaphore_mem>>) src(%dma_wait3A_792 : memref<80x128xf32, #tpu.memory_space<vmem_shared>>) dst(%dma_wait3A_790 : memref<80x128xf32, #tpu.memory_space<vmem>>)
      tpu.yield
    }) : () -> ()
    %mul3A_363 = arith.constant 640 : i32
    %mul3A_364 = arith.muli %arg1, %mul3A_363 : i32
    %add3A_365 = arith.constant 80 : i32
    %add3A_366 = arith.addi %mul3A_364, %add3A_365 : i32
    %dma_start3A_367 = arith.constant 1 : i32
    %dma_start3A_368 = arith.constant 0 : i32
    %dma_start3A_369 = arith.constant 0 : i32
    %dma_start3A_370 = tpu.memref_slice %arg10[%dma_start3A_367, %dma_start3A_368, %dma_start3A_369] : memref<2x80x128xf32, #tpu.memory_space<vmem>> -> memref<1x80x128xf32, #tpu.memory_space<vmem>>
    %dma_start3A_371 = tpu.memref_squeeze %dma_start3A_370 : memref<1x80x128xf32, #tpu.memory_space<vmem>> -> memref<80x128xf32, #tpu.memory_space<vmem>>
    %dma_start3A_372 = arith.constant 0 : i32
    %dma_start3A_373 = arith.constant 0 : i32
    %dma_start3A_374 = tpu.memref_slice %arg5[%arg0, %dma_start3A_372, %dma_start3A_373] : memref<2x10240x128xf32, #tpu.memory_space<hbm>> -> memref<1x10240x128xf32, #tpu.memory_space<hbm>>
    %dma_start3A_375 = tpu.memref_squeeze %dma_start3A_374 : memref<1x10240x128xf32, #tpu.memory_space<hbm>> -> memref<10240x128xf32, #tpu.memory_space<hbm>>
    %dma_start3A_376 = arith.constant 0 : i32
    %dma_start3A_377 = tpu.memref_slice %dma_start3A_375[%add3A_366, %dma_start3A_376] : memref<10240x128xf32, #tpu.memory_space<hbm>> -> memref<80x128xf32, #tpu.memory_space<hbm>>
    %dma_start3A_378 = arith.constant 0 : i32
    %dma_start3A_379 = arith.constant 0 : i32
    %dma_start3A_380 = tpu.memref_slice %arg5[%arg0, %dma_start3A_378, %dma_start3A_379] : memref<2x10240x128xf32, #tpu.memory_space<hbm>> -> memref<1x10240x128xf32, #tpu.memory_space<hbm>>
    %dma_start3A_381 = tpu.memref_squeeze %dma_start3A_380 : memref<1x10240x128xf32, #tpu.memory_space<hbm>> -> memref<10240x128xf32, #tpu.memory_space<hbm>>
    %dma_start3A_382 = arith.constant 0 : i32
    %dma_start3A_383 = tpu.memref_slice %dma_start3A_381[%add3A_366, %dma_start3A_382] : memref<10240x128xf32, #tpu.memory_space<hbm>> -> memref<80x128xf32, #tpu.memory_space<hbm>>
    %dma_start3A_384 = arith.constant 0 : i32
    %dma_start3A_385 = arith.constant 0 : i32
    %dma_start3A_386 = tpu.memref_slice %arg10[%dma_start3A_367, %dma_start3A_384, %dma_start3A_385] : memref<2x80x128xf32, #tpu.memory_space<vmem>> -> memref<1x80x128xf32, #tpu.memory_space<vmem>>
    %dma_start3A_387 = tpu.memref_squeeze %dma_start3A_386 : memref<1x80x128xf32, #tpu.memory_space<vmem>> -> memref<80x128xf32, #tpu.memory_space<vmem>>
    tpu.enqueue_dma source(%dma_start3A_387 : memref<80x128xf32, #tpu.memory_space<vmem>>) target(%dma_start3A_383 : memref<80x128xf32, #tpu.memory_space<hbm>>) target_semaphore(%arg13 : memref<!tpu.dma_semaphore, #tpu.memory_space<semaphore_mem>>)
    %mul3A_388 = arith.constant 640 : i32
    %mul3A_389 = arith.muli %arg1, %mul3A_388 : i32
    %add3A_390 = arith.constant 0 : i32
    %add3A_391 = arith.addi %mul3A_389, %add3A_390 : i32
    %dma_wait3A_392 = arith.constant 0 : i32
    %dma_wait3A_393 = arith.constant 0 : i32
    %dma_wait3A_394 = arith.constant 0 : i32
    %dma_wait3A_395 = tpu.memref_slice %arg10[%dma_wait3A_392, %dma_wait3A_393, %dma_wait3A_394] : memref<2x80x128xf32, #tpu.memory_space<vmem>> -> memref<1x80x128xf32, #tpu.memory_space<vmem>>
    %dma_wait3A_396 = tpu.memref_squeeze %dma_wait3A_395 : memref<1x80x128xf32, #tpu.memory_space<vmem>> -> memref<80x128xf32, #tpu.memory_space<vmem>>
    %dma_wait3A_397 = arith.constant 0 : i32
    %dma_wait3A_398 = arith.constant 0 : i32
    %dma_wait3A_399 = tpu.memref_slice %arg5[%arg0, %dma_wait3A_397, %dma_wait3A_398] : memref<2x10240x128xf32, #tpu.memory_space<hbm>> -> memref<1x10240x128xf32, #tpu.memory_space<hbm>>
    %dma_wait3A_400 = tpu.memref_squeeze %dma_wait3A_399 : memref<1x10240x128xf32, #tpu.memory_space<hbm>> -> memref<10240x128xf32, #tpu.memory_space<hbm>>
    %dma_wait3A_401 = arith.constant 0 : i32
    %dma_wait3A_402 = tpu.memref_slice %dma_wait3A_400[%add3A_391, %dma_wait3A_401] : memref<10240x128xf32, #tpu.memory_space<hbm>> -> memref<80x128xf32, #tpu.memory_space<hbm>>
    %dma_wait3A_403 = arith.constant 0 : i32
    %dma_wait3A_404 = arith.constant 0 : i32
    %dma_wait3A_405 = tpu.memref_slice %arg5[%arg0, %dma_wait3A_403, %dma_wait3A_404] : memref<2x10240x128xf32, #tpu.memory_space<hbm>> -> memref<1x10240x128xf32, #tpu.memory_space<hbm>>
    %dma_wait3A_406 = tpu.memref_squeeze %dma_wait3A_405 : memref<1x10240x128xf32, #tpu.memory_space<hbm>> -> memref<10240x128xf32, #tpu.memory_space<hbm>>
    %dma_wait3A_407 = arith.constant 0 : i32
    %dma_wait3A_408 = tpu.memref_slice %dma_wait3A_406[%add3A_391, %dma_wait3A_407] : memref<10240x128xf32, #tpu.memory_space<hbm>> -> memref<80x128xf32, #tpu.memory_space<hbm>>
    %dma_wait3A_409 = arith.constant 0 : i32
    %dma_wait3A_410 = arith.constant 0 : i32
    %dma_wait3A_411 = tpu.memref_slice %arg10[%dma_wait3A_392, %dma_wait3A_409, %dma_wait3A_410] : memref<2x80x128xf32, #tpu.memory_space<vmem>> -> memref<1x80x128xf32, #tpu.memory_space<vmem>>
    %dma_wait3A_412 = tpu.memref_squeeze %dma_wait3A_411 : memref<1x80x128xf32, #tpu.memory_space<vmem>> -> memref<80x128xf32, #tpu.memory_space<vmem>>
    tpu.wait_dma2 semaphore(%arg12 : memref<!tpu.dma_semaphore, #tpu.memory_space<semaphore_mem>>) src(%dma_wait3A_412 : memref<80x128xf32, #tpu.memory_space<vmem>>) dst(%dma_wait3A_408 : memref<80x128xf32, #tpu.memory_space<hbm>>)
    %mul3A_413 = arith.constant 640 : i32
    %mul3A_414 = arith.muli %arg1, %mul3A_413 : i32
    %add3A_415 = arith.constant 160 : i32
    %add3A_416 = arith.addi %mul3A_414, %add3A_415 : i32
    %run_scoped3A_417 = arith.constant 0 : i32
    "tpu.region"() ({
      %run_scoped3A_768 = tpu.sem_alloc : memref<!tpu.dma_semaphore, #tpu.memory_space<semaphore_mem>>
      %dma_start3A_769 = arith.constant 0 : i32
      %dma_start3A_770 = arith.constant 0 : i32
      %dma_start3A_771 = tpu.memref_slice %arg10[%run_scoped3A_417, %dma_start3A_769, %dma_start3A_770] : memref<2x80x128xf32, #tpu.memory_space<vmem>> -> memref<1x80x128xf32, #tpu.memory_space<vmem>>
      %dma_start3A_772 = tpu.memref_squeeze %dma_start3A_771 : memref<1x80x128xf32, #tpu.memory_space<vmem>> -> memref<80x128xf32, #tpu.memory_space<vmem>>
      %dma_start3A_773 = arith.constant 0 : i32
      %dma_start3A_774 = tpu.memref_slice %arg11[%add3A_416, %dma_start3A_773] : memref<10240x128xf32, #tpu.memory_space<vmem_shared>> -> memref<80x128xf32, #tpu.memory_space<vmem_shared>>
      %dma_start3A_775 = arith.constant 0 : i32
      %dma_start3A_776 = arith.constant 0 : i32
      %dma_start3A_777 = tpu.memref_slice %arg10[%run_scoped3A_417, %dma_start3A_775, %dma_start3A_776] : memref<2x80x128xf32, #tpu.memory_space<vmem>> -> memref<1x80x128xf32, #tpu.memory_space<vmem>>
      %dma_start3A_778 = tpu.memref_squeeze %dma_start3A_777 : memref<1x80x128xf32, #tpu.memory_space<vmem>> -> memref<80x128xf32, #tpu.memory_space<vmem>>
      %dma_start3A_779 = arith.constant 0 : i32
      %dma_start3A_780 = tpu.memref_slice %arg11[%add3A_416, %dma_start3A_779] : memref<10240x128xf32, #tpu.memory_space<vmem_shared>> -> memref<80x128xf32, #tpu.memory_space<vmem_shared>>
      tpu.enqueue_dma source(%dma_start3A_780 : memref<80x128xf32, #tpu.memory_space<vmem_shared>>) target(%dma_start3A_778 : memref<80x128xf32, #tpu.memory_space<vmem>>) target_semaphore(%run_scoped3A_768 : memref<!tpu.dma_semaphore, #tpu.memory_space<semaphore_mem>>)
      %dma_wait3A_781 = arith.constant 0 : i32
      %dma_wait3A_782 = arith.constant 0 : i32
      %dma_wait3A_783 = tpu.memref_slice %arg10[%run_scoped3A_417, %dma_wait3A_781, %dma_wait3A_782] : memref<2x80x128xf32, #tpu.memory_space<vmem>> -> memref<1x80x128xf32, #tpu.memory_space<vmem>>
      %dma_wait3A_784 = tpu.memref_squeeze %dma_wait3A_783 : memref<1x80x128xf32, #tpu.memory_space<vmem>> -> memref<80x128xf32, #tpu.memory_space<vmem>>
      %dma_wait3A_785 = arith.constant 0 : i32
      %dma_wait3A_786 = tpu.memref_slice %arg11[%add3A_416, %dma_wait3A_785] : memref<10240x128xf32, #tpu.memory_space<vmem_shared>> -> memref<80x128xf32, #tpu.memory_space<vmem_shared>>
      %dma_wait3A_787 = arith.constant 0 : i32
      %dma_wait3A_788 = arith.constant 0 : i32
      %dma_wait3A_789 = tpu.memref_slice %arg10[%run_scoped3A_417, %dma_wait3A_787, %dma_wait3A_788] : memref<2x80x128xf32, #tpu.memory_space<vmem>> -> memref<1x80x128xf32, #tpu.memory_space<vmem>>
      %dma_wait3A_790 = tpu.memref_squeeze %dma_wait3A_789 : memref<1x80x128xf32, #tpu.memory_space<vmem>> -> memref<80x128xf32, #tpu.memory_space<vmem>>
      %dma_wait3A_791 = arith.constant 0 : i32
      %dma_wait3A_792 = tpu.memref_slice %arg11[%add3A_416, %dma_wait3A_791] : memref<10240x128xf32, #tpu.memory_space<vmem_shared>> -> memref<80x128xf32, #tpu.memory_space<vmem_shared>>
      tpu.wait_dma2 semaphore(%run_scoped3A_768 : memref<!tpu.dma_semaphore, #tpu.memory_space<semaphore_mem>>) src(%dma_wait3A_792 : memref<80x128xf32, #tpu.memory_space<vmem_shared>>) dst(%dma_wait3A_790 : memref<80x128xf32, #tpu.memory_space<vmem>>)
      tpu.yield
    }) : () -> ()
    %mul3A_418 = arith.constant 640 : i32
    %mul3A_419 = arith.muli %arg1, %mul3A_418 : i32
    %add3A_420 = arith.constant 160 : i32
    %add3A_421 = arith.addi %mul3A_419, %add3A_420 : i32
    %dma_start3A_422 = arith.constant 0 : i32
    %dma_start3A_423 = arith.constant 0 : i32
    %dma_start3A_424 = arith.constant 0 : i32
    %dma_start3A_425 = tpu.memref_slice %arg10[%dma_start3A_422, %dma_start3A_423, %dma_start3A_424] : memref<2x80x128xf32, #tpu.memory_space<vmem>> -> memref<1x80x128xf32, #tpu.memory_space<vmem>>
    %dma_start3A_426 = tpu.memref_squeeze %dma_start3A_425 : memref<1x80x128xf32, #tpu.memory_space<vmem>> -> memref<80x128xf32, #tpu.memory_space<vmem>>
    %dma_start3A_427 = arith.constant 0 : i32
    %dma_start3A_428 = arith.constant 0 : i32
    %dma_start3A_429 = tpu.memref_slice %arg5[%arg0, %dma_start3A_427, %dma_start3A_428] : memref<2x10240x128xf32, #tpu.memory_space<hbm>> -> memref<1x10240x128xf32, #tpu.memory_space<hbm>>
    %dma_start3A_430 = tpu.memref_squeeze %dma_start3A_429 : memref<1x10240x128xf32, #tpu.memory_space<hbm>> -> memref<10240x128xf32, #tpu.memory_space<hbm>>
    %dma_start3A_431 = arith.constant 0 : i32
    %dma_start3A_432 = tpu.memref_slice %dma_start3A_430[%add3A_421, %dma_start3A_431] : memref<10240x128xf32, #tpu.memory_space<hbm>> -> memref<80x128xf32, #tpu.memory_space<hbm>>
    %dma_start3A_433 = arith.constant 0 : i32
    %dma_start3A_434 = arith.constant 0 : i32
    %dma_start3A_435 = tpu.memref_slice %arg5[%arg0, %dma_start3A_433, %dma_start3A_434] : memref<2x10240x128xf32, #tpu.memory_space<hbm>> -> memref<1x10240x128xf32, #tpu.memory_space<hbm>>
    %dma_start3A_436 = tpu.memref_squeeze %dma_start3A_435 : memref<1x10240x128xf32, #tpu.memory_space<hbm>> -> memref<10240x128xf32, #tpu.memory_space<hbm>>
    %dma_start3A_437 = arith.constant 0 : i32
    %dma_start3A_438 = tpu.memref_slice %dma_start3A_436[%add3A_421, %dma_start3A_437] : memref<10240x128xf32, #tpu.memory_space<hbm>> -> memref<80x128xf32, #tpu.memory_space<hbm>>
    %dma_start3A_439 = arith.constant 0 : i32
    %dma_start3A_440 = arith.constant 0 : i32
    %dma_start3A_441 = tpu.memref_slice %arg10[%dma_start3A_422, %dma_start3A_439, %dma_start3A_440] : memref<2x80x128xf32, #tpu.memory_space<vmem>> -> memref<1x80x128xf32, #tpu.memory_space<vmem>>
    %dma_start3A_442 = tpu.memref_squeeze %dma_start3A_441 : memref<1x80x128xf32, #tpu.memory_space<vmem>> -> memref<80x128xf32, #tpu.memory_space<vmem>>
    tpu.enqueue_dma source(%dma_start3A_442 : memref<80x128xf32, #tpu.memory_space<vmem>>) target(%dma_start3A_438 : memref<80x128xf32, #tpu.memory_space<hbm>>) target_semaphore(%arg12 : memref<!tpu.dma_semaphore, #tpu.memory_space<semaphore_mem>>)
    %mul3A_443 = arith.constant 640 : i32
    %mul3A_444 = arith.muli %arg1, %mul3A_443 : i32
    %add3A_445 = arith.constant 80 : i32
    %add3A_446 = arith.addi %mul3A_444, %add3A_445 : i32
    %dma_wait3A_447 = arith.constant 1 : i32
    %dma_wait3A_448 = arith.constant 0 : i32
    %dma_wait3A_449 = arith.constant 0 : i32
    %dma_wait3A_450 = tpu.memref_slice %arg10[%dma_wait3A_447, %dma_wait3A_448, %dma_wait3A_449] : memref<2x80x128xf32, #tpu.memory_space<vmem>> -> memref<1x80x128xf32, #tpu.memory_space<vmem>>
    %dma_wait3A_451 = tpu.memref_squeeze %dma_wait3A_450 : memref<1x80x128xf32, #tpu.memory_space<vmem>> -> memref<80x128xf32, #tpu.memory_space<vmem>>
    %dma_wait3A_452 = arith.constant 0 : i32
    %dma_wait3A_453 = arith.constant 0 : i32
    %dma_wait3A_454 = tpu.memref_slice %arg5[%arg0, %dma_wait3A_452, %dma_wait3A_453] : memref<2x10240x128xf32, #tpu.memory_space<hbm>> -> memref<1x10240x128xf32, #tpu.memory_space<hbm>>
    %dma_wait3A_455 = tpu.memref_squeeze %dma_wait3A_454 : memref<1x10240x128xf32, #tpu.memory_space<hbm>> -> memref<10240x128xf32, #tpu.memory_space<hbm>>
    %dma_wait3A_456 = arith.constant 0 : i32
    %dma_wait3A_457 = tpu.memref_slice %dma_wait3A_455[%add3A_446, %dma_wait3A_456] : memref<10240x128xf32, #tpu.memory_space<hbm>> -> memref<80x128xf32, #tpu.memory_space<hbm>>
    %dma_wait3A_458 = arith.constant 0 : i32
    %dma_wait3A_459 = arith.constant 0 : i32
    %dma_wait3A_460 = tpu.memref_slice %arg5[%arg0, %dma_wait3A_458, %dma_wait3A_459] : memref<2x10240x128xf32, #tpu.memory_space<hbm>> -> memref<1x10240x128xf32, #tpu.memory_space<hbm>>
    %dma_wait3A_461 = tpu.memref_squeeze %dma_wait3A_460 : memref<1x10240x128xf32, #tpu.memory_space<hbm>> -> memref<10240x128xf32, #tpu.memory_space<hbm>>
    %dma_wait3A_462 = arith.constant 0 : i32
    %dma_wait3A_463 = tpu.memref_slice %dma_wait3A_461[%add3A_446, %dma_wait3A_462] : memref<10240x128xf32, #tpu.memory_space<hbm>> -> memref<80x128xf32, #tpu.memory_space<hbm>>
    %dma_wait3A_464 = arith.constant 0 : i32
    %dma_wait3A_465 = arith.constant 0 : i32
    %dma_wait3A_466 = tpu.memref_slice %arg10[%dma_wait3A_447, %dma_wait3A_464, %dma_wait3A_465] : memref<2x80x128xf32, #tpu.memory_space<vmem>> -> memref<1x80x128xf32, #tpu.memory_space<vmem>>
    %dma_wait3A_467 = tpu.memref_squeeze %dma_wait3A_466 : memref<1x80x128xf32, #tpu.memory_space<vmem>> -> memref<80x128xf32, #tpu.memory_space<vmem>>
    tpu.wait_dma2 semaphore(%arg13 : memref<!tpu.dma_semaphore, #tpu.memory_space<semaphore_mem>>) src(%dma_wait3A_467 : memref<80x128xf32, #tpu.memory_space<vmem>>) dst(%dma_wait3A_463 : memref<80x128xf32, #tpu.memory_space<hbm>>)
    %mul3A_468 = arith.constant 640 : i32
    %mul3A_469 = arith.muli %arg1, %mul3A_468 : i32
    %add3A_470 = arith.constant 240 : i32
    %add3A_471 = arith.addi %mul3A_469, %add3A_470 : i32
    %run_scoped3A_472 = arith.constant 1 : i32
    "tpu.region"() ({
      %run_scoped3A_768 = tpu.sem_alloc : memref<!tpu.dma_semaphore, #tpu.memory_space<semaphore_mem>>
      %dma_start3A_769 = arith.constant 0 : i32
      %dma_start3A_770 = arith.constant 0 : i32
      %dma_start3A_771 = tpu.memref_slice %arg10[%run_scoped3A_472, %dma_start3A_769, %dma_start3A_770] : memref<2x80x128xf32, #tpu.memory_space<vmem>> -> memref<1x80x128xf32, #tpu.memory_space<vmem>>
      %dma_start3A_772 = tpu.memref_squeeze %dma_start3A_771 : memref<1x80x128xf32, #tpu.memory_space<vmem>> -> memref<80x128xf32, #tpu.memory_space<vmem>>
      %dma_start3A_773 = arith.constant 0 : i32
      %dma_start3A_774 = tpu.memref_slice %arg11[%add3A_471, %dma_start3A_773] : memref<10240x128xf32, #tpu.memory_space<vmem_shared>> -> memref<80x128xf32, #tpu.memory_space<vmem_shared>>
      %dma_start3A_775 = arith.constant 0 : i32
      %dma_start3A_776 = arith.constant 0 : i32
      %dma_start3A_777 = tpu.memref_slice %arg10[%run_scoped3A_472, %dma_start3A_775, %dma_start3A_776] : memref<2x80x128xf32, #tpu.memory_space<vmem>> -> memref<1x80x128xf32, #tpu.memory_space<vmem>>
      %dma_start3A_778 = tpu.memref_squeeze %dma_start3A_777 : memref<1x80x128xf32, #tpu.memory_space<vmem>> -> memref<80x128xf32, #tpu.memory_space<vmem>>
      %dma_start3A_779 = arith.constant 0 : i32
      %dma_start3A_780 = tpu.memref_slice %arg11[%add3A_471, %dma_start3A_779] : memref<10240x128xf32, #tpu.memory_space<vmem_shared>> -> memref<80x128xf32, #tpu.memory_space<vmem_shared>>
      tpu.enqueue_dma source(%dma_start3A_780 : memref<80x128xf32, #tpu.memory_space<vmem_shared>>) target(%dma_start3A_778 : memref<80x128xf32, #tpu.memory_space<vmem>>) target_semaphore(%run_scoped3A_768 : memref<!tpu.dma_semaphore, #tpu.memory_space<semaphore_mem>>)
      %dma_wait3A_781 = arith.constant 0 : i32
      %dma_wait3A_782 = arith.constant 0 : i32
      %dma_wait3A_783 = tpu.memref_slice %arg10[%run_scoped3A_472, %dma_wait3A_781, %dma_wait3A_782] : memref<2x80x128xf32, #tpu.memory_space<vmem>> -> memref<1x80x128xf32, #tpu.memory_space<vmem>>
      %dma_wait3A_784 = tpu.memref_squeeze %dma_wait3A_783 : memref<1x80x128xf32, #tpu.memory_space<vmem>> -> memref<80x128xf32, #tpu.memory_space<vmem>>
      %dma_wait3A_785 = arith.constant 0 : i32
      %dma_wait3A_786 = tpu.memref_slice %arg11[%add3A_471, %dma_wait3A_785] : memref<10240x128xf32, #tpu.memory_space<vmem_shared>> -> memref<80x128xf32, #tpu.memory_space<vmem_shared>>
      %dma_wait3A_787 = arith.constant 0 : i32
      %dma_wait3A_788 = arith.constant 0 : i32
      %dma_wait3A_789 = tpu.memref_slice %arg10[%run_scoped3A_472, %dma_wait3A_787, %dma_wait3A_788] : memref<2x80x128xf32, #tpu.memory_space<vmem>> -> memref<1x80x128xf32, #tpu.memory_space<vmem>>
      %dma_wait3A_790 = tpu.memref_squeeze %dma_wait3A_789 : memref<1x80x128xf32, #tpu.memory_space<vmem>> -> memref<80x128xf32, #tpu.memory_space<vmem>>
      %dma_wait3A_791 = arith.constant 0 : i32
      %dma_wait3A_792 = tpu.memref_slice %arg11[%add3A_471, %dma_wait3A_791] : memref<10240x128xf32, #tpu.memory_space<vmem_shared>> -> memref<80x128xf32, #tpu.memory_space<vmem_shared>>
      tpu.wait_dma2 semaphore(%run_scoped3A_768 : memref<!tpu.dma_semaphore, #tpu.memory_space<semaphore_mem>>) src(%dma_wait3A_792 : memref<80x128xf32, #tpu.memory_space<vmem_shared>>) dst(%dma_wait3A_790 : memref<80x128xf32, #tpu.memory_space<vmem>>)
      tpu.yield
    }) : () -> ()
    %mul3A_473 = arith.constant 640 : i32
    %mul3A_474 = arith.muli %arg1, %mul3A_473 : i32
    %add3A_475 = arith.constant 240 : i32
    %add3A_476 = arith.addi %mul3A_474, %add3A_475 : i32
    %dma_start3A_477 = arith.constant 1 : i32
    %dma_start3A_478 = arith.constant 0 : i32
    %dma_start3A_479 = arith.constant 0 : i32
    %dma_start3A_480 = tpu.memref_slice %arg10[%dma_start3A_477, %dma_start3A_478, %dma_start3A_479] : memref<2x80x128xf32, #tpu.memory_space<vmem>> -> memref<1x80x128xf32, #tpu.memory_space<vmem>>
    %dma_start3A_481 = tpu.memref_squeeze %dma_start3A_480 : memref<1x80x128xf32, #tpu.memory_space<vmem>> -> memref<80x128xf32, #tpu.memory_space<vmem>>
    %dma_start3A_482 = arith.constant 0 : i32
    %dma_start3A_483 = arith.constant 0 : i32
    %dma_start3A_484 = tpu.memref_slice %arg5[%arg0, %dma_start3A_482, %dma_start3A_483] : memref<2x10240x128xf32, #tpu.memory_space<hbm>> -> memref<1x10240x128xf32, #tpu.memory_space<hbm>>
    %dma_start3A_485 = tpu.memref_squeeze %dma_start3A_484 : memref<1x10240x128xf32, #tpu.memory_space<hbm>> -> memref<10240x128xf32, #tpu.memory_space<hbm>>
    %dma_start3A_486 = arith.constant 0 : i32
    %dma_start3A_487 = tpu.memref_slice %dma_start3A_485[%add3A_476, %dma_start3A_486] : memref<10240x128xf32, #tpu.memory_space<hbm>> -> memref<80x128xf32, #tpu.memory_space<hbm>>
    %dma_start3A_488 = arith.constant 0 : i32
    %dma_start3A_489 = arith.constant 0 : i32
    %dma_start3A_490 = tpu.memref_slice %arg5[%arg0, %dma_start3A_488, %dma_start3A_489] : memref<2x10240x128xf32, #tpu.memory_space<hbm>> -> memref<1x10240x128xf32, #tpu.memory_space<hbm>>
    %dma_start3A_491 = tpu.memref_squeeze %dma_start3A_490 : memref<1x10240x128xf32, #tpu.memory_space<hbm>> -> memref<10240x128xf32, #tpu.memory_space<hbm>>
    %dma_start3A_492 = arith.constant 0 : i32
    %dma_start3A_493 = tpu.memref_slice %dma_start3A_491[%add3A_476, %dma_start3A_492] : memref<10240x128xf32, #tpu.memory_space<hbm>> -> memref<80x128xf32, #tpu.memory_space<hbm>>
    %dma_start3A_494 = arith.constant 0 : i32
    %dma_start3A_495 = arith.constant 0 : i32
    %dma_start3A_496 = tpu.memref_slice %arg10[%dma_start3A_477, %dma_start3A_494, %dma_start3A_495] : memref<2x80x128xf32, #tpu.memory_space<vmem>> -> memref<1x80x128xf32, #tpu.memory_space<vmem>>
    %dma_start3A_497 = tpu.memref_squeeze %dma_start3A_496 : memref<1x80x128xf32, #tpu.memory_space<vmem>> -> memref<80x128xf32, #tpu.memory_space<vmem>>
    tpu.enqueue_dma source(%dma_start3A_497 : memref<80x128xf32, #tpu.memory_space<vmem>>) target(%dma_start3A_493 : memref<80x128xf32, #tpu.memory_space<hbm>>) target_semaphore(%arg13 : memref<!tpu.dma_semaphore, #tpu.memory_space<semaphore_mem>>)
    %mul3A_498 = arith.constant 640 : i32
    %mul3A_499 = arith.muli %arg1, %mul3A_498 : i32
    %add3A_500 = arith.constant 160 : i32
    %add3A_501 = arith.addi %mul3A_499, %add3A_500 : i32
    %dma_wait3A_502 = arith.constant 0 : i32
    %dma_wait3A_503 = arith.constant 0 : i32
    %dma_wait3A_504 = arith.constant 0 : i32
    %dma_wait3A_505 = tpu.memref_slice %arg10[%dma_wait3A_502, %dma_wait3A_503, %dma_wait3A_504] : memref<2x80x128xf32, #tpu.memory_space<vmem>> -> memref<1x80x128xf32, #tpu.memory_space<vmem>>
    %dma_wait3A_506 = tpu.memref_squeeze %dma_wait3A_505 : memref<1x80x128xf32, #tpu.memory_space<vmem>> -> memref<80x128xf32, #tpu.memory_space<vmem>>
    %dma_wait3A_507 = arith.constant 0 : i32
    %dma_wait3A_508 = arith.constant 0 : i32
    %dma_wait3A_509 = tpu.memref_slice %arg5[%arg0, %dma_wait3A_507, %dma_wait3A_508] : memref<2x10240x128xf32, #tpu.memory_space<hbm>> -> memref<1x10240x128xf32, #tpu.memory_space<hbm>>
    %dma_wait3A_510 = tpu.memref_squeeze %dma_wait3A_509 : memref<1x10240x128xf32, #tpu.memory_space<hbm>> -> memref<10240x128xf32, #tpu.memory_space<hbm>>
    %dma_wait3A_511 = arith.constant 0 : i32
    %dma_wait3A_512 = tpu.memref_slice %dma_wait3A_510[%add3A_501, %dma_wait3A_511] : memref<10240x128xf32, #tpu.memory_space<hbm>> -> memref<80x128xf32, #tpu.memory_space<hbm>>
    %dma_wait3A_513 = arith.constant 0 : i32
    %dma_wait3A_514 = arith.constant 0 : i32
    %dma_wait3A_515 = tpu.memref_slice %arg5[%arg0, %dma_wait3A_513, %dma_wait3A_514] : memref<2x10240x128xf32, #tpu.memory_space<hbm>> -> memref<1x10240x128xf32, #tpu.memory_space<hbm>>
    %dma_wait3A_516 = tpu.memref_squeeze %dma_wait3A_515 : memref<1x10240x128xf32, #tpu.memory_space<hbm>> -> memref<10240x128xf32, #tpu.memory_space<hbm>>
    %dma_wait3A_517 = arith.constant 0 : i32
    %dma_wait3A_518 = tpu.memref_slice %dma_wait3A_516[%add3A_501, %dma_wait3A_517] : memref<10240x128xf32, #tpu.memory_space<hbm>> -> memref<80x128xf32, #tpu.memory_space<hbm>>
    %dma_wait3A_519 = arith.constant 0 : i32
    %dma_wait3A_520 = arith.constant 0 : i32
    %dma_wait3A_521 = tpu.memref_slice %arg10[%dma_wait3A_502, %dma_wait3A_519, %dma_wait3A_520] : memref<2x80x128xf32, #tpu.memory_space<vmem>> -> memref<1x80x128xf32, #tpu.memory_space<vmem>>
    %dma_wait3A_522 = tpu.memref_squeeze %dma_wait3A_521 : memref<1x80x128xf32, #tpu.memory_space<vmem>> -> memref<80x128xf32, #tpu.memory_space<vmem>>
    tpu.wait_dma2 semaphore(%arg12 : memref<!tpu.dma_semaphore, #tpu.memory_space<semaphore_mem>>) src(%dma_wait3A_522 : memref<80x128xf32, #tpu.memory_space<vmem>>) dst(%dma_wait3A_518 : memref<80x128xf32, #tpu.memory_space<hbm>>)
    %mul3A_523 = arith.constant 640 : i32
    %mul3A_524 = arith.muli %arg1, %mul3A_523 : i32
    %add3A_525 = arith.constant 320 : i32
    %add3A_526 = arith.addi %mul3A_524, %add3A_525 : i32
    %run_scoped3A_527 = arith.constant 0 : i32
    "tpu.region"() ({
      %run_scoped3A_768 = tpu.sem_alloc : memref<!tpu.dma_semaphore, #tpu.memory_space<semaphore_mem>>
      %dma_start3A_769 = arith.constant 0 : i32
      %dma_start3A_770 = arith.constant 0 : i32
      %dma_start3A_771 = tpu.memref_slice %arg10[%run_scoped3A_527, %dma_start3A_769, %dma_start3A_770] : memref<2x80x128xf32, #tpu.memory_space<vmem>> -> memref<1x80x128xf32, #tpu.memory_space<vmem>>
      %dma_start3A_772 = tpu.memref_squeeze %dma_start3A_771 : memref<1x80x128xf32, #tpu.memory_space<vmem>> -> memref<80x128xf32, #tpu.memory_space<vmem>>
      %dma_start3A_773 = arith.constant 0 : i32
      %dma_start3A_774 = tpu.memref_slice %arg11[%add3A_526, %dma_start3A_773] : memref<10240x128xf32, #tpu.memory_space<vmem_shared>> -> memref<80x128xf32, #tpu.memory_space<vmem_shared>>
      %dma_start3A_775 = arith.constant 0 : i32
      %dma_start3A_776 = arith.constant 0 : i32
      %dma_start3A_777 = tpu.memref_slice %arg10[%run_scoped3A_527, %dma_start3A_775, %dma_start3A_776] : memref<2x80x128xf32, #tpu.memory_space<vmem>> -> memref<1x80x128xf32, #tpu.memory_space<vmem>>
      %dma_start3A_778 = tpu.memref_squeeze %dma_start3A_777 : memref<1x80x128xf32, #tpu.memory_space<vmem>> -> memref<80x128xf32, #tpu.memory_space<vmem>>
      %dma_start3A_779 = arith.constant 0 : i32
      %dma_start3A_780 = tpu.memref_slice %arg11[%add3A_526, %dma_start3A_779] : memref<10240x128xf32, #tpu.memory_space<vmem_shared>> -> memref<80x128xf32, #tpu.memory_space<vmem_shared>>
      tpu.enqueue_dma source(%dma_start3A_780 : memref<80x128xf32, #tpu.memory_space<vmem_shared>>) target(%dma_start3A_778 : memref<80x128xf32, #tpu.memory_space<vmem>>) target_semaphore(%run_scoped3A_768 : memref<!tpu.dma_semaphore, #tpu.memory_space<semaphore_mem>>)
      %dma_wait3A_781 = arith.constant 0 : i32
      %dma_wait3A_782 = arith.constant 0 : i32
      %dma_wait3A_783 = tpu.memref_slice %arg10[%run_scoped3A_527, %dma_wait3A_781, %dma_wait3A_782] : memref<2x80x128xf32, #tpu.memory_space<vmem>> -> memref<1x80x128xf32, #tpu.memory_space<vmem>>
      %dma_wait3A_784 = tpu.memref_squeeze %dma_wait3A_783 : memref<1x80x128xf32, #tpu.memory_space<vmem>> -> memref<80x128xf32, #tpu.memory_space<vmem>>
      %dma_wait3A_785 = arith.constant 0 : i32
      %dma_wait3A_786 = tpu.memref_slice %arg11[%add3A_526, %dma_wait3A_785] : memref<10240x128xf32, #tpu.memory_space<vmem_shared>> -> memref<80x128xf32, #tpu.memory_space<vmem_shared>>
      %dma_wait3A_787 = arith.constant 0 : i32
      %dma_wait3A_788 = arith.constant 0 : i32
      %dma_wait3A_789 = tpu.memref_slice %arg10[%run_scoped3A_527, %dma_wait3A_787, %dma_wait3A_788] : memref<2x80x128xf32, #tpu.memory_space<vmem>> -> memref<1x80x128xf32, #tpu.memory_space<vmem>>
      %dma_wait3A_790 = tpu.memref_squeeze %dma_wait3A_789 : memref<1x80x128xf32, #tpu.memory_space<vmem>> -> memref<80x128xf32, #tpu.memory_space<vmem>>
      %dma_wait3A_791 = arith.constant 0 : i32
      %dma_wait3A_792 = tpu.memref_slice %arg11[%add3A_526, %dma_wait3A_791] : memref<10240x128xf32, #tpu.memory_space<vmem_shared>> -> memref<80x128xf32, #tpu.memory_space<vmem_shared>>
      tpu.wait_dma2 semaphore(%run_scoped3A_768 : memref<!tpu.dma_semaphore, #tpu.memory_space<semaphore_mem>>) src(%dma_wait3A_792 : memref<80x128xf32, #tpu.memory_space<vmem_shared>>) dst(%dma_wait3A_790 : memref<80x128xf32, #tpu.memory_space<vmem>>)
      tpu.yield
    }) : () -> ()
    %mul3A_528 = arith.constant 640 : i32
    %mul3A_529 = arith.muli %arg1, %mul3A_528 : i32
    %add3A_530 = arith.constant 320 : i32
    %add3A_531 = arith.addi %mul3A_529, %add3A_530 : i32
    %dma_start3A_532 = arith.constant 0 : i32
    %dma_start3A_533 = arith.constant 0 : i32
    %dma_start3A_534 = arith.constant 0 : i32
    %dma_start3A_535 = tpu.memref_slice %arg10[%dma_start3A_532, %dma_start3A_533, %dma_start3A_534] : memref<2x80x128xf32, #tpu.memory_space<vmem>> -> memref<1x80x128xf32, #tpu.memory_space<vmem>>
    %dma_start3A_536 = tpu.memref_squeeze %dma_start3A_535 : memref<1x80x128xf32, #tpu.memory_space<vmem>> -> memref<80x128xf32, #tpu.memory_space<vmem>>
    %dma_start3A_537 = arith.constant 0 : i32
    %dma_start3A_538 = arith.constant 0 : i32
    %dma_start3A_539 = tpu.memref_slice %arg5[%arg0, %dma_start3A_537, %dma_start3A_538] : memref<2x10240x128xf32, #tpu.memory_space<hbm>> -> memref<1x10240x128xf32, #tpu.memory_space<hbm>>
    %dma_start3A_540 = tpu.memref_squeeze %dma_start3A_539 : memref<1x10240x128xf32, #tpu.memory_space<hbm>> -> memref<10240x128xf32, #tpu.memory_space<hbm>>
    %dma_start3A_541 = arith.constant 0 : i32
    %dma_start3A_542 = tpu.memref_slice %dma_start3A_540[%add3A_531, %dma_start3A_541] : memref<10240x128xf32, #tpu.memory_space<hbm>> -> memref<80x128xf32, #tpu.memory_space<hbm>>
    %dma_start3A_543 = arith.constant 0 : i32
    %dma_start3A_544 = arith.constant 0 : i32
    %dma_start3A_545 = tpu.memref_slice %arg5[%arg0, %dma_start3A_543, %dma_start3A_544] : memref<2x10240x128xf32, #tpu.memory_space<hbm>> -> memref<1x10240x128xf32, #tpu.memory_space<hbm>>
    %dma_start3A_546 = tpu.memref_squeeze %dma_start3A_545 : memref<1x10240x128xf32, #tpu.memory_space<hbm>> -> memref<10240x128xf32, #tpu.memory_space<hbm>>
    %dma_start3A_547 = arith.constant 0 : i32
    %dma_start3A_548 = tpu.memref_slice %dma_start3A_546[%add3A_531, %dma_start3A_547] : memref<10240x128xf32, #tpu.memory_space<hbm>> -> memref<80x128xf32, #tpu.memory_space<hbm>>
    %dma_start3A_549 = arith.constant 0 : i32
    %dma_start3A_550 = arith.constant 0 : i32
    %dma_start3A_551 = tpu.memref_slice %arg10[%dma_start3A_532, %dma_start3A_549, %dma_start3A_550] : memref<2x80x128xf32, #tpu.memory_space<vmem>> -> memref<1x80x128xf32, #tpu.memory_space<vmem>>
    %dma_start3A_552 = tpu.memref_squeeze %dma_start3A_551 : memref<1x80x128xf32, #tpu.memory_space<vmem>> -> memref<80x128xf32, #tpu.memory_space<vmem>>
    tpu.enqueue_dma source(%dma_start3A_552 : memref<80x128xf32, #tpu.memory_space<vmem>>) target(%dma_start3A_548 : memref<80x128xf32, #tpu.memory_space<hbm>>) target_semaphore(%arg12 : memref<!tpu.dma_semaphore, #tpu.memory_space<semaphore_mem>>)
    %mul3A_553 = arith.constant 640 : i32
    %mul3A_554 = arith.muli %arg1, %mul3A_553 : i32
    %add3A_555 = arith.constant 240 : i32
    %add3A_556 = arith.addi %mul3A_554, %add3A_555 : i32
    %dma_wait3A_557 = arith.constant 1 : i32
    %dma_wait3A_558 = arith.constant 0 : i32
    %dma_wait3A_559 = arith.constant 0 : i32
    %dma_wait3A_560 = tpu.memref_slice %arg10[%dma_wait3A_557, %dma_wait3A_558, %dma_wait3A_559] : memref<2x80x128xf32, #tpu.memory_space<vmem>> -> memref<1x80x128xf32, #tpu.memory_space<vmem>>
    %dma_wait3A_561 = tpu.memref_squeeze %dma_wait3A_560 : memref<1x80x128xf32, #tpu.memory_space<vmem>> -> memref<80x128xf32, #tpu.memory_space<vmem>>
    %dma_wait3A_562 = arith.constant 0 : i32
    %dma_wait3A_563 = arith.constant 0 : i32
    %dma_wait3A_564 = tpu.memref_slice %arg5[%arg0, %dma_wait3A_562, %dma_wait3A_563] : memref<2x10240x128xf32, #tpu.memory_space<hbm>> -> memref<1x10240x128xf32, #tpu.memory_space<hbm>>
    %dma_wait3A_565 = tpu.memref_squeeze %dma_wait3A_564 : memref<1x10240x128xf32, #tpu.memory_space<hbm>> -> memref<10240x128xf32, #tpu.memory_space<hbm>>
    %dma_wait3A_566 = arith.constant 0 : i32
    %dma_wait3A_567 = tpu.memref_slice %dma_wait3A_565[%add3A_556, %dma_wait3A_566] : memref<10240x128xf32, #tpu.memory_space<hbm>> -> memref<80x128xf32, #tpu.memory_space<hbm>>
    %dma_wait3A_568 = arith.constant 0 : i32
    %dma_wait3A_569 = arith.constant 0 : i32
    %dma_wait3A_570 = tpu.memref_slice %arg5[%arg0, %dma_wait3A_568, %dma_wait3A_569] : memref<2x10240x128xf32, #tpu.memory_space<hbm>> -> memref<1x10240x128xf32, #tpu.memory_space<hbm>>
    %dma_wait3A_571 = tpu.memref_squeeze %dma_wait3A_570 : memref<1x10240x128xf32, #tpu.memory_space<hbm>> -> memref<10240x128xf32, #tpu.memory_space<hbm>>
    %dma_wait3A_572 = arith.constant 0 : i32
    %dma_wait3A_573 = tpu.memref_slice %dma_wait3A_571[%add3A_556, %dma_wait3A_572] : memref<10240x128xf32, #tpu.memory_space<hbm>> -> memref<80x128xf32, #tpu.memory_space<hbm>>
    %dma_wait3A_574 = arith.constant 0 : i32
    %dma_wait3A_575 = arith.constant 0 : i32
    %dma_wait3A_576 = tpu.memref_slice %arg10[%dma_wait3A_557, %dma_wait3A_574, %dma_wait3A_575] : memref<2x80x128xf32, #tpu.memory_space<vmem>> -> memref<1x80x128xf32, #tpu.memory_space<vmem>>
    %dma_wait3A_577 = tpu.memref_squeeze %dma_wait3A_576 : memref<1x80x128xf32, #tpu.memory_space<vmem>> -> memref<80x128xf32, #tpu.memory_space<vmem>>
    tpu.wait_dma2 semaphore(%arg13 : memref<!tpu.dma_semaphore, #tpu.memory_space<semaphore_mem>>) src(%dma_wait3A_577 : memref<80x128xf32, #tpu.memory_space<vmem>>) dst(%dma_wait3A_573 : memref<80x128xf32, #tpu.memory_space<hbm>>)
    %mul3A_578 = arith.constant 640 : i32
    %mul3A_579 = arith.muli %arg1, %mul3A_578 : i32
    %add3A_580 = arith.constant 400 : i32
    %add3A_581 = arith.addi %mul3A_579, %add3A_580 : i32
    %run_scoped3A_582 = arith.constant 1 : i32
    "tpu.region"() ({
      %run_scoped3A_768 = tpu.sem_alloc : memref<!tpu.dma_semaphore, #tpu.memory_space<semaphore_mem>>
      %dma_start3A_769 = arith.constant 0 : i32
      %dma_start3A_770 = arith.constant 0 : i32
      %dma_start3A_771 = tpu.memref_slice %arg10[%run_scoped3A_582, %dma_start3A_769, %dma_start3A_770] : memref<2x80x128xf32, #tpu.memory_space<vmem>> -> memref<1x80x128xf32, #tpu.memory_space<vmem>>
      %dma_start3A_772 = tpu.memref_squeeze %dma_start3A_771 : memref<1x80x128xf32, #tpu.memory_space<vmem>> -> memref<80x128xf32, #tpu.memory_space<vmem>>
      %dma_start3A_773 = arith.constant 0 : i32
      %dma_start3A_774 = tpu.memref_slice %arg11[%add3A_581, %dma_start3A_773] : memref<10240x128xf32, #tpu.memory_space<vmem_shared>> -> memref<80x128xf32, #tpu.memory_space<vmem_shared>>
      %dma_start3A_775 = arith.constant 0 : i32
      %dma_start3A_776 = arith.constant 0 : i32
      %dma_start3A_777 = tpu.memref_slice %arg10[%run_scoped3A_582, %dma_start3A_775, %dma_start3A_776] : memref<2x80x128xf32, #tpu.memory_space<vmem>> -> memref<1x80x128xf32, #tpu.memory_space<vmem>>
      %dma_start3A_778 = tpu.memref_squeeze %dma_start3A_777 : memref<1x80x128xf32, #tpu.memory_space<vmem>> -> memref<80x128xf32, #tpu.memory_space<vmem>>
      %dma_start3A_779 = arith.constant 0 : i32
      %dma_start3A_780 = tpu.memref_slice %arg11[%add3A_581, %dma_start3A_779] : memref<10240x128xf32, #tpu.memory_space<vmem_shared>> -> memref<80x128xf32, #tpu.memory_space<vmem_shared>>
      tpu.enqueue_dma source(%dma_start3A_780 : memref<80x128xf32, #tpu.memory_space<vmem_shared>>) target(%dma_start3A_778 : memref<80x128xf32, #tpu.memory_space<vmem>>) target_semaphore(%run_scoped3A_768 : memref<!tpu.dma_semaphore, #tpu.memory_space<semaphore_mem>>)
      %dma_wait3A_781 = arith.constant 0 : i32
      %dma_wait3A_782 = arith.constant 0 : i32
      %dma_wait3A_783 = tpu.memref_slice %arg10[%run_scoped3A_582, %dma_wait3A_781, %dma_wait3A_782] : memref<2x80x128xf32, #tpu.memory_space<vmem>> -> memref<1x80x128xf32, #tpu.memory_space<vmem>>
      %dma_wait3A_784 = tpu.memref_squeeze %dma_wait3A_783 : memref<1x80x128xf32, #tpu.memory_space<vmem>> -> memref<80x128xf32, #tpu.memory_space<vmem>>
      %dma_wait3A_785 = arith.constant 0 : i32
      %dma_wait3A_786 = tpu.memref_slice %arg11[%add3A_581, %dma_wait3A_785] : memref<10240x128xf32, #tpu.memory_space<vmem_shared>> -> memref<80x128xf32, #tpu.memory_space<vmem_shared>>
      %dma_wait3A_787 = arith.constant 0 : i32
      %dma_wait3A_788 = arith.constant 0 : i32
      %dma_wait3A_789 = tpu.memref_slice %arg10[%run_scoped3A_582, %dma_wait3A_787, %dma_wait3A_788] : memref<2x80x128xf32, #tpu.memory_space<vmem>> -> memref<1x80x128xf32, #tpu.memory_space<vmem>>
      %dma_wait3A_790 = tpu.memref_squeeze %dma_wait3A_789 : memref<1x80x128xf32, #tpu.memory_space<vmem>> -> memref<80x128xf32, #tpu.memory_space<vmem>>
      %dma_wait3A_791 = arith.constant 0 : i32
      %dma_wait3A_792 = tpu.memref_slice %arg11[%add3A_581, %dma_wait3A_791] : memref<10240x128xf32, #tpu.memory_space<vmem_shared>> -> memref<80x128xf32, #tpu.memory_space<vmem_shared>>
      tpu.wait_dma2 semaphore(%run_scoped3A_768 : memref<!tpu.dma_semaphore, #tpu.memory_space<semaphore_mem>>) src(%dma_wait3A_792 : memref<80x128xf32, #tpu.memory_space<vmem_shared>>) dst(%dma_wait3A_790 : memref<80x128xf32, #tpu.memory_space<vmem>>)
      tpu.yield
    }) : () -> ()
    %mul3A_583 = arith.constant 640 : i32
    %mul3A_584 = arith.muli %arg1, %mul3A_583 : i32
    %add3A_585 = arith.constant 400 : i32
    %add3A_586 = arith.addi %mul3A_584, %add3A_585 : i32
    %dma_start3A_587 = arith.constant 1 : i32
    %dma_start3A_588 = arith.constant 0 : i32
    %dma_start3A_589 = arith.constant 0 : i32
    %dma_start3A_590 = tpu.memref_slice %arg10[%dma_start3A_587, %dma_start3A_588, %dma_start3A_589] : memref<2x80x128xf32, #tpu.memory_space<vmem>> -> memref<1x80x128xf32, #tpu.memory_space<vmem>>
    %dma_start3A_591 = tpu.memref_squeeze %dma_start3A_590 : memref<1x80x128xf32, #tpu.memory_space<vmem>> -> memref<80x128xf32, #tpu.memory_space<vmem>>
    %dma_start3A_592 = arith.constant 0 : i32
    %dma_start3A_593 = arith.constant 0 : i32
    %dma_start3A_594 = tpu.memref_slice %arg5[%arg0, %dma_start3A_592, %dma_start3A_593] : memref<2x10240x128xf32, #tpu.memory_space<hbm>> -> memref<1x10240x128xf32, #tpu.memory_space<hbm>>
    %dma_start3A_595 = tpu.memref_squeeze %dma_start3A_594 : memref<1x10240x128xf32, #tpu.memory_space<hbm>> -> memref<10240x128xf32, #tpu.memory_space<hbm>>
    %dma_start3A_596 = arith.constant 0 : i32
    %dma_start3A_597 = tpu.memref_slice %dma_start3A_595[%add3A_586, %dma_start3A_596] : memref<10240x128xf32, #tpu.memory_space<hbm>> -> memref<80x128xf32, #tpu.memory_space<hbm>>
    %dma_start3A_598 = arith.constant 0 : i32
    %dma_start3A_599 = arith.constant 0 : i32
    %dma_start3A_600 = tpu.memref_slice %arg5[%arg0, %dma_start3A_598, %dma_start3A_599] : memref<2x10240x128xf32, #tpu.memory_space<hbm>> -> memref<1x10240x128xf32, #tpu.memory_space<hbm>>
    %dma_start3A_601 = tpu.memref_squeeze %dma_start3A_600 : memref<1x10240x128xf32, #tpu.memory_space<hbm>> -> memref<10240x128xf32, #tpu.memory_space<hbm>>
    %dma_start3A_602 = arith.constant 0 : i32
    %dma_start3A_603 = tpu.memref_slice %dma_start3A_601[%add3A_586, %dma_start3A_602] : memref<10240x128xf32, #tpu.memory_space<hbm>> -> memref<80x128xf32, #tpu.memory_space<hbm>>
    %dma_start3A_604 = arith.constant 0 : i32
    %dma_start3A_605 = arith.constant 0 : i32
    %dma_start3A_606 = tpu.memref_slice %arg10[%dma_start3A_587, %dma_start3A_604, %dma_start3A_605] : memref<2x80x128xf32, #tpu.memory_space<vmem>> -> memref<1x80x128xf32, #tpu.memory_space<vmem>>
    %dma_start3A_607 = tpu.memref_squeeze %dma_start3A_606 : memref<1x80x128xf32, #tpu.memory_space<vmem>> -> memref<80x128xf32, #tpu.memory_space<vmem>>
    tpu.enqueue_dma source(%dma_start3A_607 : memref<80x128xf32, #tpu.memory_space<vmem>>) target(%dma_start3A_603 : memref<80x128xf32, #tpu.memory_space<hbm>>) target_semaphore(%arg13 : memref<!tpu.dma_semaphore, #tpu.memory_space<semaphore_mem>>)
    %mul3A_608 = arith.constant 640 : i32
    %mul3A_609 = arith.muli %arg1, %mul3A_608 : i32
    %add3A_610 = arith.constant 320 : i32
    %add3A_611 = arith.addi %mul3A_609, %add3A_610 : i32
    %dma_wait3A_612 = arith.constant 0 : i32
    %dma_wait3A_613 = arith.constant 0 : i32
    %dma_wait3A_614 = arith.constant 0 : i32
    %dma_wait3A_615 = tpu.memref_slice %arg10[%dma_wait3A_612, %dma_wait3A_613, %dma_wait3A_614] : memref<2x80x128xf32, #tpu.memory_space<vmem>> -> memref<1x80x128xf32, #tpu.memory_space<vmem>>
    %dma_wait3A_616 = tpu.memref_squeeze %dma_wait3A_615 : memref<1x80x128xf32, #tpu.memory_space<vmem>> -> memref<80x128xf32, #tpu.memory_space<vmem>>
    %dma_wait3A_617 = arith.constant 0 : i32
    %dma_wait3A_618 = arith.constant 0 : i32
    %dma_wait3A_619 = tpu.memref_slice %arg5[%arg0, %dma_wait3A_617, %dma_wait3A_618] : memref<2x10240x128xf32, #tpu.memory_space<hbm>> -> memref<1x10240x128xf32, #tpu.memory_space<hbm>>
    %dma_wait3A_620 = tpu.memref_squeeze %dma_wait3A_619 : memref<1x10240x128xf32, #tpu.memory_space<hbm>> -> memref<10240x128xf32, #tpu.memory_space<hbm>>
    %dma_wait3A_621 = arith.constant 0 : i32
    %dma_wait3A_622 = tpu.memref_slice %dma_wait3A_620[%add3A_611, %dma_wait3A_621] : memref<10240x128xf32, #tpu.memory_space<hbm>> -> memref<80x128xf32, #tpu.memory_space<hbm>>
    %dma_wait3A_623 = arith.constant 0 : i32
    %dma_wait3A_624 = arith.constant 0 : i32
    %dma_wait3A_625 = tpu.memref_slice %arg5[%arg0, %dma_wait3A_623, %dma_wait3A_624] : memref<2x10240x128xf32, #tpu.memory_space<hbm>> -> memref<1x10240x128xf32, #tpu.memory_space<hbm>>
    %dma_wait3A_626 = tpu.memref_squeeze %dma_wait3A_625 : memref<1x10240x128xf32, #tpu.memory_space<hbm>> -> memref<10240x128xf32, #tpu.memory_space<hbm>>
    %dma_wait3A_627 = arith.constant 0 : i32
    %dma_wait3A_628 = tpu.memref_slice %dma_wait3A_626[%add3A_611, %dma_wait3A_627] : memref<10240x128xf32, #tpu.memory_space<hbm>> -> memref<80x128xf32, #tpu.memory_space<hbm>>
    %dma_wait3A_629 = arith.constant 0 : i32
    %dma_wait3A_630 = arith.constant 0 : i32
    %dma_wait3A_631 = tpu.memref_slice %arg10[%dma_wait3A_612, %dma_wait3A_629, %dma_wait3A_630] : memref<2x80x128xf32, #tpu.memory_space<vmem>> -> memref<1x80x128xf32, #tpu.memory_space<vmem>>
    %dma_wait3A_632 = tpu.memref_squeeze %dma_wait3A_631 : memref<1x80x128xf32, #tpu.memory_space<vmem>> -> memref<80x128xf32, #tpu.memory_space<vmem>>
    tpu.wait_dma2 semaphore(%arg12 : memref<!tpu.dma_semaphore, #tpu.memory_space<semaphore_mem>>) src(%dma_wait3A_632 : memref<80x128xf32, #tpu.memory_space<vmem>>) dst(%dma_wait3A_628 : memref<80x128xf32, #tpu.memory_space<hbm>>)
    %mul3A_633 = arith.constant 640 : i32
    %mul3A_634 = arith.muli %arg1, %mul3A_633 : i32
    %add3A_635 = arith.constant 480 : i32
    %add3A_636 = arith.addi %mul3A_634, %add3A_635 : i32
    %run_scoped3A_637 = arith.constant 0 : i32
    "tpu.region"() ({
      %run_scoped3A_768 = tpu.sem_alloc : memref<!tpu.dma_semaphore, #tpu.memory_space<semaphore_mem>>
      %dma_start3A_769 = arith.constant 0 : i32
      %dma_start3A_770 = arith.constant 0 : i32
      %dma_start3A_771 = tpu.memref_slice %arg10[%run_scoped3A_637, %dma_start3A_769, %dma_start3A_770] : memref<2x80x128xf32, #tpu.memory_space<vmem>> -> memref<1x80x128xf32, #tpu.memory_space<vmem>>
      %dma_start3A_772 = tpu.memref_squeeze %dma_start3A_771 : memref<1x80x128xf32, #tpu.memory_space<vmem>> -> memref<80x128xf32, #tpu.memory_space<vmem>>
      %dma_start3A_773 = arith.constant 0 : i32
      %dma_start3A_774 = tpu.memref_slice %arg11[%add3A_636, %dma_start3A_773] : memref<10240x128xf32, #tpu.memory_space<vmem_shared>> -> memref<80x128xf32, #tpu.memory_space<vmem_shared>>
      %dma_start3A_775 = arith.constant 0 : i32
      %dma_start3A_776 = arith.constant 0 : i32
      %dma_start3A_777 = tpu.memref_slice %arg10[%run_scoped3A_637, %dma_start3A_775, %dma_start3A_776] : memref<2x80x128xf32, #tpu.memory_space<vmem>> -> memref<1x80x128xf32, #tpu.memory_space<vmem>>
      %dma_start3A_778 = tpu.memref_squeeze %dma_start3A_777 : memref<1x80x128xf32, #tpu.memory_space<vmem>> -> memref<80x128xf32, #tpu.memory_space<vmem>>
      %dma_start3A_779 = arith.constant 0 : i32
      %dma_start3A_780 = tpu.memref_slice %arg11[%add3A_636, %dma_start3A_779] : memref<10240x128xf32, #tpu.memory_space<vmem_shared>> -> memref<80x128xf32, #tpu.memory_space<vmem_shared>>
      tpu.enqueue_dma source(%dma_start3A_780 : memref<80x128xf32, #tpu.memory_space<vmem_shared>>) target(%dma_start3A_778 : memref<80x128xf32, #tpu.memory_space<vmem>>) target_semaphore(%run_scoped3A_768 : memref<!tpu.dma_semaphore, #tpu.memory_space<semaphore_mem>>)
      %dma_wait3A_781 = arith.constant 0 : i32
      %dma_wait3A_782 = arith.constant 0 : i32
      %dma_wait3A_783 = tpu.memref_slice %arg10[%run_scoped3A_637, %dma_wait3A_781, %dma_wait3A_782] : memref<2x80x128xf32, #tpu.memory_space<vmem>> -> memref<1x80x128xf32, #tpu.memory_space<vmem>>
      %dma_wait3A_784 = tpu.memref_squeeze %dma_wait3A_783 : memref<1x80x128xf32, #tpu.memory_space<vmem>> -> memref<80x128xf32, #tpu.memory_space<vmem>>
      %dma_wait3A_785 = arith.constant 0 : i32
      %dma_wait3A_786 = tpu.memref_slice %arg11[%add3A_636, %dma_wait3A_785] : memref<10240x128xf32, #tpu.memory_space<vmem_shared>> -> memref<80x128xf32, #tpu.memory_space<vmem_shared>>
      %dma_wait3A_787 = arith.constant 0 : i32
      %dma_wait3A_788 = arith.constant 0 : i32
      %dma_wait3A_789 = tpu.memref_slice %arg10[%run_scoped3A_637, %dma_wait3A_787, %dma_wait3A_788] : memref<2x80x128xf32, #tpu.memory_space<vmem>> -> memref<1x80x128xf32, #tpu.memory_space<vmem>>
      %dma_wait3A_790 = tpu.memref_squeeze %dma_wait3A_789 : memref<1x80x128xf32, #tpu.memory_space<vmem>> -> memref<80x128xf32, #tpu.memory_space<vmem>>
      %dma_wait3A_791 = arith.constant 0 : i32
      %dma_wait3A_792 = tpu.memref_slice %arg11[%add3A_636, %dma_wait3A_791] : memref<10240x128xf32, #tpu.memory_space<vmem_shared>> -> memref<80x128xf32, #tpu.memory_space<vmem_shared>>
      tpu.wait_dma2 semaphore(%run_scoped3A_768 : memref<!tpu.dma_semaphore, #tpu.memory_space<semaphore_mem>>) src(%dma_wait3A_792 : memref<80x128xf32, #tpu.memory_space<vmem_shared>>) dst(%dma_wait3A_790 : memref<80x128xf32, #tpu.memory_space<vmem>>)
      tpu.yield
    }) : () -> ()
    %mul3A_638 = arith.constant 640 : i32
    %mul3A_639 = arith.muli %arg1, %mul3A_638 : i32
    %add3A_640 = arith.constant 480 : i32
    %add3A_641 = arith.addi %mul3A_639, %add3A_640 : i32
    %dma_start3A_642 = arith.constant 0 : i32
    %dma_start3A_643 = arith.constant 0 : i32
    %dma_start3A_644 = arith.constant 0 : i32
    %dma_start3A_645 = tpu.memref_slice %arg10[%dma_start3A_642, %dma_start3A_643, %dma_start3A_644] : memref<2x80x128xf32, #tpu.memory_space<vmem>> -> memref<1x80x128xf32, #tpu.memory_space<vmem>>
    %dma_start3A_646 = tpu.memref_squeeze %dma_start3A_645 : memref<1x80x128xf32, #tpu.memory_space<vmem>> -> memref<80x128xf32, #tpu.memory_space<vmem>>
    %dma_start3A_647 = arith.constant 0 : i32
    %dma_start3A_648 = arith.constant 0 : i32
    %dma_start3A_649 = tpu.memref_slice %arg5[%arg0, %dma_start3A_647, %dma_start3A_648] : memref<2x10240x128xf32, #tpu.memory_space<hbm>> -> memref<1x10240x128xf32, #tpu.memory_space<hbm>>
    %dma_start3A_650 = tpu.memref_squeeze %dma_start3A_649 : memref<1x10240x128xf32, #tpu.memory_space<hbm>> -> memref<10240x128xf32, #tpu.memory_space<hbm>>
    %dma_start3A_651 = arith.constant 0 : i32
    %dma_start3A_652 = tpu.memref_slice %dma_start3A_650[%add3A_641, %dma_start3A_651] : memref<10240x128xf32, #tpu.memory_space<hbm>> -> memref<80x128xf32, #tpu.memory_space<hbm>>
    %dma_start3A_653 = arith.constant 0 : i32
    %dma_start3A_654 = arith.constant 0 : i32
    %dma_start3A_655 = tpu.memref_slice %arg5[%arg0, %dma_start3A_653, %dma_start3A_654] : memref<2x10240x128xf32, #tpu.memory_space<hbm>> -> memref<1x10240x128xf32, #tpu.memory_space<hbm>>
    %dma_start3A_656 = tpu.memref_squeeze %dma_start3A_655 : memref<1x10240x128xf32, #tpu.memory_space<hbm>> -> memref<10240x128xf32, #tpu.memory_space<hbm>>
    %dma_start3A_657 = arith.constant 0 : i32
    %dma_start3A_658 = tpu.memref_slice %dma_start3A_656[%add3A_641, %dma_start3A_657] : memref<10240x128xf32, #tpu.memory_space<hbm>> -> memref<80x128xf32, #tpu.memory_space<hbm>>
    %dma_start3A_659 = arith.constant 0 : i32
    %dma_start3A_660 = arith.constant 0 : i32
    %dma_start3A_661 = tpu.memref_slice %arg10[%dma_start3A_642, %dma_start3A_659, %dma_start3A_660] : memref<2x80x128xf32, #tpu.memory_space<vmem>> -> memref<1x80x128xf32, #tpu.memory_space<vmem>>
    %dma_start3A_662 = tpu.memref_squeeze %dma_start3A_661 : memref<1x80x128xf32, #tpu.memory_space<vmem>> -> memref<80x128xf32, #tpu.memory_space<vmem>>
    tpu.enqueue_dma source(%dma_start3A_662 : memref<80x128xf32, #tpu.memory_space<vmem>>) target(%dma_start3A_658 : memref<80x128xf32, #tpu.memory_space<hbm>>) target_semaphore(%arg12 : memref<!tpu.dma_semaphore, #tpu.memory_space<semaphore_mem>>)
    %mul3A_663 = arith.constant 640 : i32
    %mul3A_664 = arith.muli %arg1, %mul3A_663 : i32
    %add3A_665 = arith.constant 400 : i32
    %add3A_666 = arith.addi %mul3A_664, %add3A_665 : i32
    %dma_wait3A_667 = arith.constant 1 : i32
    %dma_wait3A_668 = arith.constant 0 : i32
    %dma_wait3A_669 = arith.constant 0 : i32
    %dma_wait3A_670 = tpu.memref_slice %arg10[%dma_wait3A_667, %dma_wait3A_668, %dma_wait3A_669] : memref<2x80x128xf32, #tpu.memory_space<vmem>> -> memref<1x80x128xf32, #tpu.memory_space<vmem>>
    %dma_wait3A_671 = tpu.memref_squeeze %dma_wait3A_670 : memref<1x80x128xf32, #tpu.memory_space<vmem>> -> memref<80x128xf32, #tpu.memory_space<vmem>>
    %dma_wait3A_672 = arith.constant 0 : i32
    %dma_wait3A_673 = arith.constant 0 : i32
    %dma_wait3A_674 = tpu.memref_slice %arg5[%arg0, %dma_wait3A_672, %dma_wait3A_673] : memref<2x10240x128xf32, #tpu.memory_space<hbm>> -> memref<1x10240x128xf32, #tpu.memory_space<hbm>>
    %dma_wait3A_675 = tpu.memref_squeeze %dma_wait3A_674 : memref<1x10240x128xf32, #tpu.memory_space<hbm>> -> memref<10240x128xf32, #tpu.memory_space<hbm>>
    %dma_wait3A_676 = arith.constant 0 : i32
    %dma_wait3A_677 = tpu.memref_slice %dma_wait3A_675[%add3A_666, %dma_wait3A_676] : memref<10240x128xf32, #tpu.memory_space<hbm>> -> memref<80x128xf32, #tpu.memory_space<hbm>>
    %dma_wait3A_678 = arith.constant 0 : i32
    %dma_wait3A_679 = arith.constant 0 : i32
    %dma_wait3A_680 = tpu.memref_slice %arg5[%arg0, %dma_wait3A_678, %dma_wait3A_679] : memref<2x10240x128xf32, #tpu.memory_space<hbm>> -> memref<1x10240x128xf32, #tpu.memory_space<hbm>>
    %dma_wait3A_681 = tpu.memref_squeeze %dma_wait3A_680 : memref<1x10240x128xf32, #tpu.memory_space<hbm>> -> memref<10240x128xf32, #tpu.memory_space<hbm>>
    %dma_wait3A_682 = arith.constant 0 : i32
    %dma_wait3A_683 = tpu.memref_slice %dma_wait3A_681[%add3A_666, %dma_wait3A_682] : memref<10240x128xf32, #tpu.memory_space<hbm>> -> memref<80x128xf32, #tpu.memory_space<hbm>>
    %dma_wait3A_684 = arith.constant 0 : i32
    %dma_wait3A_685 = arith.constant 0 : i32
    %dma_wait3A_686 = tpu.memref_slice %arg10[%dma_wait3A_667, %dma_wait3A_684, %dma_wait3A_685] : memref<2x80x128xf32, #tpu.memory_space<vmem>> -> memref<1x80x128xf32, #tpu.memory_space<vmem>>
    %dma_wait3A_687 = tpu.memref_squeeze %dma_wait3A_686 : memref<1x80x128xf32, #tpu.memory_space<vmem>> -> memref<80x128xf32, #tpu.memory_space<vmem>>
    tpu.wait_dma2 semaphore(%arg13 : memref<!tpu.dma_semaphore, #tpu.memory_space<semaphore_mem>>) src(%dma_wait3A_687 : memref<80x128xf32, #tpu.memory_space<vmem>>) dst(%dma_wait3A_683 : memref<80x128xf32, #tpu.memory_space<hbm>>)
    %mul3A_688 = arith.constant 640 : i32
    %mul3A_689 = arith.muli %arg1, %mul3A_688 : i32
    %add3A_690 = arith.constant 560 : i32
    %add3A_691 = arith.addi %mul3A_689, %add3A_690 : i32
    %run_scoped3A_692 = arith.constant 1 : i32
    "tpu.region"() ({
      %run_scoped3A_768 = tpu.sem_alloc : memref<!tpu.dma_semaphore, #tpu.memory_space<semaphore_mem>>
      %dma_start3A_769 = arith.constant 0 : i32
      %dma_start3A_770 = arith.constant 0 : i32
      %dma_start3A_771 = tpu.memref_slice %arg10[%run_scoped3A_692, %dma_start3A_769, %dma_start3A_770] : memref<2x80x128xf32, #tpu.memory_space<vmem>> -> memref<1x80x128xf32, #tpu.memory_space<vmem>>
      %dma_start3A_772 = tpu.memref_squeeze %dma_start3A_771 : memref<1x80x128xf32, #tpu.memory_space<vmem>> -> memref<80x128xf32, #tpu.memory_space<vmem>>
      %dma_start3A_773 = arith.constant 0 : i32
      %dma_start3A_774 = tpu.memref_slice %arg11[%add3A_691, %dma_start3A_773] : memref<10240x128xf32, #tpu.memory_space<vmem_shared>> -> memref<80x128xf32, #tpu.memory_space<vmem_shared>>
      %dma_start3A_775 = arith.constant 0 : i32
      %dma_start3A_776 = arith.constant 0 : i32
      %dma_start3A_777 = tpu.memref_slice %arg10[%run_scoped3A_692, %dma_start3A_775, %dma_start3A_776] : memref<2x80x128xf32, #tpu.memory_space<vmem>> -> memref<1x80x128xf32, #tpu.memory_space<vmem>>
      %dma_start3A_778 = tpu.memref_squeeze %dma_start3A_777 : memref<1x80x128xf32, #tpu.memory_space<vmem>> -> memref<80x128xf32, #tpu.memory_space<vmem>>
      %dma_start3A_779 = arith.constant 0 : i32
      %dma_start3A_780 = tpu.memref_slice %arg11[%add3A_691, %dma_start3A_779] : memref<10240x128xf32, #tpu.memory_space<vmem_shared>> -> memref<80x128xf32, #tpu.memory_space<vmem_shared>>
      tpu.enqueue_dma source(%dma_start3A_780 : memref<80x128xf32, #tpu.memory_space<vmem_shared>>) target(%dma_start3A_778 : memref<80x128xf32, #tpu.memory_space<vmem>>) target_semaphore(%run_scoped3A_768 : memref<!tpu.dma_semaphore, #tpu.memory_space<semaphore_mem>>)
      %dma_wait3A_781 = arith.constant 0 : i32
      %dma_wait3A_782 = arith.constant 0 : i32
      %dma_wait3A_783 = tpu.memref_slice %arg10[%run_scoped3A_692, %dma_wait3A_781, %dma_wait3A_782] : memref<2x80x128xf32, #tpu.memory_space<vmem>> -> memref<1x80x128xf32, #tpu.memory_space<vmem>>
      %dma_wait3A_784 = tpu.memref_squeeze %dma_wait3A_783 : memref<1x80x128xf32, #tpu.memory_space<vmem>> -> memref<80x128xf32, #tpu.memory_space<vmem>>
      %dma_wait3A_785 = arith.constant 0 : i32
      %dma_wait3A_786 = tpu.memref_slice %arg11[%add3A_691, %dma_wait3A_785] : memref<10240x128xf32, #tpu.memory_space<vmem_shared>> -> memref<80x128xf32, #tpu.memory_space<vmem_shared>>
      %dma_wait3A_787 = arith.constant 0 : i32
      %dma_wait3A_788 = arith.constant 0 : i32
      %dma_wait3A_789 = tpu.memref_slice %arg10[%run_scoped3A_692, %dma_wait3A_787, %dma_wait3A_788] : memref<2x80x128xf32, #tpu.memory_space<vmem>> -> memref<1x80x128xf32, #tpu.memory_space<vmem>>
      %dma_wait3A_790 = tpu.memref_squeeze %dma_wait3A_789 : memref<1x80x128xf32, #tpu.memory_space<vmem>> -> memref<80x128xf32, #tpu.memory_space<vmem>>
      %dma_wait3A_791 = arith.constant 0 : i32
      %dma_wait3A_792 = tpu.memref_slice %arg11[%add3A_691, %dma_wait3A_791] : memref<10240x128xf32, #tpu.memory_space<vmem_shared>> -> memref<80x128xf32, #tpu.memory_space<vmem_shared>>
      tpu.wait_dma2 semaphore(%run_scoped3A_768 : memref<!tpu.dma_semaphore, #tpu.memory_space<semaphore_mem>>) src(%dma_wait3A_792 : memref<80x128xf32, #tpu.memory_space<vmem_shared>>) dst(%dma_wait3A_790 : memref<80x128xf32, #tpu.memory_space<vmem>>)
      tpu.yield
    }) : () -> ()
    %mul3A_693 = arith.constant 640 : i32
    %mul3A_694 = arith.muli %arg1, %mul3A_693 : i32
    %add3A_695 = arith.constant 560 : i32
    %add3A_696 = arith.addi %mul3A_694, %add3A_695 : i32
    %dma_start3A_697 = arith.constant 1 : i32
    %dma_start3A_698 = arith.constant 0 : i32
    %dma_start3A_699 = arith.constant 0 : i32
    %dma_start3A_700 = tpu.memref_slice %arg10[%dma_start3A_697, %dma_start3A_698, %dma_start3A_699] : memref<2x80x128xf32, #tpu.memory_space<vmem>> -> memref<1x80x128xf32, #tpu.memory_space<vmem>>
    %dma_start3A_701 = tpu.memref_squeeze %dma_start3A_700 : memref<1x80x128xf32, #tpu.memory_space<vmem>> -> memref<80x128xf32, #tpu.memory_space<vmem>>
    %dma_start3A_702 = arith.constant 0 : i32
    %dma_start3A_703 = arith.constant 0 : i32
    %dma_start3A_704 = tpu.memref_slice %arg5[%arg0, %dma_start3A_702, %dma_start3A_703] : memref<2x10240x128xf32, #tpu.memory_space<hbm>> -> memref<1x10240x128xf32, #tpu.memory_space<hbm>>
    %dma_start3A_705 = tpu.memref_squeeze %dma_start3A_704 : memref<1x10240x128xf32, #tpu.memory_space<hbm>> -> memref<10240x128xf32, #tpu.memory_space<hbm>>
    %dma_start3A_706 = arith.constant 0 : i32
    %dma_start3A_707 = tpu.memref_slice %dma_start3A_705[%add3A_696, %dma_start3A_706] : memref<10240x128xf32, #tpu.memory_space<hbm>> -> memref<80x128xf32, #tpu.memory_space<hbm>>
    %dma_start3A_708 = arith.constant 0 : i32
    %dma_start3A_709 = arith.constant 0 : i32
    %dma_start3A_710 = tpu.memref_slice %arg5[%arg0, %dma_start3A_708, %dma_start3A_709] : memref<2x10240x128xf32, #tpu.memory_space<hbm>> -> memref<1x10240x128xf32, #tpu.memory_space<hbm>>
    %dma_start3A_711 = tpu.memref_squeeze %dma_start3A_710 : memref<1x10240x128xf32, #tpu.memory_space<hbm>> -> memref<10240x128xf32, #tpu.memory_space<hbm>>
    %dma_start3A_712 = arith.constant 0 : i32
    %dma_start3A_713 = tpu.memref_slice %dma_start3A_711[%add3A_696, %dma_start3A_712] : memref<10240x128xf32, #tpu.memory_space<hbm>> -> memref<80x128xf32, #tpu.memory_space<hbm>>
    %dma_start3A_714 = arith.constant 0 : i32
    %dma_start3A_715 = arith.constant 0 : i32
    %dma_start3A_716 = tpu.memref_slice %arg10[%dma_start3A_697, %dma_start3A_714, %dma_start3A_715] : memref<2x80x128xf32, #tpu.memory_space<vmem>> -> memref<1x80x128xf32, #tpu.memory_space<vmem>>
    %dma_start3A_717 = tpu.memref_squeeze %dma_start3A_716 : memref<1x80x128xf32, #tpu.memory_space<vmem>> -> memref<80x128xf32, #tpu.memory_space<vmem>>
    tpu.enqueue_dma source(%dma_start3A_717 : memref<80x128xf32, #tpu.memory_space<vmem>>) target(%dma_start3A_713 : memref<80x128xf32, #tpu.memory_space<hbm>>) target_semaphore(%arg13 : memref<!tpu.dma_semaphore, #tpu.memory_space<semaphore_mem>>)
    %mul3A_718 = arith.constant 640 : i32
    %mul3A_719 = arith.muli %arg1, %mul3A_718 : i32
    %add3A_720 = arith.constant 480 : i32
    %add3A_721 = arith.addi %mul3A_719, %add3A_720 : i32
    %dma_wait3A_722 = arith.constant 0 : i32
    %dma_wait3A_723 = arith.constant 0 : i32
    %dma_wait3A_724 = arith.constant 0 : i32
    %dma_wait3A_725 = tpu.memref_slice %arg10[%dma_wait3A_722, %dma_wait3A_723, %dma_wait3A_724] : memref<2x80x128xf32, #tpu.memory_space<vmem>> -> memref<1x80x128xf32, #tpu.memory_space<vmem>>
    %dma_wait3A_726 = tpu.memref_squeeze %dma_wait3A_725 : memref<1x80x128xf32, #tpu.memory_space<vmem>> -> memref<80x128xf32, #tpu.memory_space<vmem>>
    %dma_wait3A_727 = arith.constant 0 : i32
    %dma_wait3A_728 = arith.constant 0 : i32
    %dma_wait3A_729 = tpu.memref_slice %arg5[%arg0, %dma_wait3A_727, %dma_wait3A_728] : memref<2x10240x128xf32, #tpu.memory_space<hbm>> -> memref<1x10240x128xf32, #tpu.memory_space<hbm>>
    %dma_wait3A_730 = tpu.memref_squeeze %dma_wait3A_729 : memref<1x10240x128xf32, #tpu.memory_space<hbm>> -> memref<10240x128xf32, #tpu.memory_space<hbm>>
    %dma_wait3A_731 = arith.constant 0 : i32
    %dma_wait3A_732 = tpu.memref_slice %dma_wait3A_730[%add3A_721, %dma_wait3A_731] : memref<10240x128xf32, #tpu.memory_space<hbm>> -> memref<80x128xf32, #tpu.memory_space<hbm>>
    %dma_wait3A_733 = arith.constant 0 : i32
    %dma_wait3A_734 = arith.constant 0 : i32
    %dma_wait3A_735 = tpu.memref_slice %arg5[%arg0, %dma_wait3A_733, %dma_wait3A_734] : memref<2x10240x128xf32, #tpu.memory_space<hbm>> -> memref<1x10240x128xf32, #tpu.memory_space<hbm>>
    %dma_wait3A_736 = tpu.memref_squeeze %dma_wait3A_735 : memref<1x10240x128xf32, #tpu.memory_space<hbm>> -> memref<10240x128xf32, #tpu.memory_space<hbm>>
    %dma_wait3A_737 = arith.constant 0 : i32
    %dma_wait3A_738 = tpu.memref_slice %dma_wait3A_736[%add3A_721, %dma_wait3A_737] : memref<10240x128xf32, #tpu.memory_space<hbm>> -> memref<80x128xf32, #tpu.memory_space<hbm>>
    %dma_wait3A_739 = arith.constant 0 : i32
    %dma_wait3A_740 = arith.constant 0 : i32
    %dma_wait3A_741 = tpu.memref_slice %arg10[%dma_wait3A_722, %dma_wait3A_739, %dma_wait3A_740] : memref<2x80x128xf32, #tpu.memory_space<vmem>> -> memref<1x80x128xf32, #tpu.memory_space<vmem>>
    %dma_wait3A_742 = tpu.memref_squeeze %dma_wait3A_741 : memref<1x80x128xf32, #tpu.memory_space<vmem>> -> memref<80x128xf32, #tpu.memory_space<vmem>>
    tpu.wait_dma2 semaphore(%arg12 : memref<!tpu.dma_semaphore, #tpu.memory_space<semaphore_mem>>) src(%dma_wait3A_742 : memref<80x128xf32, #tpu.memory_space<vmem>>) dst(%dma_wait3A_738 : memref<80x128xf32, #tpu.memory_space<hbm>>)
    %mul3A_743 = arith.constant 640 : i32
    %mul3A_744 = arith.muli %arg1, %mul3A_743 : i32
    %add3A_745 = arith.constant 560 : i32
    %add3A_746 = arith.addi %mul3A_744, %add3A_745 : i32
    %dma_wait3A_747 = arith.constant 1 : i32
    %dma_wait3A_748 = arith.constant 0 : i32
    %dma_wait3A_749 = arith.constant 0 : i32
    %dma_wait3A_750 = tpu.memref_slice %arg10[%dma_wait3A_747, %dma_wait3A_748, %dma_wait3A_749] : memref<2x80x128xf32, #tpu.memory_space<vmem>> -> memref<1x80x128xf32, #tpu.memory_space<vmem>>
    %dma_wait3A_751 = tpu.memref_squeeze %dma_wait3A_750 : memref<1x80x128xf32, #tpu.memory_space<vmem>> -> memref<80x128xf32, #tpu.memory_space<vmem>>
    %dma_wait3A_752 = arith.constant 0 : i32
    %dma_wait3A_753 = arith.constant 0 : i32
    %dma_wait3A_754 = tpu.memref_slice %arg5[%arg0, %dma_wait3A_752, %dma_wait3A_753] : memref<2x10240x128xf32, #tpu.memory_space<hbm>> -> memref<1x10240x128xf32, #tpu.memory_space<hbm>>
    %dma_wait3A_755 = tpu.memref_squeeze %dma_wait3A_754 : memref<1x10240x128xf32, #tpu.memory_space<hbm>> -> memref<10240x128xf32, #tpu.memory_space<hbm>>
    %dma_wait3A_756 = arith.constant 0 : i32
    %dma_wait3A_757 = tpu.memref_slice %dma_wait3A_755[%add3A_746, %dma_wait3A_756] : memref<10240x128xf32, #tpu.memory_space<hbm>> -> memref<80x128xf32, #tpu.memory_space<hbm>>
    %dma_wait3A_758 = arith.constant 0 : i32
    %dma_wait3A_759 = arith.constant 0 : i32
    %dma_wait3A_760 = tpu.memref_slice %arg5[%arg0, %dma_wait3A_758, %dma_wait3A_759] : memref<2x10240x128xf32, #tpu.memory_space<hbm>> -> memref<1x10240x128xf32, #tpu.memory_space<hbm>>
    %dma_wait3A_761 = tpu.memref_squeeze %dma_wait3A_760 : memref<1x10240x128xf32, #tpu.memory_space<hbm>> -> memref<10240x128xf32, #tpu.memory_space<hbm>>
    %dma_wait3A_762 = arith.constant 0 : i32
    %dma_wait3A_763 = tpu.memref_slice %dma_wait3A_761[%add3A_746, %dma_wait3A_762] : memref<10240x128xf32, #tpu.memory_space<hbm>> -> memref<80x128xf32, #tpu.memory_space<hbm>>
    %dma_wait3A_764 = arith.constant 0 : i32
    %dma_wait3A_765 = arith.constant 0 : i32
    %dma_wait3A_766 = tpu.memref_slice %arg10[%dma_wait3A_747, %dma_wait3A_764, %dma_wait3A_765] : memref<2x80x128xf32, #tpu.memory_space<vmem>> -> memref<1x80x128xf32, #tpu.memory_space<vmem>>
    %dma_wait3A_767 = tpu.memref_squeeze %dma_wait3A_766 : memref<1x80x128xf32, #tpu.memory_space<vmem>> -> memref<80x128xf32, #tpu.memory_space<vmem>>
    tpu.wait_dma2 semaphore(%arg13 : memref<!tpu.dma_semaphore, #tpu.memory_space<semaphore_mem>>) src(%dma_wait3A_767 : memref<80x128xf32, #tpu.memory_space<vmem>>) dst(%dma_wait3A_763 : memref<80x128xf32, #tpu.memory_space<hbm>>)
    return
  }
}

#map = affine_map<(d0, d1) -> (0, 0)>
module attributes {stable_mosaic.version = 14 : i64} {
  func.func @_sc_pair_gather(%arg0: i32, %arg1: i32, %arg2: memref<10240x128xf32, #tpu.memory_space<hbm>>, %arg3: memref<32x1024xi32, #tpu.memory_space<hbm>>, %arg4: memref<32768x128xf32, #tpu.memory_space<hbm>>, %arg5: memref<1024xi32, #tpu.memory_space<vmem>>, %arg6: memref<2x128x128xf32, #tpu.memory_space<vmem>>, %arg7: memref<!tpu.dma_semaphore, #tpu.memory_space<semaphore_mem>>, %arg8: memref<!tpu.dma_semaphore, #tpu.memory_space<semaphore_mem>>) attributes {dimension_semantics = [#tpu.dimension_semantics<core_parallel>, #tpu.dimension_semantics<subcore_parallel>], iteration_bounds = array<i64: 2, 16>, scalar_prefetch = 0 : i64, scratch_operands = 4 : i64, tpu.core_type = #tpu.core_type<sc_vector_subcore>, window_params = [{transform_indices = #map}, {transform_indices = #map}, {transform_indices = #map}]} {
    %mul3A = arith.constant 2 : i32
    %mul3A_0 = arith.muli %arg1, %mul3A : i32
    %add3A = arith.addi %mul3A_0, %arg0 : i32
    "tpu.region"() ({
      %run_scoped3A_198 = tpu.sem_alloc : memref<!tpu.dma_semaphore, #tpu.memory_space<semaphore_mem>>
      %dma_start3A_199 = arith.constant 0 : i32
      %dma_start3A_200 = tpu.memref_slice %arg3[%add3A, %dma_start3A_199] : memref<32x1024xi32, #tpu.memory_space<hbm>> -> memref<1x1024xi32, #tpu.memory_space<hbm>>
      %dma_start3A_201 = tpu.memref_squeeze %dma_start3A_200 : memref<1x1024xi32, #tpu.memory_space<hbm>> -> memref<1024xi32, #tpu.memory_space<hbm>>
      %dma_start3A_202 = arith.constant 0 : i32
      %dma_start3A_203 = tpu.memref_slice %arg3[%add3A, %dma_start3A_202] : memref<32x1024xi32, #tpu.memory_space<hbm>> -> memref<1x1024xi32, #tpu.memory_space<hbm>>
      %dma_start3A_204 = tpu.memref_squeeze %dma_start3A_203 : memref<1x1024xi32, #tpu.memory_space<hbm>> -> memref<1024xi32, #tpu.memory_space<hbm>>
      tpu.enqueue_dma source(%dma_start3A_204 : memref<1024xi32, #tpu.memory_space<hbm>>) target(%arg5 : memref<1024xi32, #tpu.memory_space<vmem>>) target_semaphore(%run_scoped3A_198 : memref<!tpu.dma_semaphore, #tpu.memory_space<semaphore_mem>>)
      %dma_wait3A_205 = arith.constant 0 : i32
      %dma_wait3A_206 = tpu.memref_slice %arg3[%add3A, %dma_wait3A_205] : memref<32x1024xi32, #tpu.memory_space<hbm>> -> memref<1x1024xi32, #tpu.memory_space<hbm>>
      %dma_wait3A_207 = tpu.memref_squeeze %dma_wait3A_206 : memref<1x1024xi32, #tpu.memory_space<hbm>> -> memref<1024xi32, #tpu.memory_space<hbm>>
      %dma_wait3A_208 = arith.constant 0 : i32
      %dma_wait3A_209 = tpu.memref_slice %arg3[%add3A, %dma_wait3A_208] : memref<32x1024xi32, #tpu.memory_space<hbm>> -> memref<1x1024xi32, #tpu.memory_space<hbm>>
      %dma_wait3A_210 = tpu.memref_squeeze %dma_wait3A_209 : memref<1x1024xi32, #tpu.memory_space<hbm>> -> memref<1024xi32, #tpu.memory_space<hbm>>
      tpu.wait_dma2 semaphore(%run_scoped3A_198 : memref<!tpu.dma_semaphore, #tpu.memory_space<semaphore_mem>>) src(%dma_wait3A_210 : memref<1024xi32, #tpu.memory_space<hbm>>) dst(%arg5 : memref<1024xi32, #tpu.memory_space<vmem>>)
      tpu.yield
    }) : () -> ()
    %dma_start3A = arith.constant 0 : i32
    %dma_start3A_1 = arith.constant 0 : i32
    %dma_start3A_2 = arith.constant 0 : i32
    %dma_start3A_3 = tpu.memref_slice %arg6[%dma_start3A, %dma_start3A_1, %dma_start3A_2] : memref<2x128x128xf32, #tpu.memory_space<vmem>> -> memref<1x128x128xf32, #tpu.memory_space<vmem>>
    %dma_start3A_4 = tpu.memref_squeeze %dma_start3A_3 : memref<1x128x128xf32, #tpu.memory_space<vmem>> -> memref<128x128xf32, #tpu.memory_space<vmem>>
    %dma_start3A_5 = arith.constant 0 : i32
    %dma_start3A_6 = tpu.memref_slice %arg5[%dma_start3A_5] : memref<1024xi32, #tpu.memory_space<vmem>> -> memref<128xi32, #tpu.memory_space<vmem>>
    %dma_start3A_7 = arith.constant 0 : i32
    %dma_start3A_8 = arith.constant 0 : i32
    %dma_start3A_9 = tpu.memref_slice %arg2[%dma_start3A_7, %dma_start3A_8] : memref<10240x128xf32, #tpu.memory_space<hbm>> -> memref<10240x128xf32, #tpu.memory_space<hbm>>
    tpu.enqueue_indirect_dma source(%dma_start3A_9 : memref<10240x128xf32, #tpu.memory_space<hbm>>) target(%dma_start3A_4 : memref<128x128xf32, #tpu.memory_space<vmem>>) offsets(%dma_start3A_6 : memref<128xi32, #tpu.memory_space<vmem>>) semaphore(%arg7 : memref<!tpu.dma_semaphore, #tpu.memory_space<semaphore_mem>>)
    %dma_start3A_10 = arith.constant 1 : i32
    %dma_start3A_11 = arith.constant 0 : i32
    %dma_start3A_12 = arith.constant 0 : i32
    %dma_start3A_13 = tpu.memref_slice %arg6[%dma_start3A_10, %dma_start3A_11, %dma_start3A_12] : memref<2x128x128xf32, #tpu.memory_space<vmem>> -> memref<1x128x128xf32, #tpu.memory_space<vmem>>
    %dma_start3A_14 = tpu.memref_squeeze %dma_start3A_13 : memref<1x128x128xf32, #tpu.memory_space<vmem>> -> memref<128x128xf32, #tpu.memory_space<vmem>>
    %dma_start3A_15 = arith.constant 128 : i32
    %dma_start3A_16 = tpu.memref_slice %arg5[%dma_start3A_15] : memref<1024xi32, #tpu.memory_space<vmem>> -> memref<128xi32, #tpu.memory_space<vmem>>
    %dma_start3A_17 = arith.constant 0 : i32
    %dma_start3A_18 = arith.constant 0 : i32
    %dma_start3A_19 = tpu.memref_slice %arg2[%dma_start3A_17, %dma_start3A_18] : memref<10240x128xf32, #tpu.memory_space<hbm>> -> memref<10240x128xf32, #tpu.memory_space<hbm>>
    tpu.enqueue_indirect_dma source(%dma_start3A_19 : memref<10240x128xf32, #tpu.memory_space<hbm>>) target(%dma_start3A_14 : memref<128x128xf32, #tpu.memory_space<vmem>>) offsets(%dma_start3A_16 : memref<128xi32, #tpu.memory_space<vmem>>) semaphore(%arg8 : memref<!tpu.dma_semaphore, #tpu.memory_space<semaphore_mem>>)
    %dma_wait3A = arith.constant 0 : i32
    %dma_wait3A_20 = arith.constant 0 : i32
    %dma_wait3A_21 = arith.constant 0 : i32
    %dma_wait3A_22 = tpu.memref_slice %arg6[%dma_wait3A, %dma_wait3A_20, %dma_wait3A_21] : memref<2x128x128xf32, #tpu.memory_space<vmem>> -> memref<1x128x128xf32, #tpu.memory_space<vmem>>
    %dma_wait3A_23 = tpu.memref_squeeze %dma_wait3A_22 : memref<1x128x128xf32, #tpu.memory_space<vmem>> -> memref<128x128xf32, #tpu.memory_space<vmem>>
    %dma_wait3A_24 = arith.constant 0 : i32
    %dma_wait3A_25 = tpu.memref_slice %arg5[%dma_wait3A_24] : memref<1024xi32, #tpu.memory_space<vmem>> -> memref<128xi32, #tpu.memory_space<vmem>>
    %dma_wait3A_26 = arith.constant 0 : i32
    %dma_wait3A_27 = arith.constant 0 : i32
    %dma_wait3A_28 = tpu.memref_slice %arg2[%dma_wait3A_26, %dma_wait3A_27] : memref<10240x128xf32, #tpu.memory_space<hbm>> -> memref<10240x128xf32, #tpu.memory_space<hbm>>
    tpu.wait_indirect_dma semaphore(%arg7 : memref<!tpu.dma_semaphore, #tpu.memory_space<semaphore_mem>>) src(%dma_wait3A_28 : memref<10240x128xf32, #tpu.memory_space<hbm>>) dst(%dma_wait3A_23 : memref<128x128xf32, #tpu.memory_space<vmem>>)
    %mul3A_29 = arith.constant 1024 : i32
    %mul3A_30 = arith.muli %add3A, %mul3A_29 : i32
    %add3A_31 = arith.constant 0 : i32
    %add3A_32 = arith.addi %mul3A_30, %add3A_31 : i32
    %run_scoped3A = arith.constant 0 : i32
    "tpu.region"() ({
      %run_scoped3A_198 = tpu.sem_alloc : memref<!tpu.dma_semaphore, #tpu.memory_space<semaphore_mem>>
      %dma_start3A_199 = arith.constant 0 : i32
      %dma_start3A_200 = arith.constant 0 : i32
      %dma_start3A_201 = tpu.memref_slice %arg6[%run_scoped3A, %dma_start3A_199, %dma_start3A_200] : memref<2x128x128xf32, #tpu.memory_space<vmem>> -> memref<1x128x128xf32, #tpu.memory_space<vmem>>
      %dma_start3A_202 = tpu.memref_squeeze %dma_start3A_201 : memref<1x128x128xf32, #tpu.memory_space<vmem>> -> memref<128x128xf32, #tpu.memory_space<vmem>>
      %dma_start3A_203 = arith.constant 0 : i32
      %dma_start3A_204 = tpu.memref_slice %arg4[%add3A_32, %dma_start3A_203] : memref<32768x128xf32, #tpu.memory_space<hbm>> -> memref<128x128xf32, #tpu.memory_space<hbm>>
      %dma_start3A_205 = arith.constant 0 : i32
      %dma_start3A_206 = tpu.memref_slice %arg4[%add3A_32, %dma_start3A_205] : memref<32768x128xf32, #tpu.memory_space<hbm>> -> memref<128x128xf32, #tpu.memory_space<hbm>>
      %dma_start3A_207 = arith.constant 0 : i32
      %dma_start3A_208 = arith.constant 0 : i32
      %dma_start3A_209 = tpu.memref_slice %arg6[%run_scoped3A, %dma_start3A_207, %dma_start3A_208] : memref<2x128x128xf32, #tpu.memory_space<vmem>> -> memref<1x128x128xf32, #tpu.memory_space<vmem>>
      %dma_start3A_210 = tpu.memref_squeeze %dma_start3A_209 : memref<1x128x128xf32, #tpu.memory_space<vmem>> -> memref<128x128xf32, #tpu.memory_space<vmem>>
      tpu.enqueue_dma source(%dma_start3A_210 : memref<128x128xf32, #tpu.memory_space<vmem>>) target(%dma_start3A_206 : memref<128x128xf32, #tpu.memory_space<hbm>>) target_semaphore(%run_scoped3A_198 : memref<!tpu.dma_semaphore, #tpu.memory_space<semaphore_mem>>)
      %dma_wait3A_211 = arith.constant 0 : i32
      %dma_wait3A_212 = arith.constant 0 : i32
      %dma_wait3A_213 = tpu.memref_slice %arg6[%run_scoped3A, %dma_wait3A_211, %dma_wait3A_212] : memref<2x128x128xf32, #tpu.memory_space<vmem>> -> memref<1x128x128xf32, #tpu.memory_space<vmem>>
      %dma_wait3A_214 = tpu.memref_squeeze %dma_wait3A_213 : memref<1x128x128xf32, #tpu.memory_space<vmem>> -> memref<128x128xf32, #tpu.memory_space<vmem>>
      %dma_wait3A_215 = arith.constant 0 : i32
      %dma_wait3A_216 = tpu.memref_slice %arg4[%add3A_32, %dma_wait3A_215] : memref<32768x128xf32, #tpu.memory_space<hbm>> -> memref<128x128xf32, #tpu.memory_space<hbm>>
      %dma_wait3A_217 = arith.constant 0 : i32
      %dma_wait3A_218 = tpu.memref_slice %arg4[%add3A_32, %dma_wait3A_217] : memref<32768x128xf32, #tpu.memory_space<hbm>> -> memref<128x128xf32, #tpu.memory_space<hbm>>
      %dma_wait3A_219 = arith.constant 0 : i32
      %dma_wait3A_220 = arith.constant 0 : i32
      %dma_wait3A_221 = tpu.memref_slice %arg6[%run_scoped3A, %dma_wait3A_219, %dma_wait3A_220] : memref<2x128x128xf32, #tpu.memory_space<vmem>> -> memref<1x128x128xf32, #tpu.memory_space<vmem>>
      %dma_wait3A_222 = tpu.memref_squeeze %dma_wait3A_221 : memref<1x128x128xf32, #tpu.memory_space<vmem>> -> memref<128x128xf32, #tpu.memory_space<vmem>>
      tpu.wait_dma2 semaphore(%run_scoped3A_198 : memref<!tpu.dma_semaphore, #tpu.memory_space<semaphore_mem>>) src(%dma_wait3A_222 : memref<128x128xf32, #tpu.memory_space<vmem>>) dst(%dma_wait3A_218 : memref<128x128xf32, #tpu.memory_space<hbm>>)
      tpu.yield
    }) : () -> ()
    %dma_start3A_33 = arith.constant 0 : i32
    %dma_start3A_34 = arith.constant 0 : i32
    %dma_start3A_35 = arith.constant 0 : i32
    %dma_start3A_36 = tpu.memref_slice %arg6[%dma_start3A_33, %dma_start3A_34, %dma_start3A_35] : memref<2x128x128xf32, #tpu.memory_space<vmem>> -> memref<1x128x128xf32, #tpu.memory_space<vmem>>
    %dma_start3A_37 = tpu.memref_squeeze %dma_start3A_36 : memref<1x128x128xf32, #tpu.memory_space<vmem>> -> memref<128x128xf32, #tpu.memory_space<vmem>>
    %dma_start3A_38 = arith.constant 256 : i32
    %dma_start3A_39 = tpu.memref_slice %arg5[%dma_start3A_38] : memref<1024xi32, #tpu.memory_space<vmem>> -> memref<128xi32, #tpu.memory_space<vmem>>
    %dma_start3A_40 = arith.constant 0 : i32
    %dma_start3A_41 = arith.constant 0 : i32
    %dma_start3A_42 = tpu.memref_slice %arg2[%dma_start3A_40, %dma_start3A_41] : memref<10240x128xf32, #tpu.memory_space<hbm>> -> memref<10240x128xf32, #tpu.memory_space<hbm>>
    tpu.enqueue_indirect_dma source(%dma_start3A_42 : memref<10240x128xf32, #tpu.memory_space<hbm>>) target(%dma_start3A_37 : memref<128x128xf32, #tpu.memory_space<vmem>>) offsets(%dma_start3A_39 : memref<128xi32, #tpu.memory_space<vmem>>) semaphore(%arg7 : memref<!tpu.dma_semaphore, #tpu.memory_space<semaphore_mem>>)
    %dma_wait3A_43 = arith.constant 1 : i32
    %dma_wait3A_44 = arith.constant 0 : i32
    %dma_wait3A_45 = arith.constant 0 : i32
    %dma_wait3A_46 = tpu.memref_slice %arg6[%dma_wait3A_43, %dma_wait3A_44, %dma_wait3A_45] : memref<2x128x128xf32, #tpu.memory_space<vmem>> -> memref<1x128x128xf32, #tpu.memory_space<vmem>>
    %dma_wait3A_47 = tpu.memref_squeeze %dma_wait3A_46 : memref<1x128x128xf32, #tpu.memory_space<vmem>> -> memref<128x128xf32, #tpu.memory_space<vmem>>
    %dma_wait3A_48 = arith.constant 128 : i32
    %dma_wait3A_49 = tpu.memref_slice %arg5[%dma_wait3A_48] : memref<1024xi32, #tpu.memory_space<vmem>> -> memref<128xi32, #tpu.memory_space<vmem>>
    %dma_wait3A_50 = arith.constant 0 : i32
    %dma_wait3A_51 = arith.constant 0 : i32
    %dma_wait3A_52 = tpu.memref_slice %arg2[%dma_wait3A_50, %dma_wait3A_51] : memref<10240x128xf32, #tpu.memory_space<hbm>> -> memref<10240x128xf32, #tpu.memory_space<hbm>>
    tpu.wait_indirect_dma semaphore(%arg8 : memref<!tpu.dma_semaphore, #tpu.memory_space<semaphore_mem>>) src(%dma_wait3A_52 : memref<10240x128xf32, #tpu.memory_space<hbm>>) dst(%dma_wait3A_47 : memref<128x128xf32, #tpu.memory_space<vmem>>)
    %mul3A_53 = arith.constant 1024 : i32
    %mul3A_54 = arith.muli %add3A, %mul3A_53 : i32
    %add3A_55 = arith.constant 128 : i32
    %add3A_56 = arith.addi %mul3A_54, %add3A_55 : i32
    %run_scoped3A_57 = arith.constant 1 : i32
    "tpu.region"() ({
      %run_scoped3A_198 = tpu.sem_alloc : memref<!tpu.dma_semaphore, #tpu.memory_space<semaphore_mem>>
      %dma_start3A_199 = arith.constant 0 : i32
      %dma_start3A_200 = arith.constant 0 : i32
      %dma_start3A_201 = tpu.memref_slice %arg6[%run_scoped3A_57, %dma_start3A_199, %dma_start3A_200] : memref<2x128x128xf32, #tpu.memory_space<vmem>> -> memref<1x128x128xf32, #tpu.memory_space<vmem>>
      %dma_start3A_202 = tpu.memref_squeeze %dma_start3A_201 : memref<1x128x128xf32, #tpu.memory_space<vmem>> -> memref<128x128xf32, #tpu.memory_space<vmem>>
      %dma_start3A_203 = arith.constant 0 : i32
      %dma_start3A_204 = tpu.memref_slice %arg4[%add3A_56, %dma_start3A_203] : memref<32768x128xf32, #tpu.memory_space<hbm>> -> memref<128x128xf32, #tpu.memory_space<hbm>>
      %dma_start3A_205 = arith.constant 0 : i32
      %dma_start3A_206 = tpu.memref_slice %arg4[%add3A_56, %dma_start3A_205] : memref<32768x128xf32, #tpu.memory_space<hbm>> -> memref<128x128xf32, #tpu.memory_space<hbm>>
      %dma_start3A_207 = arith.constant 0 : i32
      %dma_start3A_208 = arith.constant 0 : i32
      %dma_start3A_209 = tpu.memref_slice %arg6[%run_scoped3A_57, %dma_start3A_207, %dma_start3A_208] : memref<2x128x128xf32, #tpu.memory_space<vmem>> -> memref<1x128x128xf32, #tpu.memory_space<vmem>>
      %dma_start3A_210 = tpu.memref_squeeze %dma_start3A_209 : memref<1x128x128xf32, #tpu.memory_space<vmem>> -> memref<128x128xf32, #tpu.memory_space<vmem>>
      tpu.enqueue_dma source(%dma_start3A_210 : memref<128x128xf32, #tpu.memory_space<vmem>>) target(%dma_start3A_206 : memref<128x128xf32, #tpu.memory_space<hbm>>) target_semaphore(%run_scoped3A_198 : memref<!tpu.dma_semaphore, #tpu.memory_space<semaphore_mem>>)
      %dma_wait3A_211 = arith.constant 0 : i32
      %dma_wait3A_212 = arith.constant 0 : i32
      %dma_wait3A_213 = tpu.memref_slice %arg6[%run_scoped3A_57, %dma_wait3A_211, %dma_wait3A_212] : memref<2x128x128xf32, #tpu.memory_space<vmem>> -> memref<1x128x128xf32, #tpu.memory_space<vmem>>
      %dma_wait3A_214 = tpu.memref_squeeze %dma_wait3A_213 : memref<1x128x128xf32, #tpu.memory_space<vmem>> -> memref<128x128xf32, #tpu.memory_space<vmem>>
      %dma_wait3A_215 = arith.constant 0 : i32
      %dma_wait3A_216 = tpu.memref_slice %arg4[%add3A_56, %dma_wait3A_215] : memref<32768x128xf32, #tpu.memory_space<hbm>> -> memref<128x128xf32, #tpu.memory_space<hbm>>
      %dma_wait3A_217 = arith.constant 0 : i32
      %dma_wait3A_218 = tpu.memref_slice %arg4[%add3A_56, %dma_wait3A_217] : memref<32768x128xf32, #tpu.memory_space<hbm>> -> memref<128x128xf32, #tpu.memory_space<hbm>>
      %dma_wait3A_219 = arith.constant 0 : i32
      %dma_wait3A_220 = arith.constant 0 : i32
      %dma_wait3A_221 = tpu.memref_slice %arg6[%run_scoped3A_57, %dma_wait3A_219, %dma_wait3A_220] : memref<2x128x128xf32, #tpu.memory_space<vmem>> -> memref<1x128x128xf32, #tpu.memory_space<vmem>>
      %dma_wait3A_222 = tpu.memref_squeeze %dma_wait3A_221 : memref<1x128x128xf32, #tpu.memory_space<vmem>> -> memref<128x128xf32, #tpu.memory_space<vmem>>
      tpu.wait_dma2 semaphore(%run_scoped3A_198 : memref<!tpu.dma_semaphore, #tpu.memory_space<semaphore_mem>>) src(%dma_wait3A_222 : memref<128x128xf32, #tpu.memory_space<vmem>>) dst(%dma_wait3A_218 : memref<128x128xf32, #tpu.memory_space<hbm>>)
      tpu.yield
    }) : () -> ()
    %dma_start3A_58 = arith.constant 1 : i32
    %dma_start3A_59 = arith.constant 0 : i32
    %dma_start3A_60 = arith.constant 0 : i32
    %dma_start3A_61 = tpu.memref_slice %arg6[%dma_start3A_58, %dma_start3A_59, %dma_start3A_60] : memref<2x128x128xf32, #tpu.memory_space<vmem>> -> memref<1x128x128xf32, #tpu.memory_space<vmem>>
    %dma_start3A_62 = tpu.memref_squeeze %dma_start3A_61 : memref<1x128x128xf32, #tpu.memory_space<vmem>> -> memref<128x128xf32, #tpu.memory_space<vmem>>
    %dma_start3A_63 = arith.constant 384 : i32
    %dma_start3A_64 = tpu.memref_slice %arg5[%dma_start3A_63] : memref<1024xi32, #tpu.memory_space<vmem>> -> memref<128xi32, #tpu.memory_space<vmem>>
    %dma_start3A_65 = arith.constant 0 : i32
    %dma_start3A_66 = arith.constant 0 : i32
    %dma_start3A_67 = tpu.memref_slice %arg2[%dma_start3A_65, %dma_start3A_66] : memref<10240x128xf32, #tpu.memory_space<hbm>> -> memref<10240x128xf32, #tpu.memory_space<hbm>>
    tpu.enqueue_indirect_dma source(%dma_start3A_67 : memref<10240x128xf32, #tpu.memory_space<hbm>>) target(%dma_start3A_62 : memref<128x128xf32, #tpu.memory_space<vmem>>) offsets(%dma_start3A_64 : memref<128xi32, #tpu.memory_space<vmem>>) semaphore(%arg8 : memref<!tpu.dma_semaphore, #tpu.memory_space<semaphore_mem>>)
    %dma_wait3A_68 = arith.constant 0 : i32
    %dma_wait3A_69 = arith.constant 0 : i32
    %dma_wait3A_70 = arith.constant 0 : i32
    %dma_wait3A_71 = tpu.memref_slice %arg6[%dma_wait3A_68, %dma_wait3A_69, %dma_wait3A_70] : memref<2x128x128xf32, #tpu.memory_space<vmem>> -> memref<1x128x128xf32, #tpu.memory_space<vmem>>
    %dma_wait3A_72 = tpu.memref_squeeze %dma_wait3A_71 : memref<1x128x128xf32, #tpu.memory_space<vmem>> -> memref<128x128xf32, #tpu.memory_space<vmem>>
    %dma_wait3A_73 = arith.constant 256 : i32
    %dma_wait3A_74 = tpu.memref_slice %arg5[%dma_wait3A_73] : memref<1024xi32, #tpu.memory_space<vmem>> -> memref<128xi32, #tpu.memory_space<vmem>>
    %dma_wait3A_75 = arith.constant 0 : i32
    %dma_wait3A_76 = arith.constant 0 : i32
    %dma_wait3A_77 = tpu.memref_slice %arg2[%dma_wait3A_75, %dma_wait3A_76] : memref<10240x128xf32, #tpu.memory_space<hbm>> -> memref<10240x128xf32, #tpu.memory_space<hbm>>
    tpu.wait_indirect_dma semaphore(%arg7 : memref<!tpu.dma_semaphore, #tpu.memory_space<semaphore_mem>>) src(%dma_wait3A_77 : memref<10240x128xf32, #tpu.memory_space<hbm>>) dst(%dma_wait3A_72 : memref<128x128xf32, #tpu.memory_space<vmem>>)
    %mul3A_78 = arith.constant 1024 : i32
    %mul3A_79 = arith.muli %add3A, %mul3A_78 : i32
    %add3A_80 = arith.constant 256 : i32
    %add3A_81 = arith.addi %mul3A_79, %add3A_80 : i32
    %run_scoped3A_82 = arith.constant 0 : i32
    "tpu.region"() ({
      %run_scoped3A_198 = tpu.sem_alloc : memref<!tpu.dma_semaphore, #tpu.memory_space<semaphore_mem>>
      %dma_start3A_199 = arith.constant 0 : i32
      %dma_start3A_200 = arith.constant 0 : i32
      %dma_start3A_201 = tpu.memref_slice %arg6[%run_scoped3A_82, %dma_start3A_199, %dma_start3A_200] : memref<2x128x128xf32, #tpu.memory_space<vmem>> -> memref<1x128x128xf32, #tpu.memory_space<vmem>>
      %dma_start3A_202 = tpu.memref_squeeze %dma_start3A_201 : memref<1x128x128xf32, #tpu.memory_space<vmem>> -> memref<128x128xf32, #tpu.memory_space<vmem>>
      %dma_start3A_203 = arith.constant 0 : i32
      %dma_start3A_204 = tpu.memref_slice %arg4[%add3A_81, %dma_start3A_203] : memref<32768x128xf32, #tpu.memory_space<hbm>> -> memref<128x128xf32, #tpu.memory_space<hbm>>
      %dma_start3A_205 = arith.constant 0 : i32
      %dma_start3A_206 = tpu.memref_slice %arg4[%add3A_81, %dma_start3A_205] : memref<32768x128xf32, #tpu.memory_space<hbm>> -> memref<128x128xf32, #tpu.memory_space<hbm>>
      %dma_start3A_207 = arith.constant 0 : i32
      %dma_start3A_208 = arith.constant 0 : i32
      %dma_start3A_209 = tpu.memref_slice %arg6[%run_scoped3A_82, %dma_start3A_207, %dma_start3A_208] : memref<2x128x128xf32, #tpu.memory_space<vmem>> -> memref<1x128x128xf32, #tpu.memory_space<vmem>>
      %dma_start3A_210 = tpu.memref_squeeze %dma_start3A_209 : memref<1x128x128xf32, #tpu.memory_space<vmem>> -> memref<128x128xf32, #tpu.memory_space<vmem>>
      tpu.enqueue_dma source(%dma_start3A_210 : memref<128x128xf32, #tpu.memory_space<vmem>>) target(%dma_start3A_206 : memref<128x128xf32, #tpu.memory_space<hbm>>) target_semaphore(%run_scoped3A_198 : memref<!tpu.dma_semaphore, #tpu.memory_space<semaphore_mem>>)
      %dma_wait3A_211 = arith.constant 0 : i32
      %dma_wait3A_212 = arith.constant 0 : i32
      %dma_wait3A_213 = tpu.memref_slice %arg6[%run_scoped3A_82, %dma_wait3A_211, %dma_wait3A_212] : memref<2x128x128xf32, #tpu.memory_space<vmem>> -> memref<1x128x128xf32, #tpu.memory_space<vmem>>
      %dma_wait3A_214 = tpu.memref_squeeze %dma_wait3A_213 : memref<1x128x128xf32, #tpu.memory_space<vmem>> -> memref<128x128xf32, #tpu.memory_space<vmem>>
      %dma_wait3A_215 = arith.constant 0 : i32
      %dma_wait3A_216 = tpu.memref_slice %arg4[%add3A_81, %dma_wait3A_215] : memref<32768x128xf32, #tpu.memory_space<hbm>> -> memref<128x128xf32, #tpu.memory_space<hbm>>
      %dma_wait3A_217 = arith.constant 0 : i32
      %dma_wait3A_218 = tpu.memref_slice %arg4[%add3A_81, %dma_wait3A_217] : memref<32768x128xf32, #tpu.memory_space<hbm>> -> memref<128x128xf32, #tpu.memory_space<hbm>>
      %dma_wait3A_219 = arith.constant 0 : i32
      %dma_wait3A_220 = arith.constant 0 : i32
      %dma_wait3A_221 = tpu.memref_slice %arg6[%run_scoped3A_82, %dma_wait3A_219, %dma_wait3A_220] : memref<2x128x128xf32, #tpu.memory_space<vmem>> -> memref<1x128x128xf32, #tpu.memory_space<vmem>>
      %dma_wait3A_222 = tpu.memref_squeeze %dma_wait3A_221 : memref<1x128x128xf32, #tpu.memory_space<vmem>> -> memref<128x128xf32, #tpu.memory_space<vmem>>
      tpu.wait_dma2 semaphore(%run_scoped3A_198 : memref<!tpu.dma_semaphore, #tpu.memory_space<semaphore_mem>>) src(%dma_wait3A_222 : memref<128x128xf32, #tpu.memory_space<vmem>>) dst(%dma_wait3A_218 : memref<128x128xf32, #tpu.memory_space<hbm>>)
      tpu.yield
    }) : () -> ()
    %dma_start3A_83 = arith.constant 0 : i32
    %dma_start3A_84 = arith.constant 0 : i32
    %dma_start3A_85 = arith.constant 0 : i32
    %dma_start3A_86 = tpu.memref_slice %arg6[%dma_start3A_83, %dma_start3A_84, %dma_start3A_85] : memref<2x128x128xf32, #tpu.memory_space<vmem>> -> memref<1x128x128xf32, #tpu.memory_space<vmem>>
    %dma_start3A_87 = tpu.memref_squeeze %dma_start3A_86 : memref<1x128x128xf32, #tpu.memory_space<vmem>> -> memref<128x128xf32, #tpu.memory_space<vmem>>
    %dma_start3A_88 = arith.constant 512 : i32
    %dma_start3A_89 = tpu.memref_slice %arg5[%dma_start3A_88] : memref<1024xi32, #tpu.memory_space<vmem>> -> memref<128xi32, #tpu.memory_space<vmem>>
    %dma_start3A_90 = arith.constant 0 : i32
    %dma_start3A_91 = arith.constant 0 : i32
    %dma_start3A_92 = tpu.memref_slice %arg2[%dma_start3A_90, %dma_start3A_91] : memref<10240x128xf32, #tpu.memory_space<hbm>> -> memref<10240x128xf32, #tpu.memory_space<hbm>>
    tpu.enqueue_indirect_dma source(%dma_start3A_92 : memref<10240x128xf32, #tpu.memory_space<hbm>>) target(%dma_start3A_87 : memref<128x128xf32, #tpu.memory_space<vmem>>) offsets(%dma_start3A_89 : memref<128xi32, #tpu.memory_space<vmem>>) semaphore(%arg7 : memref<!tpu.dma_semaphore, #tpu.memory_space<semaphore_mem>>)
    %dma_wait3A_93 = arith.constant 1 : i32
    %dma_wait3A_94 = arith.constant 0 : i32
    %dma_wait3A_95 = arith.constant 0 : i32
    %dma_wait3A_96 = tpu.memref_slice %arg6[%dma_wait3A_93, %dma_wait3A_94, %dma_wait3A_95] : memref<2x128x128xf32, #tpu.memory_space<vmem>> -> memref<1x128x128xf32, #tpu.memory_space<vmem>>
    %dma_wait3A_97 = tpu.memref_squeeze %dma_wait3A_96 : memref<1x128x128xf32, #tpu.memory_space<vmem>> -> memref<128x128xf32, #tpu.memory_space<vmem>>
    %dma_wait3A_98 = arith.constant 384 : i32
    %dma_wait3A_99 = tpu.memref_slice %arg5[%dma_wait3A_98] : memref<1024xi32, #tpu.memory_space<vmem>> -> memref<128xi32, #tpu.memory_space<vmem>>
    %dma_wait3A_100 = arith.constant 0 : i32
    %dma_wait3A_101 = arith.constant 0 : i32
    %dma_wait3A_102 = tpu.memref_slice %arg2[%dma_wait3A_100, %dma_wait3A_101] : memref<10240x128xf32, #tpu.memory_space<hbm>> -> memref<10240x128xf32, #tpu.memory_space<hbm>>
    tpu.wait_indirect_dma semaphore(%arg8 : memref<!tpu.dma_semaphore, #tpu.memory_space<semaphore_mem>>) src(%dma_wait3A_102 : memref<10240x128xf32, #tpu.memory_space<hbm>>) dst(%dma_wait3A_97 : memref<128x128xf32, #tpu.memory_space<vmem>>)
    %mul3A_103 = arith.constant 1024 : i32
    %mul3A_104 = arith.muli %add3A, %mul3A_103 : i32
    %add3A_105 = arith.constant 384 : i32
    %add3A_106 = arith.addi %mul3A_104, %add3A_105 : i32
    %run_scoped3A_107 = arith.constant 1 : i32
    "tpu.region"() ({
      %run_scoped3A_198 = tpu.sem_alloc : memref<!tpu.dma_semaphore, #tpu.memory_space<semaphore_mem>>
      %dma_start3A_199 = arith.constant 0 : i32
      %dma_start3A_200 = arith.constant 0 : i32
      %dma_start3A_201 = tpu.memref_slice %arg6[%run_scoped3A_107, %dma_start3A_199, %dma_start3A_200] : memref<2x128x128xf32, #tpu.memory_space<vmem>> -> memref<1x128x128xf32, #tpu.memory_space<vmem>>
      %dma_start3A_202 = tpu.memref_squeeze %dma_start3A_201 : memref<1x128x128xf32, #tpu.memory_space<vmem>> -> memref<128x128xf32, #tpu.memory_space<vmem>>
      %dma_start3A_203 = arith.constant 0 : i32
      %dma_start3A_204 = tpu.memref_slice %arg4[%add3A_106, %dma_start3A_203] : memref<32768x128xf32, #tpu.memory_space<hbm>> -> memref<128x128xf32, #tpu.memory_space<hbm>>
      %dma_start3A_205 = arith.constant 0 : i32
      %dma_start3A_206 = tpu.memref_slice %arg4[%add3A_106, %dma_start3A_205] : memref<32768x128xf32, #tpu.memory_space<hbm>> -> memref<128x128xf32, #tpu.memory_space<hbm>>
      %dma_start3A_207 = arith.constant 0 : i32
      %dma_start3A_208 = arith.constant 0 : i32
      %dma_start3A_209 = tpu.memref_slice %arg6[%run_scoped3A_107, %dma_start3A_207, %dma_start3A_208] : memref<2x128x128xf32, #tpu.memory_space<vmem>> -> memref<1x128x128xf32, #tpu.memory_space<vmem>>
      %dma_start3A_210 = tpu.memref_squeeze %dma_start3A_209 : memref<1x128x128xf32, #tpu.memory_space<vmem>> -> memref<128x128xf32, #tpu.memory_space<vmem>>
      tpu.enqueue_dma source(%dma_start3A_210 : memref<128x128xf32, #tpu.memory_space<vmem>>) target(%dma_start3A_206 : memref<128x128xf32, #tpu.memory_space<hbm>>) target_semaphore(%run_scoped3A_198 : memref<!tpu.dma_semaphore, #tpu.memory_space<semaphore_mem>>)
      %dma_wait3A_211 = arith.constant 0 : i32
      %dma_wait3A_212 = arith.constant 0 : i32
      %dma_wait3A_213 = tpu.memref_slice %arg6[%run_scoped3A_107, %dma_wait3A_211, %dma_wait3A_212] : memref<2x128x128xf32, #tpu.memory_space<vmem>> -> memref<1x128x128xf32, #tpu.memory_space<vmem>>
      %dma_wait3A_214 = tpu.memref_squeeze %dma_wait3A_213 : memref<1x128x128xf32, #tpu.memory_space<vmem>> -> memref<128x128xf32, #tpu.memory_space<vmem>>
      %dma_wait3A_215 = arith.constant 0 : i32
      %dma_wait3A_216 = tpu.memref_slice %arg4[%add3A_106, %dma_wait3A_215] : memref<32768x128xf32, #tpu.memory_space<hbm>> -> memref<128x128xf32, #tpu.memory_space<hbm>>
      %dma_wait3A_217 = arith.constant 0 : i32
      %dma_wait3A_218 = tpu.memref_slice %arg4[%add3A_106, %dma_wait3A_217] : memref<32768x128xf32, #tpu.memory_space<hbm>> -> memref<128x128xf32, #tpu.memory_space<hbm>>
      %dma_wait3A_219 = arith.constant 0 : i32
      %dma_wait3A_220 = arith.constant 0 : i32
      %dma_wait3A_221 = tpu.memref_slice %arg6[%run_scoped3A_107, %dma_wait3A_219, %dma_wait3A_220] : memref<2x128x128xf32, #tpu.memory_space<vmem>> -> memref<1x128x128xf32, #tpu.memory_space<vmem>>
      %dma_wait3A_222 = tpu.memref_squeeze %dma_wait3A_221 : memref<1x128x128xf32, #tpu.memory_space<vmem>> -> memref<128x128xf32, #tpu.memory_space<vmem>>
      tpu.wait_dma2 semaphore(%run_scoped3A_198 : memref<!tpu.dma_semaphore, #tpu.memory_space<semaphore_mem>>) src(%dma_wait3A_222 : memref<128x128xf32, #tpu.memory_space<vmem>>) dst(%dma_wait3A_218 : memref<128x128xf32, #tpu.memory_space<hbm>>)
      tpu.yield
    }) : () -> ()
    %dma_start3A_108 = arith.constant 1 : i32
    %dma_start3A_109 = arith.constant 0 : i32
    %dma_start3A_110 = arith.constant 0 : i32
    %dma_start3A_111 = tpu.memref_slice %arg6[%dma_start3A_108, %dma_start3A_109, %dma_start3A_110] : memref<2x128x128xf32, #tpu.memory_space<vmem>> -> memref<1x128x128xf32, #tpu.memory_space<vmem>>
    %dma_start3A_112 = tpu.memref_squeeze %dma_start3A_111 : memref<1x128x128xf32, #tpu.memory_space<vmem>> -> memref<128x128xf32, #tpu.memory_space<vmem>>
    %dma_start3A_113 = arith.constant 640 : i32
    %dma_start3A_114 = tpu.memref_slice %arg5[%dma_start3A_113] : memref<1024xi32, #tpu.memory_space<vmem>> -> memref<128xi32, #tpu.memory_space<vmem>>
    %dma_start3A_115 = arith.constant 0 : i32
    %dma_start3A_116 = arith.constant 0 : i32
    %dma_start3A_117 = tpu.memref_slice %arg2[%dma_start3A_115, %dma_start3A_116] : memref<10240x128xf32, #tpu.memory_space<hbm>> -> memref<10240x128xf32, #tpu.memory_space<hbm>>
    tpu.enqueue_indirect_dma source(%dma_start3A_117 : memref<10240x128xf32, #tpu.memory_space<hbm>>) target(%dma_start3A_112 : memref<128x128xf32, #tpu.memory_space<vmem>>) offsets(%dma_start3A_114 : memref<128xi32, #tpu.memory_space<vmem>>) semaphore(%arg8 : memref<!tpu.dma_semaphore, #tpu.memory_space<semaphore_mem>>)
    %dma_wait3A_118 = arith.constant 0 : i32
    %dma_wait3A_119 = arith.constant 0 : i32
    %dma_wait3A_120 = arith.constant 0 : i32
    %dma_wait3A_121 = tpu.memref_slice %arg6[%dma_wait3A_118, %dma_wait3A_119, %dma_wait3A_120] : memref<2x128x128xf32, #tpu.memory_space<vmem>> -> memref<1x128x128xf32, #tpu.memory_space<vmem>>
    %dma_wait3A_122 = tpu.memref_squeeze %dma_wait3A_121 : memref<1x128x128xf32, #tpu.memory_space<vmem>> -> memref<128x128xf32, #tpu.memory_space<vmem>>
    %dma_wait3A_123 = arith.constant 512 : i32
    %dma_wait3A_124 = tpu.memref_slice %arg5[%dma_wait3A_123] : memref<1024xi32, #tpu.memory_space<vmem>> -> memref<128xi32, #tpu.memory_space<vmem>>
    %dma_wait3A_125 = arith.constant 0 : i32
    %dma_wait3A_126 = arith.constant 0 : i32
    %dma_wait3A_127 = tpu.memref_slice %arg2[%dma_wait3A_125, %dma_wait3A_126] : memref<10240x128xf32, #tpu.memory_space<hbm>> -> memref<10240x128xf32, #tpu.memory_space<hbm>>
    tpu.wait_indirect_dma semaphore(%arg7 : memref<!tpu.dma_semaphore, #tpu.memory_space<semaphore_mem>>) src(%dma_wait3A_127 : memref<10240x128xf32, #tpu.memory_space<hbm>>) dst(%dma_wait3A_122 : memref<128x128xf32, #tpu.memory_space<vmem>>)
    %mul3A_128 = arith.constant 1024 : i32
    %mul3A_129 = arith.muli %add3A, %mul3A_128 : i32
    %add3A_130 = arith.constant 512 : i32
    %add3A_131 = arith.addi %mul3A_129, %add3A_130 : i32
    %run_scoped3A_132 = arith.constant 0 : i32
    "tpu.region"() ({
      %run_scoped3A_198 = tpu.sem_alloc : memref<!tpu.dma_semaphore, #tpu.memory_space<semaphore_mem>>
      %dma_start3A_199 = arith.constant 0 : i32
      %dma_start3A_200 = arith.constant 0 : i32
      %dma_start3A_201 = tpu.memref_slice %arg6[%run_scoped3A_132, %dma_start3A_199, %dma_start3A_200] : memref<2x128x128xf32, #tpu.memory_space<vmem>> -> memref<1x128x128xf32, #tpu.memory_space<vmem>>
      %dma_start3A_202 = tpu.memref_squeeze %dma_start3A_201 : memref<1x128x128xf32, #tpu.memory_space<vmem>> -> memref<128x128xf32, #tpu.memory_space<vmem>>
      %dma_start3A_203 = arith.constant 0 : i32
      %dma_start3A_204 = tpu.memref_slice %arg4[%add3A_131, %dma_start3A_203] : memref<32768x128xf32, #tpu.memory_space<hbm>> -> memref<128x128xf32, #tpu.memory_space<hbm>>
      %dma_start3A_205 = arith.constant 0 : i32
      %dma_start3A_206 = tpu.memref_slice %arg4[%add3A_131, %dma_start3A_205] : memref<32768x128xf32, #tpu.memory_space<hbm>> -> memref<128x128xf32, #tpu.memory_space<hbm>>
      %dma_start3A_207 = arith.constant 0 : i32
      %dma_start3A_208 = arith.constant 0 : i32
      %dma_start3A_209 = tpu.memref_slice %arg6[%run_scoped3A_132, %dma_start3A_207, %dma_start3A_208] : memref<2x128x128xf32, #tpu.memory_space<vmem>> -> memref<1x128x128xf32, #tpu.memory_space<vmem>>
      %dma_start3A_210 = tpu.memref_squeeze %dma_start3A_209 : memref<1x128x128xf32, #tpu.memory_space<vmem>> -> memref<128x128xf32, #tpu.memory_space<vmem>>
      tpu.enqueue_dma source(%dma_start3A_210 : memref<128x128xf32, #tpu.memory_space<vmem>>) target(%dma_start3A_206 : memref<128x128xf32, #tpu.memory_space<hbm>>) target_semaphore(%run_scoped3A_198 : memref<!tpu.dma_semaphore, #tpu.memory_space<semaphore_mem>>)
      %dma_wait3A_211 = arith.constant 0 : i32
      %dma_wait3A_212 = arith.constant 0 : i32
      %dma_wait3A_213 = tpu.memref_slice %arg6[%run_scoped3A_132, %dma_wait3A_211, %dma_wait3A_212] : memref<2x128x128xf32, #tpu.memory_space<vmem>> -> memref<1x128x128xf32, #tpu.memory_space<vmem>>
      %dma_wait3A_214 = tpu.memref_squeeze %dma_wait3A_213 : memref<1x128x128xf32, #tpu.memory_space<vmem>> -> memref<128x128xf32, #tpu.memory_space<vmem>>
      %dma_wait3A_215 = arith.constant 0 : i32
      %dma_wait3A_216 = tpu.memref_slice %arg4[%add3A_131, %dma_wait3A_215] : memref<32768x128xf32, #tpu.memory_space<hbm>> -> memref<128x128xf32, #tpu.memory_space<hbm>>
      %dma_wait3A_217 = arith.constant 0 : i32
      %dma_wait3A_218 = tpu.memref_slice %arg4[%add3A_131, %dma_wait3A_217] : memref<32768x128xf32, #tpu.memory_space<hbm>> -> memref<128x128xf32, #tpu.memory_space<hbm>>
      %dma_wait3A_219 = arith.constant 0 : i32
      %dma_wait3A_220 = arith.constant 0 : i32
      %dma_wait3A_221 = tpu.memref_slice %arg6[%run_scoped3A_132, %dma_wait3A_219, %dma_wait3A_220] : memref<2x128x128xf32, #tpu.memory_space<vmem>> -> memref<1x128x128xf32, #tpu.memory_space<vmem>>
      %dma_wait3A_222 = tpu.memref_squeeze %dma_wait3A_221 : memref<1x128x128xf32, #tpu.memory_space<vmem>> -> memref<128x128xf32, #tpu.memory_space<vmem>>
      tpu.wait_dma2 semaphore(%run_scoped3A_198 : memref<!tpu.dma_semaphore, #tpu.memory_space<semaphore_mem>>) src(%dma_wait3A_222 : memref<128x128xf32, #tpu.memory_space<vmem>>) dst(%dma_wait3A_218 : memref<128x128xf32, #tpu.memory_space<hbm>>)
      tpu.yield
    }) : () -> ()
    %dma_start3A_133 = arith.constant 0 : i32
    %dma_start3A_134 = arith.constant 0 : i32
    %dma_start3A_135 = arith.constant 0 : i32
    %dma_start3A_136 = tpu.memref_slice %arg6[%dma_start3A_133, %dma_start3A_134, %dma_start3A_135] : memref<2x128x128xf32, #tpu.memory_space<vmem>> -> memref<1x128x128xf32, #tpu.memory_space<vmem>>
    %dma_start3A_137 = tpu.memref_squeeze %dma_start3A_136 : memref<1x128x128xf32, #tpu.memory_space<vmem>> -> memref<128x128xf32, #tpu.memory_space<vmem>>
    %dma_start3A_138 = arith.constant 768 : i32
    %dma_start3A_139 = tpu.memref_slice %arg5[%dma_start3A_138] : memref<1024xi32, #tpu.memory_space<vmem>> -> memref<128xi32, #tpu.memory_space<vmem>>
    %dma_start3A_140 = arith.constant 0 : i32
    %dma_start3A_141 = arith.constant 0 : i32
    %dma_start3A_142 = tpu.memref_slice %arg2[%dma_start3A_140, %dma_start3A_141] : memref<10240x128xf32, #tpu.memory_space<hbm>> -> memref<10240x128xf32, #tpu.memory_space<hbm>>
    tpu.enqueue_indirect_dma source(%dma_start3A_142 : memref<10240x128xf32, #tpu.memory_space<hbm>>) target(%dma_start3A_137 : memref<128x128xf32, #tpu.memory_space<vmem>>) offsets(%dma_start3A_139 : memref<128xi32, #tpu.memory_space<vmem>>) semaphore(%arg7 : memref<!tpu.dma_semaphore, #tpu.memory_space<semaphore_mem>>)
    %dma_wait3A_143 = arith.constant 1 : i32
    %dma_wait3A_144 = arith.constant 0 : i32
    %dma_wait3A_145 = arith.constant 0 : i32
    %dma_wait3A_146 = tpu.memref_slice %arg6[%dma_wait3A_143, %dma_wait3A_144, %dma_wait3A_145] : memref<2x128x128xf32, #tpu.memory_space<vmem>> -> memref<1x128x128xf32, #tpu.memory_space<vmem>>
    %dma_wait3A_147 = tpu.memref_squeeze %dma_wait3A_146 : memref<1x128x128xf32, #tpu.memory_space<vmem>> -> memref<128x128xf32, #tpu.memory_space<vmem>>
    %dma_wait3A_148 = arith.constant 640 : i32
    %dma_wait3A_149 = tpu.memref_slice %arg5[%dma_wait3A_148] : memref<1024xi32, #tpu.memory_space<vmem>> -> memref<128xi32, #tpu.memory_space<vmem>>
    %dma_wait3A_150 = arith.constant 0 : i32
    %dma_wait3A_151 = arith.constant 0 : i32
    %dma_wait3A_152 = tpu.memref_slice %arg2[%dma_wait3A_150, %dma_wait3A_151] : memref<10240x128xf32, #tpu.memory_space<hbm>> -> memref<10240x128xf32, #tpu.memory_space<hbm>>
    tpu.wait_indirect_dma semaphore(%arg8 : memref<!tpu.dma_semaphore, #tpu.memory_space<semaphore_mem>>) src(%dma_wait3A_152 : memref<10240x128xf32, #tpu.memory_space<hbm>>) dst(%dma_wait3A_147 : memref<128x128xf32, #tpu.memory_space<vmem>>)
    %mul3A_153 = arith.constant 1024 : i32
    %mul3A_154 = arith.muli %add3A, %mul3A_153 : i32
    %add3A_155 = arith.constant 640 : i32
    %add3A_156 = arith.addi %mul3A_154, %add3A_155 : i32
    %run_scoped3A_157 = arith.constant 1 : i32
    "tpu.region"() ({
      %run_scoped3A_198 = tpu.sem_alloc : memref<!tpu.dma_semaphore, #tpu.memory_space<semaphore_mem>>
      %dma_start3A_199 = arith.constant 0 : i32
      %dma_start3A_200 = arith.constant 0 : i32
      %dma_start3A_201 = tpu.memref_slice %arg6[%run_scoped3A_157, %dma_start3A_199, %dma_start3A_200] : memref<2x128x128xf32, #tpu.memory_space<vmem>> -> memref<1x128x128xf32, #tpu.memory_space<vmem>>
      %dma_start3A_202 = tpu.memref_squeeze %dma_start3A_201 : memref<1x128x128xf32, #tpu.memory_space<vmem>> -> memref<128x128xf32, #tpu.memory_space<vmem>>
      %dma_start3A_203 = arith.constant 0 : i32
      %dma_start3A_204 = tpu.memref_slice %arg4[%add3A_156, %dma_start3A_203] : memref<32768x128xf32, #tpu.memory_space<hbm>> -> memref<128x128xf32, #tpu.memory_space<hbm>>
      %dma_start3A_205 = arith.constant 0 : i32
      %dma_start3A_206 = tpu.memref_slice %arg4[%add3A_156, %dma_start3A_205] : memref<32768x128xf32, #tpu.memory_space<hbm>> -> memref<128x128xf32, #tpu.memory_space<hbm>>
      %dma_start3A_207 = arith.constant 0 : i32
      %dma_start3A_208 = arith.constant 0 : i32
      %dma_start3A_209 = tpu.memref_slice %arg6[%run_scoped3A_157, %dma_start3A_207, %dma_start3A_208] : memref<2x128x128xf32, #tpu.memory_space<vmem>> -> memref<1x128x128xf32, #tpu.memory_space<vmem>>
      %dma_start3A_210 = tpu.memref_squeeze %dma_start3A_209 : memref<1x128x128xf32, #tpu.memory_space<vmem>> -> memref<128x128xf32, #tpu.memory_space<vmem>>
      tpu.enqueue_dma source(%dma_start3A_210 : memref<128x128xf32, #tpu.memory_space<vmem>>) target(%dma_start3A_206 : memref<128x128xf32, #tpu.memory_space<hbm>>) target_semaphore(%run_scoped3A_198 : memref<!tpu.dma_semaphore, #tpu.memory_space<semaphore_mem>>)
      %dma_wait3A_211 = arith.constant 0 : i32
      %dma_wait3A_212 = arith.constant 0 : i32
      %dma_wait3A_213 = tpu.memref_slice %arg6[%run_scoped3A_157, %dma_wait3A_211, %dma_wait3A_212] : memref<2x128x128xf32, #tpu.memory_space<vmem>> -> memref<1x128x128xf32, #tpu.memory_space<vmem>>
      %dma_wait3A_214 = tpu.memref_squeeze %dma_wait3A_213 : memref<1x128x128xf32, #tpu.memory_space<vmem>> -> memref<128x128xf32, #tpu.memory_space<vmem>>
      %dma_wait3A_215 = arith.constant 0 : i32
      %dma_wait3A_216 = tpu.memref_slice %arg4[%add3A_156, %dma_wait3A_215] : memref<32768x128xf32, #tpu.memory_space<hbm>> -> memref<128x128xf32, #tpu.memory_space<hbm>>
      %dma_wait3A_217 = arith.constant 0 : i32
      %dma_wait3A_218 = tpu.memref_slice %arg4[%add3A_156, %dma_wait3A_217] : memref<32768x128xf32, #tpu.memory_space<hbm>> -> memref<128x128xf32, #tpu.memory_space<hbm>>
      %dma_wait3A_219 = arith.constant 0 : i32
      %dma_wait3A_220 = arith.constant 0 : i32
      %dma_wait3A_221 = tpu.memref_slice %arg6[%run_scoped3A_157, %dma_wait3A_219, %dma_wait3A_220] : memref<2x128x128xf32, #tpu.memory_space<vmem>> -> memref<1x128x128xf32, #tpu.memory_space<vmem>>
      %dma_wait3A_222 = tpu.memref_squeeze %dma_wait3A_221 : memref<1x128x128xf32, #tpu.memory_space<vmem>> -> memref<128x128xf32, #tpu.memory_space<vmem>>
      tpu.wait_dma2 semaphore(%run_scoped3A_198 : memref<!tpu.dma_semaphore, #tpu.memory_space<semaphore_mem>>) src(%dma_wait3A_222 : memref<128x128xf32, #tpu.memory_space<vmem>>) dst(%dma_wait3A_218 : memref<128x128xf32, #tpu.memory_space<hbm>>)
      tpu.yield
    }) : () -> ()
    %dma_start3A_158 = arith.constant 1 : i32
    %dma_start3A_159 = arith.constant 0 : i32
    %dma_start3A_160 = arith.constant 0 : i32
    %dma_start3A_161 = tpu.memref_slice %arg6[%dma_start3A_158, %dma_start3A_159, %dma_start3A_160] : memref<2x128x128xf32, #tpu.memory_space<vmem>> -> memref<1x128x128xf32, #tpu.memory_space<vmem>>
    %dma_start3A_162 = tpu.memref_squeeze %dma_start3A_161 : memref<1x128x128xf32, #tpu.memory_space<vmem>> -> memref<128x128xf32, #tpu.memory_space<vmem>>
    %dma_start3A_163 = arith.constant 896 : i32
    %dma_start3A_164 = tpu.memref_slice %arg5[%dma_start3A_163] : memref<1024xi32, #tpu.memory_space<vmem>> -> memref<128xi32, #tpu.memory_space<vmem>>
    %dma_start3A_165 = arith.constant 0 : i32
    %dma_start3A_166 = arith.constant 0 : i32
    %dma_start3A_167 = tpu.memref_slice %arg2[%dma_start3A_165, %dma_start3A_166] : memref<10240x128xf32, #tpu.memory_space<hbm>> -> memref<10240x128xf32, #tpu.memory_space<hbm>>
    tpu.enqueue_indirect_dma source(%dma_start3A_167 : memref<10240x128xf32, #tpu.memory_space<hbm>>) target(%dma_start3A_162 : memref<128x128xf32, #tpu.memory_space<vmem>>) offsets(%dma_start3A_164 : memref<128xi32, #tpu.memory_space<vmem>>) semaphore(%arg8 : memref<!tpu.dma_semaphore, #tpu.memory_space<semaphore_mem>>)
    %dma_wait3A_168 = arith.constant 0 : i32
    %dma_wait3A_169 = arith.constant 0 : i32
    %dma_wait3A_170 = arith.constant 0 : i32
    %dma_wait3A_171 = tpu.memref_slice %arg6[%dma_wait3A_168, %dma_wait3A_169, %dma_wait3A_170] : memref<2x128x128xf32, #tpu.memory_space<vmem>> -> memref<1x128x128xf32, #tpu.memory_space<vmem>>
    %dma_wait3A_172 = tpu.memref_squeeze %dma_wait3A_171 : memref<1x128x128xf32, #tpu.memory_space<vmem>> -> memref<128x128xf32, #tpu.memory_space<vmem>>
    %dma_wait3A_173 = arith.constant 768 : i32
    %dma_wait3A_174 = tpu.memref_slice %arg5[%dma_wait3A_173] : memref<1024xi32, #tpu.memory_space<vmem>> -> memref<128xi32, #tpu.memory_space<vmem>>
    %dma_wait3A_175 = arith.constant 0 : i32
    %dma_wait3A_176 = arith.constant 0 : i32
    %dma_wait3A_177 = tpu.memref_slice %arg2[%dma_wait3A_175, %dma_wait3A_176] : memref<10240x128xf32, #tpu.memory_space<hbm>> -> memref<10240x128xf32, #tpu.memory_space<hbm>>
    tpu.wait_indirect_dma semaphore(%arg7 : memref<!tpu.dma_semaphore, #tpu.memory_space<semaphore_mem>>) src(%dma_wait3A_177 : memref<10240x128xf32, #tpu.memory_space<hbm>>) dst(%dma_wait3A_172 : memref<128x128xf32, #tpu.memory_space<vmem>>)
    %mul3A_178 = arith.constant 1024 : i32
    %mul3A_179 = arith.muli %add3A, %mul3A_178 : i32
    %add3A_180 = arith.constant 768 : i32
    %add3A_181 = arith.addi %mul3A_179, %add3A_180 : i32
    %run_scoped3A_182 = arith.constant 0 : i32
    "tpu.region"() ({
      %run_scoped3A_198 = tpu.sem_alloc : memref<!tpu.dma_semaphore, #tpu.memory_space<semaphore_mem>>
      %dma_start3A_199 = arith.constant 0 : i32
      %dma_start3A_200 = arith.constant 0 : i32
      %dma_start3A_201 = tpu.memref_slice %arg6[%run_scoped3A_182, %dma_start3A_199, %dma_start3A_200] : memref<2x128x128xf32, #tpu.memory_space<vmem>> -> memref<1x128x128xf32, #tpu.memory_space<vmem>>
      %dma_start3A_202 = tpu.memref_squeeze %dma_start3A_201 : memref<1x128x128xf32, #tpu.memory_space<vmem>> -> memref<128x128xf32, #tpu.memory_space<vmem>>
      %dma_start3A_203 = arith.constant 0 : i32
      %dma_start3A_204 = tpu.memref_slice %arg4[%add3A_181, %dma_start3A_203] : memref<32768x128xf32, #tpu.memory_space<hbm>> -> memref<128x128xf32, #tpu.memory_space<hbm>>
      %dma_start3A_205 = arith.constant 0 : i32
      %dma_start3A_206 = tpu.memref_slice %arg4[%add3A_181, %dma_start3A_205] : memref<32768x128xf32, #tpu.memory_space<hbm>> -> memref<128x128xf32, #tpu.memory_space<hbm>>
      %dma_start3A_207 = arith.constant 0 : i32
      %dma_start3A_208 = arith.constant 0 : i32
      %dma_start3A_209 = tpu.memref_slice %arg6[%run_scoped3A_182, %dma_start3A_207, %dma_start3A_208] : memref<2x128x128xf32, #tpu.memory_space<vmem>> -> memref<1x128x128xf32, #tpu.memory_space<vmem>>
      %dma_start3A_210 = tpu.memref_squeeze %dma_start3A_209 : memref<1x128x128xf32, #tpu.memory_space<vmem>> -> memref<128x128xf32, #tpu.memory_space<vmem>>
      tpu.enqueue_dma source(%dma_start3A_210 : memref<128x128xf32, #tpu.memory_space<vmem>>) target(%dma_start3A_206 : memref<128x128xf32, #tpu.memory_space<hbm>>) target_semaphore(%run_scoped3A_198 : memref<!tpu.dma_semaphore, #tpu.memory_space<semaphore_mem>>)
      %dma_wait3A_211 = arith.constant 0 : i32
      %dma_wait3A_212 = arith.constant 0 : i32
      %dma_wait3A_213 = tpu.memref_slice %arg6[%run_scoped3A_182, %dma_wait3A_211, %dma_wait3A_212] : memref<2x128x128xf32, #tpu.memory_space<vmem>> -> memref<1x128x128xf32, #tpu.memory_space<vmem>>
      %dma_wait3A_214 = tpu.memref_squeeze %dma_wait3A_213 : memref<1x128x128xf32, #tpu.memory_space<vmem>> -> memref<128x128xf32, #tpu.memory_space<vmem>>
      %dma_wait3A_215 = arith.constant 0 : i32
      %dma_wait3A_216 = tpu.memref_slice %arg4[%add3A_181, %dma_wait3A_215] : memref<32768x128xf32, #tpu.memory_space<hbm>> -> memref<128x128xf32, #tpu.memory_space<hbm>>
      %dma_wait3A_217 = arith.constant 0 : i32
      %dma_wait3A_218 = tpu.memref_slice %arg4[%add3A_181, %dma_wait3A_217] : memref<32768x128xf32, #tpu.memory_space<hbm>> -> memref<128x128xf32, #tpu.memory_space<hbm>>
      %dma_wait3A_219 = arith.constant 0 : i32
      %dma_wait3A_220 = arith.constant 0 : i32
      %dma_wait3A_221 = tpu.memref_slice %arg6[%run_scoped3A_182, %dma_wait3A_219, %dma_wait3A_220] : memref<2x128x128xf32, #tpu.memory_space<vmem>> -> memref<1x128x128xf32, #tpu.memory_space<vmem>>
      %dma_wait3A_222 = tpu.memref_squeeze %dma_wait3A_221 : memref<1x128x128xf32, #tpu.memory_space<vmem>> -> memref<128x128xf32, #tpu.memory_space<vmem>>
      tpu.wait_dma2 semaphore(%run_scoped3A_198 : memref<!tpu.dma_semaphore, #tpu.memory_space<semaphore_mem>>) src(%dma_wait3A_222 : memref<128x128xf32, #tpu.memory_space<vmem>>) dst(%dma_wait3A_218 : memref<128x128xf32, #tpu.memory_space<hbm>>)
      tpu.yield
    }) : () -> ()
    %dma_wait3A_183 = arith.constant 1 : i32
    %dma_wait3A_184 = arith.constant 0 : i32
    %dma_wait3A_185 = arith.constant 0 : i32
    %dma_wait3A_186 = tpu.memref_slice %arg6[%dma_wait3A_183, %dma_wait3A_184, %dma_wait3A_185] : memref<2x128x128xf32, #tpu.memory_space<vmem>> -> memref<1x128x128xf32, #tpu.memory_space<vmem>>
    %dma_wait3A_187 = tpu.memref_squeeze %dma_wait3A_186 : memref<1x128x128xf32, #tpu.memory_space<vmem>> -> memref<128x128xf32, #tpu.memory_space<vmem>>
    %dma_wait3A_188 = arith.constant 896 : i32
    %dma_wait3A_189 = tpu.memref_slice %arg5[%dma_wait3A_188] : memref<1024xi32, #tpu.memory_space<vmem>> -> memref<128xi32, #tpu.memory_space<vmem>>
    %dma_wait3A_190 = arith.constant 0 : i32
    %dma_wait3A_191 = arith.constant 0 : i32
    %dma_wait3A_192 = tpu.memref_slice %arg2[%dma_wait3A_190, %dma_wait3A_191] : memref<10240x128xf32, #tpu.memory_space<hbm>> -> memref<10240x128xf32, #tpu.memory_space<hbm>>
    tpu.wait_indirect_dma semaphore(%arg8 : memref<!tpu.dma_semaphore, #tpu.memory_space<semaphore_mem>>) src(%dma_wait3A_192 : memref<10240x128xf32, #tpu.memory_space<hbm>>) dst(%dma_wait3A_187 : memref<128x128xf32, #tpu.memory_space<vmem>>)
    %mul3A_193 = arith.constant 1024 : i32
    %mul3A_194 = arith.muli %add3A, %mul3A_193 : i32
    %add3A_195 = arith.constant 896 : i32
    %add3A_196 = arith.addi %mul3A_194, %add3A_195 : i32
    %run_scoped3A_197 = arith.constant 1 : i32
    "tpu.region"() ({
      %run_scoped3A_198 = tpu.sem_alloc : memref<!tpu.dma_semaphore, #tpu.memory_space<semaphore_mem>>
      %dma_start3A_199 = arith.constant 0 : i32
      %dma_start3A_200 = arith.constant 0 : i32
      %dma_start3A_201 = tpu.memref_slice %arg6[%run_scoped3A_197, %dma_start3A_199, %dma_start3A_200] : memref<2x128x128xf32, #tpu.memory_space<vmem>> -> memref<1x128x128xf32, #tpu.memory_space<vmem>>
      %dma_start3A_202 = tpu.memref_squeeze %dma_start3A_201 : memref<1x128x128xf32, #tpu.memory_space<vmem>> -> memref<128x128xf32, #tpu.memory_space<vmem>>
      %dma_start3A_203 = arith.constant 0 : i32
      %dma_start3A_204 = tpu.memref_slice %arg4[%add3A_196, %dma_start3A_203] : memref<32768x128xf32, #tpu.memory_space<hbm>> -> memref<128x128xf32, #tpu.memory_space<hbm>>
      %dma_start3A_205 = arith.constant 0 : i32
      %dma_start3A_206 = tpu.memref_slice %arg4[%add3A_196, %dma_start3A_205] : memref<32768x128xf32, #tpu.memory_space<hbm>> -> memref<128x128xf32, #tpu.memory_space<hbm>>
      %dma_start3A_207 = arith.constant 0 : i32
      %dma_start3A_208 = arith.constant 0 : i32
      %dma_start3A_209 = tpu.memref_slice %arg6[%run_scoped3A_197, %dma_start3A_207, %dma_start3A_208] : memref<2x128x128xf32, #tpu.memory_space<vmem>> -> memref<1x128x128xf32, #tpu.memory_space<vmem>>
      %dma_start3A_210 = tpu.memref_squeeze %dma_start3A_209 : memref<1x128x128xf32, #tpu.memory_space<vmem>> -> memref<128x128xf32, #tpu.memory_space<vmem>>
      tpu.enqueue_dma source(%dma_start3A_210 : memref<128x128xf32, #tpu.memory_space<vmem>>) target(%dma_start3A_206 : memref<128x128xf32, #tpu.memory_space<hbm>>) target_semaphore(%run_scoped3A_198 : memref<!tpu.dma_semaphore, #tpu.memory_space<semaphore_mem>>)
      %dma_wait3A_211 = arith.constant 0 : i32
      %dma_wait3A_212 = arith.constant 0 : i32
      %dma_wait3A_213 = tpu.memref_slice %arg6[%run_scoped3A_197, %dma_wait3A_211, %dma_wait3A_212] : memref<2x128x128xf32, #tpu.memory_space<vmem>> -> memref<1x128x128xf32, #tpu.memory_space<vmem>>
      %dma_wait3A_214 = tpu.memref_squeeze %dma_wait3A_213 : memref<1x128x128xf32, #tpu.memory_space<vmem>> -> memref<128x128xf32, #tpu.memory_space<vmem>>
      %dma_wait3A_215 = arith.constant 0 : i32
      %dma_wait3A_216 = tpu.memref_slice %arg4[%add3A_196, %dma_wait3A_215] : memref<32768x128xf32, #tpu.memory_space<hbm>> -> memref<128x128xf32, #tpu.memory_space<hbm>>
      %dma_wait3A_217 = arith.constant 0 : i32
      %dma_wait3A_218 = tpu.memref_slice %arg4[%add3A_196, %dma_wait3A_217] : memref<32768x128xf32, #tpu.memory_space<hbm>> -> memref<128x128xf32, #tpu.memory_space<hbm>>
      %dma_wait3A_219 = arith.constant 0 : i32
      %dma_wait3A_220 = arith.constant 0 : i32
      %dma_wait3A_221 = tpu.memref_slice %arg6[%run_scoped3A_197, %dma_wait3A_219, %dma_wait3A_220] : memref<2x128x128xf32, #tpu.memory_space<vmem>> -> memref<1x128x128xf32, #tpu.memory_space<vmem>>
      %dma_wait3A_222 = tpu.memref_squeeze %dma_wait3A_221 : memref<1x128x128xf32, #tpu.memory_space<vmem>> -> memref<128x128xf32, #tpu.memory_space<vmem>>
      tpu.wait_dma2 semaphore(%run_scoped3A_198 : memref<!tpu.dma_semaphore, #tpu.memory_space<semaphore_mem>>) src(%dma_wait3A_222 : memref<128x128xf32, #tpu.memory_space<vmem>>) dst(%dma_wait3A_218 : memref<128x128xf32, #tpu.memory_space<hbm>>)
      tpu.yield
    }) : () -> ()
    return
  }
}

module attributes {stable_mosaic.version = 14 : i64} {
  func.func @body(%arg0: i32, %arg1: memref<2560x128xf32, #tpu.memory_space<vmem>>, %arg2: memref<2x2560x128xf32, #tpu.memory_space<vmem>>, %arg3: memref<2560x128xf32, #tpu.memory_space<vmem>>, %arg4: memref<2560x1xf32, #tpu.memory_space<vmem>>, %arg5: memref<2560x1xf32, #tpu.memory_space<vmem>>, %arg6: memref<128x128xf32, #tpu.memory_space<vmem>>, %arg7: memref<128x128xf32, #tpu.memory_space<vmem>>, %arg8: memref<1x128xf32, #tpu.memory_space<vmem>>, %arg9: memref<2560x128xf32, #tpu.memory_space<vmem>>, %arg10: memref<2560x128xf32, #tpu.memory_space<vmem>>) attributes {dimension_semantics = [#tpu.dimension_semantics<arbitrary>], iteration_bounds = array<i64: 4>, scalar_prefetch = 0 : i64, scratch_operands = 0 : i64, tpu.core_type = #tpu.core_type<tc>, window_params = [{transform_indices = @transform_0, window_bounds = array<i64: 2560, 128>}, {transform_indices = @transform_1, window_bounds = array<i64: 2, 2560, 128>}, {transform_indices = @transform_2, window_bounds = array<i64: 2560, 128>}, {transform_indices = @transform_3, window_bounds = array<i64: 2560, 1>}, {transform_indices = @transform_4, window_bounds = array<i64: 2560, 1>}, {pipeline_mode = #tpu.pipeline_mode<synchronous>, transform_indices = @transform_5, window_bounds = array<i64: 128, 128>}, {pipeline_mode = #tpu.pipeline_mode<synchronous>, transform_indices = @transform_6, window_bounds = array<i64: 128, 128>}, {pipeline_mode = #tpu.pipeline_mode<synchronous>, transform_indices = @transform_7, window_bounds = array<i64: 1, 128>}, {transform_indices = @transform_8, window_bounds = array<i64: 2560, 128>}, {transform_indices = @transform_9, window_bounds = array<i64: 2560, 128>}]} {
    %get3A = arith.constant 0 : index
    %get3A_0 = arith.constant 0 : index
    %get3A_1 = arith.constant 0 : index
    %get3A_2 = vector.load %arg2[%get3A, %get3A_0, %get3A_1] : memref<2x2560x128xf32, #tpu.memory_space<vmem>>, vector<1x2560x128xf32>
    %get3A_3 = vector.shape_cast %get3A_2 : vector<1x2560x128xf32> to vector<2560x128xf32>
    %get3A_4 = arith.constant 1 : index
    %get3A_5 = arith.constant 0 : index
    %get3A_6 = arith.constant 0 : index
    %get3A_7 = vector.load %arg2[%get3A_4, %get3A_5, %get3A_6] : memref<2x2560x128xf32, #tpu.memory_space<vmem>>, vector<1x2560x128xf32>
    %get3A_8 = vector.shape_cast %get3A_7 : vector<1x2560x128xf32> to vector<2560x128xf32>
    %add3A = arith.addf %get3A_3, %get3A_8 : vector<2560x128xf32>
    %get3A_9 = arith.constant 0 : index
    %get3A_10 = arith.constant 0 : index
    %get3A_11 = vector.load %arg3[%get3A_9, %get3A_10] : memref<2560x128xf32, #tpu.memory_space<vmem>>, vector<2560x128xf32>
    %add3A_12 = arith.addf %add3A, %get3A_11 : vector<2560x128xf32>
    %get3A_13 = arith.constant 0 : index
    %get3A_14 = arith.constant 0 : index
    %get3A_15 = vector.load %arg4[%get3A_13, %get3A_14] : memref<2560x1xf32, #tpu.memory_space<vmem>>, vector<2560x1xf32>
    %mul3A = vector.broadcast %get3A_15 : vector<2560x1xf32> to vector<2560x128xf32>
    %mul3A_16 = arith.mulf %add3A_12, %mul3A : vector<2560x128xf32>
    %get3A_17 = arith.constant 0 : index
    %get3A_18 = arith.constant 0 : index
    %get3A_19 = vector.load %arg1[%get3A_17, %get3A_18] : memref<2560x128xf32, #tpu.memory_space<vmem>>, vector<2560x128xf32>
    %get3A_20 = arith.constant 0 : index
    %get3A_21 = arith.constant 0 : index
    %get3A_22 = vector.load %arg6[%get3A_20, %get3A_21] : memref<128x128xf32, #tpu.memory_space<vmem>>, vector<128x128xf32>
    %dot_general3A = arith.constant dense<0.000000e+00> : vector<2560x128xf32>
    %dot_general3A_23 = tpu.matmul %get3A_19, %get3A_22, %dot_general3A {dimension_numbers = #tpu.dot_dimension_numbers<[1], [0], [0], [1], [0, 0, 1, 1], [], []>, transpose_lhs_hint = false} : vector<2560x128xf32>, vector<128x128xf32>, vector<2560x128xf32> -> vector<2560x128xf32>
    %get3A_24 = arith.constant 0 : index
    %get3A_25 = arith.constant 0 : index
    %get3A_26 = vector.load %arg7[%get3A_24, %get3A_25] : memref<128x128xf32, #tpu.memory_space<vmem>>, vector<128x128xf32>
    %dot_general3A_27 = arith.constant dense<0.000000e+00> : vector<2560x128xf32>
    %dot_general3A_28 = tpu.matmul %mul3A_16, %get3A_26, %dot_general3A_27 {dimension_numbers = #tpu.dot_dimension_numbers<[1], [0], [0], [1], [0, 0, 1, 1], [], []>, transpose_lhs_hint = false} : vector<2560x128xf32>, vector<128x128xf32>, vector<2560x128xf32> -> vector<2560x128xf32>
    %add3A_29 = arith.addf %dot_general3A_23, %dot_general3A_28 : vector<2560x128xf32>
    %get3A_30 = arith.constant 0 : index
    %get3A_31 = arith.constant 0 : index
    %get3A_32 = vector.load %arg8[%get3A_30, %get3A_31] : memref<1x128xf32, #tpu.memory_space<vmem>>, vector<1x128xf32>
    %add3A_33 = vector.broadcast %get3A_32 : vector<1x128xf32> to vector<2560x128xf32>
    %add3A_34 = arith.addf %add3A_29, %add3A_33 : vector<2560x128xf32>
    %max3A = arith.constant 0.000000e+00 : f32
    %max3A_35 = vector.broadcast %max3A : f32 to vector<2560x128xf32>
    %max3A_36 = arith.maximumf %add3A_34, %max3A_35 : vector<2560x128xf32>
    %swap3A = arith.constant 0 : index
    %swap3A_37 = arith.constant 0 : index
    %swap3A_38 = vector.load %arg9[%swap3A, %swap3A_37] : memref<2560x128xf32, #tpu.memory_space<vmem>>, vector<2560x128xf32>
    tpu.vector_store %arg9[%swap3A, %swap3A_37], %max3A_36 {strides = array<i32>} : memref<2560x128xf32, #tpu.memory_space<vmem>>, vector<2560x128xf32>,
    %get3A_39 = arith.constant 0 : index
    %get3A_40 = arith.constant 0 : index
    %get3A_41 = vector.load %arg5[%get3A_39, %get3A_40] : memref<2560x1xf32, #tpu.memory_space<vmem>>, vector<2560x1xf32>
    %mul3A_42 = vector.broadcast %get3A_41 : vector<2560x1xf32> to vector<2560x128xf32>
    %mul3A_43 = arith.mulf %max3A_36, %mul3A_42 : vector<2560x128xf32>
    %swap3A_44 = arith.constant 0 : index
    %swap3A_45 = arith.constant 0 : index
    %swap3A_46 = vector.load %arg10[%swap3A_44, %swap3A_45] : memref<2560x128xf32, #tpu.memory_space<vmem>>, vector<2560x128xf32>
    tpu.vector_store %arg10[%swap3A_44, %swap3A_45], %mul3A_43 {strides = array<i32>} : memref<2560x128xf32, #tpu.memory_space<vmem>>, vector<2560x128xf32>,
    return
  }
  func.func @transform_0(%arg0: i32) -> (i32, i32) {
    %c0_i32 = arith.constant 0 : i32
    %c0_i32_0 = arith.constant 0 : i32
    return %arg0, %c0_i32 : i32, i32
  }
  func.func @transform_1(%arg0: i32) -> (i32, i32, i32) {
    %c0_i32 = arith.constant 0 : i32
    %c0_i32_0 = arith.constant 0 : i32
    %c0_i32_1 = arith.constant 0 : i32
    return %c0_i32, %arg0, %c0_i32_0 : i32, i32, i32
  }
  func.func @transform_2(%arg0: i32) -> (i32, i32) {
    %c0_i32 = arith.constant 0 : i32
    %c0_i32_0 = arith.constant 0 : i32
    return %arg0, %c0_i32 : i32, i32
  }
  func.func @transform_3(%arg0: i32) -> (i32, i32) {
    %c0_i32 = arith.constant 0 : i32
    %c0_i32_0 = arith.constant 0 : i32
    return %arg0, %c0_i32 : i32, i32
  }
  func.func @transform_4(%arg0: i32) -> (i32, i32) {
    %c0_i32 = arith.constant 0 : i32
    %c0_i32_0 = arith.constant 0 : i32
    return %arg0, %c0_i32 : i32, i32
  }
  func.func @transform_5(%arg0: i32) -> (i32, i32) {
    %c0_i32 = arith.constant 0 : i32
    %c0_i32_0 = arith.constant 0 : i32
    %c0_i32_1 = arith.constant 0 : i32
    return %c0_i32, %c0_i32_0 : i32, i32
  }
  func.func @transform_6(%arg0: i32) -> (i32, i32) {
    %c0_i32 = arith.constant 0 : i32
    %c0_i32_0 = arith.constant 0 : i32
    %c0_i32_1 = arith.constant 0 : i32
    return %c0_i32, %c0_i32_0 : i32, i32
  }
  func.func @transform_7(%arg0: i32) -> (i32, i32) {
    %c0_i32 = arith.constant 0 : i32
    %c0_i32_0 = arith.constant 0 : i32
    %c0_i32_1 = arith.constant 0 : i32
    return %c0_i32, %c0_i32_0 : i32, i32
  }
  func.func @transform_8(%arg0: i32) -> (i32, i32) {
    %c0_i32 = arith.constant 0 : i32
    %c0_i32_0 = arith.constant 0 : i32
    return %arg0, %c0_i32 : i32, i32
  }
  func.func @transform_9(%arg0: i32) -> (i32, i32) {
    %c0_i32 = arith.constant 0 : i32
    %c0_i32_0 = arith.constant 0 : i32
    return %arg0, %c0_i32 : i32, i32
  }
}

module attributes {stable_mosaic.version = 14 : i64} {
  func.func @body(%arg0: i32, %arg1: memref<2x2x2560x1xf32, #tpu.memory_space<vmem>>, %arg2: memref<2560x128xf32, #tpu.memory_space<vmem>>, %arg3: memref<2560x1xf32, #tpu.memory_space<vmem>>, %arg4: memref<2560x1xf32, #tpu.memory_space<vmem>>, %arg5: memref<2560x128xf32, #tpu.memory_space<vmem>>) attributes {dimension_semantics = [#tpu.dimension_semantics<arbitrary>], iteration_bounds = array<i64: 4>, scalar_prefetch = 0 : i64, scratch_operands = 0 : i64, tpu.core_type = #tpu.core_type<tc>, window_params = [{transform_indices = @transform_0, window_bounds = array<i64: 2, 2, 2560, 1>}, {transform_indices = @transform_1, window_bounds = array<i64: 2560, 128>}, {transform_indices = @transform_2, window_bounds = array<i64: 2560, 1>}, {transform_indices = @transform_3, window_bounds = array<i64: 2560, 1>}, {transform_indices = @transform_4, window_bounds = array<i64: 2560, 128>}]} {
    %get3A = arith.constant 0 : index
    %get3A_0 = arith.constant 0 : index
    %get3A_1 = arith.constant 0 : index
    %get3A_2 = arith.constant 0 : index
    %get3A_3 = vector.load %arg1[%get3A, %get3A_0, %get3A_1, %get3A_2] : memref<2x2x2560x1xf32, #tpu.memory_space<vmem>>, vector<1x1x2560x1xf32>
    %get3A_4 = vector.shape_cast %get3A_3 : vector<1x1x2560x1xf32> to vector<2560x1xf32>
    %get3A_5 = arith.constant 1 : index
    %get3A_6 = arith.constant 0 : index
    %get3A_7 = arith.constant 0 : index
    %get3A_8 = arith.constant 0 : index
    %get3A_9 = vector.load %arg1[%get3A_5, %get3A_6, %get3A_7, %get3A_8] : memref<2x2x2560x1xf32, #tpu.memory_space<vmem>>, vector<1x1x2560x1xf32>
    %get3A_10 = vector.shape_cast %get3A_9 : vector<1x1x2560x1xf32> to vector<2560x1xf32>
    %add3A = arith.addf %get3A_4, %get3A_10 : vector<2560x1xf32>
    %add3A_11 = arith.constant 1.000000e+00 : f32
    %add3A_12 = vector.broadcast %add3A_11 : f32 to vector<2560x1xf32>
    %add3A_13 = arith.addf %add3A, %add3A_12 : vector<2560x1xf32>
    %get3A_14 = arith.constant 0 : index
    %get3A_15 = arith.constant 1 : index
    %get3A_16 = arith.constant 0 : index
    %get3A_17 = arith.constant 0 : index
    %get3A_18 = vector.load %arg1[%get3A_14, %get3A_15, %get3A_16, %get3A_17] : memref<2x2x2560x1xf32, #tpu.memory_space<vmem>>, vector<1x1x2560x1xf32>
    %get3A_19 = vector.shape_cast %get3A_18 : vector<1x1x2560x1xf32> to vector<2560x1xf32>
    %get3A_20 = arith.constant 1 : index
    %get3A_21 = arith.constant 1 : index
    %get3A_22 = arith.constant 0 : index
    %get3A_23 = arith.constant 0 : index
    %get3A_24 = vector.load %arg1[%get3A_20, %get3A_21, %get3A_22, %get3A_23] : memref<2x2x2560x1xf32, #tpu.memory_space<vmem>>, vector<1x1x2560x1xf32>
    %get3A_25 = vector.shape_cast %get3A_24 : vector<1x1x2560x1xf32> to vector<2560x1xf32>
    %add3A_26 = arith.addf %get3A_19, %get3A_25 : vector<2560x1xf32>
    %add3A_27 = arith.constant 1.000000e+00 : f32
    %add3A_28 = vector.broadcast %add3A_27 : f32 to vector<2560x1xf32>
    %add3A_29 = arith.addf %add3A_26, %add3A_28 : vector<2560x1xf32>
    %rsqrt3A = math.rsqrt %add3A_13 : vector<2560x1xf32>
    %swap3A = arith.constant 0 : index
    %swap3A_30 = arith.constant 0 : index
    %swap3A_31 = vector.load %arg3[%swap3A, %swap3A_30] : memref<2560x1xf32, #tpu.memory_space<vmem>>, vector<2560x1xf32>
    tpu.vector_store %arg3[%swap3A, %swap3A_30], %rsqrt3A {strides = array<i32>} : memref<2560x1xf32, #tpu.memory_space<vmem>>, vector<2560x1xf32>,
    %rsqrt3A_32 = math.rsqrt %add3A_29 : vector<2560x1xf32>
    %div3A = arith.divf %rsqrt3A_32, %add3A_29 : vector<2560x1xf32>
    %swap3A_33 = arith.constant 0 : index
    %swap3A_34 = arith.constant 0 : index
    %swap3A_35 = vector.load %arg4[%swap3A_33, %swap3A_34] : memref<2560x1xf32, #tpu.memory_space<vmem>>, vector<2560x1xf32>
    tpu.vector_store %arg4[%swap3A_33, %swap3A_34], %div3A {strides = array<i32>} : memref<2560x1xf32, #tpu.memory_space<vmem>>, vector<2560x1xf32>,
    %get3A_36 = arith.constant 0 : index
    %get3A_37 = arith.constant 0 : index
    %get3A_38 = vector.load %arg2[%get3A_36, %get3A_37] : memref<2560x128xf32, #tpu.memory_space<vmem>>, vector<2560x128xf32>
    %mul3A = vector.broadcast %rsqrt3A : vector<2560x1xf32> to vector<2560x128xf32>
    %mul3A_39 = arith.mulf %get3A_38, %mul3A : vector<2560x128xf32>
    %swap3A_40 = arith.constant 0 : index
    %swap3A_41 = arith.constant 0 : index
    %swap3A_42 = vector.load %arg5[%swap3A_40, %swap3A_41] : memref<2560x128xf32, #tpu.memory_space<vmem>>, vector<2560x128xf32>
    tpu.vector_store %arg5[%swap3A_40, %swap3A_41], %mul3A_39 {strides = array<i32>} : memref<2560x128xf32, #tpu.memory_space<vmem>>, vector<2560x128xf32>,
    return
  }
  func.func @transform_0(%arg0: i32) -> (i32, i32, i32, i32) {
    %c0_i32 = arith.constant 0 : i32
    %c0_i32_0 = arith.constant 0 : i32
    %c0_i32_1 = arith.constant 0 : i32
    %c0_i32_2 = arith.constant 0 : i32
    return %c0_i32, %c0_i32_0, %arg0, %c0_i32_1 : i32, i32, i32, i32
  }
  func.func @transform_1(%arg0: i32) -> (i32, i32) {
    %c0_i32 = arith.constant 0 : i32
    %c0_i32_0 = arith.constant 0 : i32
    return %arg0, %c0_i32 : i32, i32
  }
  func.func @transform_2(%arg0: i32) -> (i32, i32) {
    %c0_i32 = arith.constant 0 : i32
    %c0_i32_0 = arith.constant 0 : i32
    return %arg0, %c0_i32 : i32, i32
  }
  func.func @transform_3(%arg0: i32) -> (i32, i32) {
    %c0_i32 = arith.constant 0 : i32
    %c0_i32_0 = arith.constant 0 : i32
    return %arg0, %c0_i32 : i32, i32
  }
  func.func @transform_4(%arg0: i32) -> (i32, i32) {
    %c0_i32 = arith.constant 0 : i32
    %c0_i32_0 = arith.constant 0 : i32
    return %arg0, %c0_i32 : i32, i32
  }
}

module attributes {stable_mosaic.version = 14 : i64} {
  func.func @body(%arg0: i32, %arg1: memref<2560x128xf32, #tpu.memory_space<vmem>>, %arg2: memref<2x2560x128xf32, #tpu.memory_space<vmem>>, %arg3: memref<2560x128xf32, #tpu.memory_space<vmem>>, %arg4: memref<2560x1xf32, #tpu.memory_space<vmem>>, %arg5: memref<128x128xf32, #tpu.memory_space<vmem>>, %arg6: memref<128x128xf32, #tpu.memory_space<vmem>>, %arg7: memref<1x128xf32, #tpu.memory_space<vmem>>, %arg8: memref<2560x128xf32, #tpu.memory_space<vmem>>) attributes {dimension_semantics = [#tpu.dimension_semantics<arbitrary>], iteration_bounds = array<i64: 4>, scalar_prefetch = 0 : i64, scratch_operands = 0 : i64, tpu.core_type = #tpu.core_type<tc>, window_params = [{transform_indices = @transform_0, window_bounds = array<i64: 2560, 128>}, {transform_indices = @transform_1, window_bounds = array<i64: 2, 2560, 128>}, {transform_indices = @transform_2, window_bounds = array<i64: 2560, 128>}, {transform_indices = @transform_3, window_bounds = array<i64: 2560, 1>}, {pipeline_mode = #tpu.pipeline_mode<synchronous>, transform_indices = @transform_4, window_bounds = array<i64: 128, 128>}, {pipeline_mode = #tpu.pipeline_mode<synchronous>, transform_indices = @transform_5, window_bounds = array<i64: 128, 128>}, {pipeline_mode = #tpu.pipeline_mode<synchronous>, transform_indices = @transform_6, window_bounds = array<i64: 1, 128>}, {transform_indices = @transform_7, window_bounds = array<i64: 2560, 128>}]} {
    %get3A = arith.constant 0 : index
    %get3A_0 = arith.constant 0 : index
    %get3A_1 = arith.constant 0 : index
    %get3A_2 = vector.load %arg2[%get3A, %get3A_0, %get3A_1] : memref<2x2560x128xf32, #tpu.memory_space<vmem>>, vector<1x2560x128xf32>
    %get3A_3 = vector.shape_cast %get3A_2 : vector<1x2560x128xf32> to vector<2560x128xf32>
    %get3A_4 = arith.constant 1 : index
    %get3A_5 = arith.constant 0 : index
    %get3A_6 = arith.constant 0 : index
    %get3A_7 = vector.load %arg2[%get3A_4, %get3A_5, %get3A_6] : memref<2x2560x128xf32, #tpu.memory_space<vmem>>, vector<1x2560x128xf32>
    %get3A_8 = vector.shape_cast %get3A_7 : vector<1x2560x128xf32> to vector<2560x128xf32>
    %add3A = arith.addf %get3A_3, %get3A_8 : vector<2560x128xf32>
    %get3A_9 = arith.constant 0 : index
    %get3A_10 = arith.constant 0 : index
    %get3A_11 = vector.load %arg3[%get3A_9, %get3A_10] : memref<2560x128xf32, #tpu.memory_space<vmem>>, vector<2560x128xf32>
    %add3A_12 = arith.addf %add3A, %get3A_11 : vector<2560x128xf32>
    %get3A_13 = arith.constant 0 : index
    %get3A_14 = arith.constant 0 : index
    %get3A_15 = vector.load %arg4[%get3A_13, %get3A_14] : memref<2560x1xf32, #tpu.memory_space<vmem>>, vector<2560x1xf32>
    %mul3A = vector.broadcast %get3A_15 : vector<2560x1xf32> to vector<2560x128xf32>
    %mul3A_16 = arith.mulf %add3A_12, %mul3A : vector<2560x128xf32>
    %get3A_17 = arith.constant 0 : index
    %get3A_18 = arith.constant 0 : index
    %get3A_19 = vector.load %arg1[%get3A_17, %get3A_18] : memref<2560x128xf32, #tpu.memory_space<vmem>>, vector<2560x128xf32>
    %get3A_20 = arith.constant 0 : index
    %get3A_21 = arith.constant 0 : index
    %get3A_22 = vector.load %arg5[%get3A_20, %get3A_21] : memref<128x128xf32, #tpu.memory_space<vmem>>, vector<128x128xf32>
    %dot_general3A = arith.constant dense<0.000000e+00> : vector<2560x128xf32>
    %dot_general3A_23 = tpu.matmul %get3A_19, %get3A_22, %dot_general3A {dimension_numbers = #tpu.dot_dimension_numbers<[1], [0], [0], [1], [0, 0, 1, 1], [], []>, transpose_lhs_hint = false} : vector<2560x128xf32>, vector<128x128xf32>, vector<2560x128xf32> -> vector<2560x128xf32>
    %get3A_24 = arith.constant 0 : index
    %get3A_25 = arith.constant 0 : index
    %get3A_26 = vector.load %arg6[%get3A_24, %get3A_25] : memref<128x128xf32, #tpu.memory_space<vmem>>, vector<128x128xf32>
    %dot_general3A_27 = arith.constant dense<0.000000e+00> : vector<2560x128xf32>
    %dot_general3A_28 = tpu.matmul %mul3A_16, %get3A_26, %dot_general3A_27 {dimension_numbers = #tpu.dot_dimension_numbers<[1], [0], [0], [1], [0, 0, 1, 1], [], []>, transpose_lhs_hint = false} : vector<2560x128xf32>, vector<128x128xf32>, vector<2560x128xf32> -> vector<2560x128xf32>
    %add3A_29 = arith.addf %dot_general3A_23, %dot_general3A_28 : vector<2560x128xf32>
    %get3A_30 = arith.constant 0 : index
    %get3A_31 = arith.constant 0 : index
    %get3A_32 = vector.load %arg7[%get3A_30, %get3A_31] : memref<1x128xf32, #tpu.memory_space<vmem>>, vector<1x128xf32>
    %add3A_33 = vector.broadcast %get3A_32 : vector<1x128xf32> to vector<2560x128xf32>
    %add3A_34 = arith.addf %add3A_29, %add3A_33 : vector<2560x128xf32>
    %swap3A = arith.constant 0 : index
    %swap3A_35 = arith.constant 0 : index
    %swap3A_36 = vector.load %arg8[%swap3A, %swap3A_35] : memref<2560x128xf32, #tpu.memory_space<vmem>>, vector<2560x128xf32>
    tpu.vector_store %arg8[%swap3A, %swap3A_35], %add3A_34 {strides = array<i32>} : memref<2560x128xf32, #tpu.memory_space<vmem>>, vector<2560x128xf32>,
    return
  }
  func.func @transform_0(%arg0: i32) -> (i32, i32) {
    %c0_i32 = arith.constant 0 : i32
    %c0_i32_0 = arith.constant 0 : i32
    return %arg0, %c0_i32 : i32, i32
  }
  func.func @transform_1(%arg0: i32) -> (i32, i32, i32) {
    %c0_i32 = arith.constant 0 : i32
    %c0_i32_0 = arith.constant 0 : i32
    %c0_i32_1 = arith.constant 0 : i32
    return %c0_i32, %arg0, %c0_i32_0 : i32, i32, i32
  }
  func.func @transform_2(%arg0: i32) -> (i32, i32) {
    %c0_i32 = arith.constant 0 : i32
    %c0_i32_0 = arith.constant 0 : i32
    return %arg0, %c0_i32 : i32, i32
  }
  func.func @transform_3(%arg0: i32) -> (i32, i32) {
    %c0_i32 = arith.constant 0 : i32
    %c0_i32_0 = arith.constant 0 : i32
    return %arg0, %c0_i32 : i32, i32
  }
  func.func @transform_4(%arg0: i32) -> (i32, i32) {
    %c0_i32 = arith.constant 0 : i32
    %c0_i32_0 = arith.constant 0 : i32
    %c0_i32_1 = arith.constant 0 : i32
    return %c0_i32, %c0_i32_0 : i32, i32
  }
  func.func @transform_5(%arg0: i32) -> (i32, i32) {
    %c0_i32 = arith.constant 0 : i32
    %c0_i32_0 = arith.constant 0 : i32
    %c0_i32_1 = arith.constant 0 : i32
    return %c0_i32, %c0_i32_0 : i32, i32
  }
  func.func @transform_6(%arg0: i32) -> (i32, i32) {
    %c0_i32 = arith.constant 0 : i32
    %c0_i32_0 = arith.constant 0 : i32
    %c0_i32_1 = arith.constant 0 : i32
    return %c0_i32, %c0_i32_0 : i32, i32
  }
  func.func @transform_7(%arg0: i32) -> (i32, i32) {
    %c0_i32 = arith.constant 0 : i32
    %c0_i32_0 = arith.constant 0 : i32
    return %arg0, %c0_i32 : i32, i32
  }
}

module attributes {stable_mosaic.version = 14 : i64} {
  func.func @body(%arg0: i32, %arg1: memref<2048x128xf32, #tpu.memory_space<vmem>>, %arg2: memref<2048x128xf32, #tpu.memory_space<vmem>>, %arg3: memref<128x128xf32, #tpu.memory_space<vmem>>, %arg4: memref<1x128xf32, #tpu.memory_space<vmem>>, %arg5: memref<128x1xf32, #tpu.memory_space<vmem>>, %arg6: memref<1x1xf32, #tpu.memory_space<vmem>>, %arg7: memref<2048x1xf32, #tpu.memory_space<vmem>>) attributes {dimension_semantics = [#tpu.dimension_semantics<arbitrary>], iteration_bounds = array<i64: 8>, scalar_prefetch = 0 : i64, scratch_operands = 0 : i64, tpu.core_type = #tpu.core_type<tc>, window_params = [{transform_indices = @transform_0, window_bounds = array<i64: 2048, 128>}, {transform_indices = @transform_1, window_bounds = array<i64: 2048, 128>}, {pipeline_mode = #tpu.pipeline_mode<synchronous>, transform_indices = @transform_2, window_bounds = array<i64: 128, 128>}, {pipeline_mode = #tpu.pipeline_mode<synchronous>, transform_indices = @transform_3, window_bounds = array<i64: 1, 128>}, {pipeline_mode = #tpu.pipeline_mode<synchronous>, transform_indices = @transform_4, window_bounds = array<i64: 128, 1>}, {pipeline_mode = #tpu.pipeline_mode<synchronous>, transform_indices = @transform_5, window_bounds = array<i64: 1, 1>}, {transform_indices = @transform_6, window_bounds = array<i64: 2048, 1>}]} {
    %get3A = arith.constant 0 : index
    %get3A_0 = arith.constant 0 : index
    %get3A_1 = vector.load %arg1[%get3A, %get3A_0] : memref<2048x128xf32, #tpu.memory_space<vmem>>, vector<2048x128xf32>
    %get3A_2 = arith.constant 0 : index
    %get3A_3 = arith.constant 0 : index
    %get3A_4 = vector.load %arg2[%get3A_2, %get3A_3] : memref<2048x128xf32, #tpu.memory_space<vmem>>, vector<2048x128xf32>
    %mul3A = arith.mulf %get3A_1, %get3A_4 : vector<2048x128xf32>
    %get3A_5 = arith.constant 0 : index
    %get3A_6 = arith.constant 0 : index
    %get3A_7 = vector.load %arg3[%get3A_5, %get3A_6] : memref<128x128xf32, #tpu.memory_space<vmem>>, vector<128x128xf32>
    %dot_general3A = arith.constant dense<0.000000e+00> : vector<2048x128xf32>
    %dot_general3A_8 = tpu.matmul %mul3A, %get3A_7, %dot_general3A {dimension_numbers = #tpu.dot_dimension_numbers<[1], [0], [0], [1], [0, 0, 1, 1], [], []>, transpose_lhs_hint = false} : vector<2048x128xf32>, vector<128x128xf32>, vector<2048x128xf32> -> vector<2048x128xf32>
    %get3A_9 = arith.constant 0 : index
    %get3A_10 = arith.constant 0 : index
    %get3A_11 = vector.load %arg4[%get3A_9, %get3A_10] : memref<1x128xf32, #tpu.memory_space<vmem>>, vector<1x128xf32>
    %add3A = vector.broadcast %get3A_11 : vector<1x128xf32> to vector<2048x128xf32>
    %add3A_12 = arith.addf %dot_general3A_8, %add3A : vector<2048x128xf32>
    %max3A = arith.constant 0.000000e+00 : f32
    %max3A_13 = vector.broadcast %max3A : f32 to vector<2048x128xf32>
    %max3A_14 = arith.maximumf %add3A_12, %max3A_13 : vector<2048x128xf32>
    %get3A_15 = arith.constant 0 : index
    %get3A_16 = arith.constant 0 : index
    %get3A_17 = vector.load %arg5[%get3A_15, %get3A_16] : memref<128x1xf32, #tpu.memory_space<vmem>>, vector<128x1xf32>
    %dot_general3A_18 = arith.constant dense<0.000000e+00> : vector<2048x1xf32>
    %dot_general3A_19 = tpu.matmul %max3A_14, %get3A_17, %dot_general3A_18 {dimension_numbers = #tpu.dot_dimension_numbers<[1], [0], [0], [1], [0, 0, 1, 1], [], []>, transpose_lhs_hint = false} : vector<2048x128xf32>, vector<128x1xf32>, vector<2048x1xf32> -> vector<2048x1xf32>
    %get3A_20 = arith.constant 0 : index
    %get3A_21 = arith.constant 0 : index
    %get3A_22 = vector.load %arg6[%get3A_20, %get3A_21] : memref<1x1xf32, #tpu.memory_space<vmem>>, vector<1x1xf32>
    %add3A_23 = vector.broadcast %get3A_22 : vector<1x1xf32> to vector<2048x1xf32>
    %add3A_24 = arith.addf %dot_general3A_19, %add3A_23 : vector<2048x1xf32>
    %swap3A = arith.constant 0 : index
    %swap3A_25 = arith.constant 0 : index
    %swap3A_26 = vector.load %arg7[%swap3A, %swap3A_25] : memref<2048x1xf32, #tpu.memory_space<vmem>>, vector<2048x1xf32>
    tpu.vector_store %arg7[%swap3A, %swap3A_25], %add3A_24 {strides = array<i32>} : memref<2048x1xf32, #tpu.memory_space<vmem>>, vector<2048x1xf32>,
    return
  }
  func.func @transform_0(%arg0: i32) -> (i32, i32) {
    %c0_i32 = arith.constant 0 : i32
    %c0_i32_0 = arith.constant 0 : i32
    return %arg0, %c0_i32 : i32, i32
  }
  func.func @transform_1(%arg0: i32) -> (i32, i32) {
    %add3A = arith.constant 8 : i32
    %add3A_0 = arith.addi %arg0, %add3A : i32
    %c0_i32 = arith.constant 0 : i32
    %c0_i32_1 = arith.constant 0 : i32
    return %add3A_0, %c0_i32 : i32, i32
  }
  func.func @transform_2(%arg0: i32) -> (i32, i32) {
    %c0_i32 = arith.constant 0 : i32
    %c0_i32_0 = arith.constant 0 : i32
    %c0_i32_1 = arith.constant 0 : i32
    return %c0_i32, %c0_i32_0 : i32, i32
  }
  func.func @transform_3(%arg0: i32) -> (i32, i32) {
    %c0_i32 = arith.constant 0 : i32
    %c0_i32_0 = arith.constant 0 : i32
    %c0_i32_1 = arith.constant 0 : i32
    return %c0_i32, %c0_i32_0 : i32, i32
  }
  func.func @transform_4(%arg0: i32) -> (i32, i32) {
    %c0_i32 = arith.constant 0 : i32
    %c0_i32_0 = arith.constant 0 : i32
    %c0_i32_1 = arith.constant 0 : i32
    return %c0_i32, %c0_i32_0 : i32, i32
  }
  func.func @transform_5(%arg0: i32) -> (i32, i32) {
    %c0_i32 = arith.constant 0 : i32
    %c0_i32_0 = arith.constant 0 : i32
    %c0_i32_1 = arith.constant 0 : i32
    return %c0_i32, %c0_i32_0 : i32, i32
  }
  func.func @transform_6(%arg0: i32) -> (i32, i32) {
    %c0_i32 = arith.constant 0 : i32
    %c0_i32_0 = arith.constant 0 : i32
    return %arg0, %c0_i32 : i32, i32
  }
}

</mosaic_0001>

<sc_bundles>
// kernel: kernel.10.cloned.1.call-start
scs
__scs_entry_jumppad:
0x0: {  	(pc) =	sbr.rel $0x88, $3  }
0x1: {  	(tag) =	ssettag $0x0;
	lr =	simm.s32 $0x1  }
0x2: {  	[smem:$0x3F94] =	sst lr;
	_ =	strace $0xD0000000  }
0x3: {  	_ = 	snop  }
0x4: {  	_ = 	snop  }
0x5: {  	_ = 	snop  }
0x6: {  	_ = 	snop  }
0x7: {  	_ = 	snop  }
__scs_overlays_trampoline_lowered:
0x8: {  	[smem:$0x3FA3] =	sst s0  }
0x9: {  	[smem:$0x3FA4] =	sst s1  }
0xa: {  	[smem:$0x3FA5] =	sst s2  }
0xb: {  	[smem:$0x3FA6] =	sst s3  }
0xc: {  	[smem:$0x3FA7] =	sst s4  }
0xd: {  	[smem:$0x3FA8] =	sst s5  }
0xe: {  	[smem:$0x3FA9] =	sst s6  }
0xf: {  	[smem:$0x3FAA] =	sst s7  }
0x10: {  	[smem:$0x3FAB] =	sst s8  }
0x11: {  	[smem:$0x3FAC] =	sst s9;
	s0 =	simm.s32 @!p0 $0x0  }
0x12: {  	s1 =	sld [smem:$0x3F92];
	s0 =	simm.s32 @p0 $0x1  }
0x13: {  	[smem:$0x3FAD] =	sst s0;
	s0 =	simm.s32 @!p1 $0x0  }
0x14: {  	s2 =	sld [smem:$0x3F91];
	s0 =	simm.s32 @p1 $0x1  }
0x15: {  	[smem:$0x3FAE] =	sst s0;
	s0 =	simm.s32 @!p2 $0x0  }
0x16: {  	s3 =	sld [smem:$0x3FDB];
	s0 =	simm.s32 @p2 $0x1  }
0x17: {  	s4 =	simm.s32 $0x1BF5;
	[smem:$0x3FB0] =	sst s0  }
0x18: {  	s0 =	sld [smem:$0x3F93];
	_ =	swait.ge [sflag:s4], $0x0  }
0x19: {  	s7 =	sld [smem:$0x3F94]  }
0x1a: {  	s8 =	sadd.s32 $0xFFFFE003, lr  }
0x1b: {  	s9 =	sadd.s32 $0xFFFFFEF7, lr;
	s5 =	simm.s32 $0xFFFFFFFF;
	p2 =	slt.u32 s8, $0xFFFFF086  }
0x1c: {  	p1 =	slt.u32 s9, $0xF7A;
	s5 =	simm.s32 @!p2 $0x0  }
0x1d: {  	s5 =	simm.s32 @p1 $0x1;
	p0 =	seq.s32 s7, s2  }
0x1e: {  	s7 =	smul.u32 @!p0 $0xF7A, s2;
	p2 =	seq.s32 @!p0 s5, $0x0  }
0x1f: {  	s9 =	smul.u32 $0xF7A, s1;
	s8 =	simm.s32 @!p0 $0x1BF5;
	p2 =	por !p2, p0  }
0x20: {  	[sflag:s8] =	ssyncset.s32 @!p0 $0xFFFFF086;
	s6 =	sadd.s32 @!p0 s3, s7;
	s7 =	simm.s32 @!p0 $0x108  }
0x21: {  	s3 =	sadd.s32 s3, s9;
	s6 =	sadd.s32 @!p0 $0x88, s6;
	s7 =	simm.s32 @p2 $0x1082  }
0x22: {  	[simem:s7], [sflag:s8] =	dma.local @!p0 [hbm:s6], $0xF7A  }
0x23: {  	s9 =	sor.u32 $0xD0000000, s2;
	s6 =	simm.s32 $0x108;
	_ =	swait.ge @!p0 [sflag:s8], $0x0  }
0x24: {  	s3 =	sadd.s32 $0x88, s3;
	s6 =	simm.s32 @!p1 $0x1082;
	[sflag:s4] =	ssyncset.s32 $0xFFFFF086  }
0x25: {  	[simem:s6], [sflag:s4] =	dma.local [hbm:s3], $0xF7A  }
0x26: {  	[smem:$0x3F94] =	sst s1;
	(tag) =	ssettag s2;
	_ =	strace s9  }
0x27: {  	s1 =	sld [smem:$0x3FA4]  }
0x28: {  	s2 =	sld [smem:$0x3FA5]  }
0x29: {  	s4 =	sld [smem:$0x3FA7]  }
0x2a: {  	p0 =	seq.s32 s5, $0x0;
	s5 =	sld [smem:$0x3FA8]  }
0x2b: {  	s6 =	sld [smem:$0x3FA9]  }
0x2c: {  	s7 =	sld [smem:$0x3FAA]  }
0x2d: {  	s3 =	simm.s32 $0x108;
	s8 =	sld [smem:$0x3FAB]  }
0x2e: {  	s3 =	simm.s32 @!p0 $0x1082;
	s9 =	sld [smem:$0x3FAC]  }
0x2f: {  	lr =	sadd.s32 s0, s3;
	s0 =	sld [smem:$0x3FA3]  }
0x30: {  	s3 =	sld [smem:$0x3FA6]  }
0x31: {  	[smem:$0x3FAF] =	sst s10  }
0x32: {  	s10 =	sld [smem:$0x3FAD];
	_ =	sdelay $0x3  }
0x33: {  	p0 =	seq.s32 s10, $0x1;
	s10 =	sld [smem:$0x3FAF];
	_ =	sdelay $0x3  }
0x34: {  	[smem:$0x3FAF] =	sst s10  }
0x35: {  	s10 =	sld [smem:$0x3FAE];
	_ =	sdelay $0x3  }
0x36: {  	p1 =	seq.s32 s10, $0x1;
	s10 =	sld [smem:$0x3FAF];
	_ =	sdelay $0x3  }
0x37: {  	[smem:$0x3FAF] =	sst s10  }
0x38: {  	s10 =	sld [smem:$0x3FB0]  }
0x39: {  	_ = 	snop;
	(pc) =	sbr.ind lr, $3  }
0x3a: {  	_ = 	snop  }
0x3b: {  	_ = 	snop  }
0x3c: {  	p2 =	seq.s32 s10, $0x1;
	s10 =	sld [smem:$0x3FAF]  }
0x3d: {  	_ =	shalt  }
0x3e: {  	_ =	shalt  }
0x3f: {  	_ =	shalt  }
0x40: {  	_ =	shalt  }
0x41: {  	_ =	shalt  }
0x42: {  	_ =	shalt  }
0x43: {  	_ =	shalt  }
0x44: {  	_ =	shalt  }
0x45: {  	_ =	shalt  }
0x46: {  	_ =	shalt  }
0x47: {  	_ =	shalt  }
0x48: {  	_ =	shalt  }
0x49: {  	_ =	shalt  }
0x4a: {  	_ =	shalt  }
0x4b: {  	_ =	shalt  }
0x4c: {  	_ =	shalt  }
0x4d: {  	_ =	shalt  }
0x4e: {  	_ =	shalt  }
0x4f: {  	_ =	shalt  }
0x50: {  	_ =	shalt  }
0x51: {  	_ =	shalt  }
0x52: {  	_ =	shalt  }
0x53: {  	_ =	shalt  }
0x54: {  	_ =	shalt  }
0x55: {  	_ =	shalt  }
0x56: {  	_ =	shalt  }
0x57: {  	_ =	shalt  }
0x58: {  	_ =	shalt  }
0x59: {  	_ =	shalt  }
0x5a: {  	_ =	shalt  }
0x5b: {  	_ =	shalt  }
0x5c: {  	_ =	shalt  }
0x5d: {  	_ =	shalt  }
0x5e: {  	_ =	shalt  }
0x5f: {  	_ =	shalt  }
0x60: {  	_ =	shalt  }
0x61: {  	_ =	shalt  }
0x62: {  	_ =	shalt  }
0x63: {  	_ =	shalt  }
0x64: {  	_ =	shalt  }
0x65: {  	_ =	shalt  }
0x66: {  	_ =	shalt  }
0x67: {  	_ =	shalt  }
0x68: {  	_ =	shalt  }
0x69: {  	_ =	shalt  }
0x6a: {  	_ =	shalt  }
0x6b: {  	_ =	shalt  }
0x6c: {  	_ =	shalt  }
0x6d: {  	_ =	shalt  }
0x6e: {  	_ =	shalt  }
0x6f: {  	_ =	shalt  }
0x70: {  	_ =	shalt  }
0x71: {  	_ =	shalt  }
0x72: {  	_ =	shalt  }
0x73: {  	_ =	shalt  }
0x74: {  	_ =	shalt  }
0x75: {  	_ =	shalt  }
0x76: {  	_ =	shalt  }
0x77: {  	_ =	shalt  }
0x78: {  	_ =	shalt  }
0x79: {  	_ =	shalt  }
0x7a: {  	_ =	shalt  }
0x7b: {  	_ =	shalt  }
0x7c: {  	_ =	shalt  }
0x7d: {  	_ =	shalt  }
0x7e: {  	_ =	shalt  }
0x7f: {  	_ =	shalt  }
0x80: {  	_ =	shalt  }
0x81: {  	_ =	shalt  }
0x82: {  	_ =	shalt  }
0x83: {  	_ =	shalt  }
0x84: {  	_ =	shalt  }
0x85: {  	_ =	shalt  }
0x86: {  	_ =	shalt  }
0x87: {  	_ =	shalt  }
.Lfunc_end0:
.L_simem_size_0:
called_computation_lowered:
.L_overlay_start_0:
0x88: {  	s2 =	sld [smem:$0x3FD9]  }
0x89: {  	s3 =	sld [smem:$0x3FFE];
	_ =	sdelay $0x1  }
0x8a: {  	s1 =	srdreg.scid  }
0x8b: {  	s0 =	sand.u32 $0x1, s1  }
0x8c: {  	s17 =	sshll.u32 s0, $0xA;
	s2 =	sadd.s32 s3, s2  }
0x8d: {  	s2 =	sadd.s32 s2, s17  }
0x8e: {  	[smem:$0x3FBB] =	sst s2  }
0x8f: {  	_ = 	snop  }
0x90: {  	s2 =	sld [smem:$0x3FC9]  }
0x91: {  	s18 =	sld [smem:$0x3FC8];
	(tm) =	ssettm $0x1  }
0x92: {  	s4 =	sld [smem:$0x3FFB];
	_ =	sdelay $0x3  }
0x93: {  	_ =	strace s4  }
0x94: {  	s4 =	sld [smem:$0x3FFC];
	_ =	sdelay $0x3  }
0x95: {  	_ =	strace s4  }
0x96: {  	s4 =	sld [smem:$0x3FFD];
	_ =	sdelay $0x3  }
0x97: {  	_ =	strace s4  }
0x98: {  	_ =	strace $0x8FFFFFFF  }
0x99: {  	s19 =	sld [smem:$0x3FDB];
	_ =	sdelay $0x1  }
0x9a: {  	s5 =	simm.s32 $_scs_section_size  }
0x9b: {  	s6 =	simm.s32 $_size__tile_overlayer_lowered;
	s7 =	simm.s32 $_tile_overlayer_lowered  }
0x9c: {  	s22 =	simm.s32 $0x1BFF;
	s21 =	sshll.u32 s7, $0x1;
	s4 =	sadd.s32 s5, s19  }
0x9d: {  	s8 =	simm.s32 $0x0;
	s20 =	sshll.u32 s6, $0x1;
	s6 =	sadd.s32 s21, s4  }
0x9e: {  	[timem:s8], [sflag:s22] =	dma.local [hbm:s6], s20  }
0x9f: {  	_ =	swait.ge [sflag:s22], s20  }
0xa0: {  	s5 =	ssub.s32 $0x0, s20;
	[sflag:s22] =	ssyncset.done $0x0  }
0xa1: {  	[sflag:s22] =	ssyncadd.s32 s5;
	_ =	sdelay $0x1  }
0xa2: {  	s23 =	simm.s32 $0x1B8B  }
0xa3: {  	_ =	swait.ge [sflag:s23], $0x1  }
0xa4: {  	[sflag:s23] =	ssyncset.done $0x0  }
0xa5: {  	s25 =	simm.s32 $0x1B8E;
	s24 =	sld [smem:$0x3FFE];
	[sflag:s23] =	ssyncadd.s32 $0xFFFFFFFF  }
0xa6: {  	s26 =	simm.s32 $execute0_lowered;
	[smem:$0x3FD2] =	sst s25  }
0xa7: {  	s6 =	sshll.u32 s26, $0x1;
	_ =	strace $0x80000046;
	[dreg:$0x1] =	wrdreg $0xFFFFFFFF  }
0xa8: {  	s28 =	simm.s32 $_size_execute0_lowered;
	s4 =	sadd.s32 s4, s6;
	[dreg:$0x0] =	wrdreg $0x0  }
0xa9: {  	s6 =	sshll.u32 s28, $0x1;
	[dreg:$0x2] =	wrdreg s4  }
0xaa: {  	[dreg:$0x3] =	wrdreg s6  }
0xab: {  	[dreg:$0x4] =	wrdreg $0xC0  }
0xac: {  	_ =	task [dreg:s8], $0x5FFFF  }
0xad: {  	[dreg:$0x1] =	wrdreg $0xFFFFFFFF  }
0xae: {  	[dreg:$0x0] =	wrdreg $0x60  }
0xaf: {  	[dreg:$0x2] =	wrdreg s2  }
0xb0: {  	[dreg:$0x3] =	wrdreg s18  }
0xb1: {  	[dreg:$0x4] =	wrdreg s24  }
0xb2: {  	[dreg:$0x5] =	wrdreg $0xF2700  }
0xb3: {  	[dreg:$0x6] =	wrdreg $0xF4F00  }
0xb4: {  	[dreg:$0x7] =	wrdreg $0x9  }
0xb5: {  	_ =	task.clear_ibuf [dreg:s8], $0x8FFFF;
	_ =	strace $0x90000046  }
0xb6: {  	s29 =	simm.s32 $0x9;
	_ =	strace $0x80000048  }
0xb7: {  	_ =	swait.ge [sflag:s29], $0x1  }
0xb8: {  	[sflag:s29] =	ssyncadd.s32 $0xFFFFFFFF  }
0xb9: {  	_ =	strace $0x90000048  }
0xba: {  	_ =	sfence  }
0xbb: {  	s30 =	sld [smem:$0x0];
	_ =	sdelay $0x2  }
0xbc: {  	s31 =	sshll.u32 s1, $0xD;
	s1 =	sshrl.u32 s1, $0x2  }
0xbd: {  	s3 =	sand.u32 $0x4000, s31;
	s1 =	sadd.s32 s1, s30  }
0xbe: {  	s0 =	sor.u32 s3, s0;
	s1 =	sshll.u32 s1, $0x11  }
0xbf: {  	s0 =	sor.u32 s1, s0  }
0xc0: {  	s0 =	sadd.s32 $0x8F2B, s0  }
0xc1: {  	[sflag:s0] =	ssyncadd.remote.s32 $0x1  }
0xc2: {  	_ =	sfence.sel $0xFFFF  }
0xc3: {  	[dreg:$0x0] =	wrdreg $0xFFFFFFFF;
	(pc) =	sbr.abs _section_cstart, $3  }
0xc4: {  	[dreg:$0x1] =	wrdreg $0xFFFFFFFF  }
0xc5: {  	_ =	task.clear_ibuf [dreg:s8], $0x2FFFF;
	_ =	strace $0x9FFFFFFF  }
0xc6: {  	(tm) =	ssettm $0x7FFFFFFF  }
0xc7: {  	_ =	shalt  }
tec
execute0_lowered:
.L_overlay_start_1:
0x0: {  	(tag) =	ssettag $0x1  }
0x1: {  	s5 =	rddreg [dreg:$0x0]  }
0x2: {  	s6 =	rddreg [dreg:$0x1]  }
0x3: {  	s7 =	rddreg [dreg:$0x2]  }
0x4: {  	s1 =	rddreg [dreg:$0x3]  }
0x5: {  	s3 =	rddreg [dreg:$0x4]  }
0x6: {  	s2 =	srdreg.scid;
	s0 =	rddreg [dreg:$0x5]  }
0x7: {  	s4 =	simm.s32 $0x0;
	s14 =	simm.s32 $0x4E20;
	s15 =	simm.s32 $0x7620  }
0x8: {  	s16 =	simm.s32 $0x50;
	s17 =	simm.s32 $0xEE20;
	s18 =	simm.s32 $0x9E20  }
0x9: {  	s19 =	simm.s32 $0xC620;
	s8 =	sand.u32 $0x1, s2;
	s2 =	stileid.u32  }
0xa: {  	s20 =	simm.s32 $0x0;
	[smem:$0x7FF] =	sst s4;
	s9 =	smul.u32 $0x5000, s8  }
0xb: {  	s10 =	sshll.u32 s2, $0xA;
	s11 =	sshll.u32 s2, $0x1;
	_ =	strace $0x80000047  }
0xc: {  	p0 =	sgt.u32 s2, $0x9;
	s11 =	sor.u32 s8, s11;
	s8 =	ssub.s32 $0x2, s8  }
0xd: {  	s9 =	sadd.s32 s10, s9;
	s11 =	smul.u32 $0x4E2, s11;
	s31 =	sshrl.u32 s8, $0x1  }
0xe: {  	s9 =	sshrl.u32 s9, $0x3;
	s13 =	ssub.s32 s8, s31;
	s8 =	sadd.s32 s10, s3  }
0xf: {  	v0 =	vlaneseq.u32;
	s12 =	sadd.s32 s9, s7;
	s5 =	sadd.s32 s5, s11;
	s6 =	sadd.s32 s6, s11  }
0x10: {  	v1 =	vimm.f32 $0.0e+00;
	v6 =	vimm.f32 $1.000000000e+00;
	v2 =	vor.u32 $0x10, v0;
	s7 =	sadd.s32 s10, s1;
	s11 =	smax.u32 s13, $0x1;
	s13 =	simm.s32 $0x2710  }
0x11: {  	v3 =	vor.u32 $0x20, v0;
	v4 =	vor.u32 $0x30, v0;
	v5 =	vor.u32 $0x40, v0;
	s9 =	sadd.s32 $0x2C00, s12;
	s10 =	sadd.s32 $0x3100, s12;
	s12 =	simm.s32 $0x1  }
.LBB2_1:
0x12: {  	[tilespmem:s4], [sflag:$0x1] =	stream.linear.gather [hbm4b:s5+s4], $0x2710, $0x38;
	[tilespmem:$0xF770] =	vst v63  }
0x13: {  	_ =	swait.ge [sflag:s12], $0x2710  }
0x14: {  	[sflag:s12] =	ssyncset.done $0x0  }
0x15: {  	[sflag:s12] =	ssyncadd.s32 $0xFFFFD8F0  }
0x16: {  	[tilespmem:s13], [sflag:$0x1] =	stream.linear.gather [hbm4b:s6+s4], $0x2710, $0x38;
	[tilespmem:$0xF770] =	vst v63  }
0x17: {  	_ =	swait.ge [sflag:s12], $0x2710  }
0x18: {  	[sflag:s12] =	ssyncset.done $0x0  }
0x19: {  	s21 =	simm.s32 $0x40;
	s22 =	simm.s32 $0x0;
	[sflag:s12] =	ssyncadd.s32 $0xFFFFD8F0  }
.LBB2_2:
0x1a: {  	p1 =	sne.s32 s21, $0x9FC0;
	[tilespmem:s22+$0x4E20] =	vst v1;
	s23 =	smov.u32 s21;
	s21 =	sadd.s32 $0x40, s21  }
.Ltmp0:
0x1b: {  	[tilespmem:s22+$0x7620] =	vst v1;
	(pc) =	sbr.rel @p1 .LBB2_2-.Ltmp0, $2  }
0x1c: {  	_ =	sdelay $0x2  }
0x1d: {  	s22 =	sshra.s32 s23, $0x2  }
0x1e: {  	[tilespmem:s22+$0x4E20] =	vst v1  }
0x1f: {  	[tilespmem:s22+$0x7620] =	vst v1  }
0x20: {  	[tilespmem:$0xEE70] =	vst v1  }
0x21: {  	[tilespmem:$0xEE80] =	vst v1  }
0x22: {  	[tilespmem:$0xEE90] =	vst v1  }
0x23: {  	[tilespmem:$0xEEA0] =	vst v1  }
0x24: {  	[tilespmem:$0xEEB0] =	vst v1  }
0x25: {  	[tilespmem:$0xEEC0] =	vst v1  }
0x26: {  	[tilespmem:$0xEED0] =	vst v1  }
0x27: {  	[tilespmem:$0xEEE0] =	vst v1  }
0x28: {  	[tilespmem:$0xEEF0] =	vst v1  }
0x29: {  	[tilespmem:$0xEF00] =	vst v1  }
0x2a: {  	[tilespmem:$0xEF10] =	vst v1  }
0x2b: {  	[tilespmem:$0xEF20] =	vst v1  }
0x2c: {  	[tilespmem:$0xEF30] =	vst v1  }
0x2d: {  	[tilespmem:$0xEF40] =	vst v1  }
0x2e: {  	[tilespmem:$0xEF50] =	vst v1  }
0x2f: {  	[tilespmem:$0xEF60] =	vst v1  }
0x30: {  	[tilespmem:$0xEF70] =	vst v1  }
0x31: {  	[tilespmem:$0xEF80] =	vst v1  }
0x32: {  	[tilespmem:$0xEF90] =	vst v1  }
0x33: {  	[tilespmem:$0xEFA0] =	vst v1  }
0x34: {  	[tilespmem:$0xEFB0] =	vst v1  }
0x35: {  	[tilespmem:$0xEFC0] =	vst v1  }
0x36: {  	[tilespmem:$0xEFD0] =	vst v1  }
0x37: {  	[tilespmem:$0xEFE0] =	vst v1  }
0x38: {  	[tilespmem:$0xEFF0] =	vst v1  }
0x39: {  	[tilespmem:$0xF000] =	vst v1  }
0x3a: {  	[tilespmem:$0xF010] =	vst v1  }
0x3b: {  	[tilespmem:$0xF020] =	vst v1  }
0x3c: {  	[tilespmem:$0xF030] =	vst v1  }
0x3d: {  	[tilespmem:$0xF040] =	vst v1  }
0x3e: {  	[tilespmem:$0xF050] =	vst v1  }
0x3f: {  	[tilespmem:$0xF060] =	vst v1  }
0x40: {  	[tilespmem:$0xF070] =	vst v1  }
0x41: {  	[tilespmem:$0xF080] =	vst v1  }
0x42: {  	[tilespmem:$0xF090] =	vst v1  }
0x43: {  	[tilespmem:$0xF0A0] =	vst v1  }
0x44: {  	[tilespmem:$0xF0B0] =	vst v1  }
0x45: {  	[tilespmem:$0xF0C0] =	vst v1  }
0x46: {  	[tilespmem:$0xF0D0] =	vst v1  }
0x47: {  	[tilespmem:$0xF0E0] =	vst v1  }
0x48: {  	[tilespmem:$0xF0F0] =	vst v1  }
0x49: {  	[tilespmem:$0xF100] =	vst v1  }
0x4a: {  	[tilespmem:$0xF110] =	vst v1  }
0x4b: {  	[tilespmem:$0xF120] =	vst v1  }
0x4c: {  	[tilespmem:$0xF130] =	vst v1  }
0x4d: {  	[tilespmem:$0xF140] =	vst v1  }
0x4e: {  	[tilespmem:$0xF150] =	vst v1  }
0x4f: {  	[tilespmem:$0xF160] =	vst v1  }
0x50: {  	[tilespmem:$0xF170] =	vst v1  }
0x51: {  	[tilespmem:$0xF180] =	vst v1  }
0x52: {  	[tilespmem:$0xF190] =	vst v1  }
0x53: {  	[tilespmem:$0xF1A0] =	vst v1  }
0x54: {  	[tilespmem:$0xF1B0] =	vst v1  }
0x55: {  	[tilespmem:$0xF1C0] =	vst v1  }
0x56: {  	[tilespmem:$0xF1D0] =	vst v1  }
0x57: {  	[tilespmem:$0xF1E0] =	vst v1  }
0x58: {  	[tilespmem:$0xF1F0] =	vst v1  }
0x59: {  	[tilespmem:$0xF200] =	vst v1  }
0x5a: {  	[tilespmem:$0xF210] =	vst v1  }
0x5b: {  	[tilespmem:$0xF220] =	vst v1  }
0x5c: {  	[tilespmem:$0xF230] =	vst v1  }
0x5d: {  	[tilespmem:$0xF240] =	vst v1  }
0x5e: {  	[tilespmem:$0xF250] =	vst v1  }
0x5f: {  	[tilespmem:$0xF260] =	vst v1  }
0x60: {  	[tilespmem:$0xEE20] =	vst v0  }
0x61: {  	[tilespmem:$0xEE30] =	vst v2  }
0x62: {  	[tilespmem:$0xEE40] =	vst v3  }
0x63: {  	[tilespmem:$0xEE50] =	vst v4  }
0x64: {  	s21 =	simm.s32 @!p0 $0xEE70;
	s22 =	simm.s32 @!p0 $0x1;
	[tilespmem:$0xEE60] =	vst v5  }
0x65: {  	[spmem:s7] =	stream.linear.scatter @!p0 [tilespmem:s21], [sflag:$0x1], $0x400, $0x38;
	[tilespmem:$0xF770] =	vst v63  }
0x66: {  	_ =	swait.ge @!p0 [sflag:s22], $0x400  }
0x67: {  	[sflag:s22] =	ssyncset.done @!p0 $0x0  }
0x68: {  	[sflag:s22] =	ssyncadd.s32 @!p0 $0xFFFFFC00  }
0x69: {  	[spmem:s8] =	stream.linear.scatter @!p0 [tilespmem:s21], [sflag:$0x1], $0x400, $0x38;
	[tilespmem:$0xF770] =	vst v63  }
0x6a: {  	_ =	swait.ge @!p0 [sflag:s22], $0x400  }
0x6b: {  	[sflag:s22] =	ssyncset.done @!p0 $0x0  }
0x6c: {  	[sflag:s22] =	ssyncadd.s32 @!p0 $0xFFFFFC00  }
0x6d: {  	s21 =	simm.s32 $0x40;
	s22 =	simm.s32 $0x0;
	[bflag:$0x0] =	sbarrier.arrive $0xFFFF  }
.LBB2_4:
0x6e: {  	p1 =	sne.s32 s21, $0x9C00;
	v7 =	vld [tilespmem:s22+$0x0];
	_ =	sdelay $0x7  }
0x6f: {  	[tilespmem:v7+s14+$0x0] =	vst.idx.add.f32.msk $0xffff, v6  }
0x70: {  	v7 =	vld [tilespmem:s22+$0x2710];
	_ =	sdelay $0x3  }
.Ltmp1:
0x71: {  	(pc) =	sbr.rel @p1 .LBB2_4-.Ltmp1, $2  }
0x72: {  	_ =	sdelay $0x2  }
0x73: {  	s22 =	sshra.s32 s21, $0x2;
	s21 =	sadd.s32 $0x40, s21;
	[tilespmem:v7+s15+$0x0] =	vst.idx.add.f32.msk $0xffff, v6  }
0x74: {  	v7 =	vld [tilespmem:s22+$0x0];
	_ =	sdelay $0x7  }
0x75: {  	[tilespmem:v7+s14+$0x0] =	vst.idx.add.f32.msk $0xffff, v6  }
0x76: {  	v7 =	vld [tilespmem:s22+$0x2710];
	_ =	sdelay $0x7  }
0x77: {  	s21 =	simm.s32 $0x0;
	[tilespmem:v7+s15+$0x0] =	vst.idx.add.f32.msk $0xffff, v6  }
0x78: {  	v7 =	vld [tilespmem:s21+$0x7690]  }
0x79: {  	v8 =	vld [tilespmem:s21+$0x4E20]  }
0x7a: {  	v9 =	vld [tilespmem:s21+$0x7620]  }
0x7b: {  	v10 =	vld [tilespmem:s21+$0x4E30]  }
0x7c: {  	v11 =	vld [tilespmem:s21+$0x7630]  }
0x7d: {  	v12 =	vld [tilespmem:s21+$0x4E40];
	[tilespmem:s21+$0xC690] =	vst v7  }
0x7e: {  	[tilespmem:s21+$0x9E20] =	vst v8;
	v7 =	vld [tilespmem:s21+$0x7640]  }
0x7f: {  	[tilespmem:s21+$0xC620] =	vst v9;
	v8 =	vld [tilespmem:s21+$0x4E50]  }
0x80: {  	[tilespmem:s21+$0x9E30] =	vst v10;
	v9 =	vld [tilespmem:s21+$0x7650]  }
0x81: {  	[tilespmem:s21+$0xC630] =	vst v11;
	v10 =	vld [tilespmem:s21+$0x4E60]  }
0x82: {  	[tilespmem:s21+$0x9E40] =	vst v12;
	v11 =	vld [tilespmem:s21+$0x7660]  }
0x83: {  	[tilespmem:s21+$0xC640] =	vst v7;
	v7 =	vld [tilespmem:s21+$0x4E70]  }
0x84: {  	[tilespmem:s21+$0x9E50] =	vst v8;
	v8 =	vld [tilespmem:s21+$0x7670]  }
0x85: {  	[tilespmem:s21+$0xC650] =	vst v9;
	v9 =	vld [tilespmem:s21+$0x4E80]  }
0x86: {  	[tilespmem:s21+$0x9E60] =	vst v10;
	v10 =	vld [tilespmem:s21+$0x7680]  }
0x87: {  	s23 =	simm.s32 $0x400;
	s22 =	simm.s32 $0x80;
	[tilespmem:s21+$0xC660] =	vst v11;
	v11 =	vld [tilespmem:s21+$0x4E90]  }
.LBB2_6:
0x88: {  	p1 =	sne.s32 s23, $0x9E00;
	v12 =	vld [tilespmem:s22+$0x7690];
	[tilespmem:s21+$0x9E70] =	vst v7  }
0x89: {  	v7 =	vld [tilespmem:s22+$0x4E20];
	[tilespmem:s21+$0xC670] =	vst v8  }
0x8a: {  	v8 =	vld [tilespmem:s22+$0x7620];
	[tilespmem:s21+$0x9E80] =	vst v9  }
0x8b: {  	v9 =	vld [tilespmem:s22+$0x4E30];
	[tilespmem:s21+$0xC680] =	vst v10  }
0x8c: {  	v10 =	vld [tilespmem:s22+$0x7630];
	[tilespmem:s21+$0x9E90] =	vst v11;
	s21 =	smov.u32 s22  }
0x8d: {  	v11 =	vld [tilespmem:s21+$0x4E40];
	[tilespmem:s21+$0xC690] =	vst v12  }
0x8e: {  	[tilespmem:s21+$0x9E20] =	vst v7;
	v7 =	vld [tilespmem:s21+$0x7640]  }
0x8f: {  	[tilespmem:s21+$0xC620] =	vst v8;
	v8 =	vld [tilespmem:s21+$0x4E50]  }
0x90: {  	[tilespmem:s21+$0x9E30] =	vst v9;
	v9 =	vld [tilespmem:s21+$0x7650]  }
0x91: {  	[tilespmem:s21+$0xC630] =	vst v10;
	v10 =	vld [tilespmem:s21+$0x4E60]  }
0x92: {  	[tilespmem:s21+$0x9E40] =	vst v11;
	v11 =	vld [tilespmem:s21+$0x7660]  }
.Ltmp2:
0x93: {  	[tilespmem:s21+$0xC640] =	vst v7;
	v7 =	vld [tilespmem:s21+$0x4E70];
	(pc) =	sbr.rel @p1 .LBB2_6-.Ltmp2, $4  }
0x94: {  	[tilespmem:s21+$0x9E50] =	vst v8;
	v8 =	vld [tilespmem:s21+$0x7670]  }
0x95: {  	[tilespmem:s21+$0xC650] =	vst v9;
	v9 =	vld [tilespmem:s21+$0x4E80]  }
0x96: {  	[tilespmem:s21+$0x9E60] =	vst v10;
	v10 =	vld [tilespmem:s21+$0x7680]  }
0x97: {  	s22 =	sshra.s32 s23, $0x2;
	s23 =	sadd.s32 $0x200, s23;
	[tilespmem:s21+$0xC660] =	vst v11;
	v11 =	vld [tilespmem:s21+$0x4E90]  }
0x98: {  	v12 =	vld [tilespmem:s22+$0x7690];
	[tilespmem:s21+$0x9E70] =	vst v7  }
0x99: {  	v7 =	vld [tilespmem:s22+$0x4E20];
	[tilespmem:s21+$0xC670] =	vst v8  }
0x9a: {  	v8 =	vld [tilespmem:s22+$0x7620];
	[tilespmem:s21+$0x9E80] =	vst v9  }
0x9b: {  	v9 =	vld [tilespmem:s22+$0x4E30];
	[tilespmem:s21+$0xC680] =	vst v10  }
0x9c: {  	v10 =	vld [tilespmem:s22+$0x7630];
	[tilespmem:s21+$0x9E90] =	vst v11  }
0x9d: {  	v11 =	vld [tilespmem:s22+$0x4E40];
	[tilespmem:s22+$0xC690] =	vst v12  }
0x9e: {  	v58 =	vld [tilespmem:s22+$0x7650];
	[tilespmem:s22+$0x9E20] =	vst v7  }
0x9f: {  	v59 =	vld [tilespmem:s22+$0x4E60];
	[tilespmem:s22+$0xC620] =	vst v8  }
0xa0: {  	v60 =	vld [tilespmem:s22+$0x7660];
	[tilespmem:s22+$0x9E30] =	vst v9  }
0xa1: {  	v7 =	vld [tilespmem:s22+$0x7640];
	[tilespmem:s22+$0xC630] =	vst v10  }
0xa2: {  	v8 =	vld [tilespmem:s22+$0x4E50];
	[tilespmem:s22+$0x9E40] =	vst v11  }
0xa3: {  	v61 =	vld [tilespmem:s22+$0x4E80];
	[tilespmem:s22+$0xC650] =	vst v58  }
0xa4: {  	v62 =	vld [tilespmem:s22+$0x7680];
	[tilespmem:s22+$0x9E60] =	vst v59  }
0xa5: {  	v63 =	vld [tilespmem:s22+$0x4E90];
	[tilespmem:s22+$0xC660] =	vst v60  }
0xa6: {  	[tilespmem:s22+$0xC640] =	vst v7;
	v7 =	vld [tilespmem:s22+$0x4E70]  }
0xa7: {  	[tilespmem:s22+$0x9E50] =	vst v8;
	v8 =	vld [tilespmem:s22+$0x7670]  }
0xa8: {  	[tilespmem:s22+$0x9E80] =	vst v61  }
0xa9: {  	[tilespmem:s22+$0xC680] =	vst v62  }
0xaa: {  	[tilespmem:s22+$0x9E90] =	vst v63  }
0xab: {  	[tilespmem:s22+$0x9E70] =	vst v7  }
0xac: {  	[tilespmem:s22+$0xC670] =	vst v8  }
0xad: {  	[spmem:s1] =	stream.indirect.scatter.add.f32 [tilespmem:s18], [sflag:$0x1], $0x80, s17, s16, $0xb8;
	[tilespmem:$0xF770] =	vst v63  }
0xae: {  	_ =	swait.ge [sflag:s12], $0x2800  }
0xaf: {  	[sflag:s12] =	ssyncset.done $0x0  }
0xb0: {  	[sflag:s12] =	ssyncadd.s32 $0xFFFFD800  }
0xb1: {  	[spmem:s3] =	stream.indirect.scatter.add.f32 [tilespmem:s19], [sflag:$0x1], $0x80, s17, s16, $0xb8;
	[tilespmem:$0xF770] =	vst v63  }
0xb2: {  	_ =	swait.ge [sflag:s12], $0x2800  }
0xb3: {  	[sflag:s12] =	ssyncset.done $0x0  }
0xb4: {  	s21 =	sshll.u32 @!p0 s2, $0x6;
	[sflag:s12] =	ssyncadd.s32 $0xFFFFD800  }
0xb5: {  	s21 =	sor.u32 @!p0 $0x1C01, s21;
	s22 =	sshrl.u32 @!p0 s7, $0x3;
	[bflag:$0x0] =	sbarrier.arrive $0xFFFF  }
0xb6: {  	[hbm:s9], [sflag:s21] =	dma.local @!p0 [spmem:s22], $0x80  }
0xb7: {  	s22 =	simm.s32 @!p0 $0x1  }
0xb8: {  	s20 =	sadd.s32 $0x1, s20;
	_ =	swait.ge @!p0 [sflag:s22], $0x80  }
0xb9: {  	p1 =	sne.s32 s20, s11;
	[sflag:s22] =	ssyncset.done @!p0 $0x0  }
.Ltmp3:
0xba: {  	s23 =	sshrl.u32 @!p0 s8, $0x3;
	[sflag:s22] =	ssyncadd.s32 @!p0 $0xFFFFFF80;
	(pc) =	sbr.rel @p1 .LBB2_1-.Ltmp3, $4  }
0xbb: {  	[hbm:s10], [sflag:s21] =	dma.local @!p0 [spmem:s23], $0x80  }
0xbc: {  	_ =	swait.ge @!p0 [sflag:s22], $0x80  }
0xbd: {  	[sflag:s22] =	ssyncset.done @!p0 $0x0  }
0xbe: {  	[sflag:s22] =	ssyncadd.s32 @!p0 $0xFFFFFF80  }
0xbf: {  	_ =	sfence.sel $0x180000  }
0xc0: {  	[bflag:$0x0] =	sbarrier.arrive $0xFFFF  }
0xc1: {  	p0 =	sne.s32 s2, $0x0;
	_ =	strace $0x90000047  }
0xc2: {  	s0 =	sadd.s32 @!p0 $0x100000, s0;
	[bflag:$0x2] =	sbarrier.arrive $0xFFFF  }
0xc3: {  	[sflag:s0] =	ssyncadd.tile.s32 @!p0 $0x1;
	_ =	shalt  }
.Lfunc_end2:
_tile_overlayer_lowered:
.L_overlay_start_2:
0xc4: {  	(tag) =	ssettag $0x2  }
0xc5: {  	s0 =	rddreg [dreg:$0x0];
	s2 =	stileid.u32  }
0xc6: {  	s1 =	rddreg [dreg:$0x1];
	p0 =	sne.s32 s2, $0x0  }
0xc7: {  	s3 =	rddreg [dreg:$0x2];
	[bflag:$0x3] =	sbarrier.arrive $0xFFFF;
	s2 =	simm.s32 @!p0 $0x1C01  }
0xc8: {  	[timem:s3], [sflag:s2] =	dma.local @!p0 [hbm:s0], s1  }
0xc9: {  	s0 =	simm.s32 @!p0 $0x1  }
0xca: {  	_ =	swait.ge @!p0 [sflag:s0], s1  }
0xcb: {  	s1 =	ssub.s32 @!p0 $0x0, s1;
	[sflag:s0] =	ssyncset.done @!p0 $0x0  }
0xcc: {  	[sflag:s0] =	ssyncadd.s32 @!p0 s1  }
0xcd: {  	[bflag:$0x3] =	sbarrier.arrive $0xFFFF  }
0xce: {  	_ =	shalt  }

// kernel: kernel.13.cloned.1.call-start
scs
__scs_entry_jumppad:
0x0: {  	(pc) =	sbr.rel $0x88, $3  }
0x1: {  	(tag) =	ssettag $0x0;
	lr =	simm.s32 $0x1  }
0x2: {  	[smem:$0x3F94] =	sst lr;
	_ =	strace $0xD0000000  }
0x3: {  	_ = 	snop  }
0x4: {  	_ = 	snop  }
0x5: {  	_ = 	snop  }
0x6: {  	_ = 	snop  }
0x7: {  	_ = 	snop  }
__scs_overlays_trampoline_lowered:
0x8: {  	[smem:$0x3FA3] =	sst s0  }
0x9: {  	[smem:$0x3FA4] =	sst s1  }
0xa: {  	[smem:$0x3FA5] =	sst s2  }
0xb: {  	[smem:$0x3FA6] =	sst s3  }
0xc: {  	[smem:$0x3FA7] =	sst s4  }
0xd: {  	[smem:$0x3FA8] =	sst s5  }
0xe: {  	[smem:$0x3FA9] =	sst s6  }
0xf: {  	[smem:$0x3FAA] =	sst s7  }
0x10: {  	[smem:$0x3FAB] =	sst s8  }
0x11: {  	[smem:$0x3FAC] =	sst s9;
	s0 =	simm.s32 @!p0 $0x0  }
0x12: {  	s1 =	sld [smem:$0x3F92];
	s0 =	simm.s32 @p0 $0x1  }
0x13: {  	[smem:$0x3FAD] =	sst s0;
	s0 =	simm.s32 @!p1 $0x0  }
0x14: {  	s2 =	sld [smem:$0x3F91];
	s0 =	simm.s32 @p1 $0x1  }
0x15: {  	[smem:$0x3FAE] =	sst s0;
	s0 =	simm.s32 @!p2 $0x0  }
0x16: {  	s3 =	sld [smem:$0x3FDB];
	s0 =	simm.s32 @p2 $0x1  }
0x17: {  	s4 =	simm.s32 $0x1BF5;
	[smem:$0x3FB0] =	sst s0  }
0x18: {  	s0 =	sld [smem:$0x3F93];
	_ =	swait.ge [sflag:s4], $0x0  }
0x19: {  	s7 =	sld [smem:$0x3F94]  }
0x1a: {  	s8 =	sadd.s32 $0xFFFFE003, lr  }
0x1b: {  	s9 =	sadd.s32 $0xFFFFFEF7, lr;
	s5 =	simm.s32 $0xFFFFFFFF;
	p2 =	slt.u32 s8, $0xFFFFF086  }
0x1c: {  	p1 =	slt.u32 s9, $0xF7A;
	s5 =	simm.s32 @!p2 $0x0  }
0x1d: {  	s5 =	simm.s32 @p1 $0x1;
	p0 =	seq.s32 s7, s2  }
0x1e: {  	s7 =	smul.u32 @!p0 $0xF7A, s2;
	p2 =	seq.s32 @!p0 s5, $0x0  }
0x1f: {  	s9 =	smul.u32 $0xF7A, s1;
	s8 =	simm.s32 @!p0 $0x1BF5;
	p2 =	por !p2, p0  }
0x20: {  	[sflag:s8] =	ssyncset.s32 @!p0 $0xFFFFF086;
	s6 =	sadd.s32 @!p0 s3, s7;
	s7 =	simm.s32 @!p0 $0x108  }
0x21: {  	s3 =	sadd.s32 s3, s9;
	s6 =	sadd.s32 @!p0 $0x88, s6;
	s7 =	simm.s32 @p2 $0x1082  }
0x22: {  	[simem:s7], [sflag:s8] =	dma.local @!p0 [hbm:s6], $0xF7A  }
0x23: {  	s9 =	sor.u32 $0xD0000000, s2;
	s6 =	simm.s32 $0x108;
	_ =	swait.ge @!p0 [sflag:s8], $0x0  }
0x24: {  	s3 =	sadd.s32 $0x88, s3;
	s6 =	simm.s32 @!p1 $0x1082;
	[sflag:s4] =	ssyncset.s32 $0xFFFFF086  }
0x25: {  	[simem:s6], [sflag:s4] =	dma.local [hbm:s3], $0xF7A  }
0x26: {  	[smem:$0x3F94] =	sst s1;
	(tag) =	ssettag s2;
	_ =	strace s9  }
0x27: {  	s1 =	sld [smem:$0x3FA4]  }
0x28: {  	s2 =	sld [smem:$0x3FA5]  }
0x29: {  	s4 =	sld [smem:$0x3FA7]  }
0x2a: {  	p0 =	seq.s32 s5, $0x0;
	s5 =	sld [smem:$0x3FA8]  }
0x2b: {  	s6 =	sld [smem:$0x3FA9]  }
0x2c: {  	s7 =	sld [smem:$0x3FAA]  }
0x2d: {  	s3 =	simm.s32 $0x108;
	s8 =	sld [smem:$0x3FAB]  }
0x2e: {  	s3 =	simm.s32 @!p0 $0x1082;
	s9 =	sld [smem:$0x3FAC]  }
0x2f: {  	lr =	sadd.s32 s0, s3;
	s0 =	sld [smem:$0x3FA3]  }
0x30: {  	s3 =	sld [smem:$0x3FA6]  }
0x31: {  	[smem:$0x3FAF] =	sst s10  }
0x32: {  	s10 =	sld [smem:$0x3FAD];
	_ =	sdelay $0x3  }
0x33: {  	p0 =	seq.s32 s10, $0x1;
	s10 =	sld [smem:$0x3FAF];
	_ =	sdelay $0x3  }
0x34: {  	[smem:$0x3FAF] =	sst s10  }
0x35: {  	s10 =	sld [smem:$0x3FAE];
	_ =	sdelay $0x3  }
0x36: {  	p1 =	seq.s32 s10, $0x1;
	s10 =	sld [smem:$0x3FAF];
	_ =	sdelay $0x3  }
0x37: {  	[smem:$0x3FAF] =	sst s10  }
0x38: {  	s10 =	sld [smem:$0x3FB0]  }
0x39: {  	_ = 	snop;
	(pc) =	sbr.ind lr, $3  }
0x3a: {  	_ = 	snop  }
0x3b: {  	_ = 	snop  }
0x3c: {  	p2 =	seq.s32 s10, $0x1;
	s10 =	sld [smem:$0x3FAF]  }
0x3d: {  	_ =	shalt  }
0x3e: {  	_ =	shalt  }
0x3f: {  	_ =	shalt  }
0x40: {  	_ =	shalt  }
0x41: {  	_ =	shalt  }
0x42: {  	_ =	shalt  }
0x43: {  	_ =	shalt  }
0x44: {  	_ =	shalt  }
0x45: {  	_ =	shalt  }
0x46: {  	_ =	shalt  }
0x47: {  	_ =	shalt  }
0x48: {  	_ =	shalt  }
0x49: {  	_ =	shalt  }
0x4a: {  	_ =	shalt  }
0x4b: {  	_ =	shalt  }
0x4c: {  	_ =	shalt  }
0x4d: {  	_ =	shalt  }
0x4e: {  	_ =	shalt  }
0x4f: {  	_ =	shalt  }
0x50: {  	_ =	shalt  }
0x51: {  	_ =	shalt  }
0x52: {  	_ =	shalt  }
0x53: {  	_ =	shalt  }
0x54: {  	_ =	shalt  }
0x55: {  	_ =	shalt  }
0x56: {  	_ =	shalt  }
0x57: {  	_ =	shalt  }
0x58: {  	_ =	shalt  }
0x59: {  	_ =	shalt  }
0x5a: {  	_ =	shalt  }
0x5b: {  	_ =	shalt  }
0x5c: {  	_ =	shalt  }
0x5d: {  	_ =	shalt  }
0x5e: {  	_ =	shalt  }
0x5f: {  	_ =	shalt  }
0x60: {  	_ =	shalt  }
0x61: {  	_ =	shalt  }
0x62: {  	_ =	shalt  }
0x63: {  	_ =	shalt  }
0x64: {  	_ =	shalt  }
0x65: {  	_ =	shalt  }
0x66: {  	_ =	shalt  }
0x67: {  	_ =	shalt  }
0x68: {  	_ =	shalt  }
0x69: {  	_ =	shalt  }
0x6a: {  	_ =	shalt  }
0x6b: {  	_ =	shalt  }
0x6c: {  	_ =	shalt  }
0x6d: {  	_ =	shalt  }
0x6e: {  	_ =	shalt  }
0x6f: {  	_ =	shalt  }
0x70: {  	_ =	shalt  }
0x71: {  	_ =	shalt  }
0x72: {  	_ =	shalt  }
0x73: {  	_ =	shalt  }
0x74: {  	_ =	shalt  }
0x75: {  	_ =	shalt  }
0x76: {  	_ =	shalt  }
0x77: {  	_ =	shalt  }
0x78: {  	_ =	shalt  }
0x79: {  	_ =	shalt  }
0x7a: {  	_ =	shalt  }
0x7b: {  	_ =	shalt  }
0x7c: {  	_ =	shalt  }
0x7d: {  	_ =	shalt  }
0x7e: {  	_ =	shalt  }
0x7f: {  	_ =	shalt  }
0x80: {  	_ =	shalt  }
0x81: {  	_ =	shalt  }
0x82: {  	_ =	shalt  }
0x83: {  	_ =	shalt  }
0x84: {  	_ =	shalt  }
0x85: {  	_ =	shalt  }
0x86: {  	_ =	shalt  }
0x87: {  	_ =	shalt  }
.Lfunc_end0:
.L_simem_size_0:
called_computation.1_lowered:
.L_overlay_start_0:
0x88: {  	s2 =	sld [smem:$0x3FD9]  }
0x89: {  	s3 =	sld [smem:$0x3FFE];
	_ =	sdelay $0x1  }
0x8a: {  	s1 =	srdreg.scid  }
0x8b: {  	s0 =	sand.u32 $0x1, s1  }
0x8c: {  	s17 =	sshll.u32 s0, $0xA;
	s2 =	sadd.s32 s3, s2  }
0x8d: {  	s2 =	sadd.s32 s2, s17  }
0x8e: {  	[smem:$0x3FBB] =	sst s2  }
0x8f: {  	_ = 	snop  }
0x90: {  	s2 =	sld [smem:$0x3FC9]  }
0x91: {  	s18 =	sld [smem:$0x3FC8];
	(tm) =	ssettm $0x1  }
0x92: {  	s4 =	sld [smem:$0x3FFB];
	_ =	sdelay $0x3  }
0x93: {  	_ =	strace s4  }
0x94: {  	s4 =	sld [smem:$0x3FFC];
	_ =	sdelay $0x3  }
0x95: {  	_ =	strace s4  }
0x96: {  	s4 =	sld [smem:$0x3FFD];
	_ =	sdelay $0x3  }
0x97: {  	_ =	strace s4  }
0x98: {  	_ =	strace $0x8FFFFFFF  }
0x99: {  	s19 =	sld [smem:$0x3FDB];
	_ =	sdelay $0x1  }
0x9a: {  	s5 =	simm.s32 $_scs_section_size  }
0x9b: {  	s6 =	simm.s32 $_size__tile_overlayer_lowered;
	s7 =	simm.s32 $_tile_overlayer_lowered  }
0x9c: {  	s22 =	simm.s32 $0x1BFF;
	s21 =	sshll.u32 s7, $0x1;
	s4 =	sadd.s32 s5, s19  }
0x9d: {  	s8 =	simm.s32 $0x0;
	s20 =	sshll.u32 s6, $0x1;
	s6 =	sadd.s32 s21, s4  }
0x9e: {  	[timem:s8], [sflag:s22] =	dma.local [hbm:s6], s20  }
0x9f: {  	_ =	swait.ge [sflag:s22], s20  }
0xa0: {  	s5 =	ssub.s32 $0x0, s20;
	[sflag:s22] =	ssyncset.done $0x0  }
0xa1: {  	[sflag:s22] =	ssyncadd.s32 s5;
	_ =	sdelay $0x1  }
0xa2: {  	s23 =	simm.s32 $0x1B8B  }
0xa3: {  	_ =	swait.ge [sflag:s23], $0x1  }
0xa4: {  	[sflag:s23] =	ssyncset.done $0x0  }
0xa5: {  	s25 =	simm.s32 $0x1B8E;
	s24 =	sld [smem:$0x3FFE];
	[sflag:s23] =	ssyncadd.s32 $0xFFFFFFFF  }
0xa6: {  	s26 =	simm.s32 $execute0_lowered;
	[smem:$0x3FD2] =	sst s25  }
0xa7: {  	s6 =	sshll.u32 s26, $0x1;
	_ =	strace $0x80000049;
	[dreg:$0x1] =	wrdreg $0xFFFFFFFF  }
0xa8: {  	s28 =	simm.s32 $_size_execute0_lowered;
	s4 =	sadd.s32 s4, s6;
	[dreg:$0x0] =	wrdreg $0x0  }
0xa9: {  	s6 =	sshll.u32 s28, $0x1;
	[dreg:$0x2] =	wrdreg s4  }
0xaa: {  	[dreg:$0x3] =	wrdreg s6  }
0xab: {  	[dreg:$0x4] =	wrdreg $0xC0  }
0xac: {  	_ =	task [dreg:s8], $0x5FFFF  }
0xad: {  	[dreg:$0x1] =	wrdreg $0xFFFFFFFF  }
0xae: {  	[dreg:$0x0] =	wrdreg $0x60  }
0xaf: {  	[dreg:$0x2] =	wrdreg s24  }
0xb0: {  	[dreg:$0x3] =	wrdreg s2  }
0xb1: {  	[dreg:$0x4] =	wrdreg s18  }
0xb2: {  	[dreg:$0x5] =	wrdreg $0x52000  }
0xb3: {  	[dreg:$0x6] =	wrdreg $0x9  }
0xb4: {  	_ =	task.clear_ibuf [dreg:s8], $0x7FFFF;
	_ =	strace $0x90000049  }
0xb5: {  	s29 =	simm.s32 $0x9;
	_ =	strace $0x8000004B  }
0xb6: {  	_ =	swait.ge [sflag:s29], $0x1  }
0xb7: {  	[sflag:s29] =	ssyncadd.s32 $0xFFFFFFFF  }
0xb8: {  	_ =	strace $0x9000004B  }
0xb9: {  	_ =	sfence  }
0xba: {  	s30 =	sld [smem:$0x0];
	_ =	sdelay $0x2  }
0xbb: {  	s31 =	sshll.u32 s1, $0xD;
	s1 =	sshrl.u32 s1, $0x2  }
0xbc: {  	s3 =	sand.u32 $0x4000, s31;
	s1 =	sadd.s32 s1, s30  }
0xbd: {  	s0 =	sor.u32 s3, s0;
	s1 =	sshll.u32 s1, $0x11  }
0xbe: {  	s0 =	sor.u32 s1, s0  }
0xbf: {  	s0 =	sadd.s32 $0x8F2B, s0  }
0xc0: {  	[sflag:s0] =	ssyncadd.remote.s32 $0x1  }
0xc1: {  	_ =	sfence.sel $0xFFFF  }
0xc2: {  	[dreg:$0x0] =	wrdreg $0xFFFFFFFF;
	(pc) =	sbr.abs _section_cstart, $3  }
0xc3: {  	[dreg:$0x1] =	wrdreg $0xFFFFFFFF  }
0xc4: {  	_ =	task.clear_ibuf [dreg:s8], $0x2FFFF;
	_ =	strace $0x9FFFFFFF  }
0xc5: {  	(tm) =	ssettm $0x7FFFFFFF  }
tec
execute0_lowered:
.L_overlay_start_1:
0x0: {  	(tag) =	ssettag $0x1  }
0x1: {  	s0 =	rddreg [dreg:$0x0]  }
0x2: {  	s1 =	rddreg [dreg:$0x1]  }
0x3: {  	s2 =	rddreg [dreg:$0x2];
	s15 =	stileid.u32  }
0x4: {  	s3 =	rddreg [dreg:$0x3];
	s9 =	smul.u32 $0x280, s15  }
0x5: {  	s4 =	srdreg.scid;
	s5 =	simm.s32 $0x0;
	s10 =	smul.u32 $0x50000, s15  }
0x6: {  	s4 =	sand.u32 $0x1, s4;
	[smem:$0x7FF] =	sst s5;
	s14 =	smul.u32 $0x2800, s15  }
0x7: {  	s26 =	sshll.u32 s15, $0x1;
	s15 =	smul.u32 $0x4E20, s15;
	s7 =	ssub.s32 $0x2, s4  }
0x8: {  	s6 =	smul.u32 $0x28000, s4;
	s8 =	sshrl.u32 s7, $0x1;
	s11 =	sor.u32 $0x50, s9  }
0x9: {  	s12 =	sadd.s32 $0xA0, s9;
	s13 =	sadd.s32 $0xF0, s9;
	s19 =	sadd.s32 $0x140, s9  }
0xa: {  	s20 =	sadd.s32 $0x190, s9;
	s21 =	sadd.s32 $0x1E0, s9;
	s9 =	sadd.s32 $0x230, s9  }
0xb: {  	s25 =	sshrl.u32 s10, $0x2;
	s6 =	sadd.s32 s6, s0;
	s7 =	ssub.s32 s7, s8  }
0xc: {  	s8 =	sor.u32 s4, s26;
	s16 =	sshll.u32 s11, $0x4;
	s17 =	sshll.u32 s12, $0x4  }
0xd: {  	s4 =	smul.u32 $0x2710, s4;
	s18 =	sshll.u32 s13, $0x4;
	s22 =	sshll.u32 s19, $0x4  }
0xe: {  	s23 =	sshll.u32 s20, $0x4;
	s28 =	sshll.u32 s21, $0x4;
	s26 =	sshll.u32 s11, $0x7  }
0xf: {  	s10 =	sshll.u32 s19, $0x7;
	s11 =	sshll.u32 s20, $0x7;
	s6 =	sadd.s32 $0x7AC00, s6  }
0x10: {  	s24 =	smul.u32 $0x2710, s8;
	s30 =	sadd.s32 s26, s3;
	s8 =	sshll.u32 s13, $0x7  }
0x11: {  	s19 =	sadd.s32 s10, s3;
	s20 =	sadd.s32 s11, s3;
	s14 =	sadd.s32 s14, s6  }
0x12: {  	s13 =	sshll.u32 s9, $0x7;
	s29 =	sadd.s32 s16, s6;
	[dreg:$0x5] =	wrdreg s14  }
0x13: {  	s10 =	simm.s32 $0x180;
	s16 =	sadd.s32 s17, s6;
	[dreg:$0x6] =	wrdreg s29  }
0x14: {  	s11 =	simm.s32 $0x50;
	s17 =	sadd.s32 s18, s6;
	[dreg:$0x7] =	wrdreg s16  }
0x15: {  	s4 =	sadd.s32 s4, s15;
	s18 =	sadd.s32 s22, s6;
	[dreg:$0x8] =	wrdreg s17  }
0x16: {  	s22 =	sadd.s32 s23, s6;
	s23 =	sshll.u32 s9, $0x4;
	[dreg:$0x9] =	wrdreg s18  }
0x17: {  	s15 =	sadd.s32 s28, s6;
	s28 =	sshll.u32 s12, $0x7;
	[dreg:$0xa] =	wrdreg s22  }
0x18: {  	s12 =	sshll.u32 s21, $0x7;
	s9 =	simm.s32 $0x80;
	[dreg:$0xb] =	wrdreg s15  }
0x19: {  	s6 =	sadd.s32 s23, s6;
	s14 =	sadd.s32 $0x2C00, s0;
	s16 =	sadd.s32 s25, s3  }
0x1a: {  	s29 =	sadd.s32 s28, s3;
	s0 =	sshrl.u32 s24, $0x3;
	s21 =	sadd.s32 s12, s3  }
0x1b: {  	s22 =	sadd.s32 s13, s3;
	s23 =	smax.u32 s7, $0x1;
	s26 =	sadd.s32 $0xF0, s4  }
0x1c: {  	s4 =	sadd.s32 $0xA0, s4;
	s7 =	simm.s32 $0x1;
	s12 =	simm.s32 $0x2  }
0x1d: {  	s13 =	simm.s32 $0x2A00;
	[dreg:$0xc] =	wrdreg s6;
	s6 =	sadd.s32 s8, s3  }
0x1e: {  	s15 =	sadd.s32 $0xA, s0;
	_ =	strace $0x8000004A;
	[dreg:$0xd] =	wrdreg s29  }
0x1f: {  	s24 =	sadd.s32 s1, s0;
	s25 =	sadd.s32 s2, s0;
	[dreg:$0xe] =	wrdreg s6  }
0x20: {  	s0 =	sadd.s32 $0x4D8, s0;
	s8 =	simm.s32 $0x100;
	[dreg:$0x11] =	wrdreg s23  }
0x21: {  	s17 =	sadd.s32 s1, s15;
	s18 =	sadd.s32 s2, s15;
	[dreg:$0x12] =	wrdreg s24  }
0x22: {  	[dreg:$0x13] =	wrdreg s25;
	s28 =	sadd.s32 s1, s0;
	s0 =	sadd.s32 s2, s0  }
0x23: {  	s29 =	sshrl.u32 s26, $0x3;
	s6 =	simm.s32 $0x200;
	[dreg:$0xf] =	wrdreg s17  }
0x24: {  	s23 =	simm.s32 $0x3;
	s24 =	simm.s32 $0x5;
	[dreg:$0x10] =	wrdreg s18  }
0x25: {  	s25 =	simm.s32 $0x4;
	s26 =	simm.s32 $0x0;
	[dreg:$0x14] =	wrdreg s28  }
0x26: {  	v0 =	vimm.f32 $0.0e+00;
	[dreg:$0x15] =	wrdreg s0;
	s31 =	sadd.s32 s29, s2;
	s0 =	sadd.s32 s29, s1  }
.LBB2_1:
0x27: {  	s28 =	simm.s32 $0x0;
	s29 =	simm.s32 $0x200  }
.LBB2_2:
0x28: {  	p0 =	sne.s32 s29, $0x9E00;
	[tilespmem:s28+$0x270] =	vst v0  }
0x29: {  	[tilespmem:s28+$0x200] =	vst v0  }
0x2a: {  	[tilespmem:s28+$0x210] =	vst v0  }
.Ltmp0:
0x2b: {  	[tilespmem:s28+$0x220] =	vst v0;
	(pc) =	sbr.rel @p0 .LBB2_2-.Ltmp0, $4  }
0x2c: {  	[tilespmem:s28+$0x230] =	vst v0  }
0x2d: {  	[tilespmem:s28+$0x240] =	vst v0  }
0x2e: {  	[tilespmem:s28+$0x250] =	vst v0  }
0x2f: {  	[tilespmem:s28+$0x260] =	vst v0;
	s28 =	sshra.s32 s29, $0x2;
	s29 =	sadd.s32 $0x200, s29  }
0x30: {  	[tilespmem:s28+$0x270] =	vst v0  }
0x31: {  	[tilespmem:s28+$0x200] =	vst v0  }
0x32: {  	[tilespmem:s28+$0x210] =	vst v0  }
0x33: {  	[tilespmem:s28+$0x220] =	vst v0  }
0x34: {  	[tilespmem:s28+$0x230] =	vst v0  }
0x35: {  	[tilespmem:s28+$0x240] =	vst v0  }
0x36: {  	[tilespmem:s28+$0x250] =	vst v0  }
0x37: {  	[tilespmem:s28+$0x260] =	vst v0  }
0x38: {  	[spmem:s16] =	stream.linear.scatter [tilespmem:s6], [sflag:$0x1], $0x2800, $0x38;
	[tilespmem:$0x19200] =	vst v63  }
0x39: {  	_ = 	snop  }
0x3a: {  	[spmem:s30] =	stream.linear.scatter [tilespmem:s6], [sflag:$0x1], $0x2800, $0x38;
	[tilespmem:$0x19200] =	vst v63  }
0x3b: {  	s15 =	rddreg [dreg:$0xd]  }
0x3c: {  	[spmem:s15] =	stream.linear.scatter [tilespmem:s6], [sflag:$0x1], $0x2800, $0x38;
	[tilespmem:$0x19200] =	vst v63  }
0x3d: {  	s18 =	smov.u32 s30;
	s30 =	rddreg [dreg:$0xe]  }
0x3e: {  	[spmem:s30] =	stream.linear.scatter [tilespmem:s6], [sflag:$0x1], $0x2800, $0x38;
	[tilespmem:$0x19200] =	vst v63  }
0x3f: {  	_ = 	snop  }
0x40: {  	[spmem:s19] =	stream.linear.scatter [tilespmem:s6], [sflag:$0x1], $0x2800, $0x38;
	[tilespmem:$0x19200] =	vst v63  }
0x41: {  	_ = 	snop  }
0x42: {  	[spmem:s20] =	stream.linear.scatter [tilespmem:s6], [sflag:$0x1], $0x2800, $0x38;
	[tilespmem:$0x19200] =	vst v63  }
0x43: {  	_ = 	snop  }
0x44: {  	[spmem:s21] =	stream.linear.scatter [tilespmem:s6], [sflag:$0x1], $0x2800, $0x38;
	[tilespmem:$0x19200] =	vst v63  }
0x45: {  	_ = 	snop  }
0x46: {  	[spmem:s22] =	stream.linear.scatter [tilespmem:s6], [sflag:$0x1], $0x2800, $0x38;
	[tilespmem:$0x19200] =	vst v63  }
0x47: {  	_ =	swait.ge [sflag:s7], $0x2800  }
0x48: {  	[sflag:s7] =	ssyncset.done $0x0  }
0x49: {  	[sflag:s7] =	ssyncadd.s32 $0xFFFFD800  }
0x4a: {  	_ =	swait.ge [sflag:s7], $0x2800  }
0x4b: {  	[sflag:s7] =	ssyncset.done $0x0  }
0x4c: {  	[sflag:s7] =	ssyncadd.s32 $0xFFFFD800  }
0x4d: {  	_ =	swait.ge [sflag:s7], $0x2800  }
0x4e: {  	[sflag:s7] =	ssyncset.done $0x0  }
0x4f: {  	[sflag:s7] =	ssyncadd.s32 $0xFFFFD800  }
0x50: {  	_ =	swait.ge [sflag:s7], $0x2800  }
0x51: {  	[sflag:s7] =	ssyncset.done $0x0  }
0x52: {  	[sflag:s7] =	ssyncadd.s32 $0xFFFFD800  }
0x53: {  	_ =	swait.ge [sflag:s7], $0x2800  }
0x54: {  	[sflag:s7] =	ssyncset.done $0x0  }
0x55: {  	[sflag:s7] =	ssyncadd.s32 $0xFFFFD800  }
0x56: {  	_ =	swait.ge [sflag:s7], $0x2800  }
0x57: {  	[sflag:s7] =	ssyncset.done $0x0  }
0x58: {  	[sflag:s7] =	ssyncadd.s32 $0xFFFFD800  }
0x59: {  	_ =	swait.ge [sflag:s7], $0x2800  }
0x5a: {  	[sflag:s7] =	ssyncset.done $0x0  }
0x5b: {  	[sflag:s7] =	ssyncadd.s32 $0xFFFFD800  }
0x5c: {  	_ =	swait.ge [sflag:s7], $0x2800  }
0x5d: {  	[sflag:s7] =	ssyncset.done $0x0  }
0x5e: {  	[sflag:s7] =	ssyncadd.s32 $0xFFFFD800  }
0x5f: {  	[bflag:$0x0] =	sbarrier.arrive $0xFFFF  }
0x60: {  	s17 =	smov.u32 s16;
	s28 =	simm.s32 $0x0;
	s16 =	rddreg [dreg:$0x12]  }
0x61: {  	[tilespmem:s28], [sflag:$0x1] =	stream.linear.gather [hbm4b:s16+s28], $0x50, $0x38;
	[tilespmem:$0x19200] =	vst v63  }
0x62: {  	s30 =	rddreg [dreg:$0x13]  }
0x63: {  	[tilespmem:s8], [sflag:$0x1] =	stream.linear.gather [hbm4b:s30+s28], $0x50, $0x38;
	[tilespmem:$0x19200] =	vst v63  }
0x64: {  	s16 =	rddreg [dreg:$0xf]  }
0x65: {  	[tilespmem:s9], [sflag:$0x2] =	stream.linear.gather [hbm4b:s16+s28], $0x50, $0x38;
	[tilespmem:$0x19200] =	vst v63  }
0x66: {  	s30 =	rddreg [dreg:$0x10]  }
0x67: {  	[tilespmem:s10], [sflag:$0x2] =	stream.linear.gather [hbm4b:s30+s28], $0x50, $0x38;
	[tilespmem:$0x19200] =	vst v63  }
0x68: {  	_ =	swait.ge [sflag:s7], $0x50  }
0x69: {  	[sflag:s7] =	ssyncset.done $0x0  }
0x6a: {  	[sflag:s7] =	ssyncadd.s32 $0xFFFFFFB0  }
0x6b: {  	_ =	swait.ge [sflag:s7], $0x50  }
0x6c: {  	[sflag:s7] =	ssyncset.done $0x0  }
0x6d: {  	[sflag:s7] =	ssyncadd.s32 $0xFFFFFFB0  }
0x6e: {  	[tilespmem:s6], [sflag:$0x3] =	stream.indirect.gather [hbm4b:s14+s11], $0x80, s28, s11, $0xb8;
	[tilespmem:$0x19200] =	vst v63  }
0x6f: {  	_ =	swait.ge [sflag:s12], $0x50  }
0x70: {  	[sflag:s12] =	ssyncset.done $0x0  }
0x71: {  	[sflag:s12] =	ssyncadd.s32 $0xFFFFFFB0  }
0x72: {  	_ =	swait.ge [sflag:s12], $0x50  }
0x73: {  	[sflag:s12] =	ssyncset.done $0x0  }
0x74: {  	[sflag:s12] =	ssyncadd.s32 $0xFFFFFFB0  }
0x75: {  	[tilespmem:s13], [sflag:$0x4] =	stream.indirect.gather [hbm4b:s14+s11], $0x80, s9, s11, $0xb8;
	[tilespmem:$0x19200] =	vst v63  }
0x76: {  	_ =	swait.ge [sflag:s23], $0x2800  }
0x77: {  	[sflag:s23] =	ssyncset.done $0x0  }
0x78: {  	[sflag:s23] =	ssyncadd.s32 $0xFFFFD800  }
0x79: {  	[spmem:s3] =	stream.indirect.scatter.add.f32 [tilespmem:s6], [sflag:$0x5], $0x80, s8, s11, $0xb8;
	[tilespmem:$0x19200] =	vst v63  }
0x7a: {  	_ =	swait.ge [sflag:s24], $0x2800  }
0x7b: {  	s28 =	sshrl.u32 s4, $0x3;
	[sflag:s24] =	ssyncset.done $0x0  }
0x7c: {  	s29 =	sadd.s32 s1, s28;
	[sflag:s24] =	ssyncadd.s32 $0xFFFFD800  }
0x7d: {  	[tilespmem:s5], [sflag:$0x1] =	stream.linear.gather [hbm4b:s29+s5], $0x50, $0x38;
	[tilespmem:$0x19200] =	vst v63  }
0x7e: {  	s28 =	sadd.s32 s2, s28  }
0x7f: {  	[tilespmem:s8], [sflag:$0x1] =	stream.linear.gather [hbm4b:s28+s5], $0x50, $0x38;
	[tilespmem:$0x19200] =	vst v63  }
0x80: {  	_ =	swait.ge [sflag:s25], $0x2800  }
0x81: {  	[sflag:s25] =	ssyncset.done $0x0  }
0x82: {  	[sflag:s25] =	ssyncadd.s32 $0xFFFFD800  }
0x83: {  	[spmem:s3] =	stream.indirect.scatter.add.f32 [tilespmem:s13], [sflag:$0x5], $0x80, s10, s11, $0xb8;
	[tilespmem:$0x19200] =	vst v63  }
0x84: {  	_ =	swait.ge [sflag:s24], $0x2800  }
0x85: {  	[sflag:s24] =	ssyncset.done $0x0  }
0x86: {  	s28 =	sadd.s32 $0x0, s0;
	[sflag:s24] =	ssyncadd.s32 $0xFFFFD800  }
0x87: {  	[tilespmem:s9], [sflag:$0x2] =	stream.linear.gather [hbm4b:s28+s5], $0x50, $0x38;
	[tilespmem:$0x19200] =	vst v63  }
0x88: {  	s28 =	sadd.s32 $0x0, s31  }
0x89: {  	[tilespmem:s10], [sflag:$0x2] =	stream.linear.gather [hbm4b:s28+s5], $0x50, $0x38;
	[tilespmem:$0x19200] =	vst v63  }
0x8a: {  	_ =	swait.ge [sflag:s7], $0x50  }
0x8b: {  	[sflag:s7] =	ssyncset.done $0x0  }
0x8c: {  	[sflag:s7] =	ssyncadd.s32 $0xFFFFFFB0  }
0x8d: {  	_ =	swait.ge [sflag:s7], $0x50  }
0x8e: {  	[sflag:s7] =	ssyncset.done $0x0  }
0x8f: {  	s29 =	sadd.s32 $0xA0, s4;
	s28 =	simm.s32 $0x14;
	[sflag:s7] =	ssyncadd.s32 $0xFFFFFFB0  }
.LBB2_4:
0x90: {  	[tilespmem:s6], [sflag:$0x3] =	stream.indirect.gather [hbm4b:s14+s11], $0x80, s5, s11, $0xb8;
	[tilespmem:$0x19200] =	vst v63  }
0x91: {  	s30 =	smov.u32 s28  }
0x92: {  	p0 =	sne.s32 s28, $0x4B0;
	s28 =	sadd.s32 $0x14, s28;
	_ =	swait.ge [sflag:s12], $0x50  }
0x93: {  	[sflag:s12] =	ssyncset.done $0x0  }
0x94: {  	[sflag:s12] =	ssyncadd.s32 $0xFFFFFFB0  }
0x95: {  	_ =	swait.ge [sflag:s12], $0x50  }
0x96: {  	[sflag:s12] =	ssyncset.done $0x0  }
0x97: {  	[sflag:s12] =	ssyncadd.s32 $0xFFFFFFB0  }
0x98: {  	[tilespmem:s13], [sflag:$0x4] =	stream.indirect.gather [hbm4b:s14+s11], $0x80, s9, s11, $0xb8;
	[tilespmem:$0x19200] =	vst v63  }
0x99: {  	_ =	swait.ge [sflag:s23], $0x2800  }
0x9a: {  	[sflag:s23] =	ssyncset.done $0x0  }
0x9b: {  	[sflag:s23] =	ssyncadd.s32 $0xFFFFD800  }
0x9c: {  	[spmem:s3] =	stream.indirect.scatter.add.f32 [tilespmem:s6], [sflag:$0x5], $0x80, s8, s11, $0xb8;
	[tilespmem:$0x19200] =	vst v63  }
0x9d: {  	_ =	swait.ge [sflag:s24], $0x2800  }
0x9e: {  	s15 =	sshrl.u32 s29, $0x3;
	[sflag:s24] =	ssyncset.done $0x0  }
0x9f: {  	s16 =	sadd.s32 s1, s15;
	[sflag:s24] =	ssyncadd.s32 $0xFFFFD800  }
0xa0: {  	[tilespmem:s5], [sflag:$0x1] =	stream.linear.gather [hbm4b:s16+s5], $0x50, $0x38;
	[tilespmem:$0x19200] =	vst v63  }
0xa1: {  	s15 =	sadd.s32 s2, s15  }
0xa2: {  	[tilespmem:s8], [sflag:$0x1] =	stream.linear.gather [hbm4b:s15+s5], $0x50, $0x38;
	[tilespmem:$0x19200] =	vst v63  }
0xa3: {  	_ =	swait.ge [sflag:s25], $0x2800  }
0xa4: {  	[sflag:s25] =	ssyncset.done $0x0  }
0xa5: {  	[sflag:s25] =	ssyncadd.s32 $0xFFFFD800  }
0xa6: {  	[spmem:s3] =	stream.indirect.scatter.add.f32 [tilespmem:s13], [sflag:$0x5], $0x80, s10, s11, $0xb8;
	[tilespmem:$0x19200] =	vst v63  }
0xa7: {  	_ =	swait.ge [sflag:s24], $0x2800  }
0xa8: {  	[sflag:s24] =	ssyncset.done $0x0  }
0xa9: {  	s15 =	sadd.s32 s30, s0;
	[sflag:s24] =	ssyncadd.s32 $0xFFFFD800  }
0xaa: {  	[tilespmem:s9], [sflag:$0x2] =	stream.linear.gather [hbm4b:s15+s5], $0x50, $0x38;
	[tilespmem:$0x19200] =	vst v63  }
0xab: {  	s15 =	sadd.s32 s30, s31  }
0xac: {  	[tilespmem:s10], [sflag:$0x2] =	stream.linear.gather [hbm4b:s15+s5], $0x50, $0x38;
	[tilespmem:$0x19200] =	vst v63  }
0xad: {  	_ =	swait.ge [sflag:s7], $0x50  }
.Ltmp1:
0xae: {  	[sflag:s7] =	ssyncset.done $0x0;
	(pc) =	sbr.rel @p0 .LBB2_4-.Ltmp1, $4  }
0xaf: {  	[sflag:s7] =	ssyncadd.s32 $0xFFFFFFB0  }
0xb0: {  	_ =	swait.ge [sflag:s7], $0x50  }
0xb1: {  	[sflag:s7] =	ssyncset.done $0x0  }
0xb2: {  	s29 =	sadd.s32 $0xA0, s29;
	[sflag:s7] =	ssyncadd.s32 $0xFFFFFFB0  }
0xb3: {  	[tilespmem:s6], [sflag:$0x3] =	stream.indirect.gather [hbm4b:s14+s11], $0x80, s5, s11, $0xb8;
	[tilespmem:$0x19200] =	vst v63  }
0xb4: {  	_ =	swait.ge [sflag:s12], $0x50  }
0xb5: {  	[sflag:s12] =	ssyncset.done $0x0  }
0xb6: {  	[sflag:s12] =	ssyncadd.s32 $0xFFFFFFB0  }
0xb7: {  	_ =	swait.ge [sflag:s12], $0x50  }
0xb8: {  	[sflag:s12] =	ssyncset.done $0x0  }
0xb9: {  	[sflag:s12] =	ssyncadd.s32 $0xFFFFFFB0  }
0xba: {  	[tilespmem:s13], [sflag:$0x4] =	stream.indirect.gather [hbm4b:s14+s11], $0x80, s9, s11, $0xb8;
	[tilespmem:$0x19200] =	vst v63  }
0xbb: {  	_ =	swait.ge [sflag:s23], $0x2800  }
0xbc: {  	[sflag:s23] =	ssyncset.done $0x0  }
0xbd: {  	[sflag:s23] =	ssyncadd.s32 $0xFFFFD800  }
0xbe: {  	[spmem:s3] =	stream.indirect.scatter.add.f32 [tilespmem:s6], [sflag:$0x5], $0x80, s8, s11, $0xb8;
	[tilespmem:$0x19200] =	vst v63  }
0xbf: {  	_ =	swait.ge [sflag:s24], $0x2800  }
0xc0: {  	[sflag:s24] =	ssyncset.done $0x0  }
0xc1: {  	s15 =	rddreg [dreg:$0x14];
	[sflag:s24] =	ssyncadd.s32 $0xFFFFD800  }
0xc2: {  	[tilespmem:s5], [sflag:$0x1] =	stream.linear.gather [hbm4b:s15+s5], $0x50, $0x38;
	[tilespmem:$0x19200] =	vst v63  }
0xc3: {  	s16 =	rddreg [dreg:$0x15]  }
0xc4: {  	[tilespmem:s8], [sflag:$0x1] =	stream.linear.gather [hbm4b:s16+s5], $0x50, $0x38;
	[tilespmem:$0x19200] =	vst v63  }
0xc5: {  	_ =	swait.ge [sflag:s25], $0x2800  }
0xc6: {  	[sflag:s25] =	ssyncset.done $0x0  }
0xc7: {  	[sflag:s25] =	ssyncadd.s32 $0xFFFFD800  }
0xc8: {  	[spmem:s3] =	stream.indirect.scatter.add.f32 [tilespmem:s13], [sflag:$0x5], $0x80, s10, s11, $0xb8;
	[tilespmem:$0x19200] =	vst v63  }
0xc9: {  	_ =	swait.ge [sflag:s24], $0x2800  }
0xca: {  	[sflag:s24] =	ssyncset.done $0x0  }
0xcb: {  	[sflag:s24] =	ssyncadd.s32 $0xFFFFD800  }
0xcc: {  	_ =	swait.ge [sflag:s7], $0x50  }
0xcd: {  	[sflag:s7] =	ssyncset.done $0x0  }
0xce: {  	[sflag:s7] =	ssyncadd.s32 $0xFFFFFFB0  }
0xcf: {  	_ =	swait.ge [sflag:s7], $0x50  }
0xd0: {  	[sflag:s7] =	ssyncset.done $0x0  }
0xd1: {  	[sflag:s7] =	ssyncadd.s32 $0xFFFFFFB0  }
0xd2: {  	[tilespmem:s6], [sflag:$0x3] =	stream.indirect.gather [hbm4b:s14+s11], $0x80, s5, s11, $0xb8;
	[tilespmem:$0x19200] =	vst v63  }
0xd3: {  	_ =	swait.ge [sflag:s23], $0x2800  }
0xd4: {  	[sflag:s23] =	ssyncset.done $0x0  }
0xd5: {  	[sflag:s23] =	ssyncadd.s32 $0xFFFFD800  }
0xd6: {  	[spmem:s3] =	stream.indirect.scatter.add.f32 [tilespmem:s6], [sflag:$0x5], $0x80, s8, s11, $0xb8;
	[tilespmem:$0x19200] =	vst v63  }
0xd7: {  	_ =	swait.ge [sflag:s24], $0x2800  }
0xd8: {  	[sflag:s24] =	ssyncset.done $0x0  }
0xd9: {  	[sflag:s24] =	ssyncadd.s32 $0xFFFFD800  }
0xda: {  	[bflag:$0x0] =	sbarrier.arrive $0xFFFF  }
0xdb: {  	[tilespmem:s6], [sflag:$0x5] =	stream.linear.gather [spmem:s17], $0x2800, $0x38;
	[tilespmem:$0x19200] =	vst v63  }
0xdc: {  	_ =	swait.ge [sflag:s24], $0x2800  }
0xdd: {  	[sflag:s24] =	ssyncset.done $0x0  }
0xde: {  	s16 =	smov.u32 s17;
	s17 =	rddreg [dreg:$0x5];
	[sflag:s24] =	ssyncadd.s32 $0xFFFFD800  }
0xdf: {  	[hbm4b:s17+s5] =	stream.linear.scatter [tilespmem:s6], [sflag:$0x1], $0x2800, $0x38;
	[tilespmem:$0x19200] =	vst v63  }
0xe0: {  	_ = 	snop  }
0xe1: {  	[tilespmem:s13], [sflag:$0x5] =	stream.linear.gather [spmem:s18], $0x2800, $0x38;
	[tilespmem:$0x19200] =	vst v63  }
0xe2: {  	_ =	swait.ge [sflag:s24], $0x2800  }
0xe3: {  	[sflag:s24] =	ssyncset.done $0x0  }
0xe4: {  	s28 =	rddreg [dreg:$0x6];
	[sflag:s24] =	ssyncadd.s32 $0xFFFFD800  }
0xe5: {  	[hbm4b:s28+s5] =	stream.linear.scatter [tilespmem:s13], [sflag:$0x2], $0x2800, $0x38;
	[tilespmem:$0x19200] =	vst v63  }
0xe6: {  	_ =	swait.ge [sflag:s7], $0x2800  }
0xe7: {  	[sflag:s7] =	ssyncset.done $0x0  }
0xe8: {  	s29 =	rddreg [dreg:$0xd];
	[sflag:s7] =	ssyncadd.s32 $0xFFFFD800  }
0xe9: {  	[tilespmem:s6], [sflag:$0x5] =	stream.linear.gather [spmem:s29], $0x2800, $0x38;
	[tilespmem:$0x19200] =	vst v63  }
0xea: {  	_ =	swait.ge [sflag:s24], $0x2800  }
0xeb: {  	[sflag:s24] =	ssyncset.done $0x0  }
0xec: {  	s17 =	rddreg [dreg:$0x7];
	[sflag:s24] =	ssyncadd.s32 $0xFFFFD800  }
0xed: {  	[hbm4b:s17+s5] =	stream.linear.scatter [tilespmem:s6], [sflag:$0x1], $0x2800, $0x38;
	[tilespmem:$0x19200] =	vst v63  }
0xee: {  	_ =	swait.ge [sflag:s12], $0x2800  }
0xef: {  	[sflag:s12] =	ssyncset.done $0x0  }
0xf0: {  	s30 =	smov.u32 s18;
	s18 =	rddreg [dreg:$0xe];
	[sflag:s12] =	ssyncadd.s32 $0xFFFFD800  }
0xf1: {  	[tilespmem:s13], [sflag:$0x5] =	stream.linear.gather [spmem:s18], $0x2800, $0x38;
	[tilespmem:$0x19200] =	vst v63  }
0xf2: {  	_ =	swait.ge [sflag:s24], $0x2800  }
0xf3: {  	[sflag:s24] =	ssyncset.done $0x0  }
0xf4: {  	s28 =	rddreg [dreg:$0x8];
	[sflag:s24] =	ssyncadd.s32 $0xFFFFD800  }
0xf5: {  	[hbm4b:s28+s5] =	stream.linear.scatter [tilespmem:s13], [sflag:$0x2], $0x2800, $0x38;
	[tilespmem:$0x19200] =	vst v63  }
0xf6: {  	_ =	swait.ge [sflag:s7], $0x2800  }
0xf7: {  	[sflag:s7] =	ssyncset.done $0x0  }
0xf8: {  	[sflag:s7] =	ssyncadd.s32 $0xFFFFD800  }
0xf9: {  	[tilespmem:s6], [sflag:$0x5] =	stream.linear.gather [spmem:s19], $0x2800, $0x38;
	[tilespmem:$0x19200] =	vst v63  }
0xfa: {  	_ =	swait.ge [sflag:s24], $0x2800  }
0xfb: {  	[sflag:s24] =	ssyncset.done $0x0  }
0xfc: {  	s29 =	rddreg [dreg:$0x9];
	[sflag:s24] =	ssyncadd.s32 $0xFFFFD800  }
0xfd: {  	[hbm4b:s29+s5] =	stream.linear.scatter [tilespmem:s6], [sflag:$0x1], $0x2800, $0x38;
	[tilespmem:$0x19200] =	vst v63  }
0xfe: {  	_ =	swait.ge [sflag:s12], $0x2800  }
0xff: {  	[sflag:s12] =	ssyncset.done $0x0  }
0x100: {  	[sflag:s12] =	ssyncadd.s32 $0xFFFFD800  }
0x101: {  	[tilespmem:s13], [sflag:$0x5] =	stream.linear.gather [spmem:s20], $0x2800, $0x38;
	[tilespmem:$0x19200] =	vst v63  }
0x102: {  	_ =	swait.ge [sflag:s24], $0x2800  }
0x103: {  	[sflag:s24] =	ssyncset.done $0x0  }
0x104: {  	s17 =	rddreg [dreg:$0xa];
	[sflag:s24] =	ssyncadd.s32 $0xFFFFD800  }
0x105: {  	[hbm4b:s17+s5] =	stream.linear.scatter [tilespmem:s13], [sflag:$0x2], $0x2800, $0x38;
	[tilespmem:$0x19200] =	vst v63  }
0x106: {  	_ =	swait.ge [sflag:s7], $0x2800  }
0x107: {  	[sflag:s7] =	ssyncset.done $0x0  }
0x108: {  	[sflag:s7] =	ssyncadd.s32 $0xFFFFD800  }
0x109: {  	[tilespmem:s6], [sflag:$0x5] =	stream.linear.gather [spmem:s21], $0x2800, $0x38;
	[tilespmem:$0x19200] =	vst v63  }
0x10a: {  	_ =	swait.ge [sflag:s24], $0x2800  }
0x10b: {  	[sflag:s24] =	ssyncset.done $0x0  }
0x10c: {  	s18 =	rddreg [dreg:$0xb];
	[sflag:s24] =	ssyncadd.s32 $0xFFFFD800  }
0x10d: {  	[hbm4b:s18+s5] =	stream.linear.scatter [tilespmem:s6], [sflag:$0x1], $0x2800, $0x38;
	[tilespmem:$0x19200] =	vst v63  }
0x10e: {  	_ =	swait.ge [sflag:s12], $0x2800  }
0x10f: {  	[sflag:s12] =	ssyncset.done $0x0  }
0x110: {  	[sflag:s12] =	ssyncadd.s32 $0xFFFFD800  }
0x111: {  	[tilespmem:s13], [sflag:$0x5] =	stream.linear.gather [spmem:s22], $0x2800, $0x38;
	[tilespmem:$0x19200] =	vst v63  }
0x112: {  	_ =	swait.ge [sflag:s24], $0x2800  }
0x113: {  	[sflag:s24] =	ssyncset.done $0x0  }
0x114: {  	s28 =	rddreg [dreg:$0xc];
	[sflag:s24] =	ssyncadd.s32 $0xFFFFD800  }
0x115: {  	[hbm4b:s28+s5] =	stream.linear.scatter [tilespmem:s13], [sflag:$0x2], $0x2800, $0x38;
	[tilespmem:$0x19200] =	vst v63  }
0x116: {  	_ =	swait.ge [sflag:s7], $0x2800  }
0x117: {  	[sflag:s7] =	ssyncset.done $0x0  }
0x118: {  	[sflag:s7] =	ssyncadd.s32 $0xFFFFD800  }
0x119: {  	_ =	swait.ge [sflag:s12], $0x2800  }
0x11a: {  	s26 =	sadd.s32 $0x1, s26;
	s29 =	rddreg [dreg:$0x11]  }
0x11b: {  	p0 =	sne.s32 s26, s29  }
.Ltmp2:
0x11c: {  	_ = 	snop;
	(pc) =	sbr.rel @p0 .LBB2_1-.Ltmp2, $3  }
0x11d: {  	_ =	sdelay $0x1  }
0x11e: {  	[sflag:s12] =	ssyncset.done $0x0  }
0x11f: {  	[sflag:s12] =	ssyncadd.s32 $0xFFFFD800  }
0x120: {  	_ =	sfence.sel $0x180000  }
0x121: {  	[bflag:$0x0] =	sbarrier.arrive $0xFFFF  }
0x122: {  	_ =	strace $0x9000004A  }
0x123: {  	s0 =	stileid.u32;
	[bflag:$0x2] =	sbarrier.arrive $0xFFFF  }
0x124: {  	p0 =	sne.s32 s0, $0x0;
	s0 =	rddreg [dreg:$0x4]  }
0x125: {  	s0 =	sadd.s32 @!p0 $0x100000, s0  }
0x126: {  	[sflag:s0] =	ssyncadd.tile.s32 @!p0 $0x1;
	_ =	shalt  }
.Lfunc_end2:
_tile_overlayer_lowered:
.L_overlay_start_2:
0x127: {  	(tag) =	ssettag $0x2  }
0x128: {  	s0 =	rddreg [dreg:$0x0];
	s2 =	stileid.u32  }
0x129: {  	s1 =	rddreg [dreg:$0x1];
	p0 =	sne.s32 s2, $0x0  }
0x12a: {  	s3 =	rddreg [dreg:$0x2];
	[bflag:$0x3] =	sbarrier.arrive $0xFFFF;
	s2 =	simm.s32 @!p0 $0x1C05  }
0x12b: {  	[timem:s3], [sflag:s2] =	dma.local @!p0 [hbm:s0], s1  }
0x12c: {  	s0 =	simm.s32 @!p0 $0x5  }
0x12d: {  	_ =	swait.ge @!p0 [sflag:s0], s1  }
0x12e: {  	s1 =	ssub.s32 @!p0 $0x0, s1;
	[sflag:s0] =	ssyncset.done @!p0 $0x0  }
0x12f: {  	[sflag:s0] =	ssyncadd.s32 @!p0 s1  }
0x130: {  	[bflag:$0x3] =	sbarrier.arrive $0xFFFF  }
0x131: {  	_ =	shalt  }

// kernel: kernel.16.cloned.1.call-start
scs
__scs_entry_jumppad:
0x0: {  	(pc) =	sbr.rel $0x88, $3  }
0x1: {  	(tag) =	ssettag $0x0;
	lr =	simm.s32 $0x1  }
0x2: {  	[smem:$0x3F94] =	sst lr;
	_ =	strace $0xD0000000  }
0x3: {  	_ = 	snop  }
0x4: {  	_ = 	snop  }
0x5: {  	_ = 	snop  }
0x6: {  	_ = 	snop  }
0x7: {  	_ = 	snop  }
__scs_overlays_trampoline_lowered:
0x8: {  	[smem:$0x3FA3] =	sst s0  }
0x9: {  	[smem:$0x3FA4] =	sst s1  }
0xa: {  	[smem:$0x3FA5] =	sst s2  }
0xb: {  	[smem:$0x3FA6] =	sst s3  }
0xc: {  	[smem:$0x3FA7] =	sst s4  }
0xd: {  	[smem:$0x3FA8] =	sst s5  }
0xe: {  	[smem:$0x3FA9] =	sst s6  }
0xf: {  	[smem:$0x3FAA] =	sst s7  }
0x10: {  	[smem:$0x3FAB] =	sst s8  }
0x11: {  	[smem:$0x3FAC] =	sst s9;
	s0 =	simm.s32 @!p0 $0x0  }
0x12: {  	s1 =	sld [smem:$0x3F92];
	s0 =	simm.s32 @p0 $0x1  }
0x13: {  	[smem:$0x3FAD] =	sst s0;
	s0 =	simm.s32 @!p1 $0x0  }
0x14: {  	s2 =	sld [smem:$0x3F91];
	s0 =	simm.s32 @p1 $0x1  }
0x15: {  	[smem:$0x3FAE] =	sst s0;
	s0 =	simm.s32 @!p2 $0x0  }
0x16: {  	s3 =	sld [smem:$0x3FDB];
	s0 =	simm.s32 @p2 $0x1  }
0x17: {  	s4 =	simm.s32 $0x1BF5;
	[smem:$0x3FB0] =	sst s0  }
0x18: {  	s0 =	sld [smem:$0x3F93];
	_ =	swait.ge [sflag:s4], $0x0  }
0x19: {  	s7 =	sld [smem:$0x3F94]  }
0x1a: {  	s8 =	sadd.s32 $0xFFFFE003, lr  }
0x1b: {  	s9 =	sadd.s32 $0xFFFFFEF7, lr;
	s5 =	simm.s32 $0xFFFFFFFF;
	p2 =	slt.u32 s8, $0xFFFFF086  }
0x1c: {  	p1 =	slt.u32 s9, $0xF7A;
	s5 =	simm.s32 @!p2 $0x0  }
0x1d: {  	s5 =	simm.s32 @p1 $0x1;
	p0 =	seq.s32 s7, s2  }
0x1e: {  	s7 =	smul.u32 @!p0 $0xF7A, s2;
	p2 =	seq.s32 @!p0 s5, $0x0  }
0x1f: {  	s9 =	smul.u32 $0xF7A, s1;
	s8 =	simm.s32 @!p0 $0x1BF5;
	p2 =	por !p2, p0  }
0x20: {  	[sflag:s8] =	ssyncset.s32 @!p0 $0xFFFFF086;
	s6 =	sadd.s32 @!p0 s3, s7;
	s7 =	simm.s32 @!p0 $0x108  }
0x21: {  	s3 =	sadd.s32 s3, s9;
	s6 =	sadd.s32 @!p0 $0x88, s6;
	s7 =	simm.s32 @p2 $0x1082  }
0x22: {  	[simem:s7], [sflag:s8] =	dma.local @!p0 [hbm:s6], $0xF7A  }
0x23: {  	s9 =	sor.u32 $0xD0000000, s2;
	s6 =	simm.s32 $0x108;
	_ =	swait.ge @!p0 [sflag:s8], $0x0  }
0x24: {  	s3 =	sadd.s32 $0x88, s3;
	s6 =	simm.s32 @!p1 $0x1082;
	[sflag:s4] =	ssyncset.s32 $0xFFFFF086  }
0x25: {  	[simem:s6], [sflag:s4] =	dma.local [hbm:s3], $0xF7A  }
0x26: {  	[smem:$0x3F94] =	sst s1;
	(tag) =	ssettag s2;
	_ =	strace s9  }
0x27: {  	s1 =	sld [smem:$0x3FA4]  }
0x28: {  	s2 =	sld [smem:$0x3FA5]  }
0x29: {  	s4 =	sld [smem:$0x3FA7]  }
0x2a: {  	p0 =	seq.s32 s5, $0x0;
	s5 =	sld [smem:$0x3FA8]  }
0x2b: {  	s6 =	sld [smem:$0x3FA9]  }
0x2c: {  	s7 =	sld [smem:$0x3FAA]  }
0x2d: {  	s3 =	simm.s32 $0x108;
	s8 =	sld [smem:$0x3FAB]  }
0x2e: {  	s3 =	simm.s32 @!p0 $0x1082;
	s9 =	sld [smem:$0x3FAC]  }
0x2f: {  	lr =	sadd.s32 s0, s3;
	s0 =	sld [smem:$0x3FA3]  }
0x30: {  	s3 =	sld [smem:$0x3FA6]  }
0x31: {  	[smem:$0x3FAF] =	sst s10  }
0x32: {  	s10 =	sld [smem:$0x3FAD];
	_ =	sdelay $0x3  }
0x33: {  	p0 =	seq.s32 s10, $0x1;
	s10 =	sld [smem:$0x3FAF];
	_ =	sdelay $0x3  }
0x34: {  	[smem:$0x3FAF] =	sst s10  }
0x35: {  	s10 =	sld [smem:$0x3FAE];
	_ =	sdelay $0x3  }
0x36: {  	p1 =	seq.s32 s10, $0x1;
	s10 =	sld [smem:$0x3FAF];
	_ =	sdelay $0x3  }
0x37: {  	[smem:$0x3FAF] =	sst s10  }
0x38: {  	s10 =	sld [smem:$0x3FB0]  }
0x39: {  	_ = 	snop;
	(pc) =	sbr.ind lr, $3  }
0x3a: {  	_ = 	snop  }
0x3b: {  	_ = 	snop  }
0x3c: {  	p2 =	seq.s32 s10, $0x1;
	s10 =	sld [smem:$0x3FAF]  }
0x3d: {  	_ =	shalt  }
0x3e: {  	_ =	shalt  }
0x3f: {  	_ =	shalt  }
0x40: {  	_ =	shalt  }
0x41: {  	_ =	shalt  }
0x42: {  	_ =	shalt  }
0x43: {  	_ =	shalt  }
0x44: {  	_ =	shalt  }
0x45: {  	_ =	shalt  }
0x46: {  	_ =	shalt  }
0x47: {  	_ =	shalt  }
0x48: {  	_ =	shalt  }
0x49: {  	_ =	shalt  }
0x4a: {  	_ =	shalt  }
0x4b: {  	_ =	shalt  }
0x4c: {  	_ =	shalt  }
0x4d: {  	_ =	shalt  }
0x4e: {  	_ =	shalt  }
0x4f: {  	_ =	shalt  }
0x50: {  	_ =	shalt  }
0x51: {  	_ =	shalt  }
0x52: {  	_ =	shalt  }
0x53: {  	_ =	shalt  }
0x54: {  	_ =	shalt  }
0x55: {  	_ =	shalt  }
0x56: {  	_ =	shalt  }
0x57: {  	_ =	shalt  }
0x58: {  	_ =	shalt  }
0x59: {  	_ =	shalt  }
0x5a: {  	_ =	shalt  }
0x5b: {  	_ =	shalt  }
0x5c: {  	_ =	shalt  }
0x5d: {  	_ =	shalt  }
0x5e: {  	_ =	shalt  }
0x5f: {  	_ =	shalt  }
0x60: {  	_ =	shalt  }
0x61: {  	_ =	shalt  }
0x62: {  	_ =	shalt  }
0x63: {  	_ =	shalt  }
0x64: {  	_ =	shalt  }
0x65: {  	_ =	shalt  }
0x66: {  	_ =	shalt  }
0x67: {  	_ =	shalt  }
0x68: {  	_ =	shalt  }
0x69: {  	_ =	shalt  }
0x6a: {  	_ =	shalt  }
0x6b: {  	_ =	shalt  }
0x6c: {  	_ =	shalt  }
0x6d: {  	_ =	shalt  }
0x6e: {  	_ =	shalt  }
0x6f: {  	_ =	shalt  }
0x70: {  	_ =	shalt  }
0x71: {  	_ =	shalt  }
0x72: {  	_ =	shalt  }
0x73: {  	_ =	shalt  }
0x74: {  	_ =	shalt  }
0x75: {  	_ =	shalt  }
0x76: {  	_ =	shalt  }
0x77: {  	_ =	shalt  }
0x78: {  	_ =	shalt  }
0x79: {  	_ =	shalt  }
0x7a: {  	_ =	shalt  }
0x7b: {  	_ =	shalt  }
0x7c: {  	_ =	shalt  }
0x7d: {  	_ =	shalt  }
0x7e: {  	_ =	shalt  }
0x7f: {  	_ =	shalt  }
0x80: {  	_ =	shalt  }
0x81: {  	_ =	shalt  }
0x82: {  	_ =	shalt  }
0x83: {  	_ =	shalt  }
0x84: {  	_ =	shalt  }
0x85: {  	_ =	shalt  }
0x86: {  	_ =	shalt  }
0x87: {  	_ =	shalt  }
.Lfunc_end0:
.L_simem_size_0:
called_computation.2_lowered:
.L_overlay_start_0:
0x88: {  	s2 =	sld [smem:$0x3FD9]  }
0x89: {  	s3 =	sld [smem:$0x3FFE];
	_ =	sdelay $0x1  }
0x8a: {  	s1 =	srdreg.scid  }
0x8b: {  	s0 =	sand.u32 $0x1, s1  }
0x8c: {  	s17 =	sshll.u32 s0, $0xA;
	s2 =	sadd.s32 s3, s2  }
0x8d: {  	s2 =	sadd.s32 s2, s17  }
0x8e: {  	[smem:$0x3FBB] =	sst s2  }
0x8f: {  	_ = 	snop  }
0x90: {  	s2 =	sld [smem:$0x3FC9]  }
0x91: {  	s18 =	sld [smem:$0x3FC8];
	(tm) =	ssettm $0x1  }
0x92: {  	s4 =	sld [smem:$0x3FFB];
	_ =	sdelay $0x3  }
0x93: {  	_ =	strace s4  }
0x94: {  	s4 =	sld [smem:$0x3FFC];
	_ =	sdelay $0x3  }
0x95: {  	_ =	strace s4  }
0x96: {  	s4 =	sld [smem:$0x3FFD];
	_ =	sdelay $0x3  }
0x97: {  	_ =	strace s4  }
0x98: {  	_ =	strace $0x8FFFFFFF  }
0x99: {  	s19 =	sld [smem:$0x3FDB];
	_ =	sdelay $0x1  }
0x9a: {  	s5 =	simm.s32 $_scs_section_size  }
0x9b: {  	s6 =	simm.s32 $_size__tile_overlayer_lowered;
	s7 =	simm.s32 $_tile_overlayer_lowered  }
0x9c: {  	s22 =	simm.s32 $0x1BFF;
	s21 =	sshll.u32 s7, $0x1;
	s4 =	sadd.s32 s5, s19  }
0x9d: {  	s8 =	simm.s32 $0x0;
	s20 =	sshll.u32 s6, $0x1;
	s6 =	sadd.s32 s21, s4  }
0x9e: {  	[timem:s8], [sflag:s22] =	dma.local [hbm:s6], s20  }
0x9f: {  	_ =	swait.ge [sflag:s22], s20  }
0xa0: {  	s5 =	ssub.s32 $0x0, s20;
	[sflag:s22] =	ssyncset.done $0x0  }
0xa1: {  	[sflag:s22] =	ssyncadd.s32 s5;
	_ =	sdelay $0x1  }
0xa2: {  	s23 =	simm.s32 $0x1B8B  }
0xa3: {  	_ =	swait.ge [sflag:s23], $0x1  }
0xa4: {  	[sflag:s23] =	ssyncset.done $0x0  }
0xa5: {  	s25 =	simm.s32 $0x1B8E;
	s24 =	sld [smem:$0x3FFE];
	[sflag:s23] =	ssyncadd.s32 $0xFFFFFFFF  }
0xa6: {  	s26 =	simm.s32 $execute0_lowered;
	[smem:$0x3FD2] =	sst s25  }
0xa7: {  	s6 =	sshll.u32 s26, $0x1;
	_ =	strace $0x8000004C;
	[dreg:$0x1] =	wrdreg $0xFFFFFFFF  }
0xa8: {  	s28 =	simm.s32 $_size_execute0_lowered;
	s4 =	sadd.s32 s4, s6;
	[dreg:$0x0] =	wrdreg $0x0  }
0xa9: {  	s6 =	sshll.u32 s28, $0x1;
	[dreg:$0x2] =	wrdreg s4  }
0xaa: {  	[dreg:$0x3] =	wrdreg s6  }
0xab: {  	[dreg:$0x4] =	wrdreg $0xC0  }
0xac: {  	_ =	task [dreg:s8], $0x5FFFF  }
0xad: {  	[dreg:$0x1] =	wrdreg $0xFFFFFFFF  }
0xae: {  	[dreg:$0x0] =	wrdreg $0x60  }
0xaf: {  	[dreg:$0x2] =	wrdreg s24  }
0xb0: {  	[dreg:$0x3] =	wrdreg s2  }
0xb1: {  	[dreg:$0x4] =	wrdreg s18  }
0xb2: {  	[dreg:$0x5] =	wrdreg $0x52000  }
0xb3: {  	[dreg:$0x6] =	wrdreg $0x9  }
0xb4: {  	_ =	task.clear_ibuf [dreg:s8], $0x7FFFF;
	_ =	strace $0x9000004C  }
0xb5: {  	s29 =	simm.s32 $0x9;
	_ =	strace $0x8000004E  }
0xb6: {  	_ =	swait.ge [sflag:s29], $0x1  }
0xb7: {  	[sflag:s29] =	ssyncadd.s32 $0xFFFFFFFF  }
0xb8: {  	_ =	strace $0x9000004E  }
0xb9: {  	_ =	sfence  }
0xba: {  	s30 =	sld [smem:$0x0];
	_ =	sdelay $0x2  }
0xbb: {  	s31 =	sshll.u32 s1, $0xD;
	s1 =	sshrl.u32 s1, $0x2  }
0xbc: {  	s3 =	sand.u32 $0x4000, s31;
	s1 =	sadd.s32 s1, s30  }
0xbd: {  	s0 =	sor.u32 s3, s0;
	s1 =	sshll.u32 s1, $0x11  }
0xbe: {  	s0 =	sor.u32 s1, s0  }
0xbf: {  	s0 =	sadd.s32 $0x8F2B, s0  }
0xc0: {  	[sflag:s0] =	ssyncadd.remote.s32 $0x1  }
0xc1: {  	_ =	sfence.sel $0xFFFF  }
0xc2: {  	[dreg:$0x0] =	wrdreg $0xFFFFFFFF;
	(pc) =	sbr.abs _section_cstart, $3  }
0xc3: {  	[dreg:$0x1] =	wrdreg $0xFFFFFFFF  }
0xc4: {  	_ =	task.clear_ibuf [dreg:s8], $0x2FFFF;
	_ =	strace $0x9FFFFFFF  }
0xc5: {  	(tm) =	ssettm $0x7FFFFFFF  }
tec
execute0_lowered:
.L_overlay_start_1:
0x0: {  	(tag) =	ssettag $0x1  }
0x1: {  	s0 =	rddreg [dreg:$0x0]  }
0x2: {  	s1 =	rddreg [dreg:$0x1]  }
0x3: {  	s2 =	rddreg [dreg:$0x2];
	s15 =	stileid.u32  }
0x4: {  	s3 =	rddreg [dreg:$0x3];
	s9 =	smul.u32 $0x280, s15  }
0x5: {  	s4 =	srdreg.scid;
	s5 =	simm.s32 $0x0;
	s10 =	smul.u32 $0x50000, s15  }
0x6: {  	s4 =	sand.u32 $0x1, s4;
	[smem:$0x7FF] =	sst s5;
	s14 =	smul.u32 $0x2800, s15  }
0x7: {  	s26 =	sshll.u32 s15, $0x1;
	s15 =	smul.u32 $0x4E20, s15;
	s7 =	ssub.s32 $0x2, s4  }
0x8: {  	s6 =	smul.u32 $0x28000, s4;
	s8 =	sshrl.u32 s7, $0x1;
	s11 =	sor.u32 $0x50, s9  }
0x9: {  	s12 =	sadd.s32 $0xA0, s9;
	s13 =	sadd.s32 $0xF0, s9;
	s19 =	sadd.s32 $0x140, s9  }
0xa: {  	s20 =	sadd.s32 $0x190, s9;
	s21 =	sadd.s32 $0x1E0, s9;
	s9 =	sadd.s32 $0x230, s9  }
0xb: {  	s25 =	sshrl.u32 s10, $0x2;
	s6 =	sadd.s32 s6, s0;
	s7 =	ssub.s32 s7, s8  }
0xc: {  	s8 =	sor.u32 s4, s26;
	s16 =	sshll.u32 s11, $0x4;
	s17 =	sshll.u32 s12, $0x4  }
0xd: {  	s4 =	smul.u32 $0x2710, s4;
	s18 =	sshll.u32 s13, $0x4;
	s22 =	sshll.u32 s19, $0x4  }
0xe: {  	s23 =	sshll.u32 s20, $0x4;
	s28 =	sshll.u32 s21, $0x4;
	s26 =	sshll.u32 s11, $0x7  }
0xf: {  	s10 =	sshll.u32 s19, $0x7;
	s11 =	sshll.u32 s20, $0x7;
	s6 =	sadd.s32 $0x7AC00, s6  }
0x10: {  	s24 =	smul.u32 $0x2710, s8;
	s30 =	sadd.s32 s26, s3;
	s8 =	sshll.u32 s13, $0x7  }
0x11: {  	s19 =	sadd.s32 s10, s3;
	s20 =	sadd.s32 s11, s3;
	s14 =	sadd.s32 s14, s6  }
0x12: {  	s13 =	sshll.u32 s9, $0x7;
	s29 =	sadd.s32 s16, s6;
	[dreg:$0x5] =	wrdreg s14  }
0x13: {  	s10 =	simm.s32 $0x180;
	s16 =	sadd.s32 s17, s6;
	[dreg:$0x6] =	wrdreg s29  }
0x14: {  	s11 =	simm.s32 $0x50;
	s17 =	sadd.s32 s18, s6;
	[dreg:$0x7] =	wrdreg s16  }
0x15: {  	s4 =	sadd.s32 s4, s15;
	s18 =	sadd.s32 s22, s6;
	[dreg:$0x8] =	wrdreg s17  }
0x16: {  	s22 =	sadd.s32 s23, s6;
	s23 =	sshll.u32 s9, $0x4;
	[dreg:$0x9] =	wrdreg s18  }
0x17: {  	s15 =	sadd.s32 s28, s6;
	s28 =	sshll.u32 s12, $0x7;
	[dreg:$0xa] =	wrdreg s22  }
0x18: {  	s12 =	sshll.u32 s21, $0x7;
	s9 =	simm.s32 $0x80;
	[dreg:$0xb] =	wrdreg s15  }
0x19: {  	s6 =	sadd.s32 s23, s6;
	s14 =	sadd.s32 $0x2C00, s0;
	s16 =	sadd.s32 s25, s3  }
0x1a: {  	s29 =	sadd.s32 s28, s3;
	s0 =	sshrl.u32 s24, $0x3;
	s21 =	sadd.s32 s12, s3  }
0x1b: {  	s22 =	sadd.s32 s13, s3;
	s23 =	smax.u32 s7, $0x1;
	s26 =	sadd.s32 $0xF0, s4  }
0x1c: {  	s4 =	sadd.s32 $0xA0, s4;
	s7 =	simm.s32 $0x1;
	s12 =	simm.s32 $0x2  }
0x1d: {  	s13 =	simm.s32 $0x2A00;
	[dreg:$0xc] =	wrdreg s6;
	s6 =	sadd.s32 s8, s3  }
0x1e: {  	s15 =	sadd.s32 $0xA, s0;
	_ =	strace $0x8000004D;
	[dreg:$0xd] =	wrdreg s29  }
0x1f: {  	s24 =	sadd.s32 s1, s0;
	s25 =	sadd.s32 s2, s0;
	[dreg:$0xe] =	wrdreg s6  }
0x20: {  	s0 =	sadd.s32 $0x4D8, s0;
	s8 =	simm.s32 $0x100;
	[dreg:$0x11] =	wrdreg s23  }
0x21: {  	s17 =	sadd.s32 s1, s15;
	s18 =	sadd.s32 s2, s15;
	[dreg:$0x12] =	wrdreg s24  }
0x22: {  	[dreg:$0x13] =	wrdreg s25;
	s28 =	sadd.s32 s1, s0;
	s0 =	sadd.s32 s2, s0  }
0x23: {  	s29 =	sshrl.u32 s26, $0x3;
	s6 =	simm.s32 $0x200;
	[dreg:$0xf] =	wrdreg s17  }
0x24: {  	s23 =	simm.s32 $0x3;
	s24 =	simm.s32 $0x5;
	[dreg:$0x10] =	wrdreg s18  }
0x25: {  	s25 =	simm.s32 $0x4;
	s26 =	simm.s32 $0x0;
	[dreg:$0x14] =	wrdreg s28  }
0x26: {  	v0 =	vimm.f32 $0.0e+00;
	[dreg:$0x15] =	wrdreg s0;
	s31 =	sadd.s32 s29, s2;
	s0 =	sadd.s32 s29, s1  }
.LBB2_1:
0x27: {  	s28 =	simm.s32 $0x0;
	s29 =	simm.s32 $0x200  }
.LBB2_2:
0x28: {  	p0 =	sne.s32 s29, $0x9E00;
	[tilespmem:s28+$0x270] =	vst v0  }
0x29: {  	[tilespmem:s28+$0x200] =	vst v0  }
0x2a: {  	[tilespmem:s28+$0x210] =	vst v0  }
.Ltmp0:
0x2b: {  	[tilespmem:s28+$0x220] =	vst v0;
	(pc) =	sbr.rel @p0 .LBB2_2-.Ltmp0, $4  }
0x2c: {  	[tilespmem:s28+$0x230] =	vst v0  }
0x2d: {  	[tilespmem:s28+$0x240] =	vst v0  }
0x2e: {  	[tilespmem:s28+$0x250] =	vst v0  }
0x2f: {  	[tilespmem:s28+$0x260] =	vst v0;
	s28 =	sshra.s32 s29, $0x2;
	s29 =	sadd.s32 $0x200, s29  }
0x30: {  	[tilespmem:s28+$0x270] =	vst v0  }
0x31: {  	[tilespmem:s28+$0x200] =	vst v0  }
0x32: {  	[tilespmem:s28+$0x210] =	vst v0  }
0x33: {  	[tilespmem:s28+$0x220] =	vst v0  }
0x34: {  	[tilespmem:s28+$0x230] =	vst v0  }
0x35: {  	[tilespmem:s28+$0x240] =	vst v0  }
0x36: {  	[tilespmem:s28+$0x250] =	vst v0  }
0x37: {  	[tilespmem:s28+$0x260] =	vst v0  }
0x38: {  	[spmem:s16] =	stream.linear.scatter [tilespmem:s6], [sflag:$0x1], $0x2800, $0x38;
	[tilespmem:$0x19200] =	vst v63  }
0x39: {  	_ = 	snop  }
0x3a: {  	[spmem:s30] =	stream.linear.scatter [tilespmem:s6], [sflag:$0x1], $0x2800, $0x38;
	[tilespmem:$0x19200] =	vst v63  }
0x3b: {  	s15 =	rddreg [dreg:$0xd]  }
0x3c: {  	[spmem:s15] =	stream.linear.scatter [tilespmem:s6], [sflag:$0x1], $0x2800, $0x38;
	[tilespmem:$0x19200] =	vst v63  }
0x3d: {  	s18 =	smov.u32 s30;
	s30 =	rddreg [dreg:$0xe]  }
0x3e: {  	[spmem:s30] =	stream.linear.scatter [tilespmem:s6], [sflag:$0x1], $0x2800, $0x38;
	[tilespmem:$0x19200] =	vst v63  }
0x3f: {  	_ = 	snop  }
0x40: {  	[spmem:s19] =	stream.linear.scatter [tilespmem:s6], [sflag:$0x1], $0x2800, $0x38;
	[tilespmem:$0x19200] =	vst v63  }
0x41: {  	_ = 	snop  }
0x42: {  	[spmem:s20] =	stream.linear.scatter [tilespmem:s6], [sflag:$0x1], $0x2800, $0x38;
	[tilespmem:$0x19200] =	vst v63  }
0x43: {  	_ = 	snop  }
0x44: {  	[spmem:s21] =	stream.linear.scatter [tilespmem:s6], [sflag:$0x1], $0x2800, $0x38;
	[tilespmem:$0x19200] =	vst v63  }
0x45: {  	_ = 	snop  }
0x46: {  	[spmem:s22] =	stream.linear.scatter [tilespmem:s6], [sflag:$0x1], $0x2800, $0x38;
	[tilespmem:$0x19200] =	vst v63  }
0x47: {  	_ =	swait.ge [sflag:s7], $0x2800  }
0x48: {  	[sflag:s7] =	ssyncset.done $0x0  }
0x49: {  	[sflag:s7] =	ssyncadd.s32 $0xFFFFD800  }
0x4a: {  	_ =	swait.ge [sflag:s7], $0x2800  }
0x4b: {  	[sflag:s7] =	ssyncset.done $0x0  }
0x4c: {  	[sflag:s7] =	ssyncadd.s32 $0xFFFFD800  }
0x4d: {  	_ =	swait.ge [sflag:s7], $0x2800  }
0x4e: {  	[sflag:s7] =	ssyncset.done $0x0  }
0x4f: {  	[sflag:s7] =	ssyncadd.s32 $0xFFFFD800  }
0x50: {  	_ =	swait.ge [sflag:s7], $0x2800  }
0x51: {  	[sflag:s7] =	ssyncset.done $0x0  }
0x52: {  	[sflag:s7] =	ssyncadd.s32 $0xFFFFD800  }
0x53: {  	_ =	swait.ge [sflag:s7], $0x2800  }
0x54: {  	[sflag:s7] =	ssyncset.done $0x0  }
0x55: {  	[sflag:s7] =	ssyncadd.s32 $0xFFFFD800  }
0x56: {  	_ =	swait.ge [sflag:s7], $0x2800  }
0x57: {  	[sflag:s7] =	ssyncset.done $0x0  }
0x58: {  	[sflag:s7] =	ssyncadd.s32 $0xFFFFD800  }
0x59: {  	_ =	swait.ge [sflag:s7], $0x2800  }
0x5a: {  	[sflag:s7] =	ssyncset.done $0x0  }
0x5b: {  	[sflag:s7] =	ssyncadd.s32 $0xFFFFD800  }
0x5c: {  	_ =	swait.ge [sflag:s7], $0x2800  }
0x5d: {  	[sflag:s7] =	ssyncset.done $0x0  }
0x5e: {  	[sflag:s7] =	ssyncadd.s32 $0xFFFFD800  }
0x5f: {  	[bflag:$0x0] =	sbarrier.arrive $0xFFFF  }
0x60: {  	s17 =	smov.u32 s16;
	s28 =	simm.s32 $0x0;
	s16 =	rddreg [dreg:$0x12]  }
0x61: {  	[tilespmem:s28], [sflag:$0x1] =	stream.linear.gather [hbm4b:s16+s28], $0x50, $0x38;
	[tilespmem:$0x19200] =	vst v63  }
0x62: {  	s30 =	rddreg [dreg:$0x13]  }
0x63: {  	[tilespmem:s8], [sflag:$0x1] =	stream.linear.gather [hbm4b:s30+s28], $0x50, $0x38;
	[tilespmem:$0x19200] =	vst v63  }
0x64: {  	s16 =	rddreg [dreg:$0xf]  }
0x65: {  	[tilespmem:s9], [sflag:$0x2] =	stream.linear.gather [hbm4b:s16+s28], $0x50, $0x38;
	[tilespmem:$0x19200] =	vst v63  }
0x66: {  	s30 =	rddreg [dreg:$0x10]  }
0x67: {  	[tilespmem:s10], [sflag:$0x2] =	stream.linear.gather [hbm4b:s30+s28], $0x50, $0x38;
	[tilespmem:$0x19200] =	vst v63  }
0x68: {  	_ =	swait.ge [sflag:s7], $0x50  }
0x69: {  	[sflag:s7] =	ssyncset.done $0x0  }
0x6a: {  	[sflag:s7] =	ssyncadd.s32 $0xFFFFFFB0  }
0x6b: {  	_ =	swait.ge [sflag:s7], $0x50  }
0x6c: {  	[sflag:s7] =	ssyncset.done $0x0  }
0x6d: {  	[sflag:s7] =	ssyncadd.s32 $0xFFFFFFB0  }
0x6e: {  	[tilespmem:s6], [sflag:$0x3] =	stream.indirect.gather [hbm4b:s14+s11], $0x80, s28, s11, $0xb8;
	[tilespmem:$0x19200] =	vst v63  }
0x6f: {  	_ =	swait.ge [sflag:s12], $0x50  }
0x70: {  	[sflag:s12] =	ssyncset.done $0x0  }
0x71: {  	[sflag:s12] =	ssyncadd.s32 $0xFFFFFFB0  }
0x72: {  	_ =	swait.ge [sflag:s12], $0x50  }
0x73: {  	[sflag:s12] =	ssyncset.done $0x0  }
0x74: {  	[sflag:s12] =	ssyncadd.s32 $0xFFFFFFB0  }
0x75: {  	[tilespmem:s13], [sflag:$0x4] =	stream.indirect.gather [hbm4b:s14+s11], $0x80, s9, s11, $0xb8;
	[tilespmem:$0x19200] =	vst v63  }
0x76: {  	_ =	swait.ge [sflag:s23], $0x2800  }
0x77: {  	[sflag:s23] =	ssyncset.done $0x0  }
0x78: {  	[sflag:s23] =	ssyncadd.s32 $0xFFFFD800  }
0x79: {  	[spmem:s3] =	stream.indirect.scatter.add.f32 [tilespmem:s6], [sflag:$0x5], $0x80, s8, s11, $0xb8;
	[tilespmem:$0x19200] =	vst v63  }
0x7a: {  	_ =	swait.ge [sflag:s24], $0x2800  }
0x7b: {  	s28 =	sshrl.u32 s4, $0x3;
	[sflag:s24] =	ssyncset.done $0x0  }
0x7c: {  	s29 =	sadd.s32 s1, s28;
	[sflag:s24] =	ssyncadd.s32 $0xFFFFD800  }
0x7d: {  	[tilespmem:s5], [sflag:$0x1] =	stream.linear.gather [hbm4b:s29+s5], $0x50, $0x38;
	[tilespmem:$0x19200] =	vst v63  }
0x7e: {  	s28 =	sadd.s32 s2, s28  }
0x7f: {  	[tilespmem:s8], [sflag:$0x1] =	stream.linear.gather [hbm4b:s28+s5], $0x50, $0x38;
	[tilespmem:$0x19200] =	vst v63  }
0x80: {  	_ =	swait.ge [sflag:s25], $0x2800  }
0x81: {  	[sflag:s25] =	ssyncset.done $0x0  }
0x82: {  	[sflag:s25] =	ssyncadd.s32 $0xFFFFD800  }
0x83: {  	[spmem:s3] =	stream.indirect.scatter.add.f32 [tilespmem:s13], [sflag:$0x5], $0x80, s10, s11, $0xb8;
	[tilespmem:$0x19200] =	vst v63  }
0x84: {  	_ =	swait.ge [sflag:s24], $0x2800  }
0x85: {  	[sflag:s24] =	ssyncset.done $0x0  }
0x86: {  	s28 =	sadd.s32 $0x0, s0;
	[sflag:s24] =	ssyncadd.s32 $0xFFFFD800  }
0x87: {  	[tilespmem:s9], [sflag:$0x2] =	stream.linear.gather [hbm4b:s28+s5], $0x50, $0x38;
	[tilespmem:$0x19200] =	vst v63  }
0x88: {  	s28 =	sadd.s32 $0x0, s31  }
0x89: {  	[tilespmem:s10], [sflag:$0x2] =	stream.linear.gather [hbm4b:s28+s5], $0x50, $0x38;
	[tilespmem:$0x19200] =	vst v63  }
0x8a: {  	_ =	swait.ge [sflag:s7], $0x50  }
0x8b: {  	[sflag:s7] =	ssyncset.done $0x0  }
0x8c: {  	[sflag:s7] =	ssyncadd.s32 $0xFFFFFFB0  }
0x8d: {  	_ =	swait.ge [sflag:s7], $0x50  }
0x8e: {  	[sflag:s7] =	ssyncset.done $0x0  }
0x8f: {  	s29 =	sadd.s32 $0xA0, s4;
	s28 =	simm.s32 $0x14;
	[sflag:s7] =	ssyncadd.s32 $0xFFFFFFB0  }
.LBB2_4:
0x90: {  	[tilespmem:s6], [sflag:$0x3] =	stream.indirect.gather [hbm4b:s14+s11], $0x80, s5, s11, $0xb8;
	[tilespmem:$0x19200] =	vst v63  }
0x91: {  	s30 =	smov.u32 s28  }
0x92: {  	p0 =	sne.s32 s28, $0x4B0;
	s28 =	sadd.s32 $0x14, s28;
	_ =	swait.ge [sflag:s12], $0x50  }
0x93: {  	[sflag:s12] =	ssyncset.done $0x0  }
0x94: {  	[sflag:s12] =	ssyncadd.s32 $0xFFFFFFB0  }
0x95: {  	_ =	swait.ge [sflag:s12], $0x50  }
0x96: {  	[sflag:s12] =	ssyncset.done $0x0  }
0x97: {  	[sflag:s12] =	ssyncadd.s32 $0xFFFFFFB0  }
0x98: {  	[tilespmem:s13], [sflag:$0x4] =	stream.indirect.gather [hbm4b:s14+s11], $0x80, s9, s11, $0xb8;
	[tilespmem:$0x19200] =	vst v63  }
0x99: {  	_ =	swait.ge [sflag:s23], $0x2800  }
0x9a: {  	[sflag:s23] =	ssyncset.done $0x0  }
0x9b: {  	[sflag:s23] =	ssyncadd.s32 $0xFFFFD800  }
0x9c: {  	[spmem:s3] =	stream.indirect.scatter.add.f32 [tilespmem:s6], [sflag:$0x5], $0x80, s8, s11, $0xb8;
	[tilespmem:$0x19200] =	vst v63  }
0x9d: {  	_ =	swait.ge [sflag:s24], $0x2800  }
0x9e: {  	s15 =	sshrl.u32 s29, $0x3;
	[sflag:s24] =	ssyncset.done $0x0  }
0x9f: {  	s16 =	sadd.s32 s1, s15;
	[sflag:s24] =	ssyncadd.s32 $0xFFFFD800  }
0xa0: {  	[tilespmem:s5], [sflag:$0x1] =	stream.linear.gather [hbm4b:s16+s5], $0x50, $0x38;
	[tilespmem:$0x19200] =	vst v63  }
0xa1: {  	s15 =	sadd.s32 s2, s15  }
0xa2: {  	[tilespmem:s8], [sflag:$0x1] =	stream.linear.gather [hbm4b:s15+s5], $0x50, $0x38;
	[tilespmem:$0x19200] =	vst v63  }
0xa3: {  	_ =	swait.ge [sflag:s25], $0x2800  }
0xa4: {  	[sflag:s25] =	ssyncset.done $0x0  }
0xa5: {  	[sflag:s25] =	ssyncadd.s32 $0xFFFFD800  }
0xa6: {  	[spmem:s3] =	stream.indirect.scatter.add.f32 [tilespmem:s13], [sflag:$0x5], $0x80, s10, s11, $0xb8;
	[tilespmem:$0x19200] =	vst v63  }
0xa7: {  	_ =	swait.ge [sflag:s24], $0x2800  }
0xa8: {  	[sflag:s24] =	ssyncset.done $0x0  }
0xa9: {  	s15 =	sadd.s32 s30, s0;
	[sflag:s24] =	ssyncadd.s32 $0xFFFFD800  }
0xaa: {  	[tilespmem:s9], [sflag:$0x2] =	stream.linear.gather [hbm4b:s15+s5], $0x50, $0x38;
	[tilespmem:$0x19200] =	vst v63  }
0xab: {  	s15 =	sadd.s32 s30, s31  }
0xac: {  	[tilespmem:s10], [sflag:$0x2] =	stream.linear.gather [hbm4b:s15+s5], $0x50, $0x38;
	[tilespmem:$0x19200] =	vst v63  }
0xad: {  	_ =	swait.ge [sflag:s7], $0x50  }
.Ltmp1:
0xae: {  	[sflag:s7] =	ssyncset.done $0x0;
	(pc) =	sbr.rel @p0 .LBB2_4-.Ltmp1, $4  }
0xaf: {  	[sflag:s7] =	ssyncadd.s32 $0xFFFFFFB0  }
0xb0: {  	_ =	swait.ge [sflag:s7], $0x50  }
0xb1: {  	[sflag:s7] =	ssyncset.done $0x0  }
0xb2: {  	s29 =	sadd.s32 $0xA0, s29;
	[sflag:s7] =	ssyncadd.s32 $0xFFFFFFB0  }
0xb3: {  	[tilespmem:s6], [sflag:$0x3] =	stream.indirect.gather [hbm4b:s14+s11], $0x80, s5, s11, $0xb8;
	[tilespmem:$0x19200] =	vst v63  }
0xb4: {  	_ =	swait.ge [sflag:s12], $0x50  }
0xb5: {  	[sflag:s12] =	ssyncset.done $0x0  }
0xb6: {  	[sflag:s12] =	ssyncadd.s32 $0xFFFFFFB0  }
0xb7: {  	_ =	swait.ge [sflag:s12], $0x50  }
0xb8: {  	[sflag:s12] =	ssyncset.done $0x0  }
0xb9: {  	[sflag:s12] =	ssyncadd.s32 $0xFFFFFFB0  }
0xba: {  	[tilespmem:s13], [sflag:$0x4] =	stream.indirect.gather [hbm4b:s14+s11], $0x80, s9, s11, $0xb8;
	[tilespmem:$0x19200] =	vst v63  }
0xbb: {  	_ =	swait.ge [sflag:s23], $0x2800  }
0xbc: {  	[sflag:s23] =	ssyncset.done $0x0  }
0xbd: {  	[sflag:s23] =	ssyncadd.s32 $0xFFFFD800  }
0xbe: {  	[spmem:s3] =	stream.indirect.scatter.add.f32 [tilespmem:s6], [sflag:$0x5], $0x80, s8, s11, $0xb8;
	[tilespmem:$0x19200] =	vst v63  }
0xbf: {  	_ =	swait.ge [sflag:s24], $0x2800  }
0xc0: {  	[sflag:s24] =	ssyncset.done $0x0  }
0xc1: {  	s15 =	rddreg [dreg:$0x14];
	[sflag:s24] =	ssyncadd.s32 $0xFFFFD800  }
0xc2: {  	[tilespmem:s5], [sflag:$0x1] =	stream.linear.gather [hbm4b:s15+s5], $0x50, $0x38;
	[tilespmem:$0x19200] =	vst v63  }
0xc3: {  	s16 =	rddreg [dreg:$0x15]  }
0xc4: {  	[tilespmem:s8], [sflag:$0x1] =	stream.linear.gather [hbm4b:s16+s5], $0x50, $0x38;
	[tilespmem:$0x19200] =	vst v63  }
0xc5: {  	_ =	swait.ge [sflag:s25], $0x2800  }
0xc6: {  	[sflag:s25] =	ssyncset.done $0x0  }
0xc7: {  	[sflag:s25] =	ssyncadd.s32 $0xFFFFD800  }
0xc8: {  	[spmem:s3] =	stream.indirect.scatter.add.f32 [tilespmem:s13], [sflag:$0x5], $0x80, s10, s11, $0xb8;
	[tilespmem:$0x19200] =	vst v63  }
0xc9: {  	_ =	swait.ge [sflag:s24], $0x2800  }
0xca: {  	[sflag:s24] =	ssyncset.done $0x0  }
0xcb: {  	[sflag:s24] =	ssyncadd.s32 $0xFFFFD800  }
0xcc: {  	_ =	swait.ge [sflag:s7], $0x50  }
0xcd: {  	[sflag:s7] =	ssyncset.done $0x0  }
0xce: {  	[sflag:s7] =	ssyncadd.s32 $0xFFFFFFB0  }
0xcf: {  	_ =	swait.ge [sflag:s7], $0x50  }
0xd0: {  	[sflag:s7] =	ssyncset.done $0x0  }
0xd1: {  	[sflag:s7] =	ssyncadd.s32 $0xFFFFFFB0  }
0xd2: {  	[tilespmem:s6], [sflag:$0x3] =	stream.indirect.gather [hbm4b:s14+s11], $0x80, s5, s11, $0xb8;
	[tilespmem:$0x19200] =	vst v63  }
0xd3: {  	_ =	swait.ge [sflag:s23], $0x2800  }
0xd4: {  	[sflag:s23] =	ssyncset.done $0x0  }
0xd5: {  	[sflag:s23] =	ssyncadd.s32 $0xFFFFD800  }
0xd6: {  	[spmem:s3] =	stream.indirect.scatter.add.f32 [tilespmem:s6], [sflag:$0x5], $0x80, s8, s11, $0xb8;
	[tilespmem:$0x19200] =	vst v63  }
0xd7: {  	_ =	swait.ge [sflag:s24], $0x2800  }
0xd8: {  	[sflag:s24] =	ssyncset.done $0x0  }
0xd9: {  	[sflag:s24] =	ssyncadd.s32 $0xFFFFD800  }
0xda: {  	[bflag:$0x0] =	sbarrier.arrive $0xFFFF  }
0xdb: {  	[tilespmem:s6], [sflag:$0x5] =	stream.linear.gather [spmem:s17], $0x2800, $0x38;
	[tilespmem:$0x19200] =	vst v63  }
0xdc: {  	_ =	swait.ge [sflag:s24], $0x2800  }
0xdd: {  	[sflag:s24] =	ssyncset.done $0x0  }
0xde: {  	s16 =	smov.u32 s17;
	s17 =	rddreg [dreg:$0x5];
	[sflag:s24] =	ssyncadd.s32 $0xFFFFD800  }
0xdf: {  	[hbm4b:s17+s5] =	stream.linear.scatter [tilespmem:s6], [sflag:$0x1], $0x2800, $0x38;
	[tilespmem:$0x19200] =	vst v63  }
0xe0: {  	_ = 	snop  }
0xe1: {  	[tilespmem:s13], [sflag:$0x5] =	stream.linear.gather [spmem:s18], $0x2800, $0x38;
	[tilespmem:$0x19200] =	vst v63  }
0xe2: {  	_ =	swait.ge [sflag:s24], $0x2800  }
0xe3: {  	[sflag:s24] =	ssyncset.done $0x0  }
0xe4: {  	s28 =	rddreg [dreg:$0x6];
	[sflag:s24] =	ssyncadd.s32 $0xFFFFD800  }
0xe5: {  	[hbm4b:s28+s5] =	stream.linear.scatter [tilespmem:s13], [sflag:$0x2], $0x2800, $0x38;
	[tilespmem:$0x19200] =	vst v63  }
0xe6: {  	_ =	swait.ge [sflag:s7], $0x2800  }
0xe7: {  	[sflag:s7] =	ssyncset.done $0x0  }
0xe8: {  	s29 =	rddreg [dreg:$0xd];
	[sflag:s7] =	ssyncadd.s32 $0xFFFFD800  }
0xe9: {  	[tilespmem:s6], [sflag:$0x5] =	stream.linear.gather [spmem:s29], $0x2800, $0x38;
	[tilespmem:$0x19200] =	vst v63  }
0xea: {  	_ =	swait.ge [sflag:s24], $0x2800  }
0xeb: {  	[sflag:s24] =	ssyncset.done $0x0  }
0xec: {  	s17 =	rddreg [dreg:$0x7];
	[sflag:s24] =	ssyncadd.s32 $0xFFFFD800  }
0xed: {  	[hbm4b:s17+s5] =	stream.linear.scatter [tilespmem:s6], [sflag:$0x1], $0x2800, $0x38;
	[tilespmem:$0x19200] =	vst v63  }
0xee: {  	_ =	swait.ge [sflag:s12], $0x2800  }
0xef: {  	[sflag:s12] =	ssyncset.done $0x0  }
0xf0: {  	s30 =	smov.u32 s18;
	s18 =	rddreg [dreg:$0xe];
	[sflag:s12] =	ssyncadd.s32 $0xFFFFD800  }
0xf1: {  	[tilespmem:s13], [sflag:$0x5] =	stream.linear.gather [spmem:s18], $0x2800, $0x38;
	[tilespmem:$0x19200] =	vst v63  }
0xf2: {  	_ =	swait.ge [sflag:s24], $0x2800  }
0xf3: {  	[sflag:s24] =	ssyncset.done $0x0  }
0xf4: {  	s28 =	rddreg [dreg:$0x8];
	[sflag:s24] =	ssyncadd.s32 $0xFFFFD800  }
0xf5: {  	[hbm4b:s28+s5] =	stream.linear.scatter [tilespmem:s13], [sflag:$0x2], $0x2800, $0x38;
	[tilespmem:$0x19200] =	vst v63  }
0xf6: {  	_ =	swait.ge [sflag:s7], $0x2800  }
0xf7: {  	[sflag:s7] =	ssyncset.done $0x0  }
0xf8: {  	[sflag:s7] =	ssyncadd.s32 $0xFFFFD800  }
0xf9: {  	[tilespmem:s6], [sflag:$0x5] =	stream.linear.gather [spmem:s19], $0x2800, $0x38;
	[tilespmem:$0x19200] =	vst v63  }
0xfa: {  	_ =	swait.ge [sflag:s24], $0x2800  }
0xfb: {  	[sflag:s24] =	ssyncset.done $0x0  }
0xfc: {  	s29 =	rddreg [dreg:$0x9];
	[sflag:s24] =	ssyncadd.s32 $0xFFFFD800  }
0xfd: {  	[hbm4b:s29+s5] =	stream.linear.scatter [tilespmem:s6], [sflag:$0x1], $0x2800, $0x38;
	[tilespmem:$0x19200] =	vst v63  }
0xfe: {  	_ =	swait.ge [sflag:s12], $0x2800  }
0xff: {  	[sflag:s12] =	ssyncset.done $0x0  }
0x100: {  	[sflag:s12] =	ssyncadd.s32 $0xFFFFD800  }
0x101: {  	[tilespmem:s13], [sflag:$0x5] =	stream.linear.gather [spmem:s20], $0x2800, $0x38;
	[tilespmem:$0x19200] =	vst v63  }
0x102: {  	_ =	swait.ge [sflag:s24], $0x2800  }
0x103: {  	[sflag:s24] =	ssyncset.done $0x0  }
0x104: {  	s17 =	rddreg [dreg:$0xa];
	[sflag:s24] =	ssyncadd.s32 $0xFFFFD800  }
0x105: {  	[hbm4b:s17+s5] =	stream.linear.scatter [tilespmem:s13], [sflag:$0x2], $0x2800, $0x38;
	[tilespmem:$0x19200] =	vst v63  }
0x106: {  	_ =	swait.ge [sflag:s7], $0x2800  }
0x107: {  	[sflag:s7] =	ssyncset.done $0x0  }
0x108: {  	[sflag:s7] =	ssyncadd.s32 $0xFFFFD800  }
0x109: {  	[tilespmem:s6], [sflag:$0x5] =	stream.linear.gather [spmem:s21], $0x2800, $0x38;
	[tilespmem:$0x19200] =	vst v63  }
0x10a: {  	_ =	swait.ge [sflag:s24], $0x2800  }
0x10b: {  	[sflag:s24] =	ssyncset.done $0x0  }
0x10c: {  	s18 =	rddreg [dreg:$0xb];
	[sflag:s24] =	ssyncadd.s32 $0xFFFFD800  }
0x10d: {  	[hbm4b:s18+s5] =	stream.linear.scatter [tilespmem:s6], [sflag:$0x1], $0x2800, $0x38;
	[tilespmem:$0x19200] =	vst v63  }
0x10e: {  	_ =	swait.ge [sflag:s12], $0x2800  }
0x10f: {  	[sflag:s12] =	ssyncset.done $0x0  }
0x110: {  	[sflag:s12] =	ssyncadd.s32 $0xFFFFD800  }
0x111: {  	[tilespmem:s13], [sflag:$0x5] =	stream.linear.gather [spmem:s22], $0x2800, $0x38;
	[tilespmem:$0x19200] =	vst v63  }
0x112: {  	_ =	swait.ge [sflag:s24], $0x2800  }
0x113: {  	[sflag:s24] =	ssyncset.done $0x0  }
0x114: {  	s28 =	rddreg [dreg:$0xc];
	[sflag:s24] =	ssyncadd.s32 $0xFFFFD800  }
0x115: {  	[hbm4b:s28+s5] =	stream.linear.scatter [tilespmem:s13], [sflag:$0x2], $0x2800, $0x38;
	[tilespmem:$0x19200] =	vst v63  }
0x116: {  	_ =	swait.ge [sflag:s7], $0x2800  }
0x117: {  	[sflag:s7] =	ssyncset.done $0x0  }
0x118: {  	[sflag:s7] =	ssyncadd.s32 $0xFFFFD800  }
0x119: {  	_ =	swait.ge [sflag:s12], $0x2800  }
0x11a: {  	s26 =	sadd.s32 $0x1, s26;
	s29 =	rddreg [dreg:$0x11]  }
0x11b: {  	p0 =	sne.s32 s26, s29  }
.Ltmp2:
0x11c: {  	_ = 	snop;
	(pc) =	sbr.rel @p0 .LBB2_1-.Ltmp2, $3  }
0x11d: {  	_ =	sdelay $0x1  }
0x11e: {  	[sflag:s12] =	ssyncset.done $0x0  }
0x11f: {  	[sflag:s12] =	ssyncadd.s32 $0xFFFFD800  }
0x120: {  	_ =	sfence.sel $0x180000  }
0x121: {  	[bflag:$0x0] =	sbarrier.arrive $0xFFFF  }
0x122: {  	_ =	strace $0x9000004D  }
0x123: {  	s0 =	stileid.u32;
	[bflag:$0x2] =	sbarrier.arrive $0xFFFF  }
0x124: {  	p0 =	sne.s32 s0, $0x0;
	s0 =	rddreg [dreg:$0x4]  }
0x125: {  	s0 =	sadd.s32 @!p0 $0x100000, s0  }
0x126: {  	[sflag:s0] =	ssyncadd.tile.s32 @!p0 $0x1;
	_ =	shalt  }
.Lfunc_end2:
_tile_overlayer_lowered:
.L_overlay_start_2:
0x127: {  	(tag) =	ssettag $0x2  }
0x128: {  	s0 =	rddreg [dreg:$0x0];
	s2 =	stileid.u32  }
0x129: {  	s1 =	rddreg [dreg:$0x1];
	p0 =	sne.s32 s2, $0x0  }
0x12a: {  	s3 =	rddreg [dreg:$0x2];
	[bflag:$0x3] =	sbarrier.arrive $0xFFFF;
	s2 =	simm.s32 @!p0 $0x1C05  }
0x12b: {  	[timem:s3], [sflag:s2] =	dma.local @!p0 [hbm:s0], s1  }
0x12c: {  	s0 =	simm.s32 @!p0 $0x5  }
0x12d: {  	_ =	swait.ge @!p0 [sflag:s0], s1  }
0x12e: {  	s1 =	ssub.s32 @!p0 $0x0, s1;
	[sflag:s0] =	ssyncset.done @!p0 $0x0  }
0x12f: {  	[sflag:s0] =	ssyncadd.s32 @!p0 s1  }
0x130: {  	[bflag:$0x3] =	sbarrier.arrive $0xFFFF  }
0x131: {  	_ =	shalt  }

// kernel: kernel.19.cloned.1.call-start
scs
__scs_entry_jumppad:
0x0: {  	(pc) =	sbr.rel $0x88, $3  }
0x1: {  	(tag) =	ssettag $0x0;
	lr =	simm.s32 $0x1  }
0x2: {  	[smem:$0x3F94] =	sst lr;
	_ =	strace $0xD0000000  }
0x3: {  	_ = 	snop  }
0x4: {  	_ = 	snop  }
0x5: {  	_ = 	snop  }
0x6: {  	_ = 	snop  }
0x7: {  	_ = 	snop  }
__scs_overlays_trampoline_lowered:
0x8: {  	[smem:$0x3FA3] =	sst s0  }
0x9: {  	[smem:$0x3FA4] =	sst s1  }
0xa: {  	[smem:$0x3FA5] =	sst s2  }
0xb: {  	[smem:$0x3FA6] =	sst s3  }
0xc: {  	[smem:$0x3FA7] =	sst s4  }
0xd: {  	[smem:$0x3FA8] =	sst s5  }
0xe: {  	[smem:$0x3FA9] =	sst s6  }
0xf: {  	[smem:$0x3FAA] =	sst s7  }
0x10: {  	[smem:$0x3FAB] =	sst s8  }
0x11: {  	[smem:$0x3FAC] =	sst s9;
	s0 =	simm.s32 @!p0 $0x0  }
0x12: {  	s1 =	sld [smem:$0x3F92];
	s0 =	simm.s32 @p0 $0x1  }
0x13: {  	[smem:$0x3FAD] =	sst s0;
	s0 =	simm.s32 @!p1 $0x0  }
0x14: {  	s2 =	sld [smem:$0x3F91];
	s0 =	simm.s32 @p1 $0x1  }
0x15: {  	[smem:$0x3FAE] =	sst s0;
	s0 =	simm.s32 @!p2 $0x0  }
0x16: {  	s3 =	sld [smem:$0x3FDB];
	s0 =	simm.s32 @p2 $0x1  }
0x17: {  	s4 =	simm.s32 $0x1BF5;
	[smem:$0x3FB0] =	sst s0  }
0x18: {  	s0 =	sld [smem:$0x3F93];
	_ =	swait.ge [sflag:s4], $0x0  }
0x19: {  	s7 =	sld [smem:$0x3F94]  }
0x1a: {  	s8 =	sadd.s32 $0xFFFFE003, lr  }
0x1b: {  	s9 =	sadd.s32 $0xFFFFFEF7, lr;
	s5 =	simm.s32 $0xFFFFFFFF;
	p2 =	slt.u32 s8, $0xFFFFF086  }
0x1c: {  	p1 =	slt.u32 s9, $0xF7A;
	s5 =	simm.s32 @!p2 $0x0  }
0x1d: {  	s5 =	simm.s32 @p1 $0x1;
	p0 =	seq.s32 s7, s2  }
0x1e: {  	s7 =	smul.u32 @!p0 $0xF7A, s2;
	p2 =	seq.s32 @!p0 s5, $0x0  }
0x1f: {  	s9 =	smul.u32 $0xF7A, s1;
	s8 =	simm.s32 @!p0 $0x1BF5;
	p2 =	por !p2, p0  }
0x20: {  	[sflag:s8] =	ssyncset.s32 @!p0 $0xFFFFF086;
	s6 =	sadd.s32 @!p0 s3, s7;
	s7 =	simm.s32 @!p0 $0x108  }
0x21: {  	s3 =	sadd.s32 s3, s9;
	s6 =	sadd.s32 @!p0 $0x88, s6;
	s7 =	simm.s32 @p2 $0x1082  }
0x22: {  	[simem:s7], [sflag:s8] =	dma.local @!p0 [hbm:s6], $0xF7A  }
0x23: {  	s9 =	sor.u32 $0xD0000000, s2;
	s6 =	simm.s32 $0x108;
	_ =	swait.ge @!p0 [sflag:s8], $0x0  }
0x24: {  	s3 =	sadd.s32 $0x88, s3;
	s6 =	simm.s32 @!p1 $0x1082;
	[sflag:s4] =	ssyncset.s32 $0xFFFFF086  }
0x25: {  	[simem:s6], [sflag:s4] =	dma.local [hbm:s3], $0xF7A  }
0x26: {  	[smem:$0x3F94] =	sst s1;
	(tag) =	ssettag s2;
	_ =	strace s9  }
0x27: {  	s1 =	sld [smem:$0x3FA4]  }
0x28: {  	s2 =	sld [smem:$0x3FA5]  }
0x29: {  	s4 =	sld [smem:$0x3FA7]  }
0x2a: {  	p0 =	seq.s32 s5, $0x0;
	s5 =	sld [smem:$0x3FA8]  }
0x2b: {  	s6 =	sld [smem:$0x3FA9]  }
0x2c: {  	s7 =	sld [smem:$0x3FAA]  }
0x2d: {  	s3 =	simm.s32 $0x108;
	s8 =	sld [smem:$0x3FAB]  }
0x2e: {  	s3 =	simm.s32 @!p0 $0x1082;
	s9 =	sld [smem:$0x3FAC]  }
0x2f: {  	lr =	sadd.s32 s0, s3;
	s0 =	sld [smem:$0x3FA3]  }
0x30: {  	s3 =	sld [smem:$0x3FA6]  }
0x31: {  	[smem:$0x3FAF] =	sst s10  }
0x32: {  	s10 =	sld [smem:$0x3FAD];
	_ =	sdelay $0x3  }
0x33: {  	p0 =	seq.s32 s10, $0x1;
	s10 =	sld [smem:$0x3FAF];
	_ =	sdelay $0x3  }
0x34: {  	[smem:$0x3FAF] =	sst s10  }
0x35: {  	s10 =	sld [smem:$0x3FAE];
	_ =	sdelay $0x3  }
0x36: {  	p1 =	seq.s32 s10, $0x1;
	s10 =	sld [smem:$0x3FAF];
	_ =	sdelay $0x3  }
0x37: {  	[smem:$0x3FAF] =	sst s10  }
0x38: {  	s10 =	sld [smem:$0x3FB0]  }
0x39: {  	_ = 	snop;
	(pc) =	sbr.ind lr, $3  }
0x3a: {  	_ = 	snop  }
0x3b: {  	_ = 	snop  }
0x3c: {  	p2 =	seq.s32 s10, $0x1;
	s10 =	sld [smem:$0x3FAF]  }
0x3d: {  	_ =	shalt  }
0x3e: {  	_ =	shalt  }
0x3f: {  	_ =	shalt  }
0x40: {  	_ =	shalt  }
0x41: {  	_ =	shalt  }
0x42: {  	_ =	shalt  }
0x43: {  	_ =	shalt  }
0x44: {  	_ =	shalt  }
0x45: {  	_ =	shalt  }
0x46: {  	_ =	shalt  }
0x47: {  	_ =	shalt  }
0x48: {  	_ =	shalt  }
0x49: {  	_ =	shalt  }
0x4a: {  	_ =	shalt  }
0x4b: {  	_ =	shalt  }
0x4c: {  	_ =	shalt  }
0x4d: {  	_ =	shalt  }
0x4e: {  	_ =	shalt  }
0x4f: {  	_ =	shalt  }
0x50: {  	_ =	shalt  }
0x51: {  	_ =	shalt  }
0x52: {  	_ =	shalt  }
0x53: {  	_ =	shalt  }
0x54: {  	_ =	shalt  }
0x55: {  	_ =	shalt  }
0x56: {  	_ =	shalt  }
0x57: {  	_ =	shalt  }
0x58: {  	_ =	shalt  }
0x59: {  	_ =	shalt  }
0x5a: {  	_ =	shalt  }
0x5b: {  	_ =	shalt  }
0x5c: {  	_ =	shalt  }
0x5d: {  	_ =	shalt  }
0x5e: {  	_ =	shalt  }
0x5f: {  	_ =	shalt  }
0x60: {  	_ =	shalt  }
0x61: {  	_ =	shalt  }
0x62: {  	_ =	shalt  }
0x63: {  	_ =	shalt  }
0x64: {  	_ =	shalt  }
0x65: {  	_ =	shalt  }
0x66: {  	_ =	shalt  }
0x67: {  	_ =	shalt  }
0x68: {  	_ =	shalt  }
0x69: {  	_ =	shalt  }
0x6a: {  	_ =	shalt  }
0x6b: {  	_ =	shalt  }
0x6c: {  	_ =	shalt  }
0x6d: {  	_ =	shalt  }
0x6e: {  	_ =	shalt  }
0x6f: {  	_ =	shalt  }
0x70: {  	_ =	shalt  }
0x71: {  	_ =	shalt  }
0x72: {  	_ =	shalt  }
0x73: {  	_ =	shalt  }
0x74: {  	_ =	shalt  }
0x75: {  	_ =	shalt  }
0x76: {  	_ =	shalt  }
0x77: {  	_ =	shalt  }
0x78: {  	_ =	shalt  }
0x79: {  	_ =	shalt  }
0x7a: {  	_ =	shalt  }
0x7b: {  	_ =	shalt  }
0x7c: {  	_ =	shalt  }
0x7d: {  	_ =	shalt  }
0x7e: {  	_ =	shalt  }
0x7f: {  	_ =	shalt  }
0x80: {  	_ =	shalt  }
0x81: {  	_ =	shalt  }
0x82: {  	_ =	shalt  }
0x83: {  	_ =	shalt  }
0x84: {  	_ =	shalt  }
0x85: {  	_ =	shalt  }
0x86: {  	_ =	shalt  }
0x87: {  	_ =	shalt  }
.Lfunc_end0:
.L_simem_size_0:
called_computation.3_lowered:
.L_overlay_start_0:
0x88: {  	s2 =	sld [smem:$0x3FD9]  }
0x89: {  	s3 =	sld [smem:$0x3FFE];
	_ =	sdelay $0x1  }
0x8a: {  	s1 =	srdreg.scid  }
0x8b: {  	s0 =	sand.u32 $0x1, s1  }
0x8c: {  	s16 =	sshll.u32 s0, $0xA;
	s2 =	sadd.s32 s3, s2  }
0x8d: {  	s2 =	sadd.s32 s2, s16  }
0x8e: {  	[smem:$0x3FBB] =	sst s2  }
0x8f: {  	_ = 	snop  }
0x90: {  	(tm) =	ssettm $0x1  }
0x91: {  	s17 =	sld [smem:$0x3FFB];
	_ =	sdelay $0x3  }
0x92: {  	_ =	strace s17  }
0x93: {  	s2 =	sld [smem:$0x3FFC];
	_ =	sdelay $0x3  }
0x94: {  	_ =	strace s2  }
0x95: {  	s2 =	sld [smem:$0x3FFD];
	_ =	sdelay $0x3  }
0x96: {  	_ =	strace s2  }
0x97: {  	_ =	strace $0x8FFFFFFF  }
0x98: {  	s18 =	sld [smem:$0x3FDB];
	_ =	sdelay $0x1  }
0x99: {  	s19 =	simm.s32 $_scs_section_size  }
0x9a: {  	s4 =	simm.s32 $_size__tile_overlayer_lowered;
	s5 =	simm.s32 $_tile_overlayer_lowered  }
0x9b: {  	s22 =	simm.s32 $0x1BFF;
	s21 =	sshll.u32 s5, $0x1;
	s2 =	sadd.s32 s19, s18  }
0x9c: {  	s6 =	simm.s32 $0x0;
	s20 =	sshll.u32 s4, $0x1;
	s4 =	sadd.s32 s21, s2  }
0x9d: {  	[timem:s6], [sflag:s22] =	dma.local [hbm:s4], s20  }
0x9e: {  	_ =	swait.ge [sflag:s22], s20  }
0x9f: {  	s3 =	ssub.s32 $0x0, s20;
	[sflag:s22] =	ssyncset.done $0x0  }
0xa0: {  	[sflag:s22] =	ssyncadd.s32 s3;
	_ =	sdelay $0x1  }
0xa1: {  	s23 =	simm.s32 $0x1B8B  }
0xa2: {  	_ =	swait.ge [sflag:s23], $0x1  }
0xa3: {  	[sflag:s23] =	ssyncset.done $0x0  }
0xa4: {  	s25 =	simm.s32 $0x1B8E;
	s24 =	sld [smem:$0x3FFE];
	[sflag:s23] =	ssyncadd.s32 $0xFFFFFFFF  }
0xa5: {  	s26 =	simm.s32 $execute0_lowered;
	[smem:$0x3FD2] =	sst s25  }
0xa6: {  	s4 =	sshll.u32 s26, $0x1;
	_ =	strace $0x8000004F;
	[dreg:$0x1] =	wrdreg $0xFFFFFFFF  }
0xa7: {  	s28 =	simm.s32 $_size_execute0_lowered;
	s2 =	sadd.s32 s2, s4;
	[dreg:$0x0] =	wrdreg $0x0  }
0xa8: {  	s4 =	sshll.u32 s28, $0x1;
	[dreg:$0x2] =	wrdreg s2  }
0xa9: {  	[dreg:$0x3] =	wrdreg s4  }
0xaa: {  	[dreg:$0x4] =	wrdreg $0xC0  }
0xab: {  	_ =	task [dreg:s6], $0x5FFFF  }
0xac: {  	[dreg:$0x1] =	wrdreg $0xFFFFFFFF  }
0xad: {  	[dreg:$0x0] =	wrdreg $0x60  }
0xae: {  	[dreg:$0x2] =	wrdreg s24  }
0xaf: {  	[dreg:$0x3] =	wrdreg $0x9  }
0xb0: {  	_ =	task.clear_ibuf [dreg:s6], $0x4FFFF;
	_ =	strace $0x9000004F  }
0xb1: {  	s29 =	simm.s32 $0x9;
	_ =	strace $0x80000051  }
0xb2: {  	_ =	swait.ge [sflag:s29], $0x1  }
0xb3: {  	[sflag:s29] =	ssyncadd.s32 $0xFFFFFFFF  }
0xb4: {  	_ =	strace $0x90000051  }
0xb5: {  	_ =	sfence  }
0xb6: {  	s30 =	sld [smem:$0x0];
	_ =	sdelay $0x2  }
0xb7: {  	s31 =	sshll.u32 s1, $0xD;
	s1 =	sshrl.u32 s1, $0x2  }
0xb8: {  	s3 =	sand.u32 $0x4000, s31;
	s1 =	sadd.s32 s1, s30  }
0xb9: {  	s0 =	sor.u32 s3, s0;
	s1 =	sshll.u32 s1, $0x11  }
0xba: {  	s0 =	sor.u32 s1, s0  }
0xbb: {  	s0 =	sadd.s32 $0x8F2B, s0  }
0xbc: {  	[sflag:s0] =	ssyncadd.remote.s32 $0x1  }
0xbd: {  	_ =	sfence.sel $0xFFFF  }
0xbe: {  	[dreg:$0x0] =	wrdreg $0xFFFFFFFF;
	(pc) =	sbr.abs _section_cstart, $3  }
0xbf: {  	[dreg:$0x1] =	wrdreg $0xFFFFFFFF  }
0xc0: {  	_ =	task.clear_ibuf [dreg:s6], $0x2FFFF;
	_ =	strace $0x9FFFFFFF  }
0xc1: {  	(tm) =	ssettm $0x7FFFFFFF  }
tec
execute0_lowered:
.L_overlay_start_1:
0x0: {  	(tag) =	ssettag $0x1  }
0x1: {  	s0 =	stileid.u32;
	s1 =	srdreg.scid  }
0x2: {  	s10 =	rddreg [dreg:$0x0];
	s24 =	sand.u32 $0x1, s1;
	s30 =	sshll.u32 s0, $0x1  }
0x3: {  	s6 =	simm.s32 $0x400;
	s2 =	sshll.u32 s0, $0x8;
	s11 =	sor.u32 s24, s30  }
0x4: {  	s1 =	rddreg [dreg:$0x1];
	s3 =	sand.u32 $0xC00, s2;
	s4 =	sshll.u32 s11, $0x4  }
0x5: {  	s2 =	simm.s32 $0x0;
	s3 =	sadd.s32 s3, s10;
	s4 =	sand.u32 $0x70, s4  }
0x6: {  	s5 =	simm.s32 $0x3;
	[smem:$0x7FF] =	sst s2;
	s3 =	sadd.s32 s4, s3  }
0x7: {  	_ =	strace $0x80000050;
	s4 =	simm.s32 $0x80;
	s3 =	sadd.s32 $0xCAC00, s3  }
0x8: {  	[tilespmem:s2], [sflag:$0x3] =	stream.strided.gather [hbm4b:s3+s4], $0x400, s6, s4, $0x38;
	[tilespmem:$0x8400] =	vst v63  }
0x9: {  	_ =	swait.ge [sflag:s5], $0x400  }
0xa: {  	[sflag:s5] =	ssyncset.done $0x0  }
0xb: {  	s7 =	sadd.s32 $0x2C00, s10;
	[sflag:s5] =	ssyncadd.s32 $0xFFFFFC00  }
0xc: {  	[tilespmem:s6], [sflag:$0x1] =	stream.indirect.gather [hbm4b:s7+s4], $0x80, s2, s4, $0xb8;
	[tilespmem:$0x8400] =	vst v63  }
0xd: {  	s8 =	simm.s32 $0x4400;
	s9 =	simm.s32 $0x1  }
0xe: {  	[tilespmem:s8], [sflag:$0x2] =	stream.indirect.gather [hbm4b:s7+s4], $0x80, s4, s4, $0xb8;
	[tilespmem:$0x8400] =	vst v63  }
0xf: {  	s11 =	sshll.u32 s11, $0xE;
	_ =	swait.ge [sflag:s9], $0x4000  }
0x10: {  	s25 =	sadd.s32 s11, s10;
	[sflag:s9] =	ssyncset.done $0x0  }
0x11: {  	s10 =	sadd.s32 $0x2AC00, s25;
	[sflag:s9] =	ssyncadd.s32 $0xFFFFC000  }
0x12: {  	[hbm4b:s10+s2] =	stream.linear.scatter [tilespmem:s6], [sflag:$0x3], $0x4000, $0x38;
	[tilespmem:$0x8400] =	vst v63  }
0x13: {  	_ =	swait.ge [sflag:s5], $0x4000  }
0x14: {  	[sflag:s5] =	ssyncset.done $0x0  }
0x15: {  	s12 =	simm.s32 $0x2;
	s11 =	simm.s32 $0x100;
	[sflag:s5] =	ssyncadd.s32 $0xFFFFC000  }
0x16: {  	[tilespmem:s6], [sflag:$0x1] =	stream.indirect.gather [hbm4b:s7+s4], $0x80, s11, s4, $0xb8;
	[tilespmem:$0x8400] =	vst v63  }
0x17: {  	_ =	swait.ge [sflag:s12], $0x4000  }
0x18: {  	[sflag:s12] =	ssyncset.done $0x0  }
0x19: {  	s13 =	sadd.s32 $0x2B400, s25;
	[sflag:s12] =	ssyncadd.s32 $0xFFFFC000  }
0x1a: {  	[hbm4b:s13+s2] =	stream.linear.scatter [tilespmem:s8], [sflag:$0x3], $0x4000, $0x38;
	[tilespmem:$0x8400] =	vst v63  }
0x1b: {  	_ =	swait.ge [sflag:s5], $0x4000  }
0x1c: {  	[sflag:s5] =	ssyncset.done $0x0  }
0x1d: {  	s14 =	simm.s32 $0x180;
	[sflag:s5] =	ssyncadd.s32 $0xFFFFC000  }
0x1e: {  	[tilespmem:s8], [sflag:$0x2] =	stream.indirect.gather [hbm4b:s7+s4], $0x80, s14, s4, $0xb8;
	[tilespmem:$0x8400] =	vst v63  }
0x1f: {  	_ =	swait.ge [sflag:s9], $0x4000  }
0x20: {  	[sflag:s9] =	ssyncset.done $0x0  }
0x21: {  	s15 =	sadd.s32 $0x2BC00, s25;
	[sflag:s9] =	ssyncadd.s32 $0xFFFFC000  }
0x22: {  	[hbm4b:s15+s2] =	stream.linear.scatter [tilespmem:s6], [sflag:$0x3], $0x4000, $0x38;
	[tilespmem:$0x8400] =	vst v63  }
0x23: {  	_ =	swait.ge [sflag:s5], $0x4000  }
0x24: {  	[sflag:s5] =	ssyncset.done $0x0  }
0x25: {  	s16 =	simm.s32 $0x200;
	[sflag:s5] =	ssyncadd.s32 $0xFFFFC000  }
0x26: {  	[tilespmem:s6], [sflag:$0x1] =	stream.indirect.gather [hbm4b:s7+s4], $0x80, s16, s4, $0xb8;
	[tilespmem:$0x8400] =	vst v63  }
0x27: {  	_ =	swait.ge [sflag:s12], $0x4000  }
0x28: {  	[sflag:s12] =	ssyncset.done $0x0  }
0x29: {  	s17 =	sadd.s32 $0x2C400, s25;
	[sflag:s12] =	ssyncadd.s32 $0xFFFFC000  }
0x2a: {  	[hbm4b:s17+s2] =	stream.linear.scatter [tilespmem:s8], [sflag:$0x3], $0x4000, $0x38;
	[tilespmem:$0x8400] =	vst v63  }
0x2b: {  	_ =	swait.ge [sflag:s5], $0x4000  }
0x2c: {  	[sflag:s5] =	ssyncset.done $0x0  }
0x2d: {  	s18 =	simm.s32 $0x280;
	[sflag:s5] =	ssyncadd.s32 $0xFFFFC000  }
0x2e: {  	[tilespmem:s8], [sflag:$0x2] =	stream.indirect.gather [hbm4b:s7+s4], $0x80, s18, s4, $0xb8;
	[tilespmem:$0x8400] =	vst v63  }
0x2f: {  	_ =	swait.ge [sflag:s9], $0x4000  }
0x30: {  	[sflag:s9] =	ssyncset.done $0x0  }
0x31: {  	s19 =	sadd.s32 $0x2CC00, s25;
	[sflag:s9] =	ssyncadd.s32 $0xFFFFC000  }
0x32: {  	[hbm4b:s19+s2] =	stream.linear.scatter [tilespmem:s6], [sflag:$0x3], $0x4000, $0x38;
	[tilespmem:$0x8400] =	vst v63  }
0x33: {  	_ =	swait.ge [sflag:s5], $0x4000  }
0x34: {  	[sflag:s5] =	ssyncset.done $0x0  }
0x35: {  	s20 =	simm.s32 $0x300;
	[sflag:s5] =	ssyncadd.s32 $0xFFFFC000  }
0x36: {  	[tilespmem:s6], [sflag:$0x1] =	stream.indirect.gather [hbm4b:s7+s4], $0x80, s20, s4, $0xb8;
	[tilespmem:$0x8400] =	vst v63  }
0x37: {  	_ =	swait.ge [sflag:s12], $0x4000  }
0x38: {  	[sflag:s12] =	ssyncset.done $0x0  }
0x39: {  	s21 =	sadd.s32 $0x2D400, s25;
	[sflag:s12] =	ssyncadd.s32 $0xFFFFC000  }
0x3a: {  	[hbm4b:s21+s2] =	stream.linear.scatter [tilespmem:s8], [sflag:$0x3], $0x4000, $0x38;
	[tilespmem:$0x8400] =	vst v63  }
0x3b: {  	_ =	swait.ge [sflag:s5], $0x4000  }
0x3c: {  	[sflag:s5] =	ssyncset.done $0x0  }
0x3d: {  	s22 =	simm.s32 $0x380;
	[sflag:s5] =	ssyncadd.s32 $0xFFFFC000  }
0x3e: {  	[tilespmem:s8], [sflag:$0x2] =	stream.indirect.gather [hbm4b:s7+s4], $0x80, s22, s4, $0xb8;
	[tilespmem:$0x8400] =	vst v63  }
0x3f: {  	_ =	swait.ge [sflag:s9], $0x4000  }
0x40: {  	[sflag:s9] =	ssyncset.done $0x0  }
0x41: {  	s24 =	ssub.s32 $0x2, s24;
	s23 =	sadd.s32 $0x2DC00, s25;
	[sflag:s9] =	ssyncadd.s32 $0xFFFFC000  }
0x42: {  	[hbm4b:s23+s2] =	stream.linear.scatter [tilespmem:s6], [sflag:$0x3], $0x4000, $0x38;
	[tilespmem:$0x8400] =	vst v63  }
0x43: {  	s26 =	sshrl.u32 s24, $0x1;
	_ =	swait.ge [sflag:s5], $0x4000  }
0x44: {  	s26 =	ssub.s32 s24, s26;
	[sflag:s5] =	ssyncset.done $0x0  }
0x45: {  	s31 =	smax.u32 s26, $0x1;
	[sflag:s5] =	ssyncadd.s32 $0xFFFFC000  }
0x46: {  	p0 =	sne.s32 s31, $0x1;
	_ =	swait.ge [sflag:s12], $0x4000  }
.Ltmp0:
0x47: {  	[sflag:s12] =	ssyncset.done $0x0;
	(pc) =	sbr.rel @!p0 .LBB2_2-.Ltmp0, $4  }
0x48: {  	s24 =	sadd.s32 $0x2E400, s25;
	[sflag:s12] =	ssyncadd.s32 $0xFFFFC000  }
0x49: {  	[hbm4b:s24+s2] =	stream.linear.scatter [tilespmem:s8], [sflag:$0x3], $0x4000, $0x38;
	[tilespmem:$0x8400] =	vst v63  }
0x4a: {  	_ =	swait.ge [sflag:s5], $0x4000  }
0x4b: {  	s25 =	sadd.s32 $0xFFFFFFFF, s31;
	[sflag:s5] =	ssyncset.done $0x0  }
.LBB2_1:
0x4c: {  	p0 =	sne.s32 s25, $0x1;
	s25 =	sadd.s32 $0xFFFFFFFF, s25;
	[sflag:s5] =	ssyncadd.s32 $0xFFFFC000  }
0x4d: {  	[tilespmem:s2], [sflag:$0x3] =	stream.strided.gather [hbm4b:s3+s4], $0x400, s6, s4, $0x38;
	[tilespmem:$0x8400] =	vst v63  }
0x4e: {  	_ =	swait.ge [sflag:s5], $0x400  }
0x4f: {  	[sflag:s5] =	ssyncset.done $0x0  }
0x50: {  	[sflag:s5] =	ssyncadd.s32 $0xFFFFFC00  }
0x51: {  	[tilespmem:s6], [sflag:$0x1] =	stream.indirect.gather [hbm4b:s7+s4], $0x80, s2, s4, $0xb8;
	[tilespmem:$0x8400] =	vst v63  }
0x52: {  	_ = 	snop  }
0x53: {  	[tilespmem:s8], [sflag:$0x2] =	stream.indirect.gather [hbm4b:s7+s4], $0x80, s4, s4, $0xb8;
	[tilespmem:$0x8400] =	vst v63  }
0x54: {  	_ =	swait.ge [sflag:s9], $0x4000  }
0x55: {  	[sflag:s9] =	ssyncset.done $0x0  }
0x56: {  	[sflag:s9] =	ssyncadd.s32 $0xFFFFC000  }
0x57: {  	[hbm4b:s10+s2] =	stream.linear.scatter [tilespmem:s6], [sflag:$0x3], $0x4000, $0x38;
	[tilespmem:$0x8400] =	vst v63  }
0x58: {  	_ =	swait.ge [sflag:s5], $0x4000  }
0x59: {  	[sflag:s5] =	ssyncset.done $0x0  }
0x5a: {  	[sflag:s5] =	ssyncadd.s32 $0xFFFFC000  }
0x5b: {  	[tilespmem:s6], [sflag:$0x1] =	stream.indirect.gather [hbm4b:s7+s4], $0x80, s11, s4, $0xb8;
	[tilespmem:$0x8400] =	vst v63  }
0x5c: {  	_ =	swait.ge [sflag:s12], $0x4000  }
0x5d: {  	[sflag:s12] =	ssyncset.done $0x0  }
0x5e: {  	[sflag:s12] =	ssyncadd.s32 $0xFFFFC000  }
0x5f: {  	[hbm4b:s13+s2] =	stream.linear.scatter [tilespmem:s8], [sflag:$0x3], $0x4000, $0x38;
	[tilespmem:$0x8400] =	vst v63  }
0x60: {  	_ =	swait.ge [sflag:s5], $0x4000  }
0x61: {  	[sflag:s5] =	ssyncset.done $0x0  }
0x62: {  	[sflag:s5] =	ssyncadd.s32 $0xFFFFC000  }
0x63: {  	[tilespmem:s8], [sflag:$0x2] =	stream.indirect.gather [hbm4b:s7+s4], $0x80, s14, s4, $0xb8;
	[tilespmem:$0x8400] =	vst v63  }
0x64: {  	_ =	swait.ge [sflag:s9], $0x4000  }
0x65: {  	[sflag:s9] =	ssyncset.done $0x0  }
0x66: {  	[sflag:s9] =	ssyncadd.s32 $0xFFFFC000  }
0x67: {  	[hbm4b:s15+s2] =	stream.linear.scatter [tilespmem:s6], [sflag:$0x3], $0x4000, $0x38;
	[tilespmem:$0x8400] =	vst v63  }
0x68: {  	_ =	swait.ge [sflag:s5], $0x4000  }
0x69: {  	[sflag:s5] =	ssyncset.done $0x0  }
0x6a: {  	[sflag:s5] =	ssyncadd.s32 $0xFFFFC000  }
0x6b: {  	[tilespmem:s6], [sflag:$0x1] =	stream.indirect.gather [hbm4b:s7+s4], $0x80, s16, s4, $0xb8;
	[tilespmem:$0x8400] =	vst v63  }
0x6c: {  	_ =	swait.ge [sflag:s12], $0x4000  }
0x6d: {  	[sflag:s12] =	ssyncset.done $0x0  }
0x6e: {  	[sflag:s12] =	ssyncadd.s32 $0xFFFFC000  }
0x6f: {  	[hbm4b:s17+s2] =	stream.linear.scatter [tilespmem:s8], [sflag:$0x3], $0x4000, $0x38;
	[tilespmem:$0x8400] =	vst v63  }
0x70: {  	_ =	swait.ge [sflag:s5], $0x4000  }
0x71: {  	[sflag:s5] =	ssyncset.done $0x0  }
0x72: {  	[sflag:s5] =	ssyncadd.s32 $0xFFFFC000  }
0x73: {  	[tilespmem:s8], [sflag:$0x2] =	stream.indirect.gather [hbm4b:s7+s4], $0x80, s18, s4, $0xb8;
	[tilespmem:$0x8400] =	vst v63  }
0x74: {  	_ =	swait.ge [sflag:s9], $0x4000  }
0x75: {  	[sflag:s9] =	ssyncset.done $0x0  }
0x76: {  	[sflag:s9] =	ssyncadd.s32 $0xFFFFC000  }
0x77: {  	[hbm4b:s19+s2] =	stream.linear.scatter [tilespmem:s6], [sflag:$0x3], $0x4000, $0x38;
	[tilespmem:$0x8400] =	vst v63  }
0x78: {  	_ =	swait.ge [sflag:s5], $0x4000  }
0x79: {  	[sflag:s5] =	ssyncset.done $0x0  }
0x7a: {  	[sflag:s5] =	ssyncadd.s32 $0xFFFFC000  }
0x7b: {  	[tilespmem:s6], [sflag:$0x1] =	stream.indirect.gather [hbm4b:s7+s4], $0x80, s20, s4, $0xb8;
	[tilespmem:$0x8400] =	vst v63  }
0x7c: {  	_ =	swait.ge [sflag:s12], $0x4000  }
0x7d: {  	[sflag:s12] =	ssyncset.done $0x0  }
0x7e: {  	[sflag:s12] =	ssyncadd.s32 $0xFFFFC000  }
0x7f: {  	[hbm4b:s21+s2] =	stream.linear.scatter [tilespmem:s8], [sflag:$0x3], $0x4000, $0x38;
	[tilespmem:$0x8400] =	vst v63  }
0x80: {  	_ =	swait.ge [sflag:s5], $0x4000  }
0x81: {  	[sflag:s5] =	ssyncset.done $0x0  }
0x82: {  	[sflag:s5] =	ssyncadd.s32 $0xFFFFC000  }
0x83: {  	[tilespmem:s8], [sflag:$0x2] =	stream.indirect.gather [hbm4b:s7+s4], $0x80, s22, s4, $0xb8;
	[tilespmem:$0x8400] =	vst v63  }
0x84: {  	_ =	swait.ge [sflag:s9], $0x4000  }
0x85: {  	[sflag:s9] =	ssyncset.done $0x0  }
0x86: {  	[sflag:s9] =	ssyncadd.s32 $0xFFFFC000  }
0x87: {  	[hbm4b:s23+s2] =	stream.linear.scatter [tilespmem:s6], [sflag:$0x3], $0x4000, $0x38;
	[tilespmem:$0x8400] =	vst v63  }
0x88: {  	_ =	swait.ge [sflag:s5], $0x4000  }
0x89: {  	[sflag:s5] =	ssyncset.done $0x0  }
0x8a: {  	[sflag:s5] =	ssyncadd.s32 $0xFFFFC000  }
0x8b: {  	_ =	swait.ge [sflag:s12], $0x4000  }
.Ltmp1:
0x8c: {  	[sflag:s12] =	ssyncset.done $0x0;
	(pc) =	sbr.rel @p0 .LBB2_1-.Ltmp1, $4  }
0x8d: {  	[sflag:s12] =	ssyncadd.s32 $0xFFFFC000  }
0x8e: {  	[hbm4b:s24+s2] =	stream.linear.scatter [tilespmem:s8], [sflag:$0x3], $0x4000, $0x38;
	[tilespmem:$0x8400] =	vst v63  }
0x8f: {  	_ =	swait.ge [sflag:s5], $0x4000  }
0x90: {  	[sflag:s5] =	ssyncset.done $0x0  }
.LBB2_2:
0x91: {  	[sflag:s5] =	ssyncadd.s32 $0xFFFFC000  }
0x92: {  	_ =	sfence.sel $0x180000  }
0x93: {  	[bflag:$0x0] =	sbarrier.arrive $0xFFFF  }
0x94: {  	p0 =	sne.s32 s0, $0x0;
	_ =	strace $0x90000050  }
0x95: {  	s0 =	sadd.s32 @!p0 $0x100000, s1;
	[bflag:$0x2] =	sbarrier.arrive $0xFFFF  }
0x96: {  	[sflag:s0] =	ssyncadd.tile.s32 @!p0 $0x1;
	_ =	shalt  }
.Lfunc_end2:
_tile_overlayer_lowered:
.L_overlay_start_2:
0x97: {  	(tag) =	ssettag $0x2  }
0x98: {  	s0 =	rddreg [dreg:$0x0];
	s2 =	stileid.u32  }
0x99: {  	s1 =	rddreg [dreg:$0x1];
	p0 =	sne.s32 s2, $0x0  }
0x9a: {  	s3 =	rddreg [dreg:$0x2];
	[bflag:$0x3] =	sbarrier.arrive $0xFFFF;
	s2 =	simm.s32 @!p0 $0x1C03  }
0x9b: {  	[timem:s3], [sflag:s2] =	dma.local @!p0 [hbm:s0], s1  }
0x9c: {  	s0 =	simm.s32 @!p0 $0x3  }
0x9d: {  	_ =	swait.ge @!p0 [sflag:s0], s1  }
0x9e: {  	s1 =	ssub.s32 @!p0 $0x0, s1;
	[sflag:s0] =	ssyncset.done @!p0 $0x0  }
0x9f: {  	[sflag:s0] =	ssyncadd.s32 @!p0 s1  }
0xa0: {  	[bflag:$0x3] =	sbarrier.arrive $0xFFFF  }
0xa1: {  	_ =	shalt  }

</sc_bundles>
